<compile_context>
chip_gen: v7x
topology: tpu7x:2x2x1
jax: 0.10.2.dev20260603
libtpu: 0.0.44.dev20260713+nightly
codegen_flags: <defaults>
</compile_context>

<pallas_src>
import functools

import jax
import jax.numpy as jnp
from jax import lax
from jax.experimental import pallas as pl
from jax.experimental.pallas import tpu as pltpu
from jax.experimental.pallas import tpu_sc as plsc

N, C, H, W = 16, 3, 512, 512
PS = H * W
NW = 32
E = PS // NW
NV = E // 16

N_TC = 10
N_SC = N - N_TC

EPS = 1e-6
K1 = 0.6931471805599453 / (1 << 23)
K2 = 127.0 * 0.6931471805599453
P0 = 0.000925032111305707 - K2
P1 = 0.2866062324149039
P2 = -0.3935358023019213
P3 = 0.10668473260369027

MANT_MASK = 0x007FFFFF
ONE_BITS = 0x3F800000


R = 16


@functools.partial(
    pl.kernel,
    mesh=plsc.VectorSubcoreMesh(core_axis_name="c", subcore_axis_name="s"),
    out_type=[
        jax.ShapeDtypeStruct((NW, 16), jnp.float32),
        jax.ShapeDtypeStruct((NW, 16), jnp.float32),
    ],
    compiler_params=pltpu.CompilerParams(use_tc_tiling_on_sc=True),
    scratch_types=[
        pltpu.VMEM((R, W), jnp.float32),
        pltpu.VMEM((R, W), jnp.float32),
        pltpu.VMEM((R, W), jnp.float32),
        pltpu.VMEM((R, W), jnp.float32),
        pltpu.VMEM((R, W), jnp.float32),
        pltpu.VMEM((R, W), jnp.float32),
        pltpu.VMEM((R, W), jnp.int32),
        pltpu.VMEM((R, W), jnp.int32),
        pltpu.VMEM((16,), jnp.float32),
        pltpu.VMEM((16,), jnp.float32),
        pltpu.SemaphoreType.DMA,
        pltpu.SemaphoreType.DMA,
        pltpu.SemaphoreType.DMA,
        pltpu.SemaphoreType.DMA,
    ],
)
def _nll_sc(t_hbm, m_hbm, s_hbm, k_hbm, out_l, out_c,
            tA, mA, sA, tB, mB, sB, kA, kB, al_v, ac_v,
            semA, semB, msemA, msemB):
    cid = lax.axis_index("c")
    sid = lax.axis_index("s")
    wid = sid * 2 + cid
    row0 = wid * R

    bufs = ((tA, mA, sA, semA), (tB, mB, sB, semB))
    kbufs = ((kA, msemA), (kB, msemB))

    def fire(n, c, p):
        tb, mb, sb, sem = bufs[p]
        pltpu.async_copy(t_hbm.at[n, c, pl.ds(row0, R), :], tb, sem)
        pltpu.async_copy(m_hbm.at[n, c, pl.ds(row0, R), :], mb, sem)
        pltpu.async_copy(s_hbm.at[n, c, pl.ds(row0, R), :], sb, sem)

    def drain(p):
        tb, mb, sb, sem = bufs[p]
        dummy = t_hbm.at[0, 0, pl.ds(0, R), :]
        pltpu.make_async_copy(dummy, tb, sem).wait()
        pltpu.make_async_copy(dummy, mb, sem).wait()
        pltpu.make_async_copy(dummy, sb, sem).wait()

    def fire_mask(n, p):
        kb, msem = kbufs[p]
        pltpu.async_copy(k_hbm.at[n, 0, pl.ds(row0, R), :], kb, msem)

    def drain_mask(p):
        kb, msem = kbufs[p]
        pltpu.make_async_copy(k_hbm.at[0, 0, pl.ds(0, R), :], kb, msem).wait()

    def compute(p, kp, first, carry):
        tb, mb, sb, _ = bufs[p]
        kb, _ = kbufs[kp]

        def inner(i, ic):
            al, ac = ic
            r = i >> 5
            sl = pl.ds((i & 31) * 16, 16)
            t = tb[r, sl]
            mu = mb[r, sl]
            s = sb[r, sl]
            mf = kb[r, sl].astype(jnp.float32)
            d = mu - t
            var = s * s
            cv = jnp.maximum(var, EPS)
            q = (d * d) / cv
            bits = lax.bitcast_convert_type(cv, jnp.int32)
            lo = bits.astype(jnp.float32) * K1
            mb_ = jnp.bitwise_or(jnp.bitwise_and(bits, MANT_MASK), ONE_BITS)
            z = lax.bitcast_convert_type(mb_, jnp.float32) - 1.0
            poly = ((P3 * z + P2) * z + P1) * z + P0
            al = al + (lo + poly + q) * mf
            if first:
                ac = ac + mf
            return (al, ac)

        return lax.fori_loop(0, NV, inner, carry)

    def one_image(n, e, carry, last):
        o = 1 - e
        fire(n, 1, o)
        drain_mask(e)
        drain(e)
        carry = compute(e, e, True, carry)
        if not last:
            fire_mask(n + 1, o)
        fire(n, 2, e)
        drain(o)
        carry = compute(o, e, False, carry)
        if not last:
            fire(n + 1, 0, o)
        drain(e)
        carry = compute(e, e, False, carry)
        return carry

    fire_mask(N_TC, 0)
    fire(N_TC, 0, 0)

    zero = jnp.zeros((16,), jnp.float32)
    carry = (zero, zero)
    for i in range(N_SC):
        carry = one_image(N_TC + i, i % 2, carry, last=(i == N_SC - 1))
    accl, accc = carry

    al_v[...] = accl
    ac_v[...] = accc
    pltpu.sync_copy(al_v, out_l.at[wid])
    pltpu.sync_copy(ac_v, out_c.at[wid])


def _tc_body(t_ref, m_ref, s_ref, k_ref, out_l, out_c, acc_l, acc_c):
    p = pl.program_id(0)

    @pl.when(p == 0)
    def _():
        acc_l[...] = jnp.zeros_like(acc_l)
        acc_c[...] = jnp.zeros_like(acc_c)

    mf = k_ref[0, 0].astype(jnp.float32)
    acc = jnp.zeros((H, W), jnp.float32)
    for c in range(C):
        t = t_ref[0, c]
        mu = m_ref[0, c]
        s = s_ref[0, c]
        var = s * s
        cv = jnp.maximum(var, EPS)
        d = mu - t
        acc = acc + (jnp.log(cv) + (d * d) / cv)
    loss = acc * mf
    acc_l[...] += jnp.sum(loss.reshape(H // 8, 8, W), axis=0)
    acc_c[...] += jnp.sum(mf.reshape(H // 8, 8, W), axis=0)

    @pl.when(p == N_TC - 1)
    def _():
        out_l[0, 0] = jnp.sum(acc_l[...])
        out_c[0, 0] = jnp.sum(acc_c[...])


_nll_tc = pl.pallas_call(
    _tc_body,
    grid=(N_TC,),
    in_specs=[
        pl.BlockSpec((1, C, H, W), lambda p: (p, 0, 0, 0)),
        pl.BlockSpec((1, C, H, W), lambda p: (p, 0, 0, 0)),
        pl.BlockSpec((1, C, H, W), lambda p: (p, 0, 0, 0)),
        pl.BlockSpec((1, 1, H, W), lambda p: (p, 0, 0, 0)),
    ],
    out_specs=[
        pl.BlockSpec(memory_space=pltpu.SMEM),
        pl.BlockSpec(memory_space=pltpu.SMEM),
    ],
    out_shape=[
        jax.ShapeDtypeStruct((1, 1), jnp.float32),
        jax.ShapeDtypeStruct((1, 1), jnp.float32),
    ],
    scratch_shapes=[
        pltpu.VMEM((8, W), jnp.float32),
        pltpu.VMEM((8, W), jnp.float32),
    ],
)


@jax.jit
def kernel(target, mean, std, mask):
    sc_l, sc_c = _nll_sc(target, mean, std, mask)
    tc_l, tc_c = _nll_tc(target, mean, std, mask)
    sc_sums = jnp.sum(jnp.stack([sc_l, sc_c]), axis=(1, 2))
    num = 0.5 * (sc_sums[0] + tc_l[0, 0])
    den = sc_sums[1] + tc_c[0, 0]
    return num / den

# --- scband reference (transcript-rebuilt; emitter-appended) ---
"""Pipeline reference for scband-gaussian-nllloss-62277025792324 (READ-ONLY COPY).

The authoritative reference and input builder live on the scoring server;
editing this copy changes nothing except your own understanding.
"""

import jax, jax.numpy as jnp
import numpy as np


def setup_inputs(seed: int = 0) -> dict:
    key = jax.random.key(seed)
    k1, k2, k3, k4 = jax.random.split(key, 4)
    n, c, h, w = 16, 3, 512, 512
    target = jax.random.normal(k1, (n, c, h, w), dtype=jnp.float32)
    mean = jax.random.normal(k2, (n, c, h, w), dtype=jnp.float32)
    std = jax.random.normal(k3, (n, c, h, w), dtype=jnp.float32)
    mask = jax.random.randint(k4, (n, 1, h, w), 0, 2).astype(jnp.int32)
    return {"target": target, "mean": mean, "std": std, "mask": mask}


def reference(target, mean, std, mask):
    # Faithful translation of the torch GaussianNLLLoss forward.
    # The torch code uses boolean indexing (dynamic shapes); since the result is a
    # masked sum divided by mask.sum(), multiplying the per-element loss by the
    # 0/1 mask indicator is mathematically identical and jit-friendly.
    eps = 1e-06
    n, c, h, w = target.shape
    t = jnp.transpose(target, (0, 2, 3, 1)).reshape(-1, c)
    m = jnp.transpose(mean, (0, 2, 3, 1)).reshape(-1, c)
    s = jnp.transpose(std, (0, 2, 3, 1)).reshape(-1, c)
    msk = (mask.reshape(-1, 1) == 1).astype(jnp.float32)  # [n*h*w, 1], broadcast over c
    var = s * s
    cv = jnp.clip(var, eps, None)
    loss = 0.5 * (jnp.log(cv) + (m - t) * (m - t) / cv)
    loss = jnp.sum(loss * msk)
    loss = loss / jnp.sum(mask).astype(jnp.float32)
    return loss

if __name__ == "__main__":
    import jax
    _d = setup_inputs()
    print(jax.jit(kernel)(*tuple(_d.values())))

</pallas_src>

<mosaic_0001>
#map = affine_map<(d0, d1) -> (0, 0, 0, 0)>
#map1 = affine_map<(d0, d1) -> (0, 0)>
module attributes {stable_mosaic.version = 14 : i64} {
  func.func @_nll_sc(%arg0: i32, %arg1: i32, %arg2: memref<16x3x512x512xf32, #tpu.memory_space<hbm>>, %arg3: memref<16x3x512x512xf32, #tpu.memory_space<hbm>>, %arg4: memref<16x3x512x512xf32, #tpu.memory_space<hbm>>, %arg5: memref<16x1x512x512xi32, #tpu.memory_space<hbm>>, %arg6: memref<32x16xf32, #tpu.memory_space<hbm>>, %arg7: memref<32x16xf32, #tpu.memory_space<hbm>>, %arg8: memref<16x512xf32, #tpu.memory_space<vmem>>, %arg9: memref<16x512xf32, #tpu.memory_space<vmem>>, %arg10: memref<16x512xf32, #tpu.memory_space<vmem>>, %arg11: memref<16x512xf32, #tpu.memory_space<vmem>>, %arg12: memref<16x512xf32, #tpu.memory_space<vmem>>, %arg13: memref<16x512xf32, #tpu.memory_space<vmem>>, %arg14: memref<16x512xi32, #tpu.memory_space<vmem>>, %arg15: memref<16x512xi32, #tpu.memory_space<vmem>>, %arg16: memref<16xf32, #tpu.memory_space<vmem>>, %arg17: memref<16xf32, #tpu.memory_space<vmem>>, %arg18: memref<!tpu.dma_semaphore, #tpu.memory_space<semaphore_mem>>, %arg19: memref<!tpu.dma_semaphore, #tpu.memory_space<semaphore_mem>>, %arg20: memref<!tpu.dma_semaphore, #tpu.memory_space<semaphore_mem>>, %arg21: memref<!tpu.dma_semaphore, #tpu.memory_space<semaphore_mem>>) attributes {dimension_semantics = [#tpu.dimension_semantics<core_parallel>, #tpu.dimension_semantics<subcore_parallel>], iteration_bounds = array<i64: 2, 16>, scalar_prefetch = 0 : i64, scratch_operands = 14 : i64, tpu.core_type = #tpu.core_type<sc_vector_subcore>, window_params = [{transform_indices = #map}, {transform_indices = #map}, {transform_indices = #map}, {transform_indices = #map}, {transform_indices = #map1}, {transform_indices = #map1}]} {
    %mul3A = arith.constant 2 : i32
    %mul3A_0 = arith.muli %arg1, %mul3A : i32
    %add3A = arith.addi %mul3A_0, %arg0 : i32
    %mul3A_1 = arith.constant 16 : i32
    %mul3A_2 = arith.muli %add3A, %mul3A_1 : i32
    %dma_start3A = arith.constant 10 : i32
    %dma_start3A_3 = arith.constant 0 : i32
    %dma_start3A_4 = arith.constant 0 : i32
    %dma_start3A_5 = tpu.memref_slice %arg5[%dma_start3A, %dma_start3A_3, %mul3A_2, %dma_start3A_4] : memref<16x1x512x512xi32, #tpu.memory_space<hbm>> -> memref<1x1x16x512xi32, #tpu.memory_space<hbm>>
    %dma_start3A_6 = tpu.memref_squeeze %dma_start3A_5 : memref<1x1x16x512xi32, #tpu.memory_space<hbm>> -> memref<16x512xi32, #tpu.memory_space<hbm>>
    %dma_start3A_7 = arith.constant 0 : i32
    %dma_start3A_8 = tpu.memref_slice %arg5[%dma_start3A, %dma_start3A_3, %mul3A_2, %dma_start3A_7] : memref<16x1x512x512xi32, #tpu.memory_space<hbm>> -> memref<1x1x16x512xi32, #tpu.memory_space<hbm>>
    %dma_start3A_9 = tpu.memref_squeeze %dma_start3A_8 : memref<1x1x16x512xi32, #tpu.memory_space<hbm>> -> memref<16x512xi32, #tpu.memory_space<hbm>>
    tpu.enqueue_dma source(%dma_start3A_9 : memref<16x512xi32, #tpu.memory_space<hbm>>) target(%arg14 : memref<16x512xi32, #tpu.memory_space<vmem>>) target_semaphore(%arg20 : memref<!tpu.dma_semaphore, #tpu.memory_space<semaphore_mem>>)
    %dma_start3A_10 = arith.constant 10 : i32
    %dma_start3A_11 = arith.constant 0 : i32
    %dma_start3A_12 = arith.constant 0 : i32
    %dma_start3A_13 = tpu.memref_slice %arg2[%dma_start3A_10, %dma_start3A_11, %mul3A_2, %dma_start3A_12] : memref<16x3x512x512xf32, #tpu.memory_space<hbm>> -> memref<1x1x16x512xf32, #tpu.memory_space<hbm>>
    %dma_start3A_14 = tpu.memref_squeeze %dma_start3A_13 : memref<1x1x16x512xf32, #tpu.memory_space<hbm>> -> memref<16x512xf32, #tpu.memory_space<hbm>>
    %dma_start3A_15 = arith.constant 0 : i32
    %dma_start3A_16 = tpu.memref_slice %arg2[%dma_start3A_10, %dma_start3A_11, %mul3A_2, %dma_start3A_15] : memref<16x3x512x512xf32, #tpu.memory_space<hbm>> -> memref<1x1x16x512xf32, #tpu.memory_space<hbm>>
    %dma_start3A_17 = tpu.memref_squeeze %dma_start3A_16 : memref<1x1x16x512xf32, #tpu.memory_space<hbm>> -> memref<16x512xf32, #tpu.memory_space<hbm>>
    tpu.enqueue_dma source(%dma_start3A_17 : memref<16x512xf32, #tpu.memory_space<hbm>>) target(%arg8 : memref<16x512xf32, #tpu.memory_space<vmem>>) target_semaphore(%arg18 : memref<!tpu.dma_semaphore, #tpu.memory_space<semaphore_mem>>)
    %dma_start3A_18 = arith.constant 10 : i32
    %dma_start3A_19 = arith.constant 0 : i32
    %dma_start3A_20 = arith.constant 0 : i32
    %dma_start3A_21 = tpu.memref_slice %arg3[%dma_start3A_18, %dma_start3A_19, %mul3A_2, %dma_start3A_20] : memref<16x3x512x512xf32, #tpu.memory_space<hbm>> -> memref<1x1x16x512xf32, #tpu.memory_space<hbm>>
    %dma_start3A_22 = tpu.memref_squeeze %dma_start3A_21 : memref<1x1x16x512xf32, #tpu.memory_space<hbm>> -> memref<16x512xf32, #tpu.memory_space<hbm>>
    %dma_start3A_23 = arith.constant 0 : i32
    %dma_start3A_24 = tpu.memref_slice %arg3[%dma_start3A_18, %dma_start3A_19, %mul3A_2, %dma_start3A_23] : memref<16x3x512x512xf32, #tpu.memory_space<hbm>> -> memref<1x1x16x512xf32, #tpu.memory_space<hbm>>
    %dma_start3A_25 = tpu.memref_squeeze %dma_start3A_24 : memref<1x1x16x512xf32, #tpu.memory_space<hbm>> -> memref<16x512xf32, #tpu.memory_space<hbm>>
    tpu.enqueue_dma source(%dma_start3A_25 : memref<16x512xf32, #tpu.memory_space<hbm>>) target(%arg9 : memref<16x512xf32, #tpu.memory_space<vmem>>) target_semaphore(%arg18 : memref<!tpu.dma_semaphore, #tpu.memory_space<semaphore_mem>>)
    %dma_start3A_26 = arith.constant 10 : i32
    %dma_start3A_27 = arith.constant 0 : i32
    %dma_start3A_28 = arith.constant 0 : i32
    %dma_start3A_29 = tpu.memref_slice %arg4[%dma_start3A_26, %dma_start3A_27, %mul3A_2, %dma_start3A_28] : memref<16x3x512x512xf32, #tpu.memory_space<hbm>> -> memref<1x1x16x512xf32, #tpu.memory_space<hbm>>
    %dma_start3A_30 = tpu.memref_squeeze %dma_start3A_29 : memref<1x1x16x512xf32, #tpu.memory_space<hbm>> -> memref<16x512xf32, #tpu.memory_space<hbm>>
    %dma_start3A_31 = arith.constant 0 : i32
    %dma_start3A_32 = tpu.memref_slice %arg4[%dma_start3A_26, %dma_start3A_27, %mul3A_2, %dma_start3A_31] : memref<16x3x512x512xf32, #tpu.memory_space<hbm>> -> memref<1x1x16x512xf32, #tpu.memory_space<hbm>>
    %dma_start3A_33 = tpu.memref_squeeze %dma_start3A_32 : memref<1x1x16x512xf32, #tpu.memory_space<hbm>> -> memref<16x512xf32, #tpu.memory_space<hbm>>
    tpu.enqueue_dma source(%dma_start3A_33 : memref<16x512xf32, #tpu.memory_space<hbm>>) target(%arg10 : memref<16x512xf32, #tpu.memory_space<vmem>>) target_semaphore(%arg18 : memref<!tpu.dma_semaphore, #tpu.memory_space<semaphore_mem>>)
    %broadcast_in_dim3A = arith.constant 0.000000e+00 : f32
    %broadcast_in_dim3A_34 = vector.broadcast %broadcast_in_dim3A : f32 to vector<16xf32>
    %dma_start3A_35 = arith.constant 10 : i32
    %dma_start3A_36 = arith.constant 1 : i32
    %dma_start3A_37 = arith.constant 0 : i32
    %dma_start3A_38 = tpu.memref_slice %arg2[%dma_start3A_35, %dma_start3A_36, %mul3A_2, %dma_start3A_37] : memref<16x3x512x512xf32, #tpu.memory_space<hbm>> -> memref<1x1x16x512xf32, #tpu.memory_space<hbm>>
    %dma_start3A_39 = tpu.memref_squeeze %dma_start3A_38 : memref<1x1x16x512xf32, #tpu.memory_space<hbm>> -> memref<16x512xf32, #tpu.memory_space<hbm>>
    %dma_start3A_40 = arith.constant 0 : i32
    %dma_start3A_41 = tpu.memref_slice %arg2[%dma_start3A_35, %dma_start3A_36, %mul3A_2, %dma_start3A_40] : memref<16x3x512x512xf32, #tpu.memory_space<hbm>> -> memref<1x1x16x512xf32, #tpu.memory_space<hbm>>
    %dma_start3A_42 = tpu.memref_squeeze %dma_start3A_41 : memref<1x1x16x512xf32, #tpu.memory_space<hbm>> -> memref<16x512xf32, #tpu.memory_space<hbm>>
    tpu.enqueue_dma source(%dma_start3A_42 : memref<16x512xf32, #tpu.memory_space<hbm>>) target(%arg11 : memref<16x512xf32, #tpu.memory_space<vmem>>) target_semaphore(%arg19 : memref<!tpu.dma_semaphore, #tpu.memory_space<semaphore_mem>>)
    %dma_start3A_43 = arith.constant 10 : i32
    %dma_start3A_44 = arith.constant 1 : i32
    %dma_start3A_45 = arith.constant 0 : i32
    %dma_start3A_46 = tpu.memref_slice %arg3[%dma_start3A_43, %dma_start3A_44, %mul3A_2, %dma_start3A_45] : memref<16x3x512x512xf32, #tpu.memory_space<hbm>> -> memref<1x1x16x512xf32, #tpu.memory_space<hbm>>
    %dma_start3A_47 = tpu.memref_squeeze %dma_start3A_46 : memref<1x1x16x512xf32, #tpu.memory_space<hbm>> -> memref<16x512xf32, #tpu.memory_space<hbm>>
    %dma_start3A_48 = arith.constant 0 : i32
    %dma_start3A_49 = tpu.memref_slice %arg3[%dma_start3A_43, %dma_start3A_44, %mul3A_2, %dma_start3A_48] : memref<16x3x512x512xf32, #tpu.memory_space<hbm>> -> memref<1x1x16x512xf32, #tpu.memory_space<hbm>>
    %dma_start3A_50 = tpu.memref_squeeze %dma_start3A_49 : memref<1x1x16x512xf32, #tpu.memory_space<hbm>> -> memref<16x512xf32, #tpu.memory_space<hbm>>
    tpu.enqueue_dma source(%dma_start3A_50 : memref<16x512xf32, #tpu.memory_space<hbm>>) target(%arg12 : memref<16x512xf32, #tpu.memory_space<vmem>>) target_semaphore(%arg19 : memref<!tpu.dma_semaphore, #tpu.memory_space<semaphore_mem>>)
    %dma_start3A_51 = arith.constant 10 : i32
    %dma_start3A_52 = arith.constant 1 : i32
    %dma_start3A_53 = arith.constant 0 : i32
    %dma_start3A_54 = tpu.memref_slice %arg4[%dma_start3A_51, %dma_start3A_52, %mul3A_2, %dma_start3A_53] : memref<16x3x512x512xf32, #tpu.memory_space<hbm>> -> memref<1x1x16x512xf32, #tpu.memory_space<hbm>>
    %dma_start3A_55 = tpu.memref_squeeze %dma_start3A_54 : memref<1x1x16x512xf32, #tpu.memory_space<hbm>> -> memref<16x512xf32, #tpu.memory_space<hbm>>
    %dma_start3A_56 = arith.constant 0 : i32
    %dma_start3A_57 = tpu.memref_slice %arg4[%dma_start3A_51, %dma_start3A_52, %mul3A_2, %dma_start3A_56] : memref<16x3x512x512xf32, #tpu.memory_space<hbm>> -> memref<1x1x16x512xf32, #tpu.memory_space<hbm>>
    %dma_start3A_58 = tpu.memref_squeeze %dma_start3A_57 : memref<1x1x16x512xf32, #tpu.memory_space<hbm>> -> memref<16x512xf32, #tpu.memory_space<hbm>>
    tpu.enqueue_dma source(%dma_start3A_58 : memref<16x512xf32, #tpu.memory_space<hbm>>) target(%arg13 : memref<16x512xf32, #tpu.memory_space<vmem>>) target_semaphore(%arg19 : memref<!tpu.dma_semaphore, #tpu.memory_space<semaphore_mem>>)
    %dma_wait3A = arith.constant 0 : i32
    %dma_wait3A_59 = arith.constant 0 : i32
    %dma_wait3A_60 = arith.constant 0 : i32
    %dma_wait3A_61 = arith.constant 0 : i32
    %dma_wait3A_62 = tpu.memref_slice %arg5[%dma_wait3A, %dma_wait3A_59, %dma_wait3A_60, %dma_wait3A_61] : memref<16x1x512x512xi32, #tpu.memory_space<hbm>> -> memref<1x1x16x512xi32, #tpu.memory_space<hbm>>
    %dma_wait3A_63 = tpu.memref_squeeze %dma_wait3A_62 : memref<1x1x16x512xi32, #tpu.memory_space<hbm>> -> memref<16x512xi32, #tpu.memory_space<hbm>>
    %dma_wait3A_64 = arith.constant 0 : i32
    %dma_wait3A_65 = arith.constant 0 : i32
    %dma_wait3A_66 = tpu.memref_slice %arg5[%dma_wait3A, %dma_wait3A_59, %dma_wait3A_64, %dma_wait3A_65] : memref<16x1x512x512xi32, #tpu.memory_space<hbm>> -> memref<1x1x16x512xi32, #tpu.memory_space<hbm>>
    %dma_wait3A_67 = tpu.memref_squeeze %dma_wait3A_66 : memref<1x1x16x512xi32, #tpu.memory_space<hbm>> -> memref<16x512xi32, #tpu.memory_space<hbm>>
    tpu.wait_dma2 semaphore(%arg20 : memref<!tpu.dma_semaphore, #tpu.memory_space<semaphore_mem>>) src(%dma_wait3A_67 : memref<16x512xi32, #tpu.memory_space<hbm>>) dst(%arg14 : memref<16x512xi32, #tpu.memory_space<vmem>>)
    %dma_wait3A_68 = arith.constant 0 : i32
    %dma_wait3A_69 = arith.constant 0 : i32
    %dma_wait3A_70 = arith.constant 0 : i32
    %dma_wait3A_71 = arith.constant 0 : i32
    %dma_wait3A_72 = tpu.memref_slice %arg2[%dma_wait3A_68, %dma_wait3A_69, %dma_wait3A_70, %dma_wait3A_71] : memref<16x3x512x512xf32, #tpu.memory_space<hbm>> -> memref<1x1x16x512xf32, #tpu.memory_space<hbm>>
    %dma_wait3A_73 = tpu.memref_squeeze %dma_wait3A_72 : memref<1x1x16x512xf32, #tpu.memory_space<hbm>> -> memref<16x512xf32, #tpu.memory_space<hbm>>
    %dma_wait3A_74 = arith.constant 0 : i32
    %dma_wait3A_75 = arith.constant 0 : i32
    %dma_wait3A_76 = tpu.memref_slice %arg2[%dma_wait3A_68, %dma_wait3A_69, %dma_wait3A_74, %dma_wait3A_75] : memref<16x3x512x512xf32, #tpu.memory_space<hbm>> -> memref<1x1x16x512xf32, #tpu.memory_space<hbm>>
    %dma_wait3A_77 = tpu.memref_squeeze %dma_wait3A_76 : memref<1x1x16x512xf32, #tpu.memory_space<hbm>> -> memref<16x512xf32, #tpu.memory_space<hbm>>
    tpu.wait_dma2 semaphore(%arg18 : memref<!tpu.dma_semaphore, #tpu.memory_space<semaphore_mem>>) src(%dma_wait3A_77 : memref<16x512xf32, #tpu.memory_space<hbm>>) dst(%arg8 : memref<16x512xf32, #tpu.memory_space<vmem>>)
    %dma_wait3A_78 = arith.constant 0 : i32
    %dma_wait3A_79 = arith.constant 0 : i32
    %dma_wait3A_80 = arith.constant 0 : i32
    %dma_wait3A_81 = arith.constant 0 : i32
    %dma_wait3A_82 = tpu.memref_slice %arg2[%dma_wait3A_78, %dma_wait3A_79, %dma_wait3A_80, %dma_wait3A_81] : memref<16x3x512x512xf32, #tpu.memory_space<hbm>> -> memref<1x1x16x512xf32, #tpu.memory_space<hbm>>
    %dma_wait3A_83 = tpu.memref_squeeze %dma_wait3A_82 : memref<1x1x16x512xf32, #tpu.memory_space<hbm>> -> memref<16x512xf32, #tpu.memory_space<hbm>>
    %dma_wait3A_84 = arith.constant 0 : i32
    %dma_wait3A_85 = arith.constant 0 : i32
    %dma_wait3A_86 = tpu.memref_slice %arg2[%dma_wait3A_78, %dma_wait3A_79, %dma_wait3A_84, %dma_wait3A_85] : memref<16x3x512x512xf32, #tpu.memory_space<hbm>> -> memref<1x1x16x512xf32, #tpu.memory_space<hbm>>
    %dma_wait3A_87 = tpu.memref_squeeze %dma_wait3A_86 : memref<1x1x16x512xf32, #tpu.memory_space<hbm>> -> memref<16x512xf32, #tpu.memory_space<hbm>>
    tpu.wait_dma2 semaphore(%arg18 : memref<!tpu.dma_semaphore, #tpu.memory_space<semaphore_mem>>) src(%dma_wait3A_87 : memref<16x512xf32, #tpu.memory_space<hbm>>) dst(%arg9 : memref<16x512xf32, #tpu.memory_space<vmem>>)
    %dma_wait3A_88 = arith.constant 0 : i32
    %dma_wait3A_89 = arith.constant 0 : i32
    %dma_wait3A_90 = arith.constant 0 : i32
    %dma_wait3A_91 = arith.constant 0 : i32
    %dma_wait3A_92 = tpu.memref_slice %arg2[%dma_wait3A_88, %dma_wait3A_89, %dma_wait3A_90, %dma_wait3A_91] : memref<16x3x512x512xf32, #tpu.memory_space<hbm>> -> memref<1x1x16x512xf32, #tpu.memory_space<hbm>>
    %dma_wait3A_93 = tpu.memref_squeeze %dma_wait3A_92 : memref<1x1x16x512xf32, #tpu.memory_space<hbm>> -> memref<16x512xf32, #tpu.memory_space<hbm>>
    %dma_wait3A_94 = arith.constant 0 : i32
    %dma_wait3A_95 = arith.constant 0 : i32
    %dma_wait3A_96 = tpu.memref_slice %arg2[%dma_wait3A_88, %dma_wait3A_89, %dma_wait3A_94, %dma_wait3A_95] : memref<16x3x512x512xf32, #tpu.memory_space<hbm>> -> memref<1x1x16x512xf32, #tpu.memory_space<hbm>>
    %dma_wait3A_97 = tpu.memref_squeeze %dma_wait3A_96 : memref<1x1x16x512xf32, #tpu.memory_space<hbm>> -> memref<16x512xf32, #tpu.memory_space<hbm>>
    tpu.wait_dma2 semaphore(%arg18 : memref<!tpu.dma_semaphore, #tpu.memory_space<semaphore_mem>>) src(%dma_wait3A_97 : memref<16x512xf32, #tpu.memory_space<hbm>>) dst(%arg10 : memref<16x512xf32, #tpu.memory_space<vmem>>)
    %scan3A = arith.constant 0 : i32
    %scan3A_98 = arith.constant 512 : i32
    %scan3A_99 = arith.addi %scan3A, %scan3A_98 : i32
    %scan3A_100 = arith.constant 1 : i32
    %scan3A_101:2 = scf.for %scan3A_1196 = %scan3A to %scan3A_99 step %scan3A_100 iter_args(%scan3A_1197 = %broadcast_in_dim3A_34, %scan3A_1198 = %broadcast_in_dim3A_34) -> (vector<16xf32>, vector<16xf32>)  : i32 {
      %shift_right_arithmetic3A = arith.constant 5 : i32
      %shift_right_arithmetic3A_1199 = arith.shrsi %scan3A_1196, %shift_right_arithmetic3A : i32
      %and3A = arith.constant 31 : i32
      %and3A_1200 = arith.andi %scan3A_1196, %and3A : i32
      %mul3A_1201 = arith.constant 16 : i32
      %mul3A_1202 = arith.muli %and3A_1200, %mul3A_1201 : i32
      %get3A = arith.index_cast %shift_right_arithmetic3A_1199 : i32 to index
      %get3A_1203 = arith.index_cast %mul3A_1202 : i32 to index
      %get3A_1204 = tpu.vector_load %arg8[%get3A, %get3A_1203] {strides = array<i32>} : memref<16x512xf32, #tpu.memory_space<vmem>>, vector<1x16xf32>,
      %get3A_1205 = vector.shape_cast %get3A_1204 : vector<1x16xf32> to vector<16xf32>
      %get3A_1206 = arith.index_cast %shift_right_arithmetic3A_1199 : i32 to index
      %get3A_1207 = arith.index_cast %mul3A_1202 : i32 to index
      %get3A_1208 = tpu.vector_load %arg9[%get3A_1206, %get3A_1207] {strides = array<i32>} : memref<16x512xf32, #tpu.memory_space<vmem>>, vector<1x16xf32>,
      %get3A_1209 = vector.shape_cast %get3A_1208 : vector<1x16xf32> to vector<16xf32>
      %get3A_1210 = arith.index_cast %shift_right_arithmetic3A_1199 : i32 to index
      %get3A_1211 = arith.index_cast %mul3A_1202 : i32 to index
      %get3A_1212 = tpu.vector_load %arg10[%get3A_1210, %get3A_1211] {strides = array<i32>} : memref<16x512xf32, #tpu.memory_space<vmem>>, vector<1x16xf32>,
      %get3A_1213 = vector.shape_cast %get3A_1212 : vector<1x16xf32> to vector<16xf32>
      %get3A_1214 = arith.index_cast %shift_right_arithmetic3A_1199 : i32 to index
      %get3A_1215 = arith.index_cast %mul3A_1202 : i32 to index
      %get3A_1216 = tpu.vector_load %arg14[%get3A_1214, %get3A_1215] {strides = array<i32>} : memref<16x512xi32, #tpu.memory_space<vmem>>, vector<1x16xi32>,
      %get3A_1217 = vector.shape_cast %get3A_1216 : vector<1x16xi32> to vector<16xi32>
      %convert_element_type3A = arith.sitofp %get3A_1217 : vector<16xi32> to vector<16xf32>
      %sub3A = arith.subf %get3A_1209, %get3A_1205 : vector<16xf32>
      %mul3A_1218 = arith.mulf %get3A_1213, %get3A_1213 : vector<16xf32>
      %max3A = arith.constant 9.99999997E-7 : f32
      %max3A_1219 = vector.broadcast %max3A : f32 to vector<16xf32>
      %max3A_1220 = arith.maximumf %mul3A_1218, %max3A_1219 : vector<16xf32>
      %mul3A_1221 = arith.mulf %sub3A, %sub3A : vector<16xf32>
      %div3A = arith.divf %mul3A_1221, %max3A_1220 : vector<16xf32>
      %bitcast_convert_type3A = tpu.bitcast %max3A_1220 : vector<16xf32> -> vector<16xi32>
      %convert_element_type3A_1222 = arith.sitofp %bitcast_convert_type3A : vector<16xi32> to vector<16xf32>
      %mul3A_1223 = arith.constant 8.26295832E-8 : f32
      %mul3A_1224 = vector.broadcast %mul3A_1223 : f32 to vector<16xf32>
      %mul3A_1225 = arith.mulf %convert_element_type3A_1222, %mul3A_1224 : vector<16xf32>
      %and3A_1226 = arith.constant 8388607 : i32
      %and3A_1227 = vector.broadcast %and3A_1226 : i32 to vector<16xi32>
      %and3A_1228 = arith.andi %bitcast_convert_type3A, %and3A_1227 : vector<16xi32>
      %or3A = arith.constant 1065353216 : i32
      %or3A_1229 = vector.broadcast %or3A : i32 to vector<16xi32>
      %or3A_1230 = arith.ori %and3A_1228, %or3A_1229 : vector<16xi32>
      %bitcast_convert_type3A_1231 = tpu.bitcast %or3A_1230 : vector<16xi32> -> vector<16xf32>
      %sub3A_1232 = arith.constant 1.000000e+00 : f32
      %sub3A_1233 = vector.broadcast %sub3A_1232 : f32 to vector<16xf32>
      %sub3A_1234 = arith.subf %bitcast_convert_type3A_1231, %sub3A_1233 : vector<16xf32>
      %mul3A_1235 = arith.constant 0.106684729 : f32
      %mul3A_1236 = vector.broadcast %mul3A_1235 : f32 to vector<16xf32>
      %mul3A_1237 = arith.mulf %mul3A_1236, %sub3A_1234 : vector<16xf32>
      %add3A_1238 = arith.constant -0.393535793 : f32
      %add3A_1239 = vector.broadcast %add3A_1238 : f32 to vector<16xf32>
      %add3A_1240 = arith.addf %mul3A_1237, %add3A_1239 : vector<16xf32>
      %mul3A_1241 = arith.mulf %add3A_1240, %sub3A_1234 : vector<16xf32>
      %add3A_1242 = arith.constant 0.286606222 : f32
      %add3A_1243 = vector.broadcast %add3A_1242 : f32 to vector<16xf32>
      %add3A_1244 = arith.addf %mul3A_1241, %add3A_1243 : vector<16xf32>
      %mul3A_1245 = arith.mulf %add3A_1244, %sub3A_1234 : vector<16xf32>
      %add3A_1246 = arith.constant -88.0287704 : f32
      %add3A_1247 = vector.broadcast %add3A_1246 : f32 to vector<16xf32>
      %add3A_1248 = arith.addf %mul3A_1245, %add3A_1247 : vector<16xf32>
      %add3A_1249 = arith.addf %mul3A_1225, %add3A_1248 : vector<16xf32>
      %add3A_1250 = arith.addf %add3A_1249, %div3A : vector<16xf32>
      %mul3A_1251 = arith.mulf %add3A_1250, %convert_element_type3A : vector<16xf32>
      %add3A_1252 = arith.addf %scan3A_1197, %mul3A_1251 : vector<16xf32>
      %add3A_1253 = arith.addf %scan3A_1198, %convert_element_type3A : vector<16xf32>
      scf.yield %add3A_1252, %add3A_1253 : vector<16xf32>, vector<16xf32>
    }
    %scan3A_102 = arith.constant 512 : i32
    %dma_start3A_103 = arith.constant 11 : i32
    %dma_start3A_104 = arith.constant 0 : i32
    %dma_start3A_105 = arith.constant 0 : i32
    %dma_start3A_106 = tpu.memref_slice %arg5[%dma_start3A_103, %dma_start3A_104, %mul3A_2, %dma_start3A_105] : memref<16x1x512x512xi32, #tpu.memory_space<hbm>> -> memref<1x1x16x512xi32, #tpu.memory_space<hbm>>
    %dma_start3A_107 = tpu.memref_squeeze %dma_start3A_106 : memref<1x1x16x512xi32, #tpu.memory_space<hbm>> -> memref<16x512xi32, #tpu.memory_space<hbm>>
    %dma_start3A_108 = arith.constant 0 : i32
    %dma_start3A_109 = tpu.memref_slice %arg5[%dma_start3A_103, %dma_start3A_104, %mul3A_2, %dma_start3A_108] : memref<16x1x512x512xi32, #tpu.memory_space<hbm>> -> memref<1x1x16x512xi32, #tpu.memory_space<hbm>>
    %dma_start3A_110 = tpu.memref_squeeze %dma_start3A_109 : memref<1x1x16x512xi32, #tpu.memory_space<hbm>> -> memref<16x512xi32, #tpu.memory_space<hbm>>
    tpu.enqueue_dma source(%dma_start3A_110 : memref<16x512xi32, #tpu.memory_space<hbm>>) target(%arg15 : memref<16x512xi32, #tpu.memory_space<vmem>>) target_semaphore(%arg21 : memref<!tpu.dma_semaphore, #tpu.memory_space<semaphore_mem>>)
    %dma_start3A_111 = arith.constant 10 : i32
    %dma_start3A_112 = arith.constant 2 : i32
    %dma_start3A_113 = arith.constant 0 : i32
    %dma_start3A_114 = tpu.memref_slice %arg2[%dma_start3A_111, %dma_start3A_112, %mul3A_2, %dma_start3A_113] : memref<16x3x512x512xf32, #tpu.memory_space<hbm>> -> memref<1x1x16x512xf32, #tpu.memory_space<hbm>>
    %dma_start3A_115 = tpu.memref_squeeze %dma_start3A_114 : memref<1x1x16x512xf32, #tpu.memory_space<hbm>> -> memref<16x512xf32, #tpu.memory_space<hbm>>
    %dma_start3A_116 = arith.constant 0 : i32
    %dma_start3A_117 = tpu.memref_slice %arg2[%dma_start3A_111, %dma_start3A_112, %mul3A_2, %dma_start3A_116] : memref<16x3x512x512xf32, #tpu.memory_space<hbm>> -> memref<1x1x16x512xf32, #tpu.memory_space<hbm>>
    %dma_start3A_118 = tpu.memref_squeeze %dma_start3A_117 : memref<1x1x16x512xf32, #tpu.memory_space<hbm>> -> memref<16x512xf32, #tpu.memory_space<hbm>>
    tpu.enqueue_dma source(%dma_start3A_118 : memref<16x512xf32, #tpu.memory_space<hbm>>) target(%arg8 : memref<16x512xf32, #tpu.memory_space<vmem>>) target_semaphore(%arg18 : memref<!tpu.dma_semaphore, #tpu.memory_space<semaphore_mem>>)
    %dma_start3A_119 = arith.constant 10 : i32
    %dma_start3A_120 = arith.constant 2 : i32
    %dma_start3A_121 = arith.constant 0 : i32
    %dma_start3A_122 = tpu.memref_slice %arg3[%dma_start3A_119, %dma_start3A_120, %mul3A_2, %dma_start3A_121] : memref<16x3x512x512xf32, #tpu.memory_space<hbm>> -> memref<1x1x16x512xf32, #tpu.memory_space<hbm>>
    %dma_start3A_123 = tpu.memref_squeeze %dma_start3A_122 : memref<1x1x16x512xf32, #tpu.memory_space<hbm>> -> memref<16x512xf32, #tpu.memory_space<hbm>>
    %dma_start3A_124 = arith.constant 0 : i32
    %dma_start3A_125 = tpu.memref_slice %arg3[%dma_start3A_119, %dma_start3A_120, %mul3A_2, %dma_start3A_124] : memref<16x3x512x512xf32, #tpu.memory_space<hbm>> -> memref<1x1x16x512xf32, #tpu.memory_space<hbm>>
    %dma_start3A_126 = tpu.memref_squeeze %dma_start3A_125 : memref<1x1x16x512xf32, #tpu.memory_space<hbm>> -> memref<16x512xf32, #tpu.memory_space<hbm>>
    tpu.enqueue_dma source(%dma_start3A_126 : memref<16x512xf32, #tpu.memory_space<hbm>>) target(%arg9 : memref<16x512xf32, #tpu.memory_space<vmem>>) target_semaphore(%arg18 : memref<!tpu.dma_semaphore, #tpu.memory_space<semaphore_mem>>)
    %dma_start3A_127 = arith.constant 10 : i32
    %dma_start3A_128 = arith.constant 2 : i32
    %dma_start3A_129 = arith.constant 0 : i32
    %dma_start3A_130 = tpu.memref_slice %arg4[%dma_start3A_127, %dma_start3A_128, %mul3A_2, %dma_start3A_129] : memref<16x3x512x512xf32, #tpu.memory_space<hbm>> -> memref<1x1x16x512xf32, #tpu.memory_space<hbm>>
    %dma_start3A_131 = tpu.memref_squeeze %dma_start3A_130 : memref<1x1x16x512xf32, #tpu.memory_space<hbm>> -> memref<16x512xf32, #tpu.memory_space<hbm>>
    %dma_start3A_132 = arith.constant 0 : i32
    %dma_start3A_133 = tpu.memref_slice %arg4[%dma_start3A_127, %dma_start3A_128, %mul3A_2, %dma_start3A_132] : memref<16x3x512x512xf32, #tpu.memory_space<hbm>> -> memref<1x1x16x512xf32, #tpu.memory_space<hbm>>
    %dma_start3A_134 = tpu.memref_squeeze %dma_start3A_133 : memref<1x1x16x512xf32, #tpu.memory_space<hbm>> -> memref<16x512xf32, #tpu.memory_space<hbm>>
    tpu.enqueue_dma source(%dma_start3A_134 : memref<16x512xf32, #tpu.memory_space<hbm>>) target(%arg10 : memref<16x512xf32, #tpu.memory_space<vmem>>) target_semaphore(%arg18 : memref<!tpu.dma_semaphore, #tpu.memory_space<semaphore_mem>>)
    %dma_wait3A_135 = arith.constant 0 : i32
    %dma_wait3A_136 = arith.constant 0 : i32
    %dma_wait3A_137 = arith.constant 0 : i32
    %dma_wait3A_138 = arith.constant 0 : i32
    %dma_wait3A_139 = tpu.memref_slice %arg2[%dma_wait3A_135, %dma_wait3A_136, %dma_wait3A_137, %dma_wait3A_138] : memref<16x3x512x512xf32, #tpu.memory_space<hbm>> -> memref<1x1x16x512xf32, #tpu.memory_space<hbm>>
    %dma_wait3A_140 = tpu.memref_squeeze %dma_wait3A_139 : memref<1x1x16x512xf32, #tpu.memory_space<hbm>> -> memref<16x512xf32, #tpu.memory_space<hbm>>
    %dma_wait3A_141 = arith.constant 0 : i32
    %dma_wait3A_142 = arith.constant 0 : i32
    %dma_wait3A_143 = tpu.memref_slice %arg2[%dma_wait3A_135, %dma_wait3A_136, %dma_wait3A_141, %dma_wait3A_142] : memref<16x3x512x512xf32, #tpu.memory_space<hbm>> -> memref<1x1x16x512xf32, #tpu.memory_space<hbm>>
    %dma_wait3A_144 = tpu.memref_squeeze %dma_wait3A_143 : memref<1x1x16x512xf32, #tpu.memory_space<hbm>> -> memref<16x512xf32, #tpu.memory_space<hbm>>
    tpu.wait_dma2 semaphore(%arg19 : memref<!tpu.dma_semaphore, #tpu.memory_space<semaphore_mem>>) src(%dma_wait3A_144 : memref<16x512xf32, #tpu.memory_space<hbm>>) dst(%arg11 : memref<16x512xf32, #tpu.memory_space<vmem>>)
    %dma_wait3A_145 = arith.constant 0 : i32
    %dma_wait3A_146 = arith.constant 0 : i32
    %dma_wait3A_147 = arith.constant 0 : i32
    %dma_wait3A_148 = arith.constant 0 : i32
    %dma_wait3A_149 = tpu.memref_slice %arg2[%dma_wait3A_145, %dma_wait3A_146, %dma_wait3A_147, %dma_wait3A_148] : memref<16x3x512x512xf32, #tpu.memory_space<hbm>> -> memref<1x1x16x512xf32, #tpu.memory_space<hbm>>
    %dma_wait3A_150 = tpu.memref_squeeze %dma_wait3A_149 : memref<1x1x16x512xf32, #tpu.memory_space<hbm>> -> memref<16x512xf32, #tpu.memory_space<hbm>>
    %dma_wait3A_151 = arith.constant 0 : i32
    %dma_wait3A_152 = arith.constant 0 : i32
    %dma_wait3A_153 = tpu.memref_slice %arg2[%dma_wait3A_145, %dma_wait3A_146, %dma_wait3A_151, %dma_wait3A_152] : memref<16x3x512x512xf32, #tpu.memory_space<hbm>> -> memref<1x1x16x512xf32, #tpu.memory_space<hbm>>
    %dma_wait3A_154 = tpu.memref_squeeze %dma_wait3A_153 : memref<1x1x16x512xf32, #tpu.memory_space<hbm>> -> memref<16x512xf32, #tpu.memory_space<hbm>>
    tpu.wait_dma2 semaphore(%arg19 : memref<!tpu.dma_semaphore, #tpu.memory_space<semaphore_mem>>) src(%dma_wait3A_154 : memref<16x512xf32, #tpu.memory_space<hbm>>) dst(%arg12 : memref<16x512xf32, #tpu.memory_space<vmem>>)
    %dma_wait3A_155 = arith.constant 0 : i32
    %dma_wait3A_156 = arith.constant 0 : i32
    %dma_wait3A_157 = arith.constant 0 : i32
    %dma_wait3A_158 = arith.constant 0 : i32
    %dma_wait3A_159 = tpu.memref_slice %arg2[%dma_wait3A_155, %dma_wait3A_156, %dma_wait3A_157, %dma_wait3A_158] : memref<16x3x512x512xf32, #tpu.memory_space<hbm>> -> memref<1x1x16x512xf32, #tpu.memory_space<hbm>>
    %dma_wait3A_160 = tpu.memref_squeeze %dma_wait3A_159 : memref<1x1x16x512xf32, #tpu.memory_space<hbm>> -> memref<16x512xf32, #tpu.memory_space<hbm>>
    %dma_wait3A_161 = arith.constant 0 : i32
    %dma_wait3A_162 = arith.constant 0 : i32
    %dma_wait3A_163 = tpu.memref_slice %arg2[%dma_wait3A_155, %dma_wait3A_156, %dma_wait3A_161, %dma_wait3A_162] : memref<16x3x512x512xf32, #tpu.memory_space<hbm>> -> memref<1x1x16x512xf32, #tpu.memory_space<hbm>>
    %dma_wait3A_164 = tpu.memref_squeeze %dma_wait3A_163 : memref<1x1x16x512xf32, #tpu.memory_space<hbm>> -> memref<16x512xf32, #tpu.memory_space<hbm>>
    tpu.wait_dma2 semaphore(%arg19 : memref<!tpu.dma_semaphore, #tpu.memory_space<semaphore_mem>>) src(%dma_wait3A_164 : memref<16x512xf32, #tpu.memory_space<hbm>>) dst(%arg13 : memref<16x512xf32, #tpu.memory_space<vmem>>)
    %scan3A_165 = arith.constant 0 : i32
    %scan3A_166 = arith.constant 512 : i32
    %scan3A_167 = arith.addi %scan3A_165, %scan3A_166 : i32
    %scan3A_168 = arith.constant 1 : i32
    %scan3A_169 = scf.for %scan3A_1196 = %scan3A_165 to %scan3A_167 step %scan3A_168 iter_args(%scan3A_1197 = %scan3A_101#0) -> (vector<16xf32>)  : i32 {
      %shift_right_arithmetic3A = arith.constant 5 : i32
      %shift_right_arithmetic3A_1198 = arith.shrsi %scan3A_1196, %shift_right_arithmetic3A : i32
      %and3A = arith.constant 31 : i32
      %and3A_1199 = arith.andi %scan3A_1196, %and3A : i32
      %mul3A_1200 = arith.constant 16 : i32
      %mul3A_1201 = arith.muli %and3A_1199, %mul3A_1200 : i32
      %get3A = arith.index_cast %shift_right_arithmetic3A_1198 : i32 to index
      %get3A_1202 = arith.index_cast %mul3A_1201 : i32 to index
      %get3A_1203 = tpu.vector_load %arg11[%get3A, %get3A_1202] {strides = array<i32>} : memref<16x512xf32, #tpu.memory_space<vmem>>, vector<1x16xf32>,
      %get3A_1204 = vector.shape_cast %get3A_1203 : vector<1x16xf32> to vector<16xf32>
      %get3A_1205 = arith.index_cast %shift_right_arithmetic3A_1198 : i32 to index
      %get3A_1206 = arith.index_cast %mul3A_1201 : i32 to index
      %get3A_1207 = tpu.vector_load %arg12[%get3A_1205, %get3A_1206] {strides = array<i32>} : memref<16x512xf32, #tpu.memory_space<vmem>>, vector<1x16xf32>,
      %get3A_1208 = vector.shape_cast %get3A_1207 : vector<1x16xf32> to vector<16xf32>
      %get3A_1209 = arith.index_cast %shift_right_arithmetic3A_1198 : i32 to index
      %get3A_1210 = arith.index_cast %mul3A_1201 : i32 to index
      %get3A_1211 = tpu.vector_load %arg13[%get3A_1209, %get3A_1210] {strides = array<i32>} : memref<16x512xf32, #tpu.memory_space<vmem>>, vector<1x16xf32>,
      %get3A_1212 = vector.shape_cast %get3A_1211 : vector<1x16xf32> to vector<16xf32>
      %get3A_1213 = arith.index_cast %shift_right_arithmetic3A_1198 : i32 to index
      %get3A_1214 = arith.index_cast %mul3A_1201 : i32 to index
      %get3A_1215 = tpu.vector_load %arg14[%get3A_1213, %get3A_1214] {strides = array<i32>} : memref<16x512xi32, #tpu.memory_space<vmem>>, vector<1x16xi32>,
      %get3A_1216 = vector.shape_cast %get3A_1215 : vector<1x16xi32> to vector<16xi32>
      %convert_element_type3A = arith.sitofp %get3A_1216 : vector<16xi32> to vector<16xf32>
      %sub3A = arith.subf %get3A_1208, %get3A_1204 : vector<16xf32>
      %mul3A_1217 = arith.mulf %get3A_1212, %get3A_1212 : vector<16xf32>
      %max3A = arith.constant 9.99999997E-7 : f32
      %max3A_1218 = vector.broadcast %max3A : f32 to vector<16xf32>
      %max3A_1219 = arith.maximumf %mul3A_1217, %max3A_1218 : vector<16xf32>
      %mul3A_1220 = arith.mulf %sub3A, %sub3A : vector<16xf32>
      %div3A = arith.divf %mul3A_1220, %max3A_1219 : vector<16xf32>
      %bitcast_convert_type3A = tpu.bitcast %max3A_1219 : vector<16xf32> -> vector<16xi32>
      %convert_element_type3A_1221 = arith.sitofp %bitcast_convert_type3A : vector<16xi32> to vector<16xf32>
      %mul3A_1222 = arith.constant 8.26295832E-8 : f32
      %mul3A_1223 = vector.broadcast %mul3A_1222 : f32 to vector<16xf32>
      %mul3A_1224 = arith.mulf %convert_element_type3A_1221, %mul3A_1223 : vector<16xf32>
      %and3A_1225 = arith.constant 8388607 : i32
      %and3A_1226 = vector.broadcast %and3A_1225 : i32 to vector<16xi32>
      %and3A_1227 = arith.andi %bitcast_convert_type3A, %and3A_1226 : vector<16xi32>
      %or3A = arith.constant 1065353216 : i32
      %or3A_1228 = vector.broadcast %or3A : i32 to vector<16xi32>
      %or3A_1229 = arith.ori %and3A_1227, %or3A_1228 : vector<16xi32>
      %bitcast_convert_type3A_1230 = tpu.bitcast %or3A_1229 : vector<16xi32> -> vector<16xf32>
      %sub3A_1231 = arith.constant 1.000000e+00 : f32
      %sub3A_1232 = vector.broadcast %sub3A_1231 : f32 to vector<16xf32>
      %sub3A_1233 = arith.subf %bitcast_convert_type3A_1230, %sub3A_1232 : vector<16xf32>
      %mul3A_1234 = arith.constant 0.106684729 : f32
      %mul3A_1235 = vector.broadcast %mul3A_1234 : f32 to vector<16xf32>
      %mul3A_1236 = arith.mulf %mul3A_1235, %sub3A_1233 : vector<16xf32>
      %add3A_1237 = arith.constant -0.393535793 : f32
      %add3A_1238 = vector.broadcast %add3A_1237 : f32 to vector<16xf32>
      %add3A_1239 = arith.addf %mul3A_1236, %add3A_1238 : vector<16xf32>
      %mul3A_1240 = arith.mulf %add3A_1239, %sub3A_1233 : vector<16xf32>
      %add3A_1241 = arith.constant 0.286606222 : f32
      %add3A_1242 = vector.broadcast %add3A_1241 : f32 to vector<16xf32>
      %add3A_1243 = arith.addf %mul3A_1240, %add3A_1242 : vector<16xf32>
      %mul3A_1244 = arith.mulf %add3A_1243, %sub3A_1233 : vector<16xf32>
      %add3A_1245 = arith.constant -88.0287704 : f32
      %add3A_1246 = vector.broadcast %add3A_1245 : f32 to vector<16xf32>
      %add3A_1247 = arith.addf %mul3A_1244, %add3A_1246 : vector<16xf32>
      %add3A_1248 = arith.addf %mul3A_1224, %add3A_1247 : vector<16xf32>
      %add3A_1249 = arith.addf %add3A_1248, %div3A : vector<16xf32>
      %mul3A_1250 = arith.mulf %add3A_1249, %convert_element_type3A : vector<16xf32>
      %add3A_1251 = arith.addf %scan3A_1197, %mul3A_1250 : vector<16xf32>
      scf.yield %add3A_1251 : vector<16xf32>
    }
    %scan3A_170 = arith.constant 512 : i32
    %dma_start3A_171 = arith.constant 11 : i32
    %dma_start3A_172 = arith.constant 0 : i32
    %dma_start3A_173 = arith.constant 0 : i32
    %dma_start3A_174 = tpu.memref_slice %arg2[%dma_start3A_171, %dma_start3A_172, %mul3A_2, %dma_start3A_173] : memref<16x3x512x512xf32, #tpu.memory_space<hbm>> -> memref<1x1x16x512xf32, #tpu.memory_space<hbm>>
    %dma_start3A_175 = tpu.memref_squeeze %dma_start3A_174 : memref<1x1x16x512xf32, #tpu.memory_space<hbm>> -> memref<16x512xf32, #tpu.memory_space<hbm>>
    %dma_start3A_176 = arith.constant 0 : i32
    %dma_start3A_177 = tpu.memref_slice %arg2[%dma_start3A_171, %dma_start3A_172, %mul3A_2, %dma_start3A_176] : memref<16x3x512x512xf32, #tpu.memory_space<hbm>> -> memref<1x1x16x512xf32, #tpu.memory_space<hbm>>
    %dma_start3A_178 = tpu.memref_squeeze %dma_start3A_177 : memref<1x1x16x512xf32, #tpu.memory_space<hbm>> -> memref<16x512xf32, #tpu.memory_space<hbm>>
    tpu.enqueue_dma source(%dma_start3A_178 : memref<16x512xf32, #tpu.memory_space<hbm>>) target(%arg11 : memref<16x512xf32, #tpu.memory_space<vmem>>) target_semaphore(%arg19 : memref<!tpu.dma_semaphore, #tpu.memory_space<semaphore_mem>>)
    %dma_start3A_179 = arith.constant 11 : i32
    %dma_start3A_180 = arith.constant 0 : i32
    %dma_start3A_181 = arith.constant 0 : i32
    %dma_start3A_182 = tpu.memref_slice %arg3[%dma_start3A_179, %dma_start3A_180, %mul3A_2, %dma_start3A_181] : memref<16x3x512x512xf32, #tpu.memory_space<hbm>> -> memref<1x1x16x512xf32, #tpu.memory_space<hbm>>
    %dma_start3A_183 = tpu.memref_squeeze %dma_start3A_182 : memref<1x1x16x512xf32, #tpu.memory_space<hbm>> -> memref<16x512xf32, #tpu.memory_space<hbm>>
    %dma_start3A_184 = arith.constant 0 : i32
    %dma_start3A_185 = tpu.memref_slice %arg3[%dma_start3A_179, %dma_start3A_180, %mul3A_2, %dma_start3A_184] : memref<16x3x512x512xf32, #tpu.memory_space<hbm>> -> memref<1x1x16x512xf32, #tpu.memory_space<hbm>>
    %dma_start3A_186 = tpu.memref_squeeze %dma_start3A_185 : memref<1x1x16x512xf32, #tpu.memory_space<hbm>> -> memref<16x512xf32, #tpu.memory_space<hbm>>
    tpu.enqueue_dma source(%dma_start3A_186 : memref<16x512xf32, #tpu.memory_space<hbm>>) target(%arg12 : memref<16x512xf32, #tpu.memory_space<vmem>>) target_semaphore(%arg19 : memref<!tpu.dma_semaphore, #tpu.memory_space<semaphore_mem>>)
    %dma_start3A_187 = arith.constant 11 : i32
    %dma_start3A_188 = arith.constant 0 : i32
    %dma_start3A_189 = arith.constant 0 : i32
    %dma_start3A_190 = tpu.memref_slice %arg4[%dma_start3A_187, %dma_start3A_188, %mul3A_2, %dma_start3A_189] : memref<16x3x512x512xf32, #tpu.memory_space<hbm>> -> memref<1x1x16x512xf32, #tpu.memory_space<hbm>>
    %dma_start3A_191 = tpu.memref_squeeze %dma_start3A_190 : memref<1x1x16x512xf32, #tpu.memory_space<hbm>> -> memref<16x512xf32, #tpu.memory_space<hbm>>
    %dma_start3A_192 = arith.constant 0 : i32
    %dma_start3A_193 = tpu.memref_slice %arg4[%dma_start3A_187, %dma_start3A_188, %mul3A_2, %dma_start3A_192] : memref<16x3x512x512xf32, #tpu.memory_space<hbm>> -> memref<1x1x16x512xf32, #tpu.memory_space<hbm>>
    %dma_start3A_194 = tpu.memref_squeeze %dma_start3A_193 : memref<1x1x16x512xf32, #tpu.memory_space<hbm>> -> memref<16x512xf32, #tpu.memory_space<hbm>>
    tpu.enqueue_dma source(%dma_start3A_194 : memref<16x512xf32, #tpu.memory_space<hbm>>) target(%arg13 : memref<16x512xf32, #tpu.memory_space<vmem>>) target_semaphore(%arg19 : memref<!tpu.dma_semaphore, #tpu.memory_space<semaphore_mem>>)
    %dma_wait3A_195 = arith.constant 0 : i32
    %dma_wait3A_196 = arith.constant 0 : i32
    %dma_wait3A_197 = arith.constant 0 : i32
    %dma_wait3A_198 = arith.constant 0 : i32
    %dma_wait3A_199 = tpu.memref_slice %arg2[%dma_wait3A_195, %dma_wait3A_196, %dma_wait3A_197, %dma_wait3A_198] : memref<16x3x512x512xf32, #tpu.memory_space<hbm>> -> memref<1x1x16x512xf32, #tpu.memory_space<hbm>>
    %dma_wait3A_200 = tpu.memref_squeeze %dma_wait3A_199 : memref<1x1x16x512xf32, #tpu.memory_space<hbm>> -> memref<16x512xf32, #tpu.memory_space<hbm>>
    %dma_wait3A_201 = arith.constant 0 : i32
    %dma_wait3A_202 = arith.constant 0 : i32
    %dma_wait3A_203 = tpu.memref_slice %arg2[%dma_wait3A_195, %dma_wait3A_196, %dma_wait3A_201, %dma_wait3A_202] : memref<16x3x512x512xf32, #tpu.memory_space<hbm>> -> memref<1x1x16x512xf32, #tpu.memory_space<hbm>>
    %dma_wait3A_204 = tpu.memref_squeeze %dma_wait3A_203 : memref<1x1x16x512xf32, #tpu.memory_space<hbm>> -> memref<16x512xf32, #tpu.memory_space<hbm>>
    tpu.wait_dma2 semaphore(%arg18 : memref<!tpu.dma_semaphore, #tpu.memory_space<semaphore_mem>>) src(%dma_wait3A_204 : memref<16x512xf32, #tpu.memory_space<hbm>>) dst(%arg8 : memref<16x512xf32, #tpu.memory_space<vmem>>)
    %dma_wait3A_205 = arith.constant 0 : i32
    %dma_wait3A_206 = arith.constant 0 : i32
    %dma_wait3A_207 = arith.constant 0 : i32
    %dma_wait3A_208 = arith.constant 0 : i32
    %dma_wait3A_209 = tpu.memref_slice %arg2[%dma_wait3A_205, %dma_wait3A_206, %dma_wait3A_207, %dma_wait3A_208] : memref<16x3x512x512xf32, #tpu.memory_space<hbm>> -> memref<1x1x16x512xf32, #tpu.memory_space<hbm>>
    %dma_wait3A_210 = tpu.memref_squeeze %dma_wait3A_209 : memref<1x1x16x512xf32, #tpu.memory_space<hbm>> -> memref<16x512xf32, #tpu.memory_space<hbm>>
    %dma_wait3A_211 = arith.constant 0 : i32
    %dma_wait3A_212 = arith.constant 0 : i32
    %dma_wait3A_213 = tpu.memref_slice %arg2[%dma_wait3A_205, %dma_wait3A_206, %dma_wait3A_211, %dma_wait3A_212] : memref<16x3x512x512xf32, #tpu.memory_space<hbm>> -> memref<1x1x16x512xf32, #tpu.memory_space<hbm>>
    %dma_wait3A_214 = tpu.memref_squeeze %dma_wait3A_213 : memref<1x1x16x512xf32, #tpu.memory_space<hbm>> -> memref<16x512xf32, #tpu.memory_space<hbm>>
    tpu.wait_dma2 semaphore(%arg18 : memref<!tpu.dma_semaphore, #tpu.memory_space<semaphore_mem>>) src(%dma_wait3A_214 : memref<16x512xf32, #tpu.memory_space<hbm>>) dst(%arg9 : memref<16x512xf32, #tpu.memory_space<vmem>>)
    %dma_wait3A_215 = arith.constant 0 : i32
    %dma_wait3A_216 = arith.constant 0 : i32
    %dma_wait3A_217 = arith.constant 0 : i32
    %dma_wait3A_218 = arith.constant 0 : i32
    %dma_wait3A_219 = tpu.memref_slice %arg2[%dma_wait3A_215, %dma_wait3A_216, %dma_wait3A_217, %dma_wait3A_218] : memref<16x3x512x512xf32, #tpu.memory_space<hbm>> -> memref<1x1x16x512xf32, #tpu.memory_space<hbm>>
    %dma_wait3A_220 = tpu.memref_squeeze %dma_wait3A_219 : memref<1x1x16x512xf32, #tpu.memory_space<hbm>> -> memref<16x512xf32, #tpu.memory_space<hbm>>
    %dma_wait3A_221 = arith.constant 0 : i32
    %dma_wait3A_222 = arith.constant 0 : i32
    %dma_wait3A_223 = tpu.memref_slice %arg2[%dma_wait3A_215, %dma_wait3A_216, %dma_wait3A_221, %dma_wait3A_222] : memref<16x3x512x512xf32, #tpu.memory_space<hbm>> -> memref<1x1x16x512xf32, #tpu.memory_space<hbm>>
    %dma_wait3A_224 = tpu.memref_squeeze %dma_wait3A_223 : memref<1x1x16x512xf32, #tpu.memory_space<hbm>> -> memref<16x512xf32, #tpu.memory_space<hbm>>
    tpu.wait_dma2 semaphore(%arg18 : memref<!tpu.dma_semaphore, #tpu.memory_space<semaphore_mem>>) src(%dma_wait3A_224 : memref<16x512xf32, #tpu.memory_space<hbm>>) dst(%arg10 : memref<16x512xf32, #tpu.memory_space<vmem>>)
    %scan3A_225 = arith.constant 0 : i32
    %scan3A_226 = arith.constant 512 : i32
    %scan3A_227 = arith.addi %scan3A_225, %scan3A_226 : i32
    %scan3A_228 = arith.constant 1 : i32
    %scan3A_229 = scf.for %scan3A_1196 = %scan3A_225 to %scan3A_227 step %scan3A_228 iter_args(%scan3A_1197 = %scan3A_169) -> (vector<16xf32>)  : i32 {
      %shift_right_arithmetic3A = arith.constant 5 : i32
      %shift_right_arithmetic3A_1198 = arith.shrsi %scan3A_1196, %shift_right_arithmetic3A : i32
      %and3A = arith.constant 31 : i32
      %and3A_1199 = arith.andi %scan3A_1196, %and3A : i32
      %mul3A_1200 = arith.constant 16 : i32
      %mul3A_1201 = arith.muli %and3A_1199, %mul3A_1200 : i32
      %get3A = arith.index_cast %shift_right_arithmetic3A_1198 : i32 to index
      %get3A_1202 = arith.index_cast %mul3A_1201 : i32 to index
      %get3A_1203 = tpu.vector_load %arg8[%get3A, %get3A_1202] {strides = array<i32>} : memref<16x512xf32, #tpu.memory_space<vmem>>, vector<1x16xf32>,
      %get3A_1204 = vector.shape_cast %get3A_1203 : vector<1x16xf32> to vector<16xf32>
      %get3A_1205 = arith.index_cast %shift_right_arithmetic3A_1198 : i32 to index
      %get3A_1206 = arith.index_cast %mul3A_1201 : i32 to index
      %get3A_1207 = tpu.vector_load %arg9[%get3A_1205, %get3A_1206] {strides = array<i32>} : memref<16x512xf32, #tpu.memory_space<vmem>>, vector<1x16xf32>,
      %get3A_1208 = vector.shape_cast %get3A_1207 : vector<1x16xf32> to vector<16xf32>
      %get3A_1209 = arith.index_cast %shift_right_arithmetic3A_1198 : i32 to index
      %get3A_1210 = arith.index_cast %mul3A_1201 : i32 to index
      %get3A_1211 = tpu.vector_load %arg10[%get3A_1209, %get3A_1210] {strides = array<i32>} : memref<16x512xf32, #tpu.memory_space<vmem>>, vector<1x16xf32>,
      %get3A_1212 = vector.shape_cast %get3A_1211 : vector<1x16xf32> to vector<16xf32>
      %get3A_1213 = arith.index_cast %shift_right_arithmetic3A_1198 : i32 to index
      %get3A_1214 = arith.index_cast %mul3A_1201 : i32 to index
      %get3A_1215 = tpu.vector_load %arg14[%get3A_1213, %get3A_1214] {strides = array<i32>} : memref<16x512xi32, #tpu.memory_space<vmem>>, vector<1x16xi32>,
      %get3A_1216 = vector.shape_cast %get3A_1215 : vector<1x16xi32> to vector<16xi32>
      %convert_element_type3A = arith.sitofp %get3A_1216 : vector<16xi32> to vector<16xf32>
      %sub3A = arith.subf %get3A_1208, %get3A_1204 : vector<16xf32>
      %mul3A_1217 = arith.mulf %get3A_1212, %get3A_1212 : vector<16xf32>
      %max3A = arith.constant 9.99999997E-7 : f32
      %max3A_1218 = vector.broadcast %max3A : f32 to vector<16xf32>
      %max3A_1219 = arith.maximumf %mul3A_1217, %max3A_1218 : vector<16xf32>
      %mul3A_1220 = arith.mulf %sub3A, %sub3A : vector<16xf32>
      %div3A = arith.divf %mul3A_1220, %max3A_1219 : vector<16xf32>
      %bitcast_convert_type3A = tpu.bitcast %max3A_1219 : vector<16xf32> -> vector<16xi32>
      %convert_element_type3A_1221 = arith.sitofp %bitcast_convert_type3A : vector<16xi32> to vector<16xf32>
      %mul3A_1222 = arith.constant 8.26295832E-8 : f32
      %mul3A_1223 = vector.broadcast %mul3A_1222 : f32 to vector<16xf32>
      %mul3A_1224 = arith.mulf %convert_element_type3A_1221, %mul3A_1223 : vector<16xf32>
      %and3A_1225 = arith.constant 8388607 : i32
      %and3A_1226 = vector.broadcast %and3A_1225 : i32 to vector<16xi32>
      %and3A_1227 = arith.andi %bitcast_convert_type3A, %and3A_1226 : vector<16xi32>
      %or3A = arith.constant 1065353216 : i32
      %or3A_1228 = vector.broadcast %or3A : i32 to vector<16xi32>
      %or3A_1229 = arith.ori %and3A_1227, %or3A_1228 : vector<16xi32>
      %bitcast_convert_type3A_1230 = tpu.bitcast %or3A_1229 : vector<16xi32> -> vector<16xf32>
      %sub3A_1231 = arith.constant 1.000000e+00 : f32
      %sub3A_1232 = vector.broadcast %sub3A_1231 : f32 to vector<16xf32>
      %sub3A_1233 = arith.subf %bitcast_convert_type3A_1230, %sub3A_1232 : vector<16xf32>
      %mul3A_1234 = arith.constant 0.106684729 : f32
      %mul3A_1235 = vector.broadcast %mul3A_1234 : f32 to vector<16xf32>
      %mul3A_1236 = arith.mulf %mul3A_1235, %sub3A_1233 : vector<16xf32>
      %add3A_1237 = arith.constant -0.393535793 : f32
      %add3A_1238 = vector.broadcast %add3A_1237 : f32 to vector<16xf32>
      %add3A_1239 = arith.addf %mul3A_1236, %add3A_1238 : vector<16xf32>
      %mul3A_1240 = arith.mulf %add3A_1239, %sub3A_1233 : vector<16xf32>
      %add3A_1241 = arith.constant 0.286606222 : f32
      %add3A_1242 = vector.broadcast %add3A_1241 : f32 to vector<16xf32>
      %add3A_1243 = arith.addf %mul3A_1240, %add3A_1242 : vector<16xf32>
      %mul3A_1244 = arith.mulf %add3A_1243, %sub3A_1233 : vector<16xf32>
      %add3A_1245 = arith.constant -88.0287704 : f32
      %add3A_1246 = vector.broadcast %add3A_1245 : f32 to vector<16xf32>
      %add3A_1247 = arith.addf %mul3A_1244, %add3A_1246 : vector<16xf32>
      %add3A_1248 = arith.addf %mul3A_1224, %add3A_1247 : vector<16xf32>
      %add3A_1249 = arith.addf %add3A_1248, %div3A : vector<16xf32>
      %mul3A_1250 = arith.mulf %add3A_1249, %convert_element_type3A : vector<16xf32>
      %add3A_1251 = arith.addf %scan3A_1197, %mul3A_1250 : vector<16xf32>
      scf.yield %add3A_1251 : vector<16xf32>
    }
    %scan3A_230 = arith.constant 512 : i32
    %dma_start3A_231 = arith.constant 11 : i32
    %dma_start3A_232 = arith.constant 1 : i32
    %dma_start3A_233 = arith.constant 0 : i32
    %dma_start3A_234 = tpu.memref_slice %arg2[%dma_start3A_231, %dma_start3A_232, %mul3A_2, %dma_start3A_233] : memref<16x3x512x512xf32, #tpu.memory_space<hbm>> -> memref<1x1x16x512xf32, #tpu.memory_space<hbm>>
    %dma_start3A_235 = tpu.memref_squeeze %dma_start3A_234 : memref<1x1x16x512xf32, #tpu.memory_space<hbm>> -> memref<16x512xf32, #tpu.memory_space<hbm>>
    %dma_start3A_236 = arith.constant 0 : i32
    %dma_start3A_237 = tpu.memref_slice %arg2[%dma_start3A_231, %dma_start3A_232, %mul3A_2, %dma_start3A_236] : memref<16x3x512x512xf32, #tpu.memory_space<hbm>> -> memref<1x1x16x512xf32, #tpu.memory_space<hbm>>
    %dma_start3A_238 = tpu.memref_squeeze %dma_start3A_237 : memref<1x1x16x512xf32, #tpu.memory_space<hbm>> -> memref<16x512xf32, #tpu.memory_space<hbm>>
    tpu.enqueue_dma source(%dma_start3A_238 : memref<16x512xf32, #tpu.memory_space<hbm>>) target(%arg8 : memref<16x512xf32, #tpu.memory_space<vmem>>) target_semaphore(%arg18 : memref<!tpu.dma_semaphore, #tpu.memory_space<semaphore_mem>>)
    %dma_start3A_239 = arith.constant 11 : i32
    %dma_start3A_240 = arith.constant 1 : i32
    %dma_start3A_241 = arith.constant 0 : i32
    %dma_start3A_242 = tpu.memref_slice %arg3[%dma_start3A_239, %dma_start3A_240, %mul3A_2, %dma_start3A_241] : memref<16x3x512x512xf32, #tpu.memory_space<hbm>> -> memref<1x1x16x512xf32, #tpu.memory_space<hbm>>
    %dma_start3A_243 = tpu.memref_squeeze %dma_start3A_242 : memref<1x1x16x512xf32, #tpu.memory_space<hbm>> -> memref<16x512xf32, #tpu.memory_space<hbm>>
    %dma_start3A_244 = arith.constant 0 : i32
    %dma_start3A_245 = tpu.memref_slice %arg3[%dma_start3A_239, %dma_start3A_240, %mul3A_2, %dma_start3A_244] : memref<16x3x512x512xf32, #tpu.memory_space<hbm>> -> memref<1x1x16x512xf32, #tpu.memory_space<hbm>>
    %dma_start3A_246 = tpu.memref_squeeze %dma_start3A_245 : memref<1x1x16x512xf32, #tpu.memory_space<hbm>> -> memref<16x512xf32, #tpu.memory_space<hbm>>
    tpu.enqueue_dma source(%dma_start3A_246 : memref<16x512xf32, #tpu.memory_space<hbm>>) target(%arg9 : memref<16x512xf32, #tpu.memory_space<vmem>>) target_semaphore(%arg18 : memref<!tpu.dma_semaphore, #tpu.memory_space<semaphore_mem>>)
    %dma_start3A_247 = arith.constant 11 : i32
    %dma_start3A_248 = arith.constant 1 : i32
    %dma_start3A_249 = arith.constant 0 : i32
    %dma_start3A_250 = tpu.memref_slice %arg4[%dma_start3A_247, %dma_start3A_248, %mul3A_2, %dma_start3A_249] : memref<16x3x512x512xf32, #tpu.memory_space<hbm>> -> memref<1x1x16x512xf32, #tpu.memory_space<hbm>>
    %dma_start3A_251 = tpu.memref_squeeze %dma_start3A_250 : memref<1x1x16x512xf32, #tpu.memory_space<hbm>> -> memref<16x512xf32, #tpu.memory_space<hbm>>
    %dma_start3A_252 = arith.constant 0 : i32
    %dma_start3A_253 = tpu.memref_slice %arg4[%dma_start3A_247, %dma_start3A_248, %mul3A_2, %dma_start3A_252] : memref<16x3x512x512xf32, #tpu.memory_space<hbm>> -> memref<1x1x16x512xf32, #tpu.memory_space<hbm>>
    %dma_start3A_254 = tpu.memref_squeeze %dma_start3A_253 : memref<1x1x16x512xf32, #tpu.memory_space<hbm>> -> memref<16x512xf32, #tpu.memory_space<hbm>>
    tpu.enqueue_dma source(%dma_start3A_254 : memref<16x512xf32, #tpu.memory_space<hbm>>) target(%arg10 : memref<16x512xf32, #tpu.memory_space<vmem>>) target_semaphore(%arg18 : memref<!tpu.dma_semaphore, #tpu.memory_space<semaphore_mem>>)
    %dma_wait3A_255 = arith.constant 0 : i32
    %dma_wait3A_256 = arith.constant 0 : i32
    %dma_wait3A_257 = arith.constant 0 : i32
    %dma_wait3A_258 = arith.constant 0 : i32
    %dma_wait3A_259 = tpu.memref_slice %arg5[%dma_wait3A_255, %dma_wait3A_256, %dma_wait3A_257, %dma_wait3A_258] : memref<16x1x512x512xi32, #tpu.memory_space<hbm>> -> memref<1x1x16x512xi32, #tpu.memory_space<hbm>>
    %dma_wait3A_260 = tpu.memref_squeeze %dma_wait3A_259 : memref<1x1x16x512xi32, #tpu.memory_space<hbm>> -> memref<16x512xi32, #tpu.memory_space<hbm>>
    %dma_wait3A_261 = arith.constant 0 : i32
    %dma_wait3A_262 = arith.constant 0 : i32
    %dma_wait3A_263 = tpu.memref_slice %arg5[%dma_wait3A_255, %dma_wait3A_256, %dma_wait3A_261, %dma_wait3A_262] : memref<16x1x512x512xi32, #tpu.memory_space<hbm>> -> memref<1x1x16x512xi32, #tpu.memory_space<hbm>>
    %dma_wait3A_264 = tpu.memref_squeeze %dma_wait3A_263 : memref<1x1x16x512xi32, #tpu.memory_space<hbm>> -> memref<16x512xi32, #tpu.memory_space<hbm>>
    tpu.wait_dma2 semaphore(%arg21 : memref<!tpu.dma_semaphore, #tpu.memory_space<semaphore_mem>>) src(%dma_wait3A_264 : memref<16x512xi32, #tpu.memory_space<hbm>>) dst(%arg15 : memref<16x512xi32, #tpu.memory_space<vmem>>)
    %dma_wait3A_265 = arith.constant 0 : i32
    %dma_wait3A_266 = arith.constant 0 : i32
    %dma_wait3A_267 = arith.constant 0 : i32
    %dma_wait3A_268 = arith.constant 0 : i32
    %dma_wait3A_269 = tpu.memref_slice %arg2[%dma_wait3A_265, %dma_wait3A_266, %dma_wait3A_267, %dma_wait3A_268] : memref<16x3x512x512xf32, #tpu.memory_space<hbm>> -> memref<1x1x16x512xf32, #tpu.memory_space<hbm>>
    %dma_wait3A_270 = tpu.memref_squeeze %dma_wait3A_269 : memref<1x1x16x512xf32, #tpu.memory_space<hbm>> -> memref<16x512xf32, #tpu.memory_space<hbm>>
    %dma_wait3A_271 = arith.constant 0 : i32
    %dma_wait3A_272 = arith.constant 0 : i32
    %dma_wait3A_273 = tpu.memref_slice %arg2[%dma_wait3A_265, %dma_wait3A_266, %dma_wait3A_271, %dma_wait3A_272] : memref<16x3x512x512xf32, #tpu.memory_space<hbm>> -> memref<1x1x16x512xf32, #tpu.memory_space<hbm>>
    %dma_wait3A_274 = tpu.memref_squeeze %dma_wait3A_273 : memref<1x1x16x512xf32, #tpu.memory_space<hbm>> -> memref<16x512xf32, #tpu.memory_space<hbm>>
    tpu.wait_dma2 semaphore(%arg19 : memref<!tpu.dma_semaphore, #tpu.memory_space<semaphore_mem>>) src(%dma_wait3A_274 : memref<16x512xf32, #tpu.memory_space<hbm>>) dst(%arg11 : memref<16x512xf32, #tpu.memory_space<vmem>>)
    %dma_wait3A_275 = arith.constant 0 : i32
    %dma_wait3A_276 = arith.constant 0 : i32
    %dma_wait3A_277 = arith.constant 0 : i32
    %dma_wait3A_278 = arith.constant 0 : i32
    %dma_wait3A_279 = tpu.memref_slice %arg2[%dma_wait3A_275, %dma_wait3A_276, %dma_wait3A_277, %dma_wait3A_278] : memref<16x3x512x512xf32, #tpu.memory_space<hbm>> -> memref<1x1x16x512xf32, #tpu.memory_space<hbm>>
    %dma_wait3A_280 = tpu.memref_squeeze %dma_wait3A_279 : memref<1x1x16x512xf32, #tpu.memory_space<hbm>> -> memref<16x512xf32, #tpu.memory_space<hbm>>
    %dma_wait3A_281 = arith.constant 0 : i32
    %dma_wait3A_282 = arith.constant 0 : i32
    %dma_wait3A_283 = tpu.memref_slice %arg2[%dma_wait3A_275, %dma_wait3A_276, %dma_wait3A_281, %dma_wait3A_282] : memref<16x3x512x512xf32, #tpu.memory_space<hbm>> -> memref<1x1x16x512xf32, #tpu.memory_space<hbm>>
    %dma_wait3A_284 = tpu.memref_squeeze %dma_wait3A_283 : memref<1x1x16x512xf32, #tpu.memory_space<hbm>> -> memref<16x512xf32, #tpu.memory_space<hbm>>
    tpu.wait_dma2 semaphore(%arg19 : memref<!tpu.dma_semaphore, #tpu.memory_space<semaphore_mem>>) src(%dma_wait3A_284 : memref<16x512xf32, #tpu.memory_space<hbm>>) dst(%arg12 : memref<16x512xf32, #tpu.memory_space<vmem>>)
    %dma_wait3A_285 = arith.constant 0 : i32
    %dma_wait3A_286 = arith.constant 0 : i32
    %dma_wait3A_287 = arith.constant 0 : i32
    %dma_wait3A_288 = arith.constant 0 : i32
    %dma_wait3A_289 = tpu.memref_slice %arg2[%dma_wait3A_285, %dma_wait3A_286, %dma_wait3A_287, %dma_wait3A_288] : memref<16x3x512x512xf32, #tpu.memory_space<hbm>> -> memref<1x1x16x512xf32, #tpu.memory_space<hbm>>
    %dma_wait3A_290 = tpu.memref_squeeze %dma_wait3A_289 : memref<1x1x16x512xf32, #tpu.memory_space<hbm>> -> memref<16x512xf32, #tpu.memory_space<hbm>>
    %dma_wait3A_291 = arith.constant 0 : i32
    %dma_wait3A_292 = arith.constant 0 : i32
    %dma_wait3A_293 = tpu.memref_slice %arg2[%dma_wait3A_285, %dma_wait3A_286, %dma_wait3A_291, %dma_wait3A_292] : memref<16x3x512x512xf32, #tpu.memory_space<hbm>> -> memref<1x1x16x512xf32, #tpu.memory_space<hbm>>
    %dma_wait3A_294 = tpu.memref_squeeze %dma_wait3A_293 : memref<1x1x16x512xf32, #tpu.memory_space<hbm>> -> memref<16x512xf32, #tpu.memory_space<hbm>>
    tpu.wait_dma2 semaphore(%arg19 : memref<!tpu.dma_semaphore, #tpu.memory_space<semaphore_mem>>) src(%dma_wait3A_294 : memref<16x512xf32, #tpu.memory_space<hbm>>) dst(%arg13 : memref<16x512xf32, #tpu.memory_space<vmem>>)
    %scan3A_295 = arith.constant 0 : i32
    %scan3A_296 = arith.constant 512 : i32
    %scan3A_297 = arith.addi %scan3A_295, %scan3A_296 : i32
    %scan3A_298 = arith.constant 1 : i32
    %scan3A_299:2 = scf.for %scan3A_1196 = %scan3A_295 to %scan3A_297 step %scan3A_298 iter_args(%scan3A_1197 = %scan3A_229, %scan3A_1198 = %scan3A_101#1) -> (vector<16xf32>, vector<16xf32>)  : i32 {
      %shift_right_arithmetic3A = arith.constant 5 : i32
      %shift_right_arithmetic3A_1199 = arith.shrsi %scan3A_1196, %shift_right_arithmetic3A : i32
      %and3A = arith.constant 31 : i32
      %and3A_1200 = arith.andi %scan3A_1196, %and3A : i32
      %mul3A_1201 = arith.constant 16 : i32
      %mul3A_1202 = arith.muli %and3A_1200, %mul3A_1201 : i32
      %get3A = arith.index_cast %shift_right_arithmetic3A_1199 : i32 to index
      %get3A_1203 = arith.index_cast %mul3A_1202 : i32 to index
      %get3A_1204 = tpu.vector_load %arg11[%get3A, %get3A_1203] {strides = array<i32>} : memref<16x512xf32, #tpu.memory_space<vmem>>, vector<1x16xf32>,
      %get3A_1205 = vector.shape_cast %get3A_1204 : vector<1x16xf32> to vector<16xf32>
      %get3A_1206 = arith.index_cast %shift_right_arithmetic3A_1199 : i32 to index
      %get3A_1207 = arith.index_cast %mul3A_1202 : i32 to index
      %get3A_1208 = tpu.vector_load %arg12[%get3A_1206, %get3A_1207] {strides = array<i32>} : memref<16x512xf32, #tpu.memory_space<vmem>>, vector<1x16xf32>,
      %get3A_1209 = vector.shape_cast %get3A_1208 : vector<1x16xf32> to vector<16xf32>
      %get3A_1210 = arith.index_cast %shift_right_arithmetic3A_1199 : i32 to index
      %get3A_1211 = arith.index_cast %mul3A_1202 : i32 to index
      %get3A_1212 = tpu.vector_load %arg13[%get3A_1210, %get3A_1211] {strides = array<i32>} : memref<16x512xf32, #tpu.memory_space<vmem>>, vector<1x16xf32>,
      %get3A_1213 = vector.shape_cast %get3A_1212 : vector<1x16xf32> to vector<16xf32>
      %get3A_1214 = arith.index_cast %shift_right_arithmetic3A_1199 : i32 to index
      %get3A_1215 = arith.index_cast %mul3A_1202 : i32 to index
      %get3A_1216 = tpu.vector_load %arg15[%get3A_1214, %get3A_1215] {strides = array<i32>} : memref<16x512xi32, #tpu.memory_space<vmem>>, vector<1x16xi32>,
      %get3A_1217 = vector.shape_cast %get3A_1216 : vector<1x16xi32> to vector<16xi32>
      %convert_element_type3A = arith.sitofp %get3A_1217 : vector<16xi32> to vector<16xf32>
      %sub3A = arith.subf %get3A_1209, %get3A_1205 : vector<16xf32>
      %mul3A_1218 = arith.mulf %get3A_1213, %get3A_1213 : vector<16xf32>
      %max3A = arith.constant 9.99999997E-7 : f32
      %max3A_1219 = vector.broadcast %max3A : f32 to vector<16xf32>
      %max3A_1220 = arith.maximumf %mul3A_1218, %max3A_1219 : vector<16xf32>
      %mul3A_1221 = arith.mulf %sub3A, %sub3A : vector<16xf32>
      %div3A = arith.divf %mul3A_1221, %max3A_1220 : vector<16xf32>
      %bitcast_convert_type3A = tpu.bitcast %max3A_1220 : vector<16xf32> -> vector<16xi32>
      %convert_element_type3A_1222 = arith.sitofp %bitcast_convert_type3A : vector<16xi32> to vector<16xf32>
      %mul3A_1223 = arith.constant 8.26295832E-8 : f32
      %mul3A_1224 = vector.broadcast %mul3A_1223 : f32 to vector<16xf32>
      %mul3A_1225 = arith.mulf %convert_element_type3A_1222, %mul3A_1224 : vector<16xf32>
      %and3A_1226 = arith.constant 8388607 : i32
      %and3A_1227 = vector.broadcast %and3A_1226 : i32 to vector<16xi32>
      %and3A_1228 = arith.andi %bitcast_convert_type3A, %and3A_1227 : vector<16xi32>
      %or3A = arith.constant 1065353216 : i32
      %or3A_1229 = vector.broadcast %or3A : i32 to vector<16xi32>
      %or3A_1230 = arith.ori %and3A_1228, %or3A_1229 : vector<16xi32>
      %bitcast_convert_type3A_1231 = tpu.bitcast %or3A_1230 : vector<16xi32> -> vector<16xf32>
      %sub3A_1232 = arith.constant 1.000000e+00 : f32
      %sub3A_1233 = vector.broadcast %sub3A_1232 : f32 to vector<16xf32>
      %sub3A_1234 = arith.subf %bitcast_convert_type3A_1231, %sub3A_1233 : vector<16xf32>
      %mul3A_1235 = arith.constant 0.106684729 : f32
      %mul3A_1236 = vector.broadcast %mul3A_1235 : f32 to vector<16xf32>
      %mul3A_1237 = arith.mulf %mul3A_1236, %sub3A_1234 : vector<16xf32>
      %add3A_1238 = arith.constant -0.393535793 : f32
      %add3A_1239 = vector.broadcast %add3A_1238 : f32 to vector<16xf32>
      %add3A_1240 = arith.addf %mul3A_1237, %add3A_1239 : vector<16xf32>
      %mul3A_1241 = arith.mulf %add3A_1240, %sub3A_1234 : vector<16xf32>
      %add3A_1242 = arith.constant 0.286606222 : f32
      %add3A_1243 = vector.broadcast %add3A_1242 : f32 to vector<16xf32>
      %add3A_1244 = arith.addf %mul3A_1241, %add3A_1243 : vector<16xf32>
      %mul3A_1245 = arith.mulf %add3A_1244, %sub3A_1234 : vector<16xf32>
      %add3A_1246 = arith.constant -88.0287704 : f32
      %add3A_1247 = vector.broadcast %add3A_1246 : f32 to vector<16xf32>
      %add3A_1248 = arith.addf %mul3A_1245, %add3A_1247 : vector<16xf32>
      %add3A_1249 = arith.addf %mul3A_1225, %add3A_1248 : vector<16xf32>
      %add3A_1250 = arith.addf %add3A_1249, %div3A : vector<16xf32>
      %mul3A_1251 = arith.mulf %add3A_1250, %convert_element_type3A : vector<16xf32>
      %add3A_1252 = arith.addf %scan3A_1197, %mul3A_1251 : vector<16xf32>
      %add3A_1253 = arith.addf %scan3A_1198, %convert_element_type3A : vector<16xf32>
      scf.yield %add3A_1252, %add3A_1253 : vector<16xf32>, vector<16xf32>
    }
    %scan3A_300 = arith.constant 512 : i32
    %dma_start3A_301 = arith.constant 12 : i32
    %dma_start3A_302 = arith.constant 0 : i32
    %dma_start3A_303 = arith.constant 0 : i32
    %dma_start3A_304 = tpu.memref_slice %arg5[%dma_start3A_301, %dma_start3A_302, %mul3A_2, %dma_start3A_303] : memref<16x1x512x512xi32, #tpu.memory_space<hbm>> -> memref<1x1x16x512xi32, #tpu.memory_space<hbm>>
    %dma_start3A_305 = tpu.memref_squeeze %dma_start3A_304 : memref<1x1x16x512xi32, #tpu.memory_space<hbm>> -> memref<16x512xi32, #tpu.memory_space<hbm>>
    %dma_start3A_306 = arith.constant 0 : i32
    %dma_start3A_307 = tpu.memref_slice %arg5[%dma_start3A_301, %dma_start3A_302, %mul3A_2, %dma_start3A_306] : memref<16x1x512x512xi32, #tpu.memory_space<hbm>> -> memref<1x1x16x512xi32, #tpu.memory_space<hbm>>
    %dma_start3A_308 = tpu.memref_squeeze %dma_start3A_307 : memref<1x1x16x512xi32, #tpu.memory_space<hbm>> -> memref<16x512xi32, #tpu.memory_space<hbm>>
    tpu.enqueue_dma source(%dma_start3A_308 : memref<16x512xi32, #tpu.memory_space<hbm>>) target(%arg14 : memref<16x512xi32, #tpu.memory_space<vmem>>) target_semaphore(%arg20 : memref<!tpu.dma_semaphore, #tpu.memory_space<semaphore_mem>>)
    %dma_start3A_309 = arith.constant 11 : i32
    %dma_start3A_310 = arith.constant 2 : i32
    %dma_start3A_311 = arith.constant 0 : i32
    %dma_start3A_312 = tpu.memref_slice %arg2[%dma_start3A_309, %dma_start3A_310, %mul3A_2, %dma_start3A_311] : memref<16x3x512x512xf32, #tpu.memory_space<hbm>> -> memref<1x1x16x512xf32, #tpu.memory_space<hbm>>
    %dma_start3A_313 = tpu.memref_squeeze %dma_start3A_312 : memref<1x1x16x512xf32, #tpu.memory_space<hbm>> -> memref<16x512xf32, #tpu.memory_space<hbm>>
    %dma_start3A_314 = arith.constant 0 : i32
    %dma_start3A_315 = tpu.memref_slice %arg2[%dma_start3A_309, %dma_start3A_310, %mul3A_2, %dma_start3A_314] : memref<16x3x512x512xf32, #tpu.memory_space<hbm>> -> memref<1x1x16x512xf32, #tpu.memory_space<hbm>>
    %dma_start3A_316 = tpu.memref_squeeze %dma_start3A_315 : memref<1x1x16x512xf32, #tpu.memory_space<hbm>> -> memref<16x512xf32, #tpu.memory_space<hbm>>
    tpu.enqueue_dma source(%dma_start3A_316 : memref<16x512xf32, #tpu.memory_space<hbm>>) target(%arg11 : memref<16x512xf32, #tpu.memory_space<vmem>>) target_semaphore(%arg19 : memref<!tpu.dma_semaphore, #tpu.memory_space<semaphore_mem>>)
    %dma_start3A_317 = arith.constant 11 : i32
    %dma_start3A_318 = arith.constant 2 : i32
    %dma_start3A_319 = arith.constant 0 : i32
    %dma_start3A_320 = tpu.memref_slice %arg3[%dma_start3A_317, %dma_start3A_318, %mul3A_2, %dma_start3A_319] : memref<16x3x512x512xf32, #tpu.memory_space<hbm>> -> memref<1x1x16x512xf32, #tpu.memory_space<hbm>>
    %dma_start3A_321 = tpu.memref_squeeze %dma_start3A_320 : memref<1x1x16x512xf32, #tpu.memory_space<hbm>> -> memref<16x512xf32, #tpu.memory_space<hbm>>
    %dma_start3A_322 = arith.constant 0 : i32
    %dma_start3A_323 = tpu.memref_slice %arg3[%dma_start3A_317, %dma_start3A_318, %mul3A_2, %dma_start3A_322] : memref<16x3x512x512xf32, #tpu.memory_space<hbm>> -> memref<1x1x16x512xf32, #tpu.memory_space<hbm>>
    %dma_start3A_324 = tpu.memref_squeeze %dma_start3A_323 : memref<1x1x16x512xf32, #tpu.memory_space<hbm>> -> memref<16x512xf32, #tpu.memory_space<hbm>>
    tpu.enqueue_dma source(%dma_start3A_324 : memref<16x512xf32, #tpu.memory_space<hbm>>) target(%arg12 : memref<16x512xf32, #tpu.memory_space<vmem>>) target_semaphore(%arg19 : memref<!tpu.dma_semaphore, #tpu.memory_space<semaphore_mem>>)
    %dma_start3A_325 = arith.constant 11 : i32
    %dma_start3A_326 = arith.constant 2 : i32
    %dma_start3A_327 = arith.constant 0 : i32
    %dma_start3A_328 = tpu.memref_slice %arg4[%dma_start3A_325, %dma_start3A_326, %mul3A_2, %dma_start3A_327] : memref<16x3x512x512xf32, #tpu.memory_space<hbm>> -> memref<1x1x16x512xf32, #tpu.memory_space<hbm>>
    %dma_start3A_329 = tpu.memref_squeeze %dma_start3A_328 : memref<1x1x16x512xf32, #tpu.memory_space<hbm>> -> memref<16x512xf32, #tpu.memory_space<hbm>>
    %dma_start3A_330 = arith.constant 0 : i32
    %dma_start3A_331 = tpu.memref_slice %arg4[%dma_start3A_325, %dma_start3A_326, %mul3A_2, %dma_start3A_330] : memref<16x3x512x512xf32, #tpu.memory_space<hbm>> -> memref<1x1x16x512xf32, #tpu.memory_space<hbm>>
    %dma_start3A_332 = tpu.memref_squeeze %dma_start3A_331 : memref<1x1x16x512xf32, #tpu.memory_space<hbm>> -> memref<16x512xf32, #tpu.memory_space<hbm>>
    tpu.enqueue_dma source(%dma_start3A_332 : memref<16x512xf32, #tpu.memory_space<hbm>>) target(%arg13 : memref<16x512xf32, #tpu.memory_space<vmem>>) target_semaphore(%arg19 : memref<!tpu.dma_semaphore, #tpu.memory_space<semaphore_mem>>)
    %dma_wait3A_333 = arith.constant 0 : i32
    %dma_wait3A_334 = arith.constant 0 : i32
    %dma_wait3A_335 = arith.constant 0 : i32
    %dma_wait3A_336 = arith.constant 0 : i32
    %dma_wait3A_337 = tpu.memref_slice %arg2[%dma_wait3A_333, %dma_wait3A_334, %dma_wait3A_335, %dma_wait3A_336] : memref<16x3x512x512xf32, #tpu.memory_space<hbm>> -> memref<1x1x16x512xf32, #tpu.memory_space<hbm>>
    %dma_wait3A_338 = tpu.memref_squeeze %dma_wait3A_337 : memref<1x1x16x512xf32, #tpu.memory_space<hbm>> -> memref<16x512xf32, #tpu.memory_space<hbm>>
    %dma_wait3A_339 = arith.constant 0 : i32
    %dma_wait3A_340 = arith.constant 0 : i32
    %dma_wait3A_341 = tpu.memref_slice %arg2[%dma_wait3A_333, %dma_wait3A_334, %dma_wait3A_339, %dma_wait3A_340] : memref<16x3x512x512xf32, #tpu.memory_space<hbm>> -> memref<1x1x16x512xf32, #tpu.memory_space<hbm>>
    %dma_wait3A_342 = tpu.memref_squeeze %dma_wait3A_341 : memref<1x1x16x512xf32, #tpu.memory_space<hbm>> -> memref<16x512xf32, #tpu.memory_space<hbm>>
    tpu.wait_dma2 semaphore(%arg18 : memref<!tpu.dma_semaphore, #tpu.memory_space<semaphore_mem>>) src(%dma_wait3A_342 : memref<16x512xf32, #tpu.memory_space<hbm>>) dst(%arg8 : memref<16x512xf32, #tpu.memory_space<vmem>>)
    %dma_wait3A_343 = arith.constant 0 : i32
    %dma_wait3A_344 = arith.constant 0 : i32
    %dma_wait3A_345 = arith.constant 0 : i32
    %dma_wait3A_346 = arith.constant 0 : i32
    %dma_wait3A_347 = tpu.memref_slice %arg2[%dma_wait3A_343, %dma_wait3A_344, %dma_wait3A_345, %dma_wait3A_346] : memref<16x3x512x512xf32, #tpu.memory_space<hbm>> -> memref<1x1x16x512xf32, #tpu.memory_space<hbm>>
    %dma_wait3A_348 = tpu.memref_squeeze %dma_wait3A_347 : memref<1x1x16x512xf32, #tpu.memory_space<hbm>> -> memref<16x512xf32, #tpu.memory_space<hbm>>
    %dma_wait3A_349 = arith.constant 0 : i32
    %dma_wait3A_350 = arith.constant 0 : i32
    %dma_wait3A_351 = tpu.memref_slice %arg2[%dma_wait3A_343, %dma_wait3A_344, %dma_wait3A_349, %dma_wait3A_350] : memref<16x3x512x512xf32, #tpu.memory_space<hbm>> -> memref<1x1x16x512xf32, #tpu.memory_space<hbm>>
    %dma_wait3A_352 = tpu.memref_squeeze %dma_wait3A_351 : memref<1x1x16x512xf32, #tpu.memory_space<hbm>> -> memref<16x512xf32, #tpu.memory_space<hbm>>
    tpu.wait_dma2 semaphore(%arg18 : memref<!tpu.dma_semaphore, #tpu.memory_space<semaphore_mem>>) src(%dma_wait3A_352 : memref<16x512xf32, #tpu.memory_space<hbm>>) dst(%arg9 : memref<16x512xf32, #tpu.memory_space<vmem>>)
    %dma_wait3A_353 = arith.constant 0 : i32
    %dma_wait3A_354 = arith.constant 0 : i32
    %dma_wait3A_355 = arith.constant 0 : i32
    %dma_wait3A_356 = arith.constant 0 : i32
    %dma_wait3A_357 = tpu.memref_slice %arg2[%dma_wait3A_353, %dma_wait3A_354, %dma_wait3A_355, %dma_wait3A_356] : memref<16x3x512x512xf32, #tpu.memory_space<hbm>> -> memref<1x1x16x512xf32, #tpu.memory_space<hbm>>
    %dma_wait3A_358 = tpu.memref_squeeze %dma_wait3A_357 : memref<1x1x16x512xf32, #tpu.memory_space<hbm>> -> memref<16x512xf32, #tpu.memory_space<hbm>>
    %dma_wait3A_359 = arith.constant 0 : i32
    %dma_wait3A_360 = arith.constant 0 : i32
    %dma_wait3A_361 = tpu.memref_slice %arg2[%dma_wait3A_353, %dma_wait3A_354, %dma_wait3A_359, %dma_wait3A_360] : memref<16x3x512x512xf32, #tpu.memory_space<hbm>> -> memref<1x1x16x512xf32, #tpu.memory_space<hbm>>
    %dma_wait3A_362 = tpu.memref_squeeze %dma_wait3A_361 : memref<1x1x16x512xf32, #tpu.memory_space<hbm>> -> memref<16x512xf32, #tpu.memory_space<hbm>>
    tpu.wait_dma2 semaphore(%arg18 : memref<!tpu.dma_semaphore, #tpu.memory_space<semaphore_mem>>) src(%dma_wait3A_362 : memref<16x512xf32, #tpu.memory_space<hbm>>) dst(%arg10 : memref<16x512xf32, #tpu.memory_space<vmem>>)
    %scan3A_363 = arith.constant 0 : i32
    %scan3A_364 = arith.constant 512 : i32
    %scan3A_365 = arith.addi %scan3A_363, %scan3A_364 : i32
    %scan3A_366 = arith.constant 1 : i32
    %scan3A_367 = scf.for %scan3A_1196 = %scan3A_363 to %scan3A_365 step %scan3A_366 iter_args(%scan3A_1197 = %scan3A_299#0) -> (vector<16xf32>)  : i32 {
      %shift_right_arithmetic3A = arith.constant 5 : i32
      %shift_right_arithmetic3A_1198 = arith.shrsi %scan3A_1196, %shift_right_arithmetic3A : i32
      %and3A = arith.constant 31 : i32
      %and3A_1199 = arith.andi %scan3A_1196, %and3A : i32
      %mul3A_1200 = arith.constant 16 : i32
      %mul3A_1201 = arith.muli %and3A_1199, %mul3A_1200 : i32
      %get3A = arith.index_cast %shift_right_arithmetic3A_1198 : i32 to index
      %get3A_1202 = arith.index_cast %mul3A_1201 : i32 to index
      %get3A_1203 = tpu.vector_load %arg8[%get3A, %get3A_1202] {strides = array<i32>} : memref<16x512xf32, #tpu.memory_space<vmem>>, vector<1x16xf32>,
      %get3A_1204 = vector.shape_cast %get3A_1203 : vector<1x16xf32> to vector<16xf32>
      %get3A_1205 = arith.index_cast %shift_right_arithmetic3A_1198 : i32 to index
      %get3A_1206 = arith.index_cast %mul3A_1201 : i32 to index
      %get3A_1207 = tpu.vector_load %arg9[%get3A_1205, %get3A_1206] {strides = array<i32>} : memref<16x512xf32, #tpu.memory_space<vmem>>, vector<1x16xf32>,
      %get3A_1208 = vector.shape_cast %get3A_1207 : vector<1x16xf32> to vector<16xf32>
      %get3A_1209 = arith.index_cast %shift_right_arithmetic3A_1198 : i32 to index
      %get3A_1210 = arith.index_cast %mul3A_1201 : i32 to index
      %get3A_1211 = tpu.vector_load %arg10[%get3A_1209, %get3A_1210] {strides = array<i32>} : memref<16x512xf32, #tpu.memory_space<vmem>>, vector<1x16xf32>,
      %get3A_1212 = vector.shape_cast %get3A_1211 : vector<1x16xf32> to vector<16xf32>
      %get3A_1213 = arith.index_cast %shift_right_arithmetic3A_1198 : i32 to index
      %get3A_1214 = arith.index_cast %mul3A_1201 : i32 to index
      %get3A_1215 = tpu.vector_load %arg15[%get3A_1213, %get3A_1214] {strides = array<i32>} : memref<16x512xi32, #tpu.memory_space<vmem>>, vector<1x16xi32>,
      %get3A_1216 = vector.shape_cast %get3A_1215 : vector<1x16xi32> to vector<16xi32>
      %convert_element_type3A = arith.sitofp %get3A_1216 : vector<16xi32> to vector<16xf32>
      %sub3A = arith.subf %get3A_1208, %get3A_1204 : vector<16xf32>
      %mul3A_1217 = arith.mulf %get3A_1212, %get3A_1212 : vector<16xf32>
      %max3A = arith.constant 9.99999997E-7 : f32
      %max3A_1218 = vector.broadcast %max3A : f32 to vector<16xf32>
      %max3A_1219 = arith.maximumf %mul3A_1217, %max3A_1218 : vector<16xf32>
      %mul3A_1220 = arith.mulf %sub3A, %sub3A : vector<16xf32>
      %div3A = arith.divf %mul3A_1220, %max3A_1219 : vector<16xf32>
      %bitcast_convert_type3A = tpu.bitcast %max3A_1219 : vector<16xf32> -> vector<16xi32>
      %convert_element_type3A_1221 = arith.sitofp %bitcast_convert_type3A : vector<16xi32> to vector<16xf32>
      %mul3A_1222 = arith.constant 8.26295832E-8 : f32
      %mul3A_1223 = vector.broadcast %mul3A_1222 : f32 to vector<16xf32>
      %mul3A_1224 = arith.mulf %convert_element_type3A_1221, %mul3A_1223 : vector<16xf32>
      %and3A_1225 = arith.constant 8388607 : i32
      %and3A_1226 = vector.broadcast %and3A_1225 : i32 to vector<16xi32>
      %and3A_1227 = arith.andi %bitcast_convert_type3A, %and3A_1226 : vector<16xi32>
      %or3A = arith.constant 1065353216 : i32
      %or3A_1228 = vector.broadcast %or3A : i32 to vector<16xi32>
      %or3A_1229 = arith.ori %and3A_1227, %or3A_1228 : vector<16xi32>
      %bitcast_convert_type3A_1230 = tpu.bitcast %or3A_1229 : vector<16xi32> -> vector<16xf32>
      %sub3A_1231 = arith.constant 1.000000e+00 : f32
      %sub3A_1232 = vector.broadcast %sub3A_1231 : f32 to vector<16xf32>
      %sub3A_1233 = arith.subf %bitcast_convert_type3A_1230, %sub3A_1232 : vector<16xf32>
      %mul3A_1234 = arith.constant 0.106684729 : f32
      %mul3A_1235 = vector.broadcast %mul3A_1234 : f32 to vector<16xf32>
      %mul3A_1236 = arith.mulf %mul3A_1235, %sub3A_1233 : vector<16xf32>
      %add3A_1237 = arith.constant -0.393535793 : f32
      %add3A_1238 = vector.broadcast %add3A_1237 : f32 to vector<16xf32>
      %add3A_1239 = arith.addf %mul3A_1236, %add3A_1238 : vector<16xf32>
      %mul3A_1240 = arith.mulf %add3A_1239, %sub3A_1233 : vector<16xf32>
      %add3A_1241 = arith.constant 0.286606222 : f32
      %add3A_1242 = vector.broadcast %add3A_1241 : f32 to vector<16xf32>
      %add3A_1243 = arith.addf %mul3A_1240, %add3A_1242 : vector<16xf32>
      %mul3A_1244 = arith.mulf %add3A_1243, %sub3A_1233 : vector<16xf32>
      %add3A_1245 = arith.constant -88.0287704 : f32
      %add3A_1246 = vector.broadcast %add3A_1245 : f32 to vector<16xf32>
      %add3A_1247 = arith.addf %mul3A_1244, %add3A_1246 : vector<16xf32>
      %add3A_1248 = arith.addf %mul3A_1224, %add3A_1247 : vector<16xf32>
      %add3A_1249 = arith.addf %add3A_1248, %div3A : vector<16xf32>
      %mul3A_1250 = arith.mulf %add3A_1249, %convert_element_type3A : vector<16xf32>
      %add3A_1251 = arith.addf %scan3A_1197, %mul3A_1250 : vector<16xf32>
      scf.yield %add3A_1251 : vector<16xf32>
    }
    %scan3A_368 = arith.constant 512 : i32
    %dma_start3A_369 = arith.constant 12 : i32
    %dma_start3A_370 = arith.constant 0 : i32
    %dma_start3A_371 = arith.constant 0 : i32
    %dma_start3A_372 = tpu.memref_slice %arg2[%dma_start3A_369, %dma_start3A_370, %mul3A_2, %dma_start3A_371] : memref<16x3x512x512xf32, #tpu.memory_space<hbm>> -> memref<1x1x16x512xf32, #tpu.memory_space<hbm>>
    %dma_start3A_373 = tpu.memref_squeeze %dma_start3A_372 : memref<1x1x16x512xf32, #tpu.memory_space<hbm>> -> memref<16x512xf32, #tpu.memory_space<hbm>>
    %dma_start3A_374 = arith.constant 0 : i32
    %dma_start3A_375 = tpu.memref_slice %arg2[%dma_start3A_369, %dma_start3A_370, %mul3A_2, %dma_start3A_374] : memref<16x3x512x512xf32, #tpu.memory_space<hbm>> -> memref<1x1x16x512xf32, #tpu.memory_space<hbm>>
    %dma_start3A_376 = tpu.memref_squeeze %dma_start3A_375 : memref<1x1x16x512xf32, #tpu.memory_space<hbm>> -> memref<16x512xf32, #tpu.memory_space<hbm>>
    tpu.enqueue_dma source(%dma_start3A_376 : memref<16x512xf32, #tpu.memory_space<hbm>>) target(%arg8 : memref<16x512xf32, #tpu.memory_space<vmem>>) target_semaphore(%arg18 : memref<!tpu.dma_semaphore, #tpu.memory_space<semaphore_mem>>)
    %dma_start3A_377 = arith.constant 12 : i32
    %dma_start3A_378 = arith.constant 0 : i32
    %dma_start3A_379 = arith.constant 0 : i32
    %dma_start3A_380 = tpu.memref_slice %arg3[%dma_start3A_377, %dma_start3A_378, %mul3A_2, %dma_start3A_379] : memref<16x3x512x512xf32, #tpu.memory_space<hbm>> -> memref<1x1x16x512xf32, #tpu.memory_space<hbm>>
    %dma_start3A_381 = tpu.memref_squeeze %dma_start3A_380 : memref<1x1x16x512xf32, #tpu.memory_space<hbm>> -> memref<16x512xf32, #tpu.memory_space<hbm>>
    %dma_start3A_382 = arith.constant 0 : i32
    %dma_start3A_383 = tpu.memref_slice %arg3[%dma_start3A_377, %dma_start3A_378, %mul3A_2, %dma_start3A_382] : memref<16x3x512x512xf32, #tpu.memory_space<hbm>> -> memref<1x1x16x512xf32, #tpu.memory_space<hbm>>
    %dma_start3A_384 = tpu.memref_squeeze %dma_start3A_383 : memref<1x1x16x512xf32, #tpu.memory_space<hbm>> -> memref<16x512xf32, #tpu.memory_space<hbm>>
    tpu.enqueue_dma source(%dma_start3A_384 : memref<16x512xf32, #tpu.memory_space<hbm>>) target(%arg9 : memref<16x512xf32, #tpu.memory_space<vmem>>) target_semaphore(%arg18 : memref<!tpu.dma_semaphore, #tpu.memory_space<semaphore_mem>>)
    %dma_start3A_385 = arith.constant 12 : i32
    %dma_start3A_386 = arith.constant 0 : i32
    %dma_start3A_387 = arith.constant 0 : i32
    %dma_start3A_388 = tpu.memref_slice %arg4[%dma_start3A_385, %dma_start3A_386, %mul3A_2, %dma_start3A_387] : memref<16x3x512x512xf32, #tpu.memory_space<hbm>> -> memref<1x1x16x512xf32, #tpu.memory_space<hbm>>
    %dma_start3A_389 = tpu.memref_squeeze %dma_start3A_388 : memref<1x1x16x512xf32, #tpu.memory_space<hbm>> -> memref<16x512xf32, #tpu.memory_space<hbm>>
    %dma_start3A_390 = arith.constant 0 : i32
    %dma_start3A_391 = tpu.memref_slice %arg4[%dma_start3A_385, %dma_start3A_386, %mul3A_2, %dma_start3A_390] : memref<16x3x512x512xf32, #tpu.memory_space<hbm>> -> memref<1x1x16x512xf32, #tpu.memory_space<hbm>>
    %dma_start3A_392 = tpu.memref_squeeze %dma_start3A_391 : memref<1x1x16x512xf32, #tpu.memory_space<hbm>> -> memref<16x512xf32, #tpu.memory_space<hbm>>
    tpu.enqueue_dma source(%dma_start3A_392 : memref<16x512xf32, #tpu.memory_space<hbm>>) target(%arg10 : memref<16x512xf32, #tpu.memory_space<vmem>>) target_semaphore(%arg18 : memref<!tpu.dma_semaphore, #tpu.memory_space<semaphore_mem>>)
    %dma_wait3A_393 = arith.constant 0 : i32
    %dma_wait3A_394 = arith.constant 0 : i32
    %dma_wait3A_395 = arith.constant 0 : i32
    %dma_wait3A_396 = arith.constant 0 : i32
    %dma_wait3A_397 = tpu.memref_slice %arg2[%dma_wait3A_393, %dma_wait3A_394, %dma_wait3A_395, %dma_wait3A_396] : memref<16x3x512x512xf32, #tpu.memory_space<hbm>> -> memref<1x1x16x512xf32, #tpu.memory_space<hbm>>
    %dma_wait3A_398 = tpu.memref_squeeze %dma_wait3A_397 : memref<1x1x16x512xf32, #tpu.memory_space<hbm>> -> memref<16x512xf32, #tpu.memory_space<hbm>>
    %dma_wait3A_399 = arith.constant 0 : i32
    %dma_wait3A_400 = arith.constant 0 : i32
    %dma_wait3A_401 = tpu.memref_slice %arg2[%dma_wait3A_393, %dma_wait3A_394, %dma_wait3A_399, %dma_wait3A_400] : memref<16x3x512x512xf32, #tpu.memory_space<hbm>> -> memref<1x1x16x512xf32, #tpu.memory_space<hbm>>
    %dma_wait3A_402 = tpu.memref_squeeze %dma_wait3A_401 : memref<1x1x16x512xf32, #tpu.memory_space<hbm>> -> memref<16x512xf32, #tpu.memory_space<hbm>>
    tpu.wait_dma2 semaphore(%arg19 : memref<!tpu.dma_semaphore, #tpu.memory_space<semaphore_mem>>) src(%dma_wait3A_402 : memref<16x512xf32, #tpu.memory_space<hbm>>) dst(%arg11 : memref<16x512xf32, #tpu.memory_space<vmem>>)
    %dma_wait3A_403 = arith.constant 0 : i32
    %dma_wait3A_404 = arith.constant 0 : i32
    %dma_wait3A_405 = arith.constant 0 : i32
    %dma_wait3A_406 = arith.constant 0 : i32
    %dma_wait3A_407 = tpu.memref_slice %arg2[%dma_wait3A_403, %dma_wait3A_404, %dma_wait3A_405, %dma_wait3A_406] : memref<16x3x512x512xf32, #tpu.memory_space<hbm>> -> memref<1x1x16x512xf32, #tpu.memory_space<hbm>>
    %dma_wait3A_408 = tpu.memref_squeeze %dma_wait3A_407 : memref<1x1x16x512xf32, #tpu.memory_space<hbm>> -> memref<16x512xf32, #tpu.memory_space<hbm>>
    %dma_wait3A_409 = arith.constant 0 : i32
    %dma_wait3A_410 = arith.constant 0 : i32
    %dma_wait3A_411 = tpu.memref_slice %arg2[%dma_wait3A_403, %dma_wait3A_404, %dma_wait3A_409, %dma_wait3A_410] : memref<16x3x512x512xf32, #tpu.memory_space<hbm>> -> memref<1x1x16x512xf32, #tpu.memory_space<hbm>>
    %dma_wait3A_412 = tpu.memref_squeeze %dma_wait3A_411 : memref<1x1x16x512xf32, #tpu.memory_space<hbm>> -> memref<16x512xf32, #tpu.memory_space<hbm>>
    tpu.wait_dma2 semaphore(%arg19 : memref<!tpu.dma_semaphore, #tpu.memory_space<semaphore_mem>>) src(%dma_wait3A_412 : memref<16x512xf32, #tpu.memory_space<hbm>>) dst(%arg12 : memref<16x512xf32, #tpu.memory_space<vmem>>)
    %dma_wait3A_413 = arith.constant 0 : i32
    %dma_wait3A_414 = arith.constant 0 : i32
    %dma_wait3A_415 = arith.constant 0 : i32
    %dma_wait3A_416 = arith.constant 0 : i32
    %dma_wait3A_417 = tpu.memref_slice %arg2[%dma_wait3A_413, %dma_wait3A_414, %dma_wait3A_415, %dma_wait3A_416] : memref<16x3x512x512xf32, #tpu.memory_space<hbm>> -> memref<1x1x16x512xf32, #tpu.memory_space<hbm>>
    %dma_wait3A_418 = tpu.memref_squeeze %dma_wait3A_417 : memref<1x1x16x512xf32, #tpu.memory_space<hbm>> -> memref<16x512xf32, #tpu.memory_space<hbm>>
    %dma_wait3A_419 = arith.constant 0 : i32
    %dma_wait3A_420 = arith.constant 0 : i32
    %dma_wait3A_421 = tpu.memref_slice %arg2[%dma_wait3A_413, %dma_wait3A_414, %dma_wait3A_419, %dma_wait3A_420] : memref<16x3x512x512xf32, #tpu.memory_space<hbm>> -> memref<1x1x16x512xf32, #tpu.memory_space<hbm>>
    %dma_wait3A_422 = tpu.memref_squeeze %dma_wait3A_421 : memref<1x1x16x512xf32, #tpu.memory_space<hbm>> -> memref<16x512xf32, #tpu.memory_space<hbm>>
    tpu.wait_dma2 semaphore(%arg19 : memref<!tpu.dma_semaphore, #tpu.memory_space<semaphore_mem>>) src(%dma_wait3A_422 : memref<16x512xf32, #tpu.memory_space<hbm>>) dst(%arg13 : memref<16x512xf32, #tpu.memory_space<vmem>>)
    %scan3A_423 = arith.constant 0 : i32
    %scan3A_424 = arith.constant 512 : i32
    %scan3A_425 = arith.addi %scan3A_423, %scan3A_424 : i32
    %scan3A_426 = arith.constant 1 : i32
    %scan3A_427 = scf.for %scan3A_1196 = %scan3A_423 to %scan3A_425 step %scan3A_426 iter_args(%scan3A_1197 = %scan3A_367) -> (vector<16xf32>)  : i32 {
      %shift_right_arithmetic3A = arith.constant 5 : i32
      %shift_right_arithmetic3A_1198 = arith.shrsi %scan3A_1196, %shift_right_arithmetic3A : i32
      %and3A = arith.constant 31 : i32
      %and3A_1199 = arith.andi %scan3A_1196, %and3A : i32
      %mul3A_1200 = arith.constant 16 : i32
      %mul3A_1201 = arith.muli %and3A_1199, %mul3A_1200 : i32
      %get3A = arith.index_cast %shift_right_arithmetic3A_1198 : i32 to index
      %get3A_1202 = arith.index_cast %mul3A_1201 : i32 to index
      %get3A_1203 = tpu.vector_load %arg11[%get3A, %get3A_1202] {strides = array<i32>} : memref<16x512xf32, #tpu.memory_space<vmem>>, vector<1x16xf32>,
      %get3A_1204 = vector.shape_cast %get3A_1203 : vector<1x16xf32> to vector<16xf32>
      %get3A_1205 = arith.index_cast %shift_right_arithmetic3A_1198 : i32 to index
      %get3A_1206 = arith.index_cast %mul3A_1201 : i32 to index
      %get3A_1207 = tpu.vector_load %arg12[%get3A_1205, %get3A_1206] {strides = array<i32>} : memref<16x512xf32, #tpu.memory_space<vmem>>, vector<1x16xf32>,
      %get3A_1208 = vector.shape_cast %get3A_1207 : vector<1x16xf32> to vector<16xf32>
      %get3A_1209 = arith.index_cast %shift_right_arithmetic3A_1198 : i32 to index
      %get3A_1210 = arith.index_cast %mul3A_1201 : i32 to index
      %get3A_1211 = tpu.vector_load %arg13[%get3A_1209, %get3A_1210] {strides = array<i32>} : memref<16x512xf32, #tpu.memory_space<vmem>>, vector<1x16xf32>,
      %get3A_1212 = vector.shape_cast %get3A_1211 : vector<1x16xf32> to vector<16xf32>
      %get3A_1213 = arith.index_cast %shift_right_arithmetic3A_1198 : i32 to index
      %get3A_1214 = arith.index_cast %mul3A_1201 : i32 to index
      %get3A_1215 = tpu.vector_load %arg15[%get3A_1213, %get3A_1214] {strides = array<i32>} : memref<16x512xi32, #tpu.memory_space<vmem>>, vector<1x16xi32>,
      %get3A_1216 = vector.shape_cast %get3A_1215 : vector<1x16xi32> to vector<16xi32>
      %convert_element_type3A = arith.sitofp %get3A_1216 : vector<16xi32> to vector<16xf32>
      %sub3A = arith.subf %get3A_1208, %get3A_1204 : vector<16xf32>
      %mul3A_1217 = arith.mulf %get3A_1212, %get3A_1212 : vector<16xf32>
      %max3A = arith.constant 9.99999997E-7 : f32
      %max3A_1218 = vector.broadcast %max3A : f32 to vector<16xf32>
      %max3A_1219 = arith.maximumf %mul3A_1217, %max3A_1218 : vector<16xf32>
      %mul3A_1220 = arith.mulf %sub3A, %sub3A : vector<16xf32>
      %div3A = arith.divf %mul3A_1220, %max3A_1219 : vector<16xf32>
      %bitcast_convert_type3A = tpu.bitcast %max3A_1219 : vector<16xf32> -> vector<16xi32>
      %convert_element_type3A_1221 = arith.sitofp %bitcast_convert_type3A : vector<16xi32> to vector<16xf32>
      %mul3A_1222 = arith.constant 8.26295832E-8 : f32
      %mul3A_1223 = vector.broadcast %mul3A_1222 : f32 to vector<16xf32>
      %mul3A_1224 = arith.mulf %convert_element_type3A_1221, %mul3A_1223 : vector<16xf32>
      %and3A_1225 = arith.constant 8388607 : i32
      %and3A_1226 = vector.broadcast %and3A_1225 : i32 to vector<16xi32>
      %and3A_1227 = arith.andi %bitcast_convert_type3A, %and3A_1226 : vector<16xi32>
      %or3A = arith.constant 1065353216 : i32
      %or3A_1228 = vector.broadcast %or3A : i32 to vector<16xi32>
      %or3A_1229 = arith.ori %and3A_1227, %or3A_1228 : vector<16xi32>
      %bitcast_convert_type3A_1230 = tpu.bitcast %or3A_1229 : vector<16xi32> -> vector<16xf32>
      %sub3A_1231 = arith.constant 1.000000e+00 : f32
      %sub3A_1232 = vector.broadcast %sub3A_1231 : f32 to vector<16xf32>
      %sub3A_1233 = arith.subf %bitcast_convert_type3A_1230, %sub3A_1232 : vector<16xf32>
      %mul3A_1234 = arith.constant 0.106684729 : f32
      %mul3A_1235 = vector.broadcast %mul3A_1234 : f32 to vector<16xf32>
      %mul3A_1236 = arith.mulf %mul3A_1235, %sub3A_1233 : vector<16xf32>
      %add3A_1237 = arith.constant -0.393535793 : f32
      %add3A_1238 = vector.broadcast %add3A_1237 : f32 to vector<16xf32>
      %add3A_1239 = arith.addf %mul3A_1236, %add3A_1238 : vector<16xf32>
      %mul3A_1240 = arith.mulf %add3A_1239, %sub3A_1233 : vector<16xf32>
      %add3A_1241 = arith.constant 0.286606222 : f32
      %add3A_1242 = vector.broadcast %add3A_1241 : f32 to vector<16xf32>
      %add3A_1243 = arith.addf %mul3A_1240, %add3A_1242 : vector<16xf32>
      %mul3A_1244 = arith.mulf %add3A_1243, %sub3A_1233 : vector<16xf32>
      %add3A_1245 = arith.constant -88.0287704 : f32
      %add3A_1246 = vector.broadcast %add3A_1245 : f32 to vector<16xf32>
      %add3A_1247 = arith.addf %mul3A_1244, %add3A_1246 : vector<16xf32>
      %add3A_1248 = arith.addf %mul3A_1224, %add3A_1247 : vector<16xf32>
      %add3A_1249 = arith.addf %add3A_1248, %div3A : vector<16xf32>
      %mul3A_1250 = arith.mulf %add3A_1249, %convert_element_type3A : vector<16xf32>
      %add3A_1251 = arith.addf %scan3A_1197, %mul3A_1250 : vector<16xf32>
      scf.yield %add3A_1251 : vector<16xf32>
    }
    %scan3A_428 = arith.constant 512 : i32
    %dma_start3A_429 = arith.constant 12 : i32
    %dma_start3A_430 = arith.constant 1 : i32
    %dma_start3A_431 = arith.constant 0 : i32
    %dma_start3A_432 = tpu.memref_slice %arg2[%dma_start3A_429, %dma_start3A_430, %mul3A_2, %dma_start3A_431] : memref<16x3x512x512xf32, #tpu.memory_space<hbm>> -> memref<1x1x16x512xf32, #tpu.memory_space<hbm>>
    %dma_start3A_433 = tpu.memref_squeeze %dma_start3A_432 : memref<1x1x16x512xf32, #tpu.memory_space<hbm>> -> memref<16x512xf32, #tpu.memory_space<hbm>>
    %dma_start3A_434 = arith.constant 0 : i32
    %dma_start3A_435 = tpu.memref_slice %arg2[%dma_start3A_429, %dma_start3A_430, %mul3A_2, %dma_start3A_434] : memref<16x3x512x512xf32, #tpu.memory_space<hbm>> -> memref<1x1x16x512xf32, #tpu.memory_space<hbm>>
    %dma_start3A_436 = tpu.memref_squeeze %dma_start3A_435 : memref<1x1x16x512xf32, #tpu.memory_space<hbm>> -> memref<16x512xf32, #tpu.memory_space<hbm>>
    tpu.enqueue_dma source(%dma_start3A_436 : memref<16x512xf32, #tpu.memory_space<hbm>>) target(%arg11 : memref<16x512xf32, #tpu.memory_space<vmem>>) target_semaphore(%arg19 : memref<!tpu.dma_semaphore, #tpu.memory_space<semaphore_mem>>)
    %dma_start3A_437 = arith.constant 12 : i32
    %dma_start3A_438 = arith.constant 1 : i32
    %dma_start3A_439 = arith.constant 0 : i32
    %dma_start3A_440 = tpu.memref_slice %arg3[%dma_start3A_437, %dma_start3A_438, %mul3A_2, %dma_start3A_439] : memref<16x3x512x512xf32, #tpu.memory_space<hbm>> -> memref<1x1x16x512xf32, #tpu.memory_space<hbm>>
    %dma_start3A_441 = tpu.memref_squeeze %dma_start3A_440 : memref<1x1x16x512xf32, #tpu.memory_space<hbm>> -> memref<16x512xf32, #tpu.memory_space<hbm>>
    %dma_start3A_442 = arith.constant 0 : i32
    %dma_start3A_443 = tpu.memref_slice %arg3[%dma_start3A_437, %dma_start3A_438, %mul3A_2, %dma_start3A_442] : memref<16x3x512x512xf32, #tpu.memory_space<hbm>> -> memref<1x1x16x512xf32, #tpu.memory_space<hbm>>
    %dma_start3A_444 = tpu.memref_squeeze %dma_start3A_443 : memref<1x1x16x512xf32, #tpu.memory_space<hbm>> -> memref<16x512xf32, #tpu.memory_space<hbm>>
    tpu.enqueue_dma source(%dma_start3A_444 : memref<16x512xf32, #tpu.memory_space<hbm>>) target(%arg12 : memref<16x512xf32, #tpu.memory_space<vmem>>) target_semaphore(%arg19 : memref<!tpu.dma_semaphore, #tpu.memory_space<semaphore_mem>>)
    %dma_start3A_445 = arith.constant 12 : i32
    %dma_start3A_446 = arith.constant 1 : i32
    %dma_start3A_447 = arith.constant 0 : i32
    %dma_start3A_448 = tpu.memref_slice %arg4[%dma_start3A_445, %dma_start3A_446, %mul3A_2, %dma_start3A_447] : memref<16x3x512x512xf32, #tpu.memory_space<hbm>> -> memref<1x1x16x512xf32, #tpu.memory_space<hbm>>
    %dma_start3A_449 = tpu.memref_squeeze %dma_start3A_448 : memref<1x1x16x512xf32, #tpu.memory_space<hbm>> -> memref<16x512xf32, #tpu.memory_space<hbm>>
    %dma_start3A_450 = arith.constant 0 : i32
    %dma_start3A_451 = tpu.memref_slice %arg4[%dma_start3A_445, %dma_start3A_446, %mul3A_2, %dma_start3A_450] : memref<16x3x512x512xf32, #tpu.memory_space<hbm>> -> memref<1x1x16x512xf32, #tpu.memory_space<hbm>>
    %dma_start3A_452 = tpu.memref_squeeze %dma_start3A_451 : memref<1x1x16x512xf32, #tpu.memory_space<hbm>> -> memref<16x512xf32, #tpu.memory_space<hbm>>
    tpu.enqueue_dma source(%dma_start3A_452 : memref<16x512xf32, #tpu.memory_space<hbm>>) target(%arg13 : memref<16x512xf32, #tpu.memory_space<vmem>>) target_semaphore(%arg19 : memref<!tpu.dma_semaphore, #tpu.memory_space<semaphore_mem>>)
    %dma_wait3A_453 = arith.constant 0 : i32
    %dma_wait3A_454 = arith.constant 0 : i32
    %dma_wait3A_455 = arith.constant 0 : i32
    %dma_wait3A_456 = arith.constant 0 : i32
    %dma_wait3A_457 = tpu.memref_slice %arg5[%dma_wait3A_453, %dma_wait3A_454, %dma_wait3A_455, %dma_wait3A_456] : memref<16x1x512x512xi32, #tpu.memory_space<hbm>> -> memref<1x1x16x512xi32, #tpu.memory_space<hbm>>
    %dma_wait3A_458 = tpu.memref_squeeze %dma_wait3A_457 : memref<1x1x16x512xi32, #tpu.memory_space<hbm>> -> memref<16x512xi32, #tpu.memory_space<hbm>>
    %dma_wait3A_459 = arith.constant 0 : i32
    %dma_wait3A_460 = arith.constant 0 : i32
    %dma_wait3A_461 = tpu.memref_slice %arg5[%dma_wait3A_453, %dma_wait3A_454, %dma_wait3A_459, %dma_wait3A_460] : memref<16x1x512x512xi32, #tpu.memory_space<hbm>> -> memref<1x1x16x512xi32, #tpu.memory_space<hbm>>
    %dma_wait3A_462 = tpu.memref_squeeze %dma_wait3A_461 : memref<1x1x16x512xi32, #tpu.memory_space<hbm>> -> memref<16x512xi32, #tpu.memory_space<hbm>>
    tpu.wait_dma2 semaphore(%arg20 : memref<!tpu.dma_semaphore, #tpu.memory_space<semaphore_mem>>) src(%dma_wait3A_462 : memref<16x512xi32, #tpu.memory_space<hbm>>) dst(%arg14 : memref<16x512xi32, #tpu.memory_space<vmem>>)
    %dma_wait3A_463 = arith.constant 0 : i32
    %dma_wait3A_464 = arith.constant 0 : i32
    %dma_wait3A_465 = arith.constant 0 : i32
    %dma_wait3A_466 = arith.constant 0 : i32
    %dma_wait3A_467 = tpu.memref_slice %arg2[%dma_wait3A_463, %dma_wait3A_464, %dma_wait3A_465, %dma_wait3A_466] : memref<16x3x512x512xf32, #tpu.memory_space<hbm>> -> memref<1x1x16x512xf32, #tpu.memory_space<hbm>>
    %dma_wait3A_468 = tpu.memref_squeeze %dma_wait3A_467 : memref<1x1x16x512xf32, #tpu.memory_space<hbm>> -> memref<16x512xf32, #tpu.memory_space<hbm>>
    %dma_wait3A_469 = arith.constant 0 : i32
    %dma_wait3A_470 = arith.constant 0 : i32
    %dma_wait3A_471 = tpu.memref_slice %arg2[%dma_wait3A_463, %dma_wait3A_464, %dma_wait3A_469, %dma_wait3A_470] : memref<16x3x512x512xf32, #tpu.memory_space<hbm>> -> memref<1x1x16x512xf32, #tpu.memory_space<hbm>>
    %dma_wait3A_472 = tpu.memref_squeeze %dma_wait3A_471 : memref<1x1x16x512xf32, #tpu.memory_space<hbm>> -> memref<16x512xf32, #tpu.memory_space<hbm>>
    tpu.wait_dma2 semaphore(%arg18 : memref<!tpu.dma_semaphore, #tpu.memory_space<semaphore_mem>>) src(%dma_wait3A_472 : memref<16x512xf32, #tpu.memory_space<hbm>>) dst(%arg8 : memref<16x512xf32, #tpu.memory_space<vmem>>)
    %dma_wait3A_473 = arith.constant 0 : i32
    %dma_wait3A_474 = arith.constant 0 : i32
    %dma_wait3A_475 = arith.constant 0 : i32
    %dma_wait3A_476 = arith.constant 0 : i32
    %dma_wait3A_477 = tpu.memref_slice %arg2[%dma_wait3A_473, %dma_wait3A_474, %dma_wait3A_475, %dma_wait3A_476] : memref<16x3x512x512xf32, #tpu.memory_space<hbm>> -> memref<1x1x16x512xf32, #tpu.memory_space<hbm>>
    %dma_wait3A_478 = tpu.memref_squeeze %dma_wait3A_477 : memref<1x1x16x512xf32, #tpu.memory_space<hbm>> -> memref<16x512xf32, #tpu.memory_space<hbm>>
    %dma_wait3A_479 = arith.constant 0 : i32
    %dma_wait3A_480 = arith.constant 0 : i32
    %dma_wait3A_481 = tpu.memref_slice %arg2[%dma_wait3A_473, %dma_wait3A_474, %dma_wait3A_479, %dma_wait3A_480] : memref<16x3x512x512xf32, #tpu.memory_space<hbm>> -> memref<1x1x16x512xf32, #tpu.memory_space<hbm>>
    %dma_wait3A_482 = tpu.memref_squeeze %dma_wait3A_481 : memref<1x1x16x512xf32, #tpu.memory_space<hbm>> -> memref<16x512xf32, #tpu.memory_space<hbm>>
    tpu.wait_dma2 semaphore(%arg18 : memref<!tpu.dma_semaphore, #tpu.memory_space<semaphore_mem>>) src(%dma_wait3A_482 : memref<16x512xf32, #tpu.memory_space<hbm>>) dst(%arg9 : memref<16x512xf32, #tpu.memory_space<vmem>>)
    %dma_wait3A_483 = arith.constant 0 : i32
    %dma_wait3A_484 = arith.constant 0 : i32
    %dma_wait3A_485 = arith.constant 0 : i32
    %dma_wait3A_486 = arith.constant 0 : i32
    %dma_wait3A_487 = tpu.memref_slice %arg2[%dma_wait3A_483, %dma_wait3A_484, %dma_wait3A_485, %dma_wait3A_486] : memref<16x3x512x512xf32, #tpu.memory_space<hbm>> -> memref<1x1x16x512xf32, #tpu.memory_space<hbm>>
    %dma_wait3A_488 = tpu.memref_squeeze %dma_wait3A_487 : memref<1x1x16x512xf32, #tpu.memory_space<hbm>> -> memref<16x512xf32, #tpu.memory_space<hbm>>
    %dma_wait3A_489 = arith.constant 0 : i32
    %dma_wait3A_490 = arith.constant 0 : i32
    %dma_wait3A_491 = tpu.memref_slice %arg2[%dma_wait3A_483, %dma_wait3A_484, %dma_wait3A_489, %dma_wait3A_490] : memref<16x3x512x512xf32, #tpu.memory_space<hbm>> -> memref<1x1x16x512xf32, #tpu.memory_space<hbm>>
    %dma_wait3A_492 = tpu.memref_squeeze %dma_wait3A_491 : memref<1x1x16x512xf32, #tpu.memory_space<hbm>> -> memref<16x512xf32, #tpu.memory_space<hbm>>
    tpu.wait_dma2 semaphore(%arg18 : memref<!tpu.dma_semaphore, #tpu.memory_space<semaphore_mem>>) src(%dma_wait3A_492 : memref<16x512xf32, #tpu.memory_space<hbm>>) dst(%arg10 : memref<16x512xf32, #tpu.memory_space<vmem>>)
    %scan3A_493 = arith.constant 0 : i32
    %scan3A_494 = arith.constant 512 : i32
    %scan3A_495 = arith.addi %scan3A_493, %scan3A_494 : i32
    %scan3A_496 = arith.constant 1 : i32
    %scan3A_497:2 = scf.for %scan3A_1196 = %scan3A_493 to %scan3A_495 step %scan3A_496 iter_args(%scan3A_1197 = %scan3A_427, %scan3A_1198 = %scan3A_299#1) -> (vector<16xf32>, vector<16xf32>)  : i32 {
      %shift_right_arithmetic3A = arith.constant 5 : i32
      %shift_right_arithmetic3A_1199 = arith.shrsi %scan3A_1196, %shift_right_arithmetic3A : i32
      %and3A = arith.constant 31 : i32
      %and3A_1200 = arith.andi %scan3A_1196, %and3A : i32
      %mul3A_1201 = arith.constant 16 : i32
      %mul3A_1202 = arith.muli %and3A_1200, %mul3A_1201 : i32
      %get3A = arith.index_cast %shift_right_arithmetic3A_1199 : i32 to index
      %get3A_1203 = arith.index_cast %mul3A_1202 : i32 to index
      %get3A_1204 = tpu.vector_load %arg8[%get3A, %get3A_1203] {strides = array<i32>} : memref<16x512xf32, #tpu.memory_space<vmem>>, vector<1x16xf32>,
      %get3A_1205 = vector.shape_cast %get3A_1204 : vector<1x16xf32> to vector<16xf32>
      %get3A_1206 = arith.index_cast %shift_right_arithmetic3A_1199 : i32 to index
      %get3A_1207 = arith.index_cast %mul3A_1202 : i32 to index
      %get3A_1208 = tpu.vector_load %arg9[%get3A_1206, %get3A_1207] {strides = array<i32>} : memref<16x512xf32, #tpu.memory_space<vmem>>, vector<1x16xf32>,
      %get3A_1209 = vector.shape_cast %get3A_1208 : vector<1x16xf32> to vector<16xf32>
      %get3A_1210 = arith.index_cast %shift_right_arithmetic3A_1199 : i32 to index
      %get3A_1211 = arith.index_cast %mul3A_1202 : i32 to index
      %get3A_1212 = tpu.vector_load %arg10[%get3A_1210, %get3A_1211] {strides = array<i32>} : memref<16x512xf32, #tpu.memory_space<vmem>>, vector<1x16xf32>,
      %get3A_1213 = vector.shape_cast %get3A_1212 : vector<1x16xf32> to vector<16xf32>
      %get3A_1214 = arith.index_cast %shift_right_arithmetic3A_1199 : i32 to index
      %get3A_1215 = arith.index_cast %mul3A_1202 : i32 to index
      %get3A_1216 = tpu.vector_load %arg14[%get3A_1214, %get3A_1215] {strides = array<i32>} : memref<16x512xi32, #tpu.memory_space<vmem>>, vector<1x16xi32>,
      %get3A_1217 = vector.shape_cast %get3A_1216 : vector<1x16xi32> to vector<16xi32>
      %convert_element_type3A = arith.sitofp %get3A_1217 : vector<16xi32> to vector<16xf32>
      %sub3A = arith.subf %get3A_1209, %get3A_1205 : vector<16xf32>
      %mul3A_1218 = arith.mulf %get3A_1213, %get3A_1213 : vector<16xf32>
      %max3A = arith.constant 9.99999997E-7 : f32
      %max3A_1219 = vector.broadcast %max3A : f32 to vector<16xf32>
      %max3A_1220 = arith.maximumf %mul3A_1218, %max3A_1219 : vector<16xf32>
      %mul3A_1221 = arith.mulf %sub3A, %sub3A : vector<16xf32>
      %div3A = arith.divf %mul3A_1221, %max3A_1220 : vector<16xf32>
      %bitcast_convert_type3A = tpu.bitcast %max3A_1220 : vector<16xf32> -> vector<16xi32>
      %convert_element_type3A_1222 = arith.sitofp %bitcast_convert_type3A : vector<16xi32> to vector<16xf32>
      %mul3A_1223 = arith.constant 8.26295832E-8 : f32
      %mul3A_1224 = vector.broadcast %mul3A_1223 : f32 to vector<16xf32>
      %mul3A_1225 = arith.mulf %convert_element_type3A_1222, %mul3A_1224 : vector<16xf32>
      %and3A_1226 = arith.constant 8388607 : i32
      %and3A_1227 = vector.broadcast %and3A_1226 : i32 to vector<16xi32>
      %and3A_1228 = arith.andi %bitcast_convert_type3A, %and3A_1227 : vector<16xi32>
      %or3A = arith.constant 1065353216 : i32
      %or3A_1229 = vector.broadcast %or3A : i32 to vector<16xi32>
      %or3A_1230 = arith.ori %and3A_1228, %or3A_1229 : vector<16xi32>
      %bitcast_convert_type3A_1231 = tpu.bitcast %or3A_1230 : vector<16xi32> -> vector<16xf32>
      %sub3A_1232 = arith.constant 1.000000e+00 : f32
      %sub3A_1233 = vector.broadcast %sub3A_1232 : f32 to vector<16xf32>
      %sub3A_1234 = arith.subf %bitcast_convert_type3A_1231, %sub3A_1233 : vector<16xf32>
      %mul3A_1235 = arith.constant 0.106684729 : f32
      %mul3A_1236 = vector.broadcast %mul3A_1235 : f32 to vector<16xf32>
      %mul3A_1237 = arith.mulf %mul3A_1236, %sub3A_1234 : vector<16xf32>
      %add3A_1238 = arith.constant -0.393535793 : f32
      %add3A_1239 = vector.broadcast %add3A_1238 : f32 to vector<16xf32>
      %add3A_1240 = arith.addf %mul3A_1237, %add3A_1239 : vector<16xf32>
      %mul3A_1241 = arith.mulf %add3A_1240, %sub3A_1234 : vector<16xf32>
      %add3A_1242 = arith.constant 0.286606222 : f32
      %add3A_1243 = vector.broadcast %add3A_1242 : f32 to vector<16xf32>
      %add3A_1244 = arith.addf %mul3A_1241, %add3A_1243 : vector<16xf32>
      %mul3A_1245 = arith.mulf %add3A_1244, %sub3A_1234 : vector<16xf32>
      %add3A_1246 = arith.constant -88.0287704 : f32
      %add3A_1247 = vector.broadcast %add3A_1246 : f32 to vector<16xf32>
      %add3A_1248 = arith.addf %mul3A_1245, %add3A_1247 : vector<16xf32>
      %add3A_1249 = arith.addf %mul3A_1225, %add3A_1248 : vector<16xf32>
      %add3A_1250 = arith.addf %add3A_1249, %div3A : vector<16xf32>
      %mul3A_1251 = arith.mulf %add3A_1250, %convert_element_type3A : vector<16xf32>
      %add3A_1252 = arith.addf %scan3A_1197, %mul3A_1251 : vector<16xf32>
      %add3A_1253 = arith.addf %scan3A_1198, %convert_element_type3A : vector<16xf32>
      scf.yield %add3A_1252, %add3A_1253 : vector<16xf32>, vector<16xf32>
    }
    %scan3A_498 = arith.constant 512 : i32
    %dma_start3A_499 = arith.constant 13 : i32
    %dma_start3A_500 = arith.constant 0 : i32
    %dma_start3A_501 = arith.constant 0 : i32
    %dma_start3A_502 = tpu.memref_slice %arg5[%dma_start3A_499, %dma_start3A_500, %mul3A_2, %dma_start3A_501] : memref<16x1x512x512xi32, #tpu.memory_space<hbm>> -> memref<1x1x16x512xi32, #tpu.memory_space<hbm>>
    %dma_start3A_503 = tpu.memref_squeeze %dma_start3A_502 : memref<1x1x16x512xi32, #tpu.memory_space<hbm>> -> memref<16x512xi32, #tpu.memory_space<hbm>>
    %dma_start3A_504 = arith.constant 0 : i32
    %dma_start3A_505 = tpu.memref_slice %arg5[%dma_start3A_499, %dma_start3A_500, %mul3A_2, %dma_start3A_504] : memref<16x1x512x512xi32, #tpu.memory_space<hbm>> -> memref<1x1x16x512xi32, #tpu.memory_space<hbm>>
    %dma_start3A_506 = tpu.memref_squeeze %dma_start3A_505 : memref<1x1x16x512xi32, #tpu.memory_space<hbm>> -> memref<16x512xi32, #tpu.memory_space<hbm>>
    tpu.enqueue_dma source(%dma_start3A_506 : memref<16x512xi32, #tpu.memory_space<hbm>>) target(%arg15 : memref<16x512xi32, #tpu.memory_space<vmem>>) target_semaphore(%arg21 : memref<!tpu.dma_semaphore, #tpu.memory_space<semaphore_mem>>)
    %dma_start3A_507 = arith.constant 12 : i32
    %dma_start3A_508 = arith.constant 2 : i32
    %dma_start3A_509 = arith.constant 0 : i32
    %dma_start3A_510 = tpu.memref_slice %arg2[%dma_start3A_507, %dma_start3A_508, %mul3A_2, %dma_start3A_509] : memref<16x3x512x512xf32, #tpu.memory_space<hbm>> -> memref<1x1x16x512xf32, #tpu.memory_space<hbm>>
    %dma_start3A_511 = tpu.memref_squeeze %dma_start3A_510 : memref<1x1x16x512xf32, #tpu.memory_space<hbm>> -> memref<16x512xf32, #tpu.memory_space<hbm>>
    %dma_start3A_512 = arith.constant 0 : i32
    %dma_start3A_513 = tpu.memref_slice %arg2[%dma_start3A_507, %dma_start3A_508, %mul3A_2, %dma_start3A_512] : memref<16x3x512x512xf32, #tpu.memory_space<hbm>> -> memref<1x1x16x512xf32, #tpu.memory_space<hbm>>
    %dma_start3A_514 = tpu.memref_squeeze %dma_start3A_513 : memref<1x1x16x512xf32, #tpu.memory_space<hbm>> -> memref<16x512xf32, #tpu.memory_space<hbm>>
    tpu.enqueue_dma source(%dma_start3A_514 : memref<16x512xf32, #tpu.memory_space<hbm>>) target(%arg8 : memref<16x512xf32, #tpu.memory_space<vmem>>) target_semaphore(%arg18 : memref<!tpu.dma_semaphore, #tpu.memory_space<semaphore_mem>>)
    %dma_start3A_515 = arith.constant 12 : i32
    %dma_start3A_516 = arith.constant 2 : i32
    %dma_start3A_517 = arith.constant 0 : i32
    %dma_start3A_518 = tpu.memref_slice %arg3[%dma_start3A_515, %dma_start3A_516, %mul3A_2, %dma_start3A_517] : memref<16x3x512x512xf32, #tpu.memory_space<hbm>> -> memref<1x1x16x512xf32, #tpu.memory_space<hbm>>
    %dma_start3A_519 = tpu.memref_squeeze %dma_start3A_518 : memref<1x1x16x512xf32, #tpu.memory_space<hbm>> -> memref<16x512xf32, #tpu.memory_space<hbm>>
    %dma_start3A_520 = arith.constant 0 : i32
    %dma_start3A_521 = tpu.memref_slice %arg3[%dma_start3A_515, %dma_start3A_516, %mul3A_2, %dma_start3A_520] : memref<16x3x512x512xf32, #tpu.memory_space<hbm>> -> memref<1x1x16x512xf32, #tpu.memory_space<hbm>>
    %dma_start3A_522 = tpu.memref_squeeze %dma_start3A_521 : memref<1x1x16x512xf32, #tpu.memory_space<hbm>> -> memref<16x512xf32, #tpu.memory_space<hbm>>
    tpu.enqueue_dma source(%dma_start3A_522 : memref<16x512xf32, #tpu.memory_space<hbm>>) target(%arg9 : memref<16x512xf32, #tpu.memory_space<vmem>>) target_semaphore(%arg18 : memref<!tpu.dma_semaphore, #tpu.memory_space<semaphore_mem>>)
    %dma_start3A_523 = arith.constant 12 : i32
    %dma_start3A_524 = arith.constant 2 : i32
    %dma_start3A_525 = arith.constant 0 : i32
    %dma_start3A_526 = tpu.memref_slice %arg4[%dma_start3A_523, %dma_start3A_524, %mul3A_2, %dma_start3A_525] : memref<16x3x512x512xf32, #tpu.memory_space<hbm>> -> memref<1x1x16x512xf32, #tpu.memory_space<hbm>>
    %dma_start3A_527 = tpu.memref_squeeze %dma_start3A_526 : memref<1x1x16x512xf32, #tpu.memory_space<hbm>> -> memref<16x512xf32, #tpu.memory_space<hbm>>
    %dma_start3A_528 = arith.constant 0 : i32
    %dma_start3A_529 = tpu.memref_slice %arg4[%dma_start3A_523, %dma_start3A_524, %mul3A_2, %dma_start3A_528] : memref<16x3x512x512xf32, #tpu.memory_space<hbm>> -> memref<1x1x16x512xf32, #tpu.memory_space<hbm>>
    %dma_start3A_530 = tpu.memref_squeeze %dma_start3A_529 : memref<1x1x16x512xf32, #tpu.memory_space<hbm>> -> memref<16x512xf32, #tpu.memory_space<hbm>>
    tpu.enqueue_dma source(%dma_start3A_530 : memref<16x512xf32, #tpu.memory_space<hbm>>) target(%arg10 : memref<16x512xf32, #tpu.memory_space<vmem>>) target_semaphore(%arg18 : memref<!tpu.dma_semaphore, #tpu.memory_space<semaphore_mem>>)
    %dma_wait3A_531 = arith.constant 0 : i32
    %dma_wait3A_532 = arith.constant 0 : i32
    %dma_wait3A_533 = arith.constant 0 : i32
    %dma_wait3A_534 = arith.constant 0 : i32
    %dma_wait3A_535 = tpu.memref_slice %arg2[%dma_wait3A_531, %dma_wait3A_532, %dma_wait3A_533, %dma_wait3A_534] : memref<16x3x512x512xf32, #tpu.memory_space<hbm>> -> memref<1x1x16x512xf32, #tpu.memory_space<hbm>>
    %dma_wait3A_536 = tpu.memref_squeeze %dma_wait3A_535 : memref<1x1x16x512xf32, #tpu.memory_space<hbm>> -> memref<16x512xf32, #tpu.memory_space<hbm>>
    %dma_wait3A_537 = arith.constant 0 : i32
    %dma_wait3A_538 = arith.constant 0 : i32
    %dma_wait3A_539 = tpu.memref_slice %arg2[%dma_wait3A_531, %dma_wait3A_532, %dma_wait3A_537, %dma_wait3A_538] : memref<16x3x512x512xf32, #tpu.memory_space<hbm>> -> memref<1x1x16x512xf32, #tpu.memory_space<hbm>>
    %dma_wait3A_540 = tpu.memref_squeeze %dma_wait3A_539 : memref<1x1x16x512xf32, #tpu.memory_space<hbm>> -> memref<16x512xf32, #tpu.memory_space<hbm>>
    tpu.wait_dma2 semaphore(%arg19 : memref<!tpu.dma_semaphore, #tpu.memory_space<semaphore_mem>>) src(%dma_wait3A_540 : memref<16x512xf32, #tpu.memory_space<hbm>>) dst(%arg11 : memref<16x512xf32, #tpu.memory_space<vmem>>)
    %dma_wait3A_541 = arith.constant 0 : i32
    %dma_wait3A_542 = arith.constant 0 : i32
    %dma_wait3A_543 = arith.constant 0 : i32
    %dma_wait3A_544 = arith.constant 0 : i32
    %dma_wait3A_545 = tpu.memref_slice %arg2[%dma_wait3A_541, %dma_wait3A_542, %dma_wait3A_543, %dma_wait3A_544] : memref<16x3x512x512xf32, #tpu.memory_space<hbm>> -> memref<1x1x16x512xf32, #tpu.memory_space<hbm>>
    %dma_wait3A_546 = tpu.memref_squeeze %dma_wait3A_545 : memref<1x1x16x512xf32, #tpu.memory_space<hbm>> -> memref<16x512xf32, #tpu.memory_space<hbm>>
    %dma_wait3A_547 = arith.constant 0 : i32
    %dma_wait3A_548 = arith.constant 0 : i32
    %dma_wait3A_549 = tpu.memref_slice %arg2[%dma_wait3A_541, %dma_wait3A_542, %dma_wait3A_547, %dma_wait3A_548] : memref<16x3x512x512xf32, #tpu.memory_space<hbm>> -> memref<1x1x16x512xf32, #tpu.memory_space<hbm>>
    %dma_wait3A_550 = tpu.memref_squeeze %dma_wait3A_549 : memref<1x1x16x512xf32, #tpu.memory_space<hbm>> -> memref<16x512xf32, #tpu.memory_space<hbm>>
    tpu.wait_dma2 semaphore(%arg19 : memref<!tpu.dma_semaphore, #tpu.memory_space<semaphore_mem>>) src(%dma_wait3A_550 : memref<16x512xf32, #tpu.memory_space<hbm>>) dst(%arg12 : memref<16x512xf32, #tpu.memory_space<vmem>>)
    %dma_wait3A_551 = arith.constant 0 : i32
    %dma_wait3A_552 = arith.constant 0 : i32
    %dma_wait3A_553 = arith.constant 0 : i32
    %dma_wait3A_554 = arith.constant 0 : i32
    %dma_wait3A_555 = tpu.memref_slice %arg2[%dma_wait3A_551, %dma_wait3A_552, %dma_wait3A_553, %dma_wait3A_554] : memref<16x3x512x512xf32, #tpu.memory_space<hbm>> -> memref<1x1x16x512xf32, #tpu.memory_space<hbm>>
    %dma_wait3A_556 = tpu.memref_squeeze %dma_wait3A_555 : memref<1x1x16x512xf32, #tpu.memory_space<hbm>> -> memref<16x512xf32, #tpu.memory_space<hbm>>
    %dma_wait3A_557 = arith.constant 0 : i32
    %dma_wait3A_558 = arith.constant 0 : i32
    %dma_wait3A_559 = tpu.memref_slice %arg2[%dma_wait3A_551, %dma_wait3A_552, %dma_wait3A_557, %dma_wait3A_558] : memref<16x3x512x512xf32, #tpu.memory_space<hbm>> -> memref<1x1x16x512xf32, #tpu.memory_space<hbm>>
    %dma_wait3A_560 = tpu.memref_squeeze %dma_wait3A_559 : memref<1x1x16x512xf32, #tpu.memory_space<hbm>> -> memref<16x512xf32, #tpu.memory_space<hbm>>
    tpu.wait_dma2 semaphore(%arg19 : memref<!tpu.dma_semaphore, #tpu.memory_space<semaphore_mem>>) src(%dma_wait3A_560 : memref<16x512xf32, #tpu.memory_space<hbm>>) dst(%arg13 : memref<16x512xf32, #tpu.memory_space<vmem>>)
    %scan3A_561 = arith.constant 0 : i32
    %scan3A_562 = arith.constant 512 : i32
    %scan3A_563 = arith.addi %scan3A_561, %scan3A_562 : i32
    %scan3A_564 = arith.constant 1 : i32
    %scan3A_565 = scf.for %scan3A_1196 = %scan3A_561 to %scan3A_563 step %scan3A_564 iter_args(%scan3A_1197 = %scan3A_497#0) -> (vector<16xf32>)  : i32 {
      %shift_right_arithmetic3A = arith.constant 5 : i32
      %shift_right_arithmetic3A_1198 = arith.shrsi %scan3A_1196, %shift_right_arithmetic3A : i32
      %and3A = arith.constant 31 : i32
      %and3A_1199 = arith.andi %scan3A_1196, %and3A : i32
      %mul3A_1200 = arith.constant 16 : i32
      %mul3A_1201 = arith.muli %and3A_1199, %mul3A_1200 : i32
      %get3A = arith.index_cast %shift_right_arithmetic3A_1198 : i32 to index
      %get3A_1202 = arith.index_cast %mul3A_1201 : i32 to index
      %get3A_1203 = tpu.vector_load %arg11[%get3A, %get3A_1202] {strides = array<i32>} : memref<16x512xf32, #tpu.memory_space<vmem>>, vector<1x16xf32>,
      %get3A_1204 = vector.shape_cast %get3A_1203 : vector<1x16xf32> to vector<16xf32>
      %get3A_1205 = arith.index_cast %shift_right_arithmetic3A_1198 : i32 to index
      %get3A_1206 = arith.index_cast %mul3A_1201 : i32 to index
      %get3A_1207 = tpu.vector_load %arg12[%get3A_1205, %get3A_1206] {strides = array<i32>} : memref<16x512xf32, #tpu.memory_space<vmem>>, vector<1x16xf32>,
      %get3A_1208 = vector.shape_cast %get3A_1207 : vector<1x16xf32> to vector<16xf32>
      %get3A_1209 = arith.index_cast %shift_right_arithmetic3A_1198 : i32 to index
      %get3A_1210 = arith.index_cast %mul3A_1201 : i32 to index
      %get3A_1211 = tpu.vector_load %arg13[%get3A_1209, %get3A_1210] {strides = array<i32>} : memref<16x512xf32, #tpu.memory_space<vmem>>, vector<1x16xf32>,
      %get3A_1212 = vector.shape_cast %get3A_1211 : vector<1x16xf32> to vector<16xf32>
      %get3A_1213 = arith.index_cast %shift_right_arithmetic3A_1198 : i32 to index
      %get3A_1214 = arith.index_cast %mul3A_1201 : i32 to index
      %get3A_1215 = tpu.vector_load %arg14[%get3A_1213, %get3A_1214] {strides = array<i32>} : memref<16x512xi32, #tpu.memory_space<vmem>>, vector<1x16xi32>,
      %get3A_1216 = vector.shape_cast %get3A_1215 : vector<1x16xi32> to vector<16xi32>
      %convert_element_type3A = arith.sitofp %get3A_1216 : vector<16xi32> to vector<16xf32>
      %sub3A = arith.subf %get3A_1208, %get3A_1204 : vector<16xf32>
      %mul3A_1217 = arith.mulf %get3A_1212, %get3A_1212 : vector<16xf32>
      %max3A = arith.constant 9.99999997E-7 : f32
      %max3A_1218 = vector.broadcast %max3A : f32 to vector<16xf32>
      %max3A_1219 = arith.maximumf %mul3A_1217, %max3A_1218 : vector<16xf32>
      %mul3A_1220 = arith.mulf %sub3A, %sub3A : vector<16xf32>
      %div3A = arith.divf %mul3A_1220, %max3A_1219 : vector<16xf32>
      %bitcast_convert_type3A = tpu.bitcast %max3A_1219 : vector<16xf32> -> vector<16xi32>
      %convert_element_type3A_1221 = arith.sitofp %bitcast_convert_type3A : vector<16xi32> to vector<16xf32>
      %mul3A_1222 = arith.constant 8.26295832E-8 : f32
      %mul3A_1223 = vector.broadcast %mul3A_1222 : f32 to vector<16xf32>
      %mul3A_1224 = arith.mulf %convert_element_type3A_1221, %mul3A_1223 : vector<16xf32>
      %and3A_1225 = arith.constant 8388607 : i32
      %and3A_1226 = vector.broadcast %and3A_1225 : i32 to vector<16xi32>
      %and3A_1227 = arith.andi %bitcast_convert_type3A, %and3A_1226 : vector<16xi32>
      %or3A = arith.constant 1065353216 : i32
      %or3A_1228 = vector.broadcast %or3A : i32 to vector<16xi32>
      %or3A_1229 = arith.ori %and3A_1227, %or3A_1228 : vector<16xi32>
      %bitcast_convert_type3A_1230 = tpu.bitcast %or3A_1229 : vector<16xi32> -> vector<16xf32>
      %sub3A_1231 = arith.constant 1.000000e+00 : f32
      %sub3A_1232 = vector.broadcast %sub3A_1231 : f32 to vector<16xf32>
      %sub3A_1233 = arith.subf %bitcast_convert_type3A_1230, %sub3A_1232 : vector<16xf32>
      %mul3A_1234 = arith.constant 0.106684729 : f32
      %mul3A_1235 = vector.broadcast %mul3A_1234 : f32 to vector<16xf32>
      %mul3A_1236 = arith.mulf %mul3A_1235, %sub3A_1233 : vector<16xf32>
      %add3A_1237 = arith.constant -0.393535793 : f32
      %add3A_1238 = vector.broadcast %add3A_1237 : f32 to vector<16xf32>
      %add3A_1239 = arith.addf %mul3A_1236, %add3A_1238 : vector<16xf32>
      %mul3A_1240 = arith.mulf %add3A_1239, %sub3A_1233 : vector<16xf32>
      %add3A_1241 = arith.constant 0.286606222 : f32
      %add3A_1242 = vector.broadcast %add3A_1241 : f32 to vector<16xf32>
      %add3A_1243 = arith.addf %mul3A_1240, %add3A_1242 : vector<16xf32>
      %mul3A_1244 = arith.mulf %add3A_1243, %sub3A_1233 : vector<16xf32>
      %add3A_1245 = arith.constant -88.0287704 : f32
      %add3A_1246 = vector.broadcast %add3A_1245 : f32 to vector<16xf32>
      %add3A_1247 = arith.addf %mul3A_1244, %add3A_1246 : vector<16xf32>
      %add3A_1248 = arith.addf %mul3A_1224, %add3A_1247 : vector<16xf32>
      %add3A_1249 = arith.addf %add3A_1248, %div3A : vector<16xf32>
      %mul3A_1250 = arith.mulf %add3A_1249, %convert_element_type3A : vector<16xf32>
      %add3A_1251 = arith.addf %scan3A_1197, %mul3A_1250 : vector<16xf32>
      scf.yield %add3A_1251 : vector<16xf32>
    }
    %scan3A_566 = arith.constant 512 : i32
    %dma_start3A_567 = arith.constant 13 : i32
    %dma_start3A_568 = arith.constant 0 : i32
    %dma_start3A_569 = arith.constant 0 : i32
    %dma_start3A_570 = tpu.memref_slice %arg2[%dma_start3A_567, %dma_start3A_568, %mul3A_2, %dma_start3A_569] : memref<16x3x512x512xf32, #tpu.memory_space<hbm>> -> memref<1x1x16x512xf32, #tpu.memory_space<hbm>>
    %dma_start3A_571 = tpu.memref_squeeze %dma_start3A_570 : memref<1x1x16x512xf32, #tpu.memory_space<hbm>> -> memref<16x512xf32, #tpu.memory_space<hbm>>
    %dma_start3A_572 = arith.constant 0 : i32
    %dma_start3A_573 = tpu.memref_slice %arg2[%dma_start3A_567, %dma_start3A_568, %mul3A_2, %dma_start3A_572] : memref<16x3x512x512xf32, #tpu.memory_space<hbm>> -> memref<1x1x16x512xf32, #tpu.memory_space<hbm>>
    %dma_start3A_574 = tpu.memref_squeeze %dma_start3A_573 : memref<1x1x16x512xf32, #tpu.memory_space<hbm>> -> memref<16x512xf32, #tpu.memory_space<hbm>>
    tpu.enqueue_dma source(%dma_start3A_574 : memref<16x512xf32, #tpu.memory_space<hbm>>) target(%arg11 : memref<16x512xf32, #tpu.memory_space<vmem>>) target_semaphore(%arg19 : memref<!tpu.dma_semaphore, #tpu.memory_space<semaphore_mem>>)
    %dma_start3A_575 = arith.constant 13 : i32
    %dma_start3A_576 = arith.constant 0 : i32
    %dma_start3A_577 = arith.constant 0 : i32
    %dma_start3A_578 = tpu.memref_slice %arg3[%dma_start3A_575, %dma_start3A_576, %mul3A_2, %dma_start3A_577] : memref<16x3x512x512xf32, #tpu.memory_space<hbm>> -> memref<1x1x16x512xf32, #tpu.memory_space<hbm>>
    %dma_start3A_579 = tpu.memref_squeeze %dma_start3A_578 : memref<1x1x16x512xf32, #tpu.memory_space<hbm>> -> memref<16x512xf32, #tpu.memory_space<hbm>>
    %dma_start3A_580 = arith.constant 0 : i32
    %dma_start3A_581 = tpu.memref_slice %arg3[%dma_start3A_575, %dma_start3A_576, %mul3A_2, %dma_start3A_580] : memref<16x3x512x512xf32, #tpu.memory_space<hbm>> -> memref<1x1x16x512xf32, #tpu.memory_space<hbm>>
    %dma_start3A_582 = tpu.memref_squeeze %dma_start3A_581 : memref<1x1x16x512xf32, #tpu.memory_space<hbm>> -> memref<16x512xf32, #tpu.memory_space<hbm>>
    tpu.enqueue_dma source(%dma_start3A_582 : memref<16x512xf32, #tpu.memory_space<hbm>>) target(%arg12 : memref<16x512xf32, #tpu.memory_space<vmem>>) target_semaphore(%arg19 : memref<!tpu.dma_semaphore, #tpu.memory_space<semaphore_mem>>)
    %dma_start3A_583 = arith.constant 13 : i32
    %dma_start3A_584 = arith.constant 0 : i32
    %dma_start3A_585 = arith.constant 0 : i32
    %dma_start3A_586 = tpu.memref_slice %arg4[%dma_start3A_583, %dma_start3A_584, %mul3A_2, %dma_start3A_585] : memref<16x3x512x512xf32, #tpu.memory_space<hbm>> -> memref<1x1x16x512xf32, #tpu.memory_space<hbm>>
    %dma_start3A_587 = tpu.memref_squeeze %dma_start3A_586 : memref<1x1x16x512xf32, #tpu.memory_space<hbm>> -> memref<16x512xf32, #tpu.memory_space<hbm>>
    %dma_start3A_588 = arith.constant 0 : i32
    %dma_start3A_589 = tpu.memref_slice %arg4[%dma_start3A_583, %dma_start3A_584, %mul3A_2, %dma_start3A_588] : memref<16x3x512x512xf32, #tpu.memory_space<hbm>> -> memref<1x1x16x512xf32, #tpu.memory_space<hbm>>
    %dma_start3A_590 = tpu.memref_squeeze %dma_start3A_589 : memref<1x1x16x512xf32, #tpu.memory_space<hbm>> -> memref<16x512xf32, #tpu.memory_space<hbm>>
    tpu.enqueue_dma source(%dma_start3A_590 : memref<16x512xf32, #tpu.memory_space<hbm>>) target(%arg13 : memref<16x512xf32, #tpu.memory_space<vmem>>) target_semaphore(%arg19 : memref<!tpu.dma_semaphore, #tpu.memory_space<semaphore_mem>>)
    %dma_wait3A_591 = arith.constant 0 : i32
    %dma_wait3A_592 = arith.constant 0 : i32
    %dma_wait3A_593 = arith.constant 0 : i32
    %dma_wait3A_594 = arith.constant 0 : i32
    %dma_wait3A_595 = tpu.memref_slice %arg2[%dma_wait3A_591, %dma_wait3A_592, %dma_wait3A_593, %dma_wait3A_594] : memref<16x3x512x512xf32, #tpu.memory_space<hbm>> -> memref<1x1x16x512xf32, #tpu.memory_space<hbm>>
    %dma_wait3A_596 = tpu.memref_squeeze %dma_wait3A_595 : memref<1x1x16x512xf32, #tpu.memory_space<hbm>> -> memref<16x512xf32, #tpu.memory_space<hbm>>
    %dma_wait3A_597 = arith.constant 0 : i32
    %dma_wait3A_598 = arith.constant 0 : i32
    %dma_wait3A_599 = tpu.memref_slice %arg2[%dma_wait3A_591, %dma_wait3A_592, %dma_wait3A_597, %dma_wait3A_598] : memref<16x3x512x512xf32, #tpu.memory_space<hbm>> -> memref<1x1x16x512xf32, #tpu.memory_space<hbm>>
    %dma_wait3A_600 = tpu.memref_squeeze %dma_wait3A_599 : memref<1x1x16x512xf32, #tpu.memory_space<hbm>> -> memref<16x512xf32, #tpu.memory_space<hbm>>
    tpu.wait_dma2 semaphore(%arg18 : memref<!tpu.dma_semaphore, #tpu.memory_space<semaphore_mem>>) src(%dma_wait3A_600 : memref<16x512xf32, #tpu.memory_space<hbm>>) dst(%arg8 : memref<16x512xf32, #tpu.memory_space<vmem>>)
    %dma_wait3A_601 = arith.constant 0 : i32
    %dma_wait3A_602 = arith.constant 0 : i32
    %dma_wait3A_603 = arith.constant 0 : i32
    %dma_wait3A_604 = arith.constant 0 : i32
    %dma_wait3A_605 = tpu.memref_slice %arg2[%dma_wait3A_601, %dma_wait3A_602, %dma_wait3A_603, %dma_wait3A_604] : memref<16x3x512x512xf32, #tpu.memory_space<hbm>> -> memref<1x1x16x512xf32, #tpu.memory_space<hbm>>
    %dma_wait3A_606 = tpu.memref_squeeze %dma_wait3A_605 : memref<1x1x16x512xf32, #tpu.memory_space<hbm>> -> memref<16x512xf32, #tpu.memory_space<hbm>>
    %dma_wait3A_607 = arith.constant 0 : i32
    %dma_wait3A_608 = arith.constant 0 : i32
    %dma_wait3A_609 = tpu.memref_slice %arg2[%dma_wait3A_601, %dma_wait3A_602, %dma_wait3A_607, %dma_wait3A_608] : memref<16x3x512x512xf32, #tpu.memory_space<hbm>> -> memref<1x1x16x512xf32, #tpu.memory_space<hbm>>
    %dma_wait3A_610 = tpu.memref_squeeze %dma_wait3A_609 : memref<1x1x16x512xf32, #tpu.memory_space<hbm>> -> memref<16x512xf32, #tpu.memory_space<hbm>>
    tpu.wait_dma2 semaphore(%arg18 : memref<!tpu.dma_semaphore, #tpu.memory_space<semaphore_mem>>) src(%dma_wait3A_610 : memref<16x512xf32, #tpu.memory_space<hbm>>) dst(%arg9 : memref<16x512xf32, #tpu.memory_space<vmem>>)
    %dma_wait3A_611 = arith.constant 0 : i32
    %dma_wait3A_612 = arith.constant 0 : i32
    %dma_wait3A_613 = arith.constant 0 : i32
    %dma_wait3A_614 = arith.constant 0 : i32
    %dma_wait3A_615 = tpu.memref_slice %arg2[%dma_wait3A_611, %dma_wait3A_612, %dma_wait3A_613, %dma_wait3A_614] : memref<16x3x512x512xf32, #tpu.memory_space<hbm>> -> memref<1x1x16x512xf32, #tpu.memory_space<hbm>>
    %dma_wait3A_616 = tpu.memref_squeeze %dma_wait3A_615 : memref<1x1x16x512xf32, #tpu.memory_space<hbm>> -> memref<16x512xf32, #tpu.memory_space<hbm>>
    %dma_wait3A_617 = arith.constant 0 : i32
    %dma_wait3A_618 = arith.constant 0 : i32
    %dma_wait3A_619 = tpu.memref_slice %arg2[%dma_wait3A_611, %dma_wait3A_612, %dma_wait3A_617, %dma_wait3A_618] : memref<16x3x512x512xf32, #tpu.memory_space<hbm>> -> memref<1x1x16x512xf32, #tpu.memory_space<hbm>>
    %dma_wait3A_620 = tpu.memref_squeeze %dma_wait3A_619 : memref<1x1x16x512xf32, #tpu.memory_space<hbm>> -> memref<16x512xf32, #tpu.memory_space<hbm>>
    tpu.wait_dma2 semaphore(%arg18 : memref<!tpu.dma_semaphore, #tpu.memory_space<semaphore_mem>>) src(%dma_wait3A_620 : memref<16x512xf32, #tpu.memory_space<hbm>>) dst(%arg10 : memref<16x512xf32, #tpu.memory_space<vmem>>)
    %scan3A_621 = arith.constant 0 : i32
    %scan3A_622 = arith.constant 512 : i32
    %scan3A_623 = arith.addi %scan3A_621, %scan3A_622 : i32
    %scan3A_624 = arith.constant 1 : i32
    %scan3A_625 = scf.for %scan3A_1196 = %scan3A_621 to %scan3A_623 step %scan3A_624 iter_args(%scan3A_1197 = %scan3A_565) -> (vector<16xf32>)  : i32 {
      %shift_right_arithmetic3A = arith.constant 5 : i32
      %shift_right_arithmetic3A_1198 = arith.shrsi %scan3A_1196, %shift_right_arithmetic3A : i32
      %and3A = arith.constant 31 : i32
      %and3A_1199 = arith.andi %scan3A_1196, %and3A : i32
      %mul3A_1200 = arith.constant 16 : i32
      %mul3A_1201 = arith.muli %and3A_1199, %mul3A_1200 : i32
      %get3A = arith.index_cast %shift_right_arithmetic3A_1198 : i32 to index
      %get3A_1202 = arith.index_cast %mul3A_1201 : i32 to index
      %get3A_1203 = tpu.vector_load %arg8[%get3A, %get3A_1202] {strides = array<i32>} : memref<16x512xf32, #tpu.memory_space<vmem>>, vector<1x16xf32>,
      %get3A_1204 = vector.shape_cast %get3A_1203 : vector<1x16xf32> to vector<16xf32>
      %get3A_1205 = arith.index_cast %shift_right_arithmetic3A_1198 : i32 to index
      %get3A_1206 = arith.index_cast %mul3A_1201 : i32 to index
      %get3A_1207 = tpu.vector_load %arg9[%get3A_1205, %get3A_1206] {strides = array<i32>} : memref<16x512xf32, #tpu.memory_space<vmem>>, vector<1x16xf32>,
      %get3A_1208 = vector.shape_cast %get3A_1207 : vector<1x16xf32> to vector<16xf32>
      %get3A_1209 = arith.index_cast %shift_right_arithmetic3A_1198 : i32 to index
      %get3A_1210 = arith.index_cast %mul3A_1201 : i32 to index
      %get3A_1211 = tpu.vector_load %arg10[%get3A_1209, %get3A_1210] {strides = array<i32>} : memref<16x512xf32, #tpu.memory_space<vmem>>, vector<1x16xf32>,
      %get3A_1212 = vector.shape_cast %get3A_1211 : vector<1x16xf32> to vector<16xf32>
      %get3A_1213 = arith.index_cast %shift_right_arithmetic3A_1198 : i32 to index
      %get3A_1214 = arith.index_cast %mul3A_1201 : i32 to index
      %get3A_1215 = tpu.vector_load %arg14[%get3A_1213, %get3A_1214] {strides = array<i32>} : memref<16x512xi32, #tpu.memory_space<vmem>>, vector<1x16xi32>,
      %get3A_1216 = vector.shape_cast %get3A_1215 : vector<1x16xi32> to vector<16xi32>
      %convert_element_type3A = arith.sitofp %get3A_1216 : vector<16xi32> to vector<16xf32>
      %sub3A = arith.subf %get3A_1208, %get3A_1204 : vector<16xf32>
      %mul3A_1217 = arith.mulf %get3A_1212, %get3A_1212 : vector<16xf32>
      %max3A = arith.constant 9.99999997E-7 : f32
      %max3A_1218 = vector.broadcast %max3A : f32 to vector<16xf32>
      %max3A_1219 = arith.maximumf %mul3A_1217, %max3A_1218 : vector<16xf32>
      %mul3A_1220 = arith.mulf %sub3A, %sub3A : vector<16xf32>
      %div3A = arith.divf %mul3A_1220, %max3A_1219 : vector<16xf32>
      %bitcast_convert_type3A = tpu.bitcast %max3A_1219 : vector<16xf32> -> vector<16xi32>
      %convert_element_type3A_1221 = arith.sitofp %bitcast_convert_type3A : vector<16xi32> to vector<16xf32>
      %mul3A_1222 = arith.constant 8.26295832E-8 : f32
      %mul3A_1223 = vector.broadcast %mul3A_1222 : f32 to vector<16xf32>
      %mul3A_1224 = arith.mulf %convert_element_type3A_1221, %mul3A_1223 : vector<16xf32>
      %and3A_1225 = arith.constant 8388607 : i32
      %and3A_1226 = vector.broadcast %and3A_1225 : i32 to vector<16xi32>
      %and3A_1227 = arith.andi %bitcast_convert_type3A, %and3A_1226 : vector<16xi32>
      %or3A = arith.constant 1065353216 : i32
      %or3A_1228 = vector.broadcast %or3A : i32 to vector<16xi32>
      %or3A_1229 = arith.ori %and3A_1227, %or3A_1228 : vector<16xi32>
      %bitcast_convert_type3A_1230 = tpu.bitcast %or3A_1229 : vector<16xi32> -> vector<16xf32>
      %sub3A_1231 = arith.constant 1.000000e+00 : f32
      %sub3A_1232 = vector.broadcast %sub3A_1231 : f32 to vector<16xf32>
      %sub3A_1233 = arith.subf %bitcast_convert_type3A_1230, %sub3A_1232 : vector<16xf32>
      %mul3A_1234 = arith.constant 0.106684729 : f32
      %mul3A_1235 = vector.broadcast %mul3A_1234 : f32 to vector<16xf32>
      %mul3A_1236 = arith.mulf %mul3A_1235, %sub3A_1233 : vector<16xf32>
      %add3A_1237 = arith.constant -0.393535793 : f32
      %add3A_1238 = vector.broadcast %add3A_1237 : f32 to vector<16xf32>
      %add3A_1239 = arith.addf %mul3A_1236, %add3A_1238 : vector<16xf32>
      %mul3A_1240 = arith.mulf %add3A_1239, %sub3A_1233 : vector<16xf32>
      %add3A_1241 = arith.constant 0.286606222 : f32
      %add3A_1242 = vector.broadcast %add3A_1241 : f32 to vector<16xf32>
      %add3A_1243 = arith.addf %mul3A_1240, %add3A_1242 : vector<16xf32>
      %mul3A_1244 = arith.mulf %add3A_1243, %sub3A_1233 : vector<16xf32>
      %add3A_1245 = arith.constant -88.0287704 : f32
      %add3A_1246 = vector.broadcast %add3A_1245 : f32 to vector<16xf32>
      %add3A_1247 = arith.addf %mul3A_1244, %add3A_1246 : vector<16xf32>
      %add3A_1248 = arith.addf %mul3A_1224, %add3A_1247 : vector<16xf32>
      %add3A_1249 = arith.addf %add3A_1248, %div3A : vector<16xf32>
      %mul3A_1250 = arith.mulf %add3A_1249, %convert_element_type3A : vector<16xf32>
      %add3A_1251 = arith.addf %scan3A_1197, %mul3A_1250 : vector<16xf32>
      scf.yield %add3A_1251 : vector<16xf32>
    }
    %scan3A_626 = arith.constant 512 : i32
    %dma_start3A_627 = arith.constant 13 : i32
    %dma_start3A_628 = arith.constant 1 : i32
    %dma_start3A_629 = arith.constant 0 : i32
    %dma_start3A_630 = tpu.memref_slice %arg2[%dma_start3A_627, %dma_start3A_628, %mul3A_2, %dma_start3A_629] : memref<16x3x512x512xf32, #tpu.memory_space<hbm>> -> memref<1x1x16x512xf32, #tpu.memory_space<hbm>>
    %dma_start3A_631 = tpu.memref_squeeze %dma_start3A_630 : memref<1x1x16x512xf32, #tpu.memory_space<hbm>> -> memref<16x512xf32, #tpu.memory_space<hbm>>
    %dma_start3A_632 = arith.constant 0 : i32
    %dma_start3A_633 = tpu.memref_slice %arg2[%dma_start3A_627, %dma_start3A_628, %mul3A_2, %dma_start3A_632] : memref<16x3x512x512xf32, #tpu.memory_space<hbm>> -> memref<1x1x16x512xf32, #tpu.memory_space<hbm>>
    %dma_start3A_634 = tpu.memref_squeeze %dma_start3A_633 : memref<1x1x16x512xf32, #tpu.memory_space<hbm>> -> memref<16x512xf32, #tpu.memory_space<hbm>>
    tpu.enqueue_dma source(%dma_start3A_634 : memref<16x512xf32, #tpu.memory_space<hbm>>) target(%arg8 : memref<16x512xf32, #tpu.memory_space<vmem>>) target_semaphore(%arg18 : memref<!tpu.dma_semaphore, #tpu.memory_space<semaphore_mem>>)
    %dma_start3A_635 = arith.constant 13 : i32
    %dma_start3A_636 = arith.constant 1 : i32
    %dma_start3A_637 = arith.constant 0 : i32
    %dma_start3A_638 = tpu.memref_slice %arg3[%dma_start3A_635, %dma_start3A_636, %mul3A_2, %dma_start3A_637] : memref<16x3x512x512xf32, #tpu.memory_space<hbm>> -> memref<1x1x16x512xf32, #tpu.memory_space<hbm>>
    %dma_start3A_639 = tpu.memref_squeeze %dma_start3A_638 : memref<1x1x16x512xf32, #tpu.memory_space<hbm>> -> memref<16x512xf32, #tpu.memory_space<hbm>>
    %dma_start3A_640 = arith.constant 0 : i32
    %dma_start3A_641 = tpu.memref_slice %arg3[%dma_start3A_635, %dma_start3A_636, %mul3A_2, %dma_start3A_640] : memref<16x3x512x512xf32, #tpu.memory_space<hbm>> -> memref<1x1x16x512xf32, #tpu.memory_space<hbm>>
    %dma_start3A_642 = tpu.memref_squeeze %dma_start3A_641 : memref<1x1x16x512xf32, #tpu.memory_space<hbm>> -> memref<16x512xf32, #tpu.memory_space<hbm>>
    tpu.enqueue_dma source(%dma_start3A_642 : memref<16x512xf32, #tpu.memory_space<hbm>>) target(%arg9 : memref<16x512xf32, #tpu.memory_space<vmem>>) target_semaphore(%arg18 : memref<!tpu.dma_semaphore, #tpu.memory_space<semaphore_mem>>)
    %dma_start3A_643 = arith.constant 13 : i32
    %dma_start3A_644 = arith.constant 1 : i32
    %dma_start3A_645 = arith.constant 0 : i32
    %dma_start3A_646 = tpu.memref_slice %arg4[%dma_start3A_643, %dma_start3A_644, %mul3A_2, %dma_start3A_645] : memref<16x3x512x512xf32, #tpu.memory_space<hbm>> -> memref<1x1x16x512xf32, #tpu.memory_space<hbm>>
    %dma_start3A_647 = tpu.memref_squeeze %dma_start3A_646 : memref<1x1x16x512xf32, #tpu.memory_space<hbm>> -> memref<16x512xf32, #tpu.memory_space<hbm>>
    %dma_start3A_648 = arith.constant 0 : i32
    %dma_start3A_649 = tpu.memref_slice %arg4[%dma_start3A_643, %dma_start3A_644, %mul3A_2, %dma_start3A_648] : memref<16x3x512x512xf32, #tpu.memory_space<hbm>> -> memref<1x1x16x512xf32, #tpu.memory_space<hbm>>
    %dma_start3A_650 = tpu.memref_squeeze %dma_start3A_649 : memref<1x1x16x512xf32, #tpu.memory_space<hbm>> -> memref<16x512xf32, #tpu.memory_space<hbm>>
    tpu.enqueue_dma source(%dma_start3A_650 : memref<16x512xf32, #tpu.memory_space<hbm>>) target(%arg10 : memref<16x512xf32, #tpu.memory_space<vmem>>) target_semaphore(%arg18 : memref<!tpu.dma_semaphore, #tpu.memory_space<semaphore_mem>>)
    %dma_wait3A_651 = arith.constant 0 : i32
    %dma_wait3A_652 = arith.constant 0 : i32
    %dma_wait3A_653 = arith.constant 0 : i32
    %dma_wait3A_654 = arith.constant 0 : i32
    %dma_wait3A_655 = tpu.memref_slice %arg5[%dma_wait3A_651, %dma_wait3A_652, %dma_wait3A_653, %dma_wait3A_654] : memref<16x1x512x512xi32, #tpu.memory_space<hbm>> -> memref<1x1x16x512xi32, #tpu.memory_space<hbm>>
    %dma_wait3A_656 = tpu.memref_squeeze %dma_wait3A_655 : memref<1x1x16x512xi32, #tpu.memory_space<hbm>> -> memref<16x512xi32, #tpu.memory_space<hbm>>
    %dma_wait3A_657 = arith.constant 0 : i32
    %dma_wait3A_658 = arith.constant 0 : i32
    %dma_wait3A_659 = tpu.memref_slice %arg5[%dma_wait3A_651, %dma_wait3A_652, %dma_wait3A_657, %dma_wait3A_658] : memref<16x1x512x512xi32, #tpu.memory_space<hbm>> -> memref<1x1x16x512xi32, #tpu.memory_space<hbm>>
    %dma_wait3A_660 = tpu.memref_squeeze %dma_wait3A_659 : memref<1x1x16x512xi32, #tpu.memory_space<hbm>> -> memref<16x512xi32, #tpu.memory_space<hbm>>
    tpu.wait_dma2 semaphore(%arg21 : memref<!tpu.dma_semaphore, #tpu.memory_space<semaphore_mem>>) src(%dma_wait3A_660 : memref<16x512xi32, #tpu.memory_space<hbm>>) dst(%arg15 : memref<16x512xi32, #tpu.memory_space<vmem>>)
    %dma_wait3A_661 = arith.constant 0 : i32
    %dma_wait3A_662 = arith.constant 0 : i32
    %dma_wait3A_663 = arith.constant 0 : i32
    %dma_wait3A_664 = arith.constant 0 : i32
    %dma_wait3A_665 = tpu.memref_slice %arg2[%dma_wait3A_661, %dma_wait3A_662, %dma_wait3A_663, %dma_wait3A_664] : memref<16x3x512x512xf32, #tpu.memory_space<hbm>> -> memref<1x1x16x512xf32, #tpu.memory_space<hbm>>
    %dma_wait3A_666 = tpu.memref_squeeze %dma_wait3A_665 : memref<1x1x16x512xf32, #tpu.memory_space<hbm>> -> memref<16x512xf32, #tpu.memory_space<hbm>>
    %dma_wait3A_667 = arith.constant 0 : i32
    %dma_wait3A_668 = arith.constant 0 : i32
    %dma_wait3A_669 = tpu.memref_slice %arg2[%dma_wait3A_661, %dma_wait3A_662, %dma_wait3A_667, %dma_wait3A_668] : memref<16x3x512x512xf32, #tpu.memory_space<hbm>> -> memref<1x1x16x512xf32, #tpu.memory_space<hbm>>
    %dma_wait3A_670 = tpu.memref_squeeze %dma_wait3A_669 : memref<1x1x16x512xf32, #tpu.memory_space<hbm>> -> memref<16x512xf32, #tpu.memory_space<hbm>>
    tpu.wait_dma2 semaphore(%arg19 : memref<!tpu.dma_semaphore, #tpu.memory_space<semaphore_mem>>) src(%dma_wait3A_670 : memref<16x512xf32, #tpu.memory_space<hbm>>) dst(%arg11 : memref<16x512xf32, #tpu.memory_space<vmem>>)
    %dma_wait3A_671 = arith.constant 0 : i32
    %dma_wait3A_672 = arith.constant 0 : i32
    %dma_wait3A_673 = arith.constant 0 : i32
    %dma_wait3A_674 = arith.constant 0 : i32
    %dma_wait3A_675 = tpu.memref_slice %arg2[%dma_wait3A_671, %dma_wait3A_672, %dma_wait3A_673, %dma_wait3A_674] : memref<16x3x512x512xf32, #tpu.memory_space<hbm>> -> memref<1x1x16x512xf32, #tpu.memory_space<hbm>>
    %dma_wait3A_676 = tpu.memref_squeeze %dma_wait3A_675 : memref<1x1x16x512xf32, #tpu.memory_space<hbm>> -> memref<16x512xf32, #tpu.memory_space<hbm>>
    %dma_wait3A_677 = arith.constant 0 : i32
    %dma_wait3A_678 = arith.constant 0 : i32
    %dma_wait3A_679 = tpu.memref_slice %arg2[%dma_wait3A_671, %dma_wait3A_672, %dma_wait3A_677, %dma_wait3A_678] : memref<16x3x512x512xf32, #tpu.memory_space<hbm>> -> memref<1x1x16x512xf32, #tpu.memory_space<hbm>>
    %dma_wait3A_680 = tpu.memref_squeeze %dma_wait3A_679 : memref<1x1x16x512xf32, #tpu.memory_space<hbm>> -> memref<16x512xf32, #tpu.memory_space<hbm>>
    tpu.wait_dma2 semaphore(%arg19 : memref<!tpu.dma_semaphore, #tpu.memory_space<semaphore_mem>>) src(%dma_wait3A_680 : memref<16x512xf32, #tpu.memory_space<hbm>>) dst(%arg12 : memref<16x512xf32, #tpu.memory_space<vmem>>)
    %dma_wait3A_681 = arith.constant 0 : i32
    %dma_wait3A_682 = arith.constant 0 : i32
    %dma_wait3A_683 = arith.constant 0 : i32
    %dma_wait3A_684 = arith.constant 0 : i32
    %dma_wait3A_685 = tpu.memref_slice %arg2[%dma_wait3A_681, %dma_wait3A_682, %dma_wait3A_683, %dma_wait3A_684] : memref<16x3x512x512xf32, #tpu.memory_space<hbm>> -> memref<1x1x16x512xf32, #tpu.memory_space<hbm>>
    %dma_wait3A_686 = tpu.memref_squeeze %dma_wait3A_685 : memref<1x1x16x512xf32, #tpu.memory_space<hbm>> -> memref<16x512xf32, #tpu.memory_space<hbm>>
    %dma_wait3A_687 = arith.constant 0 : i32
    %dma_wait3A_688 = arith.constant 0 : i32
    %dma_wait3A_689 = tpu.memref_slice %arg2[%dma_wait3A_681, %dma_wait3A_682, %dma_wait3A_687, %dma_wait3A_688] : memref<16x3x512x512xf32, #tpu.memory_space<hbm>> -> memref<1x1x16x512xf32, #tpu.memory_space<hbm>>
    %dma_wait3A_690 = tpu.memref_squeeze %dma_wait3A_689 : memref<1x1x16x512xf32, #tpu.memory_space<hbm>> -> memref<16x512xf32, #tpu.memory_space<hbm>>
    tpu.wait_dma2 semaphore(%arg19 : memref<!tpu.dma_semaphore, #tpu.memory_space<semaphore_mem>>) src(%dma_wait3A_690 : memref<16x512xf32, #tpu.memory_space<hbm>>) dst(%arg13 : memref<16x512xf32, #tpu.memory_space<vmem>>)
    %scan3A_691 = arith.constant 0 : i32
    %scan3A_692 = arith.constant 512 : i32
    %scan3A_693 = arith.addi %scan3A_691, %scan3A_692 : i32
    %scan3A_694 = arith.constant 1 : i32
    %scan3A_695:2 = scf.for %scan3A_1196 = %scan3A_691 to %scan3A_693 step %scan3A_694 iter_args(%scan3A_1197 = %scan3A_625, %scan3A_1198 = %scan3A_497#1) -> (vector<16xf32>, vector<16xf32>)  : i32 {
      %shift_right_arithmetic3A = arith.constant 5 : i32
      %shift_right_arithmetic3A_1199 = arith.shrsi %scan3A_1196, %shift_right_arithmetic3A : i32
      %and3A = arith.constant 31 : i32
      %and3A_1200 = arith.andi %scan3A_1196, %and3A : i32
      %mul3A_1201 = arith.constant 16 : i32
      %mul3A_1202 = arith.muli %and3A_1200, %mul3A_1201 : i32
      %get3A = arith.index_cast %shift_right_arithmetic3A_1199 : i32 to index
      %get3A_1203 = arith.index_cast %mul3A_1202 : i32 to index
      %get3A_1204 = tpu.vector_load %arg11[%get3A, %get3A_1203] {strides = array<i32>} : memref<16x512xf32, #tpu.memory_space<vmem>>, vector<1x16xf32>,
      %get3A_1205 = vector.shape_cast %get3A_1204 : vector<1x16xf32> to vector<16xf32>
      %get3A_1206 = arith.index_cast %shift_right_arithmetic3A_1199 : i32 to index
      %get3A_1207 = arith.index_cast %mul3A_1202 : i32 to index
      %get3A_1208 = tpu.vector_load %arg12[%get3A_1206, %get3A_1207] {strides = array<i32>} : memref<16x512xf32, #tpu.memory_space<vmem>>, vector<1x16xf32>,
      %get3A_1209 = vector.shape_cast %get3A_1208 : vector<1x16xf32> to vector<16xf32>
      %get3A_1210 = arith.index_cast %shift_right_arithmetic3A_1199 : i32 to index
      %get3A_1211 = arith.index_cast %mul3A_1202 : i32 to index
      %get3A_1212 = tpu.vector_load %arg13[%get3A_1210, %get3A_1211] {strides = array<i32>} : memref<16x512xf32, #tpu.memory_space<vmem>>, vector<1x16xf32>,
      %get3A_1213 = vector.shape_cast %get3A_1212 : vector<1x16xf32> to vector<16xf32>
      %get3A_1214 = arith.index_cast %shift_right_arithmetic3A_1199 : i32 to index
      %get3A_1215 = arith.index_cast %mul3A_1202 : i32 to index
      %get3A_1216 = tpu.vector_load %arg15[%get3A_1214, %get3A_1215] {strides = array<i32>} : memref<16x512xi32, #tpu.memory_space<vmem>>, vector<1x16xi32>,
      %get3A_1217 = vector.shape_cast %get3A_1216 : vector<1x16xi32> to vector<16xi32>
      %convert_element_type3A = arith.sitofp %get3A_1217 : vector<16xi32> to vector<16xf32>
      %sub3A = arith.subf %get3A_1209, %get3A_1205 : vector<16xf32>
      %mul3A_1218 = arith.mulf %get3A_1213, %get3A_1213 : vector<16xf32>
      %max3A = arith.constant 9.99999997E-7 : f32
      %max3A_1219 = vector.broadcast %max3A : f32 to vector<16xf32>
      %max3A_1220 = arith.maximumf %mul3A_1218, %max3A_1219 : vector<16xf32>
      %mul3A_1221 = arith.mulf %sub3A, %sub3A : vector<16xf32>
      %div3A = arith.divf %mul3A_1221, %max3A_1220 : vector<16xf32>
      %bitcast_convert_type3A = tpu.bitcast %max3A_1220 : vector<16xf32> -> vector<16xi32>
      %convert_element_type3A_1222 = arith.sitofp %bitcast_convert_type3A : vector<16xi32> to vector<16xf32>
      %mul3A_1223 = arith.constant 8.26295832E-8 : f32
      %mul3A_1224 = vector.broadcast %mul3A_1223 : f32 to vector<16xf32>
      %mul3A_1225 = arith.mulf %convert_element_type3A_1222, %mul3A_1224 : vector<16xf32>
      %and3A_1226 = arith.constant 8388607 : i32
      %and3A_1227 = vector.broadcast %and3A_1226 : i32 to vector<16xi32>
      %and3A_1228 = arith.andi %bitcast_convert_type3A, %and3A_1227 : vector<16xi32>
      %or3A = arith.constant 1065353216 : i32
      %or3A_1229 = vector.broadcast %or3A : i32 to vector<16xi32>
      %or3A_1230 = arith.ori %and3A_1228, %or3A_1229 : vector<16xi32>
      %bitcast_convert_type3A_1231 = tpu.bitcast %or3A_1230 : vector<16xi32> -> vector<16xf32>
      %sub3A_1232 = arith.constant 1.000000e+00 : f32
      %sub3A_1233 = vector.broadcast %sub3A_1232 : f32 to vector<16xf32>
      %sub3A_1234 = arith.subf %bitcast_convert_type3A_1231, %sub3A_1233 : vector<16xf32>
      %mul3A_1235 = arith.constant 0.106684729 : f32
      %mul3A_1236 = vector.broadcast %mul3A_1235 : f32 to vector<16xf32>
      %mul3A_1237 = arith.mulf %mul3A_1236, %sub3A_1234 : vector<16xf32>
      %add3A_1238 = arith.constant -0.393535793 : f32
      %add3A_1239 = vector.broadcast %add3A_1238 : f32 to vector<16xf32>
      %add3A_1240 = arith.addf %mul3A_1237, %add3A_1239 : vector<16xf32>
      %mul3A_1241 = arith.mulf %add3A_1240, %sub3A_1234 : vector<16xf32>
      %add3A_1242 = arith.constant 0.286606222 : f32
      %add3A_1243 = vector.broadcast %add3A_1242 : f32 to vector<16xf32>
      %add3A_1244 = arith.addf %mul3A_1241, %add3A_1243 : vector<16xf32>
      %mul3A_1245 = arith.mulf %add3A_1244, %sub3A_1234 : vector<16xf32>
      %add3A_1246 = arith.constant -88.0287704 : f32
      %add3A_1247 = vector.broadcast %add3A_1246 : f32 to vector<16xf32>
      %add3A_1248 = arith.addf %mul3A_1245, %add3A_1247 : vector<16xf32>
      %add3A_1249 = arith.addf %mul3A_1225, %add3A_1248 : vector<16xf32>
      %add3A_1250 = arith.addf %add3A_1249, %div3A : vector<16xf32>
      %mul3A_1251 = arith.mulf %add3A_1250, %convert_element_type3A : vector<16xf32>
      %add3A_1252 = arith.addf %scan3A_1197, %mul3A_1251 : vector<16xf32>
      %add3A_1253 = arith.addf %scan3A_1198, %convert_element_type3A : vector<16xf32>
      scf.yield %add3A_1252, %add3A_1253 : vector<16xf32>, vector<16xf32>
    }
    %scan3A_696 = arith.constant 512 : i32
    %dma_start3A_697 = arith.constant 14 : i32
    %dma_start3A_698 = arith.constant 0 : i32
    %dma_start3A_699 = arith.constant 0 : i32
    %dma_start3A_700 = tpu.memref_slice %arg5[%dma_start3A_697, %dma_start3A_698, %mul3A_2, %dma_start3A_699] : memref<16x1x512x512xi32, #tpu.memory_space<hbm>> -> memref<1x1x16x512xi32, #tpu.memory_space<hbm>>
    %dma_start3A_701 = tpu.memref_squeeze %dma_start3A_700 : memref<1x1x16x512xi32, #tpu.memory_space<hbm>> -> memref<16x512xi32, #tpu.memory_space<hbm>>
    %dma_start3A_702 = arith.constant 0 : i32
    %dma_start3A_703 = tpu.memref_slice %arg5[%dma_start3A_697, %dma_start3A_698, %mul3A_2, %dma_start3A_702] : memref<16x1x512x512xi32, #tpu.memory_space<hbm>> -> memref<1x1x16x512xi32, #tpu.memory_space<hbm>>
    %dma_start3A_704 = tpu.memref_squeeze %dma_start3A_703 : memref<1x1x16x512xi32, #tpu.memory_space<hbm>> -> memref<16x512xi32, #tpu.memory_space<hbm>>
    tpu.enqueue_dma source(%dma_start3A_704 : memref<16x512xi32, #tpu.memory_space<hbm>>) target(%arg14 : memref<16x512xi32, #tpu.memory_space<vmem>>) target_semaphore(%arg20 : memref<!tpu.dma_semaphore, #tpu.memory_space<semaphore_mem>>)
    %dma_start3A_705 = arith.constant 13 : i32
    %dma_start3A_706 = arith.constant 2 : i32
    %dma_start3A_707 = arith.constant 0 : i32
    %dma_start3A_708 = tpu.memref_slice %arg2[%dma_start3A_705, %dma_start3A_706, %mul3A_2, %dma_start3A_707] : memref<16x3x512x512xf32, #tpu.memory_space<hbm>> -> memref<1x1x16x512xf32, #tpu.memory_space<hbm>>
    %dma_start3A_709 = tpu.memref_squeeze %dma_start3A_708 : memref<1x1x16x512xf32, #tpu.memory_space<hbm>> -> memref<16x512xf32, #tpu.memory_space<hbm>>
    %dma_start3A_710 = arith.constant 0 : i32
    %dma_start3A_711 = tpu.memref_slice %arg2[%dma_start3A_705, %dma_start3A_706, %mul3A_2, %dma_start3A_710] : memref<16x3x512x512xf32, #tpu.memory_space<hbm>> -> memref<1x1x16x512xf32, #tpu.memory_space<hbm>>
    %dma_start3A_712 = tpu.memref_squeeze %dma_start3A_711 : memref<1x1x16x512xf32, #tpu.memory_space<hbm>> -> memref<16x512xf32, #tpu.memory_space<hbm>>
    tpu.enqueue_dma source(%dma_start3A_712 : memref<16x512xf32, #tpu.memory_space<hbm>>) target(%arg11 : memref<16x512xf32, #tpu.memory_space<vmem>>) target_semaphore(%arg19 : memref<!tpu.dma_semaphore, #tpu.memory_space<semaphore_mem>>)
    %dma_start3A_713 = arith.constant 13 : i32
    %dma_start3A_714 = arith.constant 2 : i32
    %dma_start3A_715 = arith.constant 0 : i32
    %dma_start3A_716 = tpu.memref_slice %arg3[%dma_start3A_713, %dma_start3A_714, %mul3A_2, %dma_start3A_715] : memref<16x3x512x512xf32, #tpu.memory_space<hbm>> -> memref<1x1x16x512xf32, #tpu.memory_space<hbm>>
    %dma_start3A_717 = tpu.memref_squeeze %dma_start3A_716 : memref<1x1x16x512xf32, #tpu.memory_space<hbm>> -> memref<16x512xf32, #tpu.memory_space<hbm>>
    %dma_start3A_718 = arith.constant 0 : i32
    %dma_start3A_719 = tpu.memref_slice %arg3[%dma_start3A_713, %dma_start3A_714, %mul3A_2, %dma_start3A_718] : memref<16x3x512x512xf32, #tpu.memory_space<hbm>> -> memref<1x1x16x512xf32, #tpu.memory_space<hbm>>
    %dma_start3A_720 = tpu.memref_squeeze %dma_start3A_719 : memref<1x1x16x512xf32, #tpu.memory_space<hbm>> -> memref<16x512xf32, #tpu.memory_space<hbm>>
    tpu.enqueue_dma source(%dma_start3A_720 : memref<16x512xf32, #tpu.memory_space<hbm>>) target(%arg12 : memref<16x512xf32, #tpu.memory_space<vmem>>) target_semaphore(%arg19 : memref<!tpu.dma_semaphore, #tpu.memory_space<semaphore_mem>>)
    %dma_start3A_721 = arith.constant 13 : i32
    %dma_start3A_722 = arith.constant 2 : i32
    %dma_start3A_723 = arith.constant 0 : i32
    %dma_start3A_724 = tpu.memref_slice %arg4[%dma_start3A_721, %dma_start3A_722, %mul3A_2, %dma_start3A_723] : memref<16x3x512x512xf32, #tpu.memory_space<hbm>> -> memref<1x1x16x512xf32, #tpu.memory_space<hbm>>
    %dma_start3A_725 = tpu.memref_squeeze %dma_start3A_724 : memref<1x1x16x512xf32, #tpu.memory_space<hbm>> -> memref<16x512xf32, #tpu.memory_space<hbm>>
    %dma_start3A_726 = arith.constant 0 : i32
    %dma_start3A_727 = tpu.memref_slice %arg4[%dma_start3A_721, %dma_start3A_722, %mul3A_2, %dma_start3A_726] : memref<16x3x512x512xf32, #tpu.memory_space<hbm>> -> memref<1x1x16x512xf32, #tpu.memory_space<hbm>>
    %dma_start3A_728 = tpu.memref_squeeze %dma_start3A_727 : memref<1x1x16x512xf32, #tpu.memory_space<hbm>> -> memref<16x512xf32, #tpu.memory_space<hbm>>
    tpu.enqueue_dma source(%dma_start3A_728 : memref<16x512xf32, #tpu.memory_space<hbm>>) target(%arg13 : memref<16x512xf32, #tpu.memory_space<vmem>>) target_semaphore(%arg19 : memref<!tpu.dma_semaphore, #tpu.memory_space<semaphore_mem>>)
    %dma_wait3A_729 = arith.constant 0 : i32
    %dma_wait3A_730 = arith.constant 0 : i32
    %dma_wait3A_731 = arith.constant 0 : i32
    %dma_wait3A_732 = arith.constant 0 : i32
    %dma_wait3A_733 = tpu.memref_slice %arg2[%dma_wait3A_729, %dma_wait3A_730, %dma_wait3A_731, %dma_wait3A_732] : memref<16x3x512x512xf32, #tpu.memory_space<hbm>> -> memref<1x1x16x512xf32, #tpu.memory_space<hbm>>
    %dma_wait3A_734 = tpu.memref_squeeze %dma_wait3A_733 : memref<1x1x16x512xf32, #tpu.memory_space<hbm>> -> memref<16x512xf32, #tpu.memory_space<hbm>>
    %dma_wait3A_735 = arith.constant 0 : i32
    %dma_wait3A_736 = arith.constant 0 : i32
    %dma_wait3A_737 = tpu.memref_slice %arg2[%dma_wait3A_729, %dma_wait3A_730, %dma_wait3A_735, %dma_wait3A_736] : memref<16x3x512x512xf32, #tpu.memory_space<hbm>> -> memref<1x1x16x512xf32, #tpu.memory_space<hbm>>
    %dma_wait3A_738 = tpu.memref_squeeze %dma_wait3A_737 : memref<1x1x16x512xf32, #tpu.memory_space<hbm>> -> memref<16x512xf32, #tpu.memory_space<hbm>>
    tpu.wait_dma2 semaphore(%arg18 : memref<!tpu.dma_semaphore, #tpu.memory_space<semaphore_mem>>) src(%dma_wait3A_738 : memref<16x512xf32, #tpu.memory_space<hbm>>) dst(%arg8 : memref<16x512xf32, #tpu.memory_space<vmem>>)
    %dma_wait3A_739 = arith.constant 0 : i32
    %dma_wait3A_740 = arith.constant 0 : i32
    %dma_wait3A_741 = arith.constant 0 : i32
    %dma_wait3A_742 = arith.constant 0 : i32
    %dma_wait3A_743 = tpu.memref_slice %arg2[%dma_wait3A_739, %dma_wait3A_740, %dma_wait3A_741, %dma_wait3A_742] : memref<16x3x512x512xf32, #tpu.memory_space<hbm>> -> memref<1x1x16x512xf32, #tpu.memory_space<hbm>>
    %dma_wait3A_744 = tpu.memref_squeeze %dma_wait3A_743 : memref<1x1x16x512xf32, #tpu.memory_space<hbm>> -> memref<16x512xf32, #tpu.memory_space<hbm>>
    %dma_wait3A_745 = arith.constant 0 : i32
    %dma_wait3A_746 = arith.constant 0 : i32
    %dma_wait3A_747 = tpu.memref_slice %arg2[%dma_wait3A_739, %dma_wait3A_740, %dma_wait3A_745, %dma_wait3A_746] : memref<16x3x512x512xf32, #tpu.memory_space<hbm>> -> memref<1x1x16x512xf32, #tpu.memory_space<hbm>>
    %dma_wait3A_748 = tpu.memref_squeeze %dma_wait3A_747 : memref<1x1x16x512xf32, #tpu.memory_space<hbm>> -> memref<16x512xf32, #tpu.memory_space<hbm>>
    tpu.wait_dma2 semaphore(%arg18 : memref<!tpu.dma_semaphore, #tpu.memory_space<semaphore_mem>>) src(%dma_wait3A_748 : memref<16x512xf32, #tpu.memory_space<hbm>>) dst(%arg9 : memref<16x512xf32, #tpu.memory_space<vmem>>)
    %dma_wait3A_749 = arith.constant 0 : i32
    %dma_wait3A_750 = arith.constant 0 : i32
    %dma_wait3A_751 = arith.constant 0 : i32
    %dma_wait3A_752 = arith.constant 0 : i32
    %dma_wait3A_753 = tpu.memref_slice %arg2[%dma_wait3A_749, %dma_wait3A_750, %dma_wait3A_751, %dma_wait3A_752] : memref<16x3x512x512xf32, #tpu.memory_space<hbm>> -> memref<1x1x16x512xf32, #tpu.memory_space<hbm>>
    %dma_wait3A_754 = tpu.memref_squeeze %dma_wait3A_753 : memref<1x1x16x512xf32, #tpu.memory_space<hbm>> -> memref<16x512xf32, #tpu.memory_space<hbm>>
    %dma_wait3A_755 = arith.constant 0 : i32
    %dma_wait3A_756 = arith.constant 0 : i32
    %dma_wait3A_757 = tpu.memref_slice %arg2[%dma_wait3A_749, %dma_wait3A_750, %dma_wait3A_755, %dma_wait3A_756] : memref<16x3x512x512xf32, #tpu.memory_space<hbm>> -> memref<1x1x16x512xf32, #tpu.memory_space<hbm>>
    %dma_wait3A_758 = tpu.memref_squeeze %dma_wait3A_757 : memref<1x1x16x512xf32, #tpu.memory_space<hbm>> -> memref<16x512xf32, #tpu.memory_space<hbm>>
    tpu.wait_dma2 semaphore(%arg18 : memref<!tpu.dma_semaphore, #tpu.memory_space<semaphore_mem>>) src(%dma_wait3A_758 : memref<16x512xf32, #tpu.memory_space<hbm>>) dst(%arg10 : memref<16x512xf32, #tpu.memory_space<vmem>>)
    %scan3A_759 = arith.constant 0 : i32
    %scan3A_760 = arith.constant 512 : i32
    %scan3A_761 = arith.addi %scan3A_759, %scan3A_760 : i32
    %scan3A_762 = arith.constant 1 : i32
    %scan3A_763 = scf.for %scan3A_1196 = %scan3A_759 to %scan3A_761 step %scan3A_762 iter_args(%scan3A_1197 = %scan3A_695#0) -> (vector<16xf32>)  : i32 {
      %shift_right_arithmetic3A = arith.constant 5 : i32
      %shift_right_arithmetic3A_1198 = arith.shrsi %scan3A_1196, %shift_right_arithmetic3A : i32
      %and3A = arith.constant 31 : i32
      %and3A_1199 = arith.andi %scan3A_1196, %and3A : i32
      %mul3A_1200 = arith.constant 16 : i32
      %mul3A_1201 = arith.muli %and3A_1199, %mul3A_1200 : i32
      %get3A = arith.index_cast %shift_right_arithmetic3A_1198 : i32 to index
      %get3A_1202 = arith.index_cast %mul3A_1201 : i32 to index
      %get3A_1203 = tpu.vector_load %arg8[%get3A, %get3A_1202] {strides = array<i32>} : memref<16x512xf32, #tpu.memory_space<vmem>>, vector<1x16xf32>,
      %get3A_1204 = vector.shape_cast %get3A_1203 : vector<1x16xf32> to vector<16xf32>
      %get3A_1205 = arith.index_cast %shift_right_arithmetic3A_1198 : i32 to index
      %get3A_1206 = arith.index_cast %mul3A_1201 : i32 to index
      %get3A_1207 = tpu.vector_load %arg9[%get3A_1205, %get3A_1206] {strides = array<i32>} : memref<16x512xf32, #tpu.memory_space<vmem>>, vector<1x16xf32>,
      %get3A_1208 = vector.shape_cast %get3A_1207 : vector<1x16xf32> to vector<16xf32>
      %get3A_1209 = arith.index_cast %shift_right_arithmetic3A_1198 : i32 to index
      %get3A_1210 = arith.index_cast %mul3A_1201 : i32 to index
      %get3A_1211 = tpu.vector_load %arg10[%get3A_1209, %get3A_1210] {strides = array<i32>} : memref<16x512xf32, #tpu.memory_space<vmem>>, vector<1x16xf32>,
      %get3A_1212 = vector.shape_cast %get3A_1211 : vector<1x16xf32> to vector<16xf32>
      %get3A_1213 = arith.index_cast %shift_right_arithmetic3A_1198 : i32 to index
      %get3A_1214 = arith.index_cast %mul3A_1201 : i32 to index
      %get3A_1215 = tpu.vector_load %arg15[%get3A_1213, %get3A_1214] {strides = array<i32>} : memref<16x512xi32, #tpu.memory_space<vmem>>, vector<1x16xi32>,
      %get3A_1216 = vector.shape_cast %get3A_1215 : vector<1x16xi32> to vector<16xi32>
      %convert_element_type3A = arith.sitofp %get3A_1216 : vector<16xi32> to vector<16xf32>
      %sub3A = arith.subf %get3A_1208, %get3A_1204 : vector<16xf32>
      %mul3A_1217 = arith.mulf %get3A_1212, %get3A_1212 : vector<16xf32>
      %max3A = arith.constant 9.99999997E-7 : f32
      %max3A_1218 = vector.broadcast %max3A : f32 to vector<16xf32>
      %max3A_1219 = arith.maximumf %mul3A_1217, %max3A_1218 : vector<16xf32>
      %mul3A_1220 = arith.mulf %sub3A, %sub3A : vector<16xf32>
      %div3A = arith.divf %mul3A_1220, %max3A_1219 : vector<16xf32>
      %bitcast_convert_type3A = tpu.bitcast %max3A_1219 : vector<16xf32> -> vector<16xi32>
      %convert_element_type3A_1221 = arith.sitofp %bitcast_convert_type3A : vector<16xi32> to vector<16xf32>
      %mul3A_1222 = arith.constant 8.26295832E-8 : f32
      %mul3A_1223 = vector.broadcast %mul3A_1222 : f32 to vector<16xf32>
      %mul3A_1224 = arith.mulf %convert_element_type3A_1221, %mul3A_1223 : vector<16xf32>
      %and3A_1225 = arith.constant 8388607 : i32
      %and3A_1226 = vector.broadcast %and3A_1225 : i32 to vector<16xi32>
      %and3A_1227 = arith.andi %bitcast_convert_type3A, %and3A_1226 : vector<16xi32>
      %or3A = arith.constant 1065353216 : i32
      %or3A_1228 = vector.broadcast %or3A : i32 to vector<16xi32>
      %or3A_1229 = arith.ori %and3A_1227, %or3A_1228 : vector<16xi32>
      %bitcast_convert_type3A_1230 = tpu.bitcast %or3A_1229 : vector<16xi32> -> vector<16xf32>
      %sub3A_1231 = arith.constant 1.000000e+00 : f32
      %sub3A_1232 = vector.broadcast %sub3A_1231 : f32 to vector<16xf32>
      %sub3A_1233 = arith.subf %bitcast_convert_type3A_1230, %sub3A_1232 : vector<16xf32>
      %mul3A_1234 = arith.constant 0.106684729 : f32
      %mul3A_1235 = vector.broadcast %mul3A_1234 : f32 to vector<16xf32>
      %mul3A_1236 = arith.mulf %mul3A_1235, %sub3A_1233 : vector<16xf32>
      %add3A_1237 = arith.constant -0.393535793 : f32
      %add3A_1238 = vector.broadcast %add3A_1237 : f32 to vector<16xf32>
      %add3A_1239 = arith.addf %mul3A_1236, %add3A_1238 : vector<16xf32>
      %mul3A_1240 = arith.mulf %add3A_1239, %sub3A_1233 : vector<16xf32>
      %add3A_1241 = arith.constant 0.286606222 : f32
      %add3A_1242 = vector.broadcast %add3A_1241 : f32 to vector<16xf32>
      %add3A_1243 = arith.addf %mul3A_1240, %add3A_1242 : vector<16xf32>
      %mul3A_1244 = arith.mulf %add3A_1243, %sub3A_1233 : vector<16xf32>
      %add3A_1245 = arith.constant -88.0287704 : f32
      %add3A_1246 = vector.broadcast %add3A_1245 : f32 to vector<16xf32>
      %add3A_1247 = arith.addf %mul3A_1244, %add3A_1246 : vector<16xf32>
      %add3A_1248 = arith.addf %mul3A_1224, %add3A_1247 : vector<16xf32>
      %add3A_1249 = arith.addf %add3A_1248, %div3A : vector<16xf32>
      %mul3A_1250 = arith.mulf %add3A_1249, %convert_element_type3A : vector<16xf32>
      %add3A_1251 = arith.addf %scan3A_1197, %mul3A_1250 : vector<16xf32>
      scf.yield %add3A_1251 : vector<16xf32>
    }
    %scan3A_764 = arith.constant 512 : i32
    %dma_start3A_765 = arith.constant 14 : i32
    %dma_start3A_766 = arith.constant 0 : i32
    %dma_start3A_767 = arith.constant 0 : i32
    %dma_start3A_768 = tpu.memref_slice %arg2[%dma_start3A_765, %dma_start3A_766, %mul3A_2, %dma_start3A_767] : memref<16x3x512x512xf32, #tpu.memory_space<hbm>> -> memref<1x1x16x512xf32, #tpu.memory_space<hbm>>
    %dma_start3A_769 = tpu.memref_squeeze %dma_start3A_768 : memref<1x1x16x512xf32, #tpu.memory_space<hbm>> -> memref<16x512xf32, #tpu.memory_space<hbm>>
    %dma_start3A_770 = arith.constant 0 : i32
    %dma_start3A_771 = tpu.memref_slice %arg2[%dma_start3A_765, %dma_start3A_766, %mul3A_2, %dma_start3A_770] : memref<16x3x512x512xf32, #tpu.memory_space<hbm>> -> memref<1x1x16x512xf32, #tpu.memory_space<hbm>>
    %dma_start3A_772 = tpu.memref_squeeze %dma_start3A_771 : memref<1x1x16x512xf32, #tpu.memory_space<hbm>> -> memref<16x512xf32, #tpu.memory_space<hbm>>
    tpu.enqueue_dma source(%dma_start3A_772 : memref<16x512xf32, #tpu.memory_space<hbm>>) target(%arg8 : memref<16x512xf32, #tpu.memory_space<vmem>>) target_semaphore(%arg18 : memref<!tpu.dma_semaphore, #tpu.memory_space<semaphore_mem>>)
    %dma_start3A_773 = arith.constant 14 : i32
    %dma_start3A_774 = arith.constant 0 : i32
    %dma_start3A_775 = arith.constant 0 : i32
    %dma_start3A_776 = tpu.memref_slice %arg3[%dma_start3A_773, %dma_start3A_774, %mul3A_2, %dma_start3A_775] : memref<16x3x512x512xf32, #tpu.memory_space<hbm>> -> memref<1x1x16x512xf32, #tpu.memory_space<hbm>>
    %dma_start3A_777 = tpu.memref_squeeze %dma_start3A_776 : memref<1x1x16x512xf32, #tpu.memory_space<hbm>> -> memref<16x512xf32, #tpu.memory_space<hbm>>
    %dma_start3A_778 = arith.constant 0 : i32
    %dma_start3A_779 = tpu.memref_slice %arg3[%dma_start3A_773, %dma_start3A_774, %mul3A_2, %dma_start3A_778] : memref<16x3x512x512xf32, #tpu.memory_space<hbm>> -> memref<1x1x16x512xf32, #tpu.memory_space<hbm>>
    %dma_start3A_780 = tpu.memref_squeeze %dma_start3A_779 : memref<1x1x16x512xf32, #tpu.memory_space<hbm>> -> memref<16x512xf32, #tpu.memory_space<hbm>>
    tpu.enqueue_dma source(%dma_start3A_780 : memref<16x512xf32, #tpu.memory_space<hbm>>) target(%arg9 : memref<16x512xf32, #tpu.memory_space<vmem>>) target_semaphore(%arg18 : memref<!tpu.dma_semaphore, #tpu.memory_space<semaphore_mem>>)
    %dma_start3A_781 = arith.constant 14 : i32
    %dma_start3A_782 = arith.constant 0 : i32
    %dma_start3A_783 = arith.constant 0 : i32
    %dma_start3A_784 = tpu.memref_slice %arg4[%dma_start3A_781, %dma_start3A_782, %mul3A_2, %dma_start3A_783] : memref<16x3x512x512xf32, #tpu.memory_space<hbm>> -> memref<1x1x16x512xf32, #tpu.memory_space<hbm>>
    %dma_start3A_785 = tpu.memref_squeeze %dma_start3A_784 : memref<1x1x16x512xf32, #tpu.memory_space<hbm>> -> memref<16x512xf32, #tpu.memory_space<hbm>>
    %dma_start3A_786 = arith.constant 0 : i32
    %dma_start3A_787 = tpu.memref_slice %arg4[%dma_start3A_781, %dma_start3A_782, %mul3A_2, %dma_start3A_786] : memref<16x3x512x512xf32, #tpu.memory_space<hbm>> -> memref<1x1x16x512xf32, #tpu.memory_space<hbm>>
    %dma_start3A_788 = tpu.memref_squeeze %dma_start3A_787 : memref<1x1x16x512xf32, #tpu.memory_space<hbm>> -> memref<16x512xf32, #tpu.memory_space<hbm>>
    tpu.enqueue_dma source(%dma_start3A_788 : memref<16x512xf32, #tpu.memory_space<hbm>>) target(%arg10 : memref<16x512xf32, #tpu.memory_space<vmem>>) target_semaphore(%arg18 : memref<!tpu.dma_semaphore, #tpu.memory_space<semaphore_mem>>)
    %dma_wait3A_789 = arith.constant 0 : i32
    %dma_wait3A_790 = arith.constant 0 : i32
    %dma_wait3A_791 = arith.constant 0 : i32
    %dma_wait3A_792 = arith.constant 0 : i32
    %dma_wait3A_793 = tpu.memref_slice %arg2[%dma_wait3A_789, %dma_wait3A_790, %dma_wait3A_791, %dma_wait3A_792] : memref<16x3x512x512xf32, #tpu.memory_space<hbm>> -> memref<1x1x16x512xf32, #tpu.memory_space<hbm>>
    %dma_wait3A_794 = tpu.memref_squeeze %dma_wait3A_793 : memref<1x1x16x512xf32, #tpu.memory_space<hbm>> -> memref<16x512xf32, #tpu.memory_space<hbm>>
    %dma_wait3A_795 = arith.constant 0 : i32
    %dma_wait3A_796 = arith.constant 0 : i32
    %dma_wait3A_797 = tpu.memref_slice %arg2[%dma_wait3A_789, %dma_wait3A_790, %dma_wait3A_795, %dma_wait3A_796] : memref<16x3x512x512xf32, #tpu.memory_space<hbm>> -> memref<1x1x16x512xf32, #tpu.memory_space<hbm>>
    %dma_wait3A_798 = tpu.memref_squeeze %dma_wait3A_797 : memref<1x1x16x512xf32, #tpu.memory_space<hbm>> -> memref<16x512xf32, #tpu.memory_space<hbm>>
    tpu.wait_dma2 semaphore(%arg19 : memref<!tpu.dma_semaphore, #tpu.memory_space<semaphore_mem>>) src(%dma_wait3A_798 : memref<16x512xf32, #tpu.memory_space<hbm>>) dst(%arg11 : memref<16x512xf32, #tpu.memory_space<vmem>>)
    %dma_wait3A_799 = arith.constant 0 : i32
    %dma_wait3A_800 = arith.constant 0 : i32
    %dma_wait3A_801 = arith.constant 0 : i32
    %dma_wait3A_802 = arith.constant 0 : i32
    %dma_wait3A_803 = tpu.memref_slice %arg2[%dma_wait3A_799, %dma_wait3A_800, %dma_wait3A_801, %dma_wait3A_802] : memref<16x3x512x512xf32, #tpu.memory_space<hbm>> -> memref<1x1x16x512xf32, #tpu.memory_space<hbm>>
    %dma_wait3A_804 = tpu.memref_squeeze %dma_wait3A_803 : memref<1x1x16x512xf32, #tpu.memory_space<hbm>> -> memref<16x512xf32, #tpu.memory_space<hbm>>
    %dma_wait3A_805 = arith.constant 0 : i32
    %dma_wait3A_806 = arith.constant 0 : i32
    %dma_wait3A_807 = tpu.memref_slice %arg2[%dma_wait3A_799, %dma_wait3A_800, %dma_wait3A_805, %dma_wait3A_806] : memref<16x3x512x512xf32, #tpu.memory_space<hbm>> -> memref<1x1x16x512xf32, #tpu.memory_space<hbm>>
    %dma_wait3A_808 = tpu.memref_squeeze %dma_wait3A_807 : memref<1x1x16x512xf32, #tpu.memory_space<hbm>> -> memref<16x512xf32, #tpu.memory_space<hbm>>
    tpu.wait_dma2 semaphore(%arg19 : memref<!tpu.dma_semaphore, #tpu.memory_space<semaphore_mem>>) src(%dma_wait3A_808 : memref<16x512xf32, #tpu.memory_space<hbm>>) dst(%arg12 : memref<16x512xf32, #tpu.memory_space<vmem>>)
    %dma_wait3A_809 = arith.constant 0 : i32
    %dma_wait3A_810 = arith.constant 0 : i32
    %dma_wait3A_811 = arith.constant 0 : i32
    %dma_wait3A_812 = arith.constant 0 : i32
    %dma_wait3A_813 = tpu.memref_slice %arg2[%dma_wait3A_809, %dma_wait3A_810, %dma_wait3A_811, %dma_wait3A_812] : memref<16x3x512x512xf32, #tpu.memory_space<hbm>> -> memref<1x1x16x512xf32, #tpu.memory_space<hbm>>
    %dma_wait3A_814 = tpu.memref_squeeze %dma_wait3A_813 : memref<1x1x16x512xf32, #tpu.memory_space<hbm>> -> memref<16x512xf32, #tpu.memory_space<hbm>>
    %dma_wait3A_815 = arith.constant 0 : i32
    %dma_wait3A_816 = arith.constant 0 : i32
    %dma_wait3A_817 = tpu.memref_slice %arg2[%dma_wait3A_809, %dma_wait3A_810, %dma_wait3A_815, %dma_wait3A_816] : memref<16x3x512x512xf32, #tpu.memory_space<hbm>> -> memref<1x1x16x512xf32, #tpu.memory_space<hbm>>
    %dma_wait3A_818 = tpu.memref_squeeze %dma_wait3A_817 : memref<1x1x16x512xf32, #tpu.memory_space<hbm>> -> memref<16x512xf32, #tpu.memory_space<hbm>>
    tpu.wait_dma2 semaphore(%arg19 : memref<!tpu.dma_semaphore, #tpu.memory_space<semaphore_mem>>) src(%dma_wait3A_818 : memref<16x512xf32, #tpu.memory_space<hbm>>) dst(%arg13 : memref<16x512xf32, #tpu.memory_space<vmem>>)
    %scan3A_819 = arith.constant 0 : i32
    %scan3A_820 = arith.constant 512 : i32
    %scan3A_821 = arith.addi %scan3A_819, %scan3A_820 : i32
    %scan3A_822 = arith.constant 1 : i32
    %scan3A_823 = scf.for %scan3A_1196 = %scan3A_819 to %scan3A_821 step %scan3A_822 iter_args(%scan3A_1197 = %scan3A_763) -> (vector<16xf32>)  : i32 {
      %shift_right_arithmetic3A = arith.constant 5 : i32
      %shift_right_arithmetic3A_1198 = arith.shrsi %scan3A_1196, %shift_right_arithmetic3A : i32
      %and3A = arith.constant 31 : i32
      %and3A_1199 = arith.andi %scan3A_1196, %and3A : i32
      %mul3A_1200 = arith.constant 16 : i32
      %mul3A_1201 = arith.muli %and3A_1199, %mul3A_1200 : i32
      %get3A = arith.index_cast %shift_right_arithmetic3A_1198 : i32 to index
      %get3A_1202 = arith.index_cast %mul3A_1201 : i32 to index
      %get3A_1203 = tpu.vector_load %arg11[%get3A, %get3A_1202] {strides = array<i32>} : memref<16x512xf32, #tpu.memory_space<vmem>>, vector<1x16xf32>,
      %get3A_1204 = vector.shape_cast %get3A_1203 : vector<1x16xf32> to vector<16xf32>
      %get3A_1205 = arith.index_cast %shift_right_arithmetic3A_1198 : i32 to index
      %get3A_1206 = arith.index_cast %mul3A_1201 : i32 to index
      %get3A_1207 = tpu.vector_load %arg12[%get3A_1205, %get3A_1206] {strides = array<i32>} : memref<16x512xf32, #tpu.memory_space<vmem>>, vector<1x16xf32>,
      %get3A_1208 = vector.shape_cast %get3A_1207 : vector<1x16xf32> to vector<16xf32>
      %get3A_1209 = arith.index_cast %shift_right_arithmetic3A_1198 : i32 to index
      %get3A_1210 = arith.index_cast %mul3A_1201 : i32 to index
      %get3A_1211 = tpu.vector_load %arg13[%get3A_1209, %get3A_1210] {strides = array<i32>} : memref<16x512xf32, #tpu.memory_space<vmem>>, vector<1x16xf32>,
      %get3A_1212 = vector.shape_cast %get3A_1211 : vector<1x16xf32> to vector<16xf32>
      %get3A_1213 = arith.index_cast %shift_right_arithmetic3A_1198 : i32 to index
      %get3A_1214 = arith.index_cast %mul3A_1201 : i32 to index
      %get3A_1215 = tpu.vector_load %arg15[%get3A_1213, %get3A_1214] {strides = array<i32>} : memref<16x512xi32, #tpu.memory_space<vmem>>, vector<1x16xi32>,
      %get3A_1216 = vector.shape_cast %get3A_1215 : vector<1x16xi32> to vector<16xi32>
      %convert_element_type3A = arith.sitofp %get3A_1216 : vector<16xi32> to vector<16xf32>
      %sub3A = arith.subf %get3A_1208, %get3A_1204 : vector<16xf32>
      %mul3A_1217 = arith.mulf %get3A_1212, %get3A_1212 : vector<16xf32>
      %max3A = arith.constant 9.99999997E-7 : f32
      %max3A_1218 = vector.broadcast %max3A : f32 to vector<16xf32>
      %max3A_1219 = arith.maximumf %mul3A_1217, %max3A_1218 : vector<16xf32>
      %mul3A_1220 = arith.mulf %sub3A, %sub3A : vector<16xf32>
      %div3A = arith.divf %mul3A_1220, %max3A_1219 : vector<16xf32>
      %bitcast_convert_type3A = tpu.bitcast %max3A_1219 : vector<16xf32> -> vector<16xi32>
      %convert_element_type3A_1221 = arith.sitofp %bitcast_convert_type3A : vector<16xi32> to vector<16xf32>
      %mul3A_1222 = arith.constant 8.26295832E-8 : f32
      %mul3A_1223 = vector.broadcast %mul3A_1222 : f32 to vector<16xf32>
      %mul3A_1224 = arith.mulf %convert_element_type3A_1221, %mul3A_1223 : vector<16xf32>
      %and3A_1225 = arith.constant 8388607 : i32
      %and3A_1226 = vector.broadcast %and3A_1225 : i32 to vector<16xi32>
      %and3A_1227 = arith.andi %bitcast_convert_type3A, %and3A_1226 : vector<16xi32>
      %or3A = arith.constant 1065353216 : i32
      %or3A_1228 = vector.broadcast %or3A : i32 to vector<16xi32>
      %or3A_1229 = arith.ori %and3A_1227, %or3A_1228 : vector<16xi32>
      %bitcast_convert_type3A_1230 = tpu.bitcast %or3A_1229 : vector<16xi32> -> vector<16xf32>
      %sub3A_1231 = arith.constant 1.000000e+00 : f32
      %sub3A_1232 = vector.broadcast %sub3A_1231 : f32 to vector<16xf32>
      %sub3A_1233 = arith.subf %bitcast_convert_type3A_1230, %sub3A_1232 : vector<16xf32>
      %mul3A_1234 = arith.constant 0.106684729 : f32
      %mul3A_1235 = vector.broadcast %mul3A_1234 : f32 to vector<16xf32>
      %mul3A_1236 = arith.mulf %mul3A_1235, %sub3A_1233 : vector<16xf32>
      %add3A_1237 = arith.constant -0.393535793 : f32
      %add3A_1238 = vector.broadcast %add3A_1237 : f32 to vector<16xf32>
      %add3A_1239 = arith.addf %mul3A_1236, %add3A_1238 : vector<16xf32>
      %mul3A_1240 = arith.mulf %add3A_1239, %sub3A_1233 : vector<16xf32>
      %add3A_1241 = arith.constant 0.286606222 : f32
      %add3A_1242 = vector.broadcast %add3A_1241 : f32 to vector<16xf32>
      %add3A_1243 = arith.addf %mul3A_1240, %add3A_1242 : vector<16xf32>
      %mul3A_1244 = arith.mulf %add3A_1243, %sub3A_1233 : vector<16xf32>
      %add3A_1245 = arith.constant -88.0287704 : f32
      %add3A_1246 = vector.broadcast %add3A_1245 : f32 to vector<16xf32>
      %add3A_1247 = arith.addf %mul3A_1244, %add3A_1246 : vector<16xf32>
      %add3A_1248 = arith.addf %mul3A_1224, %add3A_1247 : vector<16xf32>
      %add3A_1249 = arith.addf %add3A_1248, %div3A : vector<16xf32>
      %mul3A_1250 = arith.mulf %add3A_1249, %convert_element_type3A : vector<16xf32>
      %add3A_1251 = arith.addf %scan3A_1197, %mul3A_1250 : vector<16xf32>
      scf.yield %add3A_1251 : vector<16xf32>
    }
    %scan3A_824 = arith.constant 512 : i32
    %dma_start3A_825 = arith.constant 14 : i32
    %dma_start3A_826 = arith.constant 1 : i32
    %dma_start3A_827 = arith.constant 0 : i32
    %dma_start3A_828 = tpu.memref_slice %arg2[%dma_start3A_825, %dma_start3A_826, %mul3A_2, %dma_start3A_827] : memref<16x3x512x512xf32, #tpu.memory_space<hbm>> -> memref<1x1x16x512xf32, #tpu.memory_space<hbm>>
    %dma_start3A_829 = tpu.memref_squeeze %dma_start3A_828 : memref<1x1x16x512xf32, #tpu.memory_space<hbm>> -> memref<16x512xf32, #tpu.memory_space<hbm>>
    %dma_start3A_830 = arith.constant 0 : i32
    %dma_start3A_831 = tpu.memref_slice %arg2[%dma_start3A_825, %dma_start3A_826, %mul3A_2, %dma_start3A_830] : memref<16x3x512x512xf32, #tpu.memory_space<hbm>> -> memref<1x1x16x512xf32, #tpu.memory_space<hbm>>
    %dma_start3A_832 = tpu.memref_squeeze %dma_start3A_831 : memref<1x1x16x512xf32, #tpu.memory_space<hbm>> -> memref<16x512xf32, #tpu.memory_space<hbm>>
    tpu.enqueue_dma source(%dma_start3A_832 : memref<16x512xf32, #tpu.memory_space<hbm>>) target(%arg11 : memref<16x512xf32, #tpu.memory_space<vmem>>) target_semaphore(%arg19 : memref<!tpu.dma_semaphore, #tpu.memory_space<semaphore_mem>>)
    %dma_start3A_833 = arith.constant 14 : i32
    %dma_start3A_834 = arith.constant 1 : i32
    %dma_start3A_835 = arith.constant 0 : i32
    %dma_start3A_836 = tpu.memref_slice %arg3[%dma_start3A_833, %dma_start3A_834, %mul3A_2, %dma_start3A_835] : memref<16x3x512x512xf32, #tpu.memory_space<hbm>> -> memref<1x1x16x512xf32, #tpu.memory_space<hbm>>
    %dma_start3A_837 = tpu.memref_squeeze %dma_start3A_836 : memref<1x1x16x512xf32, #tpu.memory_space<hbm>> -> memref<16x512xf32, #tpu.memory_space<hbm>>
    %dma_start3A_838 = arith.constant 0 : i32
    %dma_start3A_839 = tpu.memref_slice %arg3[%dma_start3A_833, %dma_start3A_834, %mul3A_2, %dma_start3A_838] : memref<16x3x512x512xf32, #tpu.memory_space<hbm>> -> memref<1x1x16x512xf32, #tpu.memory_space<hbm>>
    %dma_start3A_840 = tpu.memref_squeeze %dma_start3A_839 : memref<1x1x16x512xf32, #tpu.memory_space<hbm>> -> memref<16x512xf32, #tpu.memory_space<hbm>>
    tpu.enqueue_dma source(%dma_start3A_840 : memref<16x512xf32, #tpu.memory_space<hbm>>) target(%arg12 : memref<16x512xf32, #tpu.memory_space<vmem>>) target_semaphore(%arg19 : memref<!tpu.dma_semaphore, #tpu.memory_space<semaphore_mem>>)
    %dma_start3A_841 = arith.constant 14 : i32
    %dma_start3A_842 = arith.constant 1 : i32
    %dma_start3A_843 = arith.constant 0 : i32
    %dma_start3A_844 = tpu.memref_slice %arg4[%dma_start3A_841, %dma_start3A_842, %mul3A_2, %dma_start3A_843] : memref<16x3x512x512xf32, #tpu.memory_space<hbm>> -> memref<1x1x16x512xf32, #tpu.memory_space<hbm>>
    %dma_start3A_845 = tpu.memref_squeeze %dma_start3A_844 : memref<1x1x16x512xf32, #tpu.memory_space<hbm>> -> memref<16x512xf32, #tpu.memory_space<hbm>>
    %dma_start3A_846 = arith.constant 0 : i32
    %dma_start3A_847 = tpu.memref_slice %arg4[%dma_start3A_841, %dma_start3A_842, %mul3A_2, %dma_start3A_846] : memref<16x3x512x512xf32, #tpu.memory_space<hbm>> -> memref<1x1x16x512xf32, #tpu.memory_space<hbm>>
    %dma_start3A_848 = tpu.memref_squeeze %dma_start3A_847 : memref<1x1x16x512xf32, #tpu.memory_space<hbm>> -> memref<16x512xf32, #tpu.memory_space<hbm>>
    tpu.enqueue_dma source(%dma_start3A_848 : memref<16x512xf32, #tpu.memory_space<hbm>>) target(%arg13 : memref<16x512xf32, #tpu.memory_space<vmem>>) target_semaphore(%arg19 : memref<!tpu.dma_semaphore, #tpu.memory_space<semaphore_mem>>)
    %dma_wait3A_849 = arith.constant 0 : i32
    %dma_wait3A_850 = arith.constant 0 : i32
    %dma_wait3A_851 = arith.constant 0 : i32
    %dma_wait3A_852 = arith.constant 0 : i32
    %dma_wait3A_853 = tpu.memref_slice %arg5[%dma_wait3A_849, %dma_wait3A_850, %dma_wait3A_851, %dma_wait3A_852] : memref<16x1x512x512xi32, #tpu.memory_space<hbm>> -> memref<1x1x16x512xi32, #tpu.memory_space<hbm>>
    %dma_wait3A_854 = tpu.memref_squeeze %dma_wait3A_853 : memref<1x1x16x512xi32, #tpu.memory_space<hbm>> -> memref<16x512xi32, #tpu.memory_space<hbm>>
    %dma_wait3A_855 = arith.constant 0 : i32
    %dma_wait3A_856 = arith.constant 0 : i32
    %dma_wait3A_857 = tpu.memref_slice %arg5[%dma_wait3A_849, %dma_wait3A_850, %dma_wait3A_855, %dma_wait3A_856] : memref<16x1x512x512xi32, #tpu.memory_space<hbm>> -> memref<1x1x16x512xi32, #tpu.memory_space<hbm>>
    %dma_wait3A_858 = tpu.memref_squeeze %dma_wait3A_857 : memref<1x1x16x512xi32, #tpu.memory_space<hbm>> -> memref<16x512xi32, #tpu.memory_space<hbm>>
    tpu.wait_dma2 semaphore(%arg20 : memref<!tpu.dma_semaphore, #tpu.memory_space<semaphore_mem>>) src(%dma_wait3A_858 : memref<16x512xi32, #tpu.memory_space<hbm>>) dst(%arg14 : memref<16x512xi32, #tpu.memory_space<vmem>>)
    %dma_wait3A_859 = arith.constant 0 : i32
    %dma_wait3A_860 = arith.constant 0 : i32
    %dma_wait3A_861 = arith.constant 0 : i32
    %dma_wait3A_862 = arith.constant 0 : i32
    %dma_wait3A_863 = tpu.memref_slice %arg2[%dma_wait3A_859, %dma_wait3A_860, %dma_wait3A_861, %dma_wait3A_862] : memref<16x3x512x512xf32, #tpu.memory_space<hbm>> -> memref<1x1x16x512xf32, #tpu.memory_space<hbm>>
    %dma_wait3A_864 = tpu.memref_squeeze %dma_wait3A_863 : memref<1x1x16x512xf32, #tpu.memory_space<hbm>> -> memref<16x512xf32, #tpu.memory_space<hbm>>
    %dma_wait3A_865 = arith.constant 0 : i32
    %dma_wait3A_866 = arith.constant 0 : i32
    %dma_wait3A_867 = tpu.memref_slice %arg2[%dma_wait3A_859, %dma_wait3A_860, %dma_wait3A_865, %dma_wait3A_866] : memref<16x3x512x512xf32, #tpu.memory_space<hbm>> -> memref<1x1x16x512xf32, #tpu.memory_space<hbm>>
    %dma_wait3A_868 = tpu.memref_squeeze %dma_wait3A_867 : memref<1x1x16x512xf32, #tpu.memory_space<hbm>> -> memref<16x512xf32, #tpu.memory_space<hbm>>
    tpu.wait_dma2 semaphore(%arg18 : memref<!tpu.dma_semaphore, #tpu.memory_space<semaphore_mem>>) src(%dma_wait3A_868 : memref<16x512xf32, #tpu.memory_space<hbm>>) dst(%arg8 : memref<16x512xf32, #tpu.memory_space<vmem>>)
    %dma_wait3A_869 = arith.constant 0 : i32
    %dma_wait3A_870 = arith.constant 0 : i32
    %dma_wait3A_871 = arith.constant 0 : i32
    %dma_wait3A_872 = arith.constant 0 : i32
    %dma_wait3A_873 = tpu.memref_slice %arg2[%dma_wait3A_869, %dma_wait3A_870, %dma_wait3A_871, %dma_wait3A_872] : memref<16x3x512x512xf32, #tpu.memory_space<hbm>> -> memref<1x1x16x512xf32, #tpu.memory_space<hbm>>
    %dma_wait3A_874 = tpu.memref_squeeze %dma_wait3A_873 : memref<1x1x16x512xf32, #tpu.memory_space<hbm>> -> memref<16x512xf32, #tpu.memory_space<hbm>>
    %dma_wait3A_875 = arith.constant 0 : i32
    %dma_wait3A_876 = arith.constant 0 : i32
    %dma_wait3A_877 = tpu.memref_slice %arg2[%dma_wait3A_869, %dma_wait3A_870, %dma_wait3A_875, %dma_wait3A_876] : memref<16x3x512x512xf32, #tpu.memory_space<hbm>> -> memref<1x1x16x512xf32, #tpu.memory_space<hbm>>
    %dma_wait3A_878 = tpu.memref_squeeze %dma_wait3A_877 : memref<1x1x16x512xf32, #tpu.memory_space<hbm>> -> memref<16x512xf32, #tpu.memory_space<hbm>>
    tpu.wait_dma2 semaphore(%arg18 : memref<!tpu.dma_semaphore, #tpu.memory_space<semaphore_mem>>) src(%dma_wait3A_878 : memref<16x512xf32, #tpu.memory_space<hbm>>) dst(%arg9 : memref<16x512xf32, #tpu.memory_space<vmem>>)
    %dma_wait3A_879 = arith.constant 0 : i32
    %dma_wait3A_880 = arith.constant 0 : i32
    %dma_wait3A_881 = arith.constant 0 : i32
    %dma_wait3A_882 = arith.constant 0 : i32
    %dma_wait3A_883 = tpu.memref_slice %arg2[%dma_wait3A_879, %dma_wait3A_880, %dma_wait3A_881, %dma_wait3A_882] : memref<16x3x512x512xf32, #tpu.memory_space<hbm>> -> memref<1x1x16x512xf32, #tpu.memory_space<hbm>>
    %dma_wait3A_884 = tpu.memref_squeeze %dma_wait3A_883 : memref<1x1x16x512xf32, #tpu.memory_space<hbm>> -> memref<16x512xf32, #tpu.memory_space<hbm>>
    %dma_wait3A_885 = arith.constant 0 : i32
    %dma_wait3A_886 = arith.constant 0 : i32
    %dma_wait3A_887 = tpu.memref_slice %arg2[%dma_wait3A_879, %dma_wait3A_880, %dma_wait3A_885, %dma_wait3A_886] : memref<16x3x512x512xf32, #tpu.memory_space<hbm>> -> memref<1x1x16x512xf32, #tpu.memory_space<hbm>>
    %dma_wait3A_888 = tpu.memref_squeeze %dma_wait3A_887 : memref<1x1x16x512xf32, #tpu.memory_space<hbm>> -> memref<16x512xf32, #tpu.memory_space<hbm>>
    tpu.wait_dma2 semaphore(%arg18 : memref<!tpu.dma_semaphore, #tpu.memory_space<semaphore_mem>>) src(%dma_wait3A_888 : memref<16x512xf32, #tpu.memory_space<hbm>>) dst(%arg10 : memref<16x512xf32, #tpu.memory_space<vmem>>)
    %scan3A_889 = arith.constant 0 : i32
    %scan3A_890 = arith.constant 512 : i32
    %scan3A_891 = arith.addi %scan3A_889, %scan3A_890 : i32
    %scan3A_892 = arith.constant 1 : i32
    %scan3A_893:2 = scf.for %scan3A_1196 = %scan3A_889 to %scan3A_891 step %scan3A_892 iter_args(%scan3A_1197 = %scan3A_823, %scan3A_1198 = %scan3A_695#1) -> (vector<16xf32>, vector<16xf32>)  : i32 {
      %shift_right_arithmetic3A = arith.constant 5 : i32
      %shift_right_arithmetic3A_1199 = arith.shrsi %scan3A_1196, %shift_right_arithmetic3A : i32
      %and3A = arith.constant 31 : i32
      %and3A_1200 = arith.andi %scan3A_1196, %and3A : i32
      %mul3A_1201 = arith.constant 16 : i32
      %mul3A_1202 = arith.muli %and3A_1200, %mul3A_1201 : i32
      %get3A = arith.index_cast %shift_right_arithmetic3A_1199 : i32 to index
      %get3A_1203 = arith.index_cast %mul3A_1202 : i32 to index
      %get3A_1204 = tpu.vector_load %arg8[%get3A, %get3A_1203] {strides = array<i32>} : memref<16x512xf32, #tpu.memory_space<vmem>>, vector<1x16xf32>,
      %get3A_1205 = vector.shape_cast %get3A_1204 : vector<1x16xf32> to vector<16xf32>
      %get3A_1206 = arith.index_cast %shift_right_arithmetic3A_1199 : i32 to index
      %get3A_1207 = arith.index_cast %mul3A_1202 : i32 to index
      %get3A_1208 = tpu.vector_load %arg9[%get3A_1206, %get3A_1207] {strides = array<i32>} : memref<16x512xf32, #tpu.memory_space<vmem>>, vector<1x16xf32>,
      %get3A_1209 = vector.shape_cast %get3A_1208 : vector<1x16xf32> to vector<16xf32>
      %get3A_1210 = arith.index_cast %shift_right_arithmetic3A_1199 : i32 to index
      %get3A_1211 = arith.index_cast %mul3A_1202 : i32 to index
      %get3A_1212 = tpu.vector_load %arg10[%get3A_1210, %get3A_1211] {strides = array<i32>} : memref<16x512xf32, #tpu.memory_space<vmem>>, vector<1x16xf32>,
      %get3A_1213 = vector.shape_cast %get3A_1212 : vector<1x16xf32> to vector<16xf32>
      %get3A_1214 = arith.index_cast %shift_right_arithmetic3A_1199 : i32 to index
      %get3A_1215 = arith.index_cast %mul3A_1202 : i32 to index
      %get3A_1216 = tpu.vector_load %arg14[%get3A_1214, %get3A_1215] {strides = array<i32>} : memref<16x512xi32, #tpu.memory_space<vmem>>, vector<1x16xi32>,
      %get3A_1217 = vector.shape_cast %get3A_1216 : vector<1x16xi32> to vector<16xi32>
      %convert_element_type3A = arith.sitofp %get3A_1217 : vector<16xi32> to vector<16xf32>
      %sub3A = arith.subf %get3A_1209, %get3A_1205 : vector<16xf32>
      %mul3A_1218 = arith.mulf %get3A_1213, %get3A_1213 : vector<16xf32>
      %max3A = arith.constant 9.99999997E-7 : f32
      %max3A_1219 = vector.broadcast %max3A : f32 to vector<16xf32>
      %max3A_1220 = arith.maximumf %mul3A_1218, %max3A_1219 : vector<16xf32>
      %mul3A_1221 = arith.mulf %sub3A, %sub3A : vector<16xf32>
      %div3A = arith.divf %mul3A_1221, %max3A_1220 : vector<16xf32>
      %bitcast_convert_type3A = tpu.bitcast %max3A_1220 : vector<16xf32> -> vector<16xi32>
      %convert_element_type3A_1222 = arith.sitofp %bitcast_convert_type3A : vector<16xi32> to vector<16xf32>
      %mul3A_1223 = arith.constant 8.26295832E-8 : f32
      %mul3A_1224 = vector.broadcast %mul3A_1223 : f32 to vector<16xf32>
      %mul3A_1225 = arith.mulf %convert_element_type3A_1222, %mul3A_1224 : vector<16xf32>
      %and3A_1226 = arith.constant 8388607 : i32
      %and3A_1227 = vector.broadcast %and3A_1226 : i32 to vector<16xi32>
      %and3A_1228 = arith.andi %bitcast_convert_type3A, %and3A_1227 : vector<16xi32>
      %or3A = arith.constant 1065353216 : i32
      %or3A_1229 = vector.broadcast %or3A : i32 to vector<16xi32>
      %or3A_1230 = arith.ori %and3A_1228, %or3A_1229 : vector<16xi32>
      %bitcast_convert_type3A_1231 = tpu.bitcast %or3A_1230 : vector<16xi32> -> vector<16xf32>
      %sub3A_1232 = arith.constant 1.000000e+00 : f32
      %sub3A_1233 = vector.broadcast %sub3A_1232 : f32 to vector<16xf32>
      %sub3A_1234 = arith.subf %bitcast_convert_type3A_1231, %sub3A_1233 : vector<16xf32>
      %mul3A_1235 = arith.constant 0.106684729 : f32
      %mul3A_1236 = vector.broadcast %mul3A_1235 : f32 to vector<16xf32>
      %mul3A_1237 = arith.mulf %mul3A_1236, %sub3A_1234 : vector<16xf32>
      %add3A_1238 = arith.constant -0.393535793 : f32
      %add3A_1239 = vector.broadcast %add3A_1238 : f32 to vector<16xf32>
      %add3A_1240 = arith.addf %mul3A_1237, %add3A_1239 : vector<16xf32>
      %mul3A_1241 = arith.mulf %add3A_1240, %sub3A_1234 : vector<16xf32>
      %add3A_1242 = arith.constant 0.286606222 : f32
      %add3A_1243 = vector.broadcast %add3A_1242 : f32 to vector<16xf32>
      %add3A_1244 = arith.addf %mul3A_1241, %add3A_1243 : vector<16xf32>
      %mul3A_1245 = arith.mulf %add3A_1244, %sub3A_1234 : vector<16xf32>
      %add3A_1246 = arith.constant -88.0287704 : f32
      %add3A_1247 = vector.broadcast %add3A_1246 : f32 to vector<16xf32>
      %add3A_1248 = arith.addf %mul3A_1245, %add3A_1247 : vector<16xf32>
      %add3A_1249 = arith.addf %mul3A_1225, %add3A_1248 : vector<16xf32>
      %add3A_1250 = arith.addf %add3A_1249, %div3A : vector<16xf32>
      %mul3A_1251 = arith.mulf %add3A_1250, %convert_element_type3A : vector<16xf32>
      %add3A_1252 = arith.addf %scan3A_1197, %mul3A_1251 : vector<16xf32>
      %add3A_1253 = arith.addf %scan3A_1198, %convert_element_type3A : vector<16xf32>
      scf.yield %add3A_1252, %add3A_1253 : vector<16xf32>, vector<16xf32>
    }
    %scan3A_894 = arith.constant 512 : i32
    %dma_start3A_895 = arith.constant 15 : i32
    %dma_start3A_896 = arith.constant 0 : i32
    %dma_start3A_897 = arith.constant 0 : i32
    %dma_start3A_898 = tpu.memref_slice %arg5[%dma_start3A_895, %dma_start3A_896, %mul3A_2, %dma_start3A_897] : memref<16x1x512x512xi32, #tpu.memory_space<hbm>> -> memref<1x1x16x512xi32, #tpu.memory_space<hbm>>
    %dma_start3A_899 = tpu.memref_squeeze %dma_start3A_898 : memref<1x1x16x512xi32, #tpu.memory_space<hbm>> -> memref<16x512xi32, #tpu.memory_space<hbm>>
    %dma_start3A_900 = arith.constant 0 : i32
    %dma_start3A_901 = tpu.memref_slice %arg5[%dma_start3A_895, %dma_start3A_896, %mul3A_2, %dma_start3A_900] : memref<16x1x512x512xi32, #tpu.memory_space<hbm>> -> memref<1x1x16x512xi32, #tpu.memory_space<hbm>>
    %dma_start3A_902 = tpu.memref_squeeze %dma_start3A_901 : memref<1x1x16x512xi32, #tpu.memory_space<hbm>> -> memref<16x512xi32, #tpu.memory_space<hbm>>
    tpu.enqueue_dma source(%dma_start3A_902 : memref<16x512xi32, #tpu.memory_space<hbm>>) target(%arg15 : memref<16x512xi32, #tpu.memory_space<vmem>>) target_semaphore(%arg21 : memref<!tpu.dma_semaphore, #tpu.memory_space<semaphore_mem>>)
    %dma_start3A_903 = arith.constant 14 : i32
    %dma_start3A_904 = arith.constant 2 : i32
    %dma_start3A_905 = arith.constant 0 : i32
    %dma_start3A_906 = tpu.memref_slice %arg2[%dma_start3A_903, %dma_start3A_904, %mul3A_2, %dma_start3A_905] : memref<16x3x512x512xf32, #tpu.memory_space<hbm>> -> memref<1x1x16x512xf32, #tpu.memory_space<hbm>>
    %dma_start3A_907 = tpu.memref_squeeze %dma_start3A_906 : memref<1x1x16x512xf32, #tpu.memory_space<hbm>> -> memref<16x512xf32, #tpu.memory_space<hbm>>
    %dma_start3A_908 = arith.constant 0 : i32
    %dma_start3A_909 = tpu.memref_slice %arg2[%dma_start3A_903, %dma_start3A_904, %mul3A_2, %dma_start3A_908] : memref<16x3x512x512xf32, #tpu.memory_space<hbm>> -> memref<1x1x16x512xf32, #tpu.memory_space<hbm>>
    %dma_start3A_910 = tpu.memref_squeeze %dma_start3A_909 : memref<1x1x16x512xf32, #tpu.memory_space<hbm>> -> memref<16x512xf32, #tpu.memory_space<hbm>>
    tpu.enqueue_dma source(%dma_start3A_910 : memref<16x512xf32, #tpu.memory_space<hbm>>) target(%arg8 : memref<16x512xf32, #tpu.memory_space<vmem>>) target_semaphore(%arg18 : memref<!tpu.dma_semaphore, #tpu.memory_space<semaphore_mem>>)
    %dma_start3A_911 = arith.constant 14 : i32
    %dma_start3A_912 = arith.constant 2 : i32
    %dma_start3A_913 = arith.constant 0 : i32
    %dma_start3A_914 = tpu.memref_slice %arg3[%dma_start3A_911, %dma_start3A_912, %mul3A_2, %dma_start3A_913] : memref<16x3x512x512xf32, #tpu.memory_space<hbm>> -> memref<1x1x16x512xf32, #tpu.memory_space<hbm>>
    %dma_start3A_915 = tpu.memref_squeeze %dma_start3A_914 : memref<1x1x16x512xf32, #tpu.memory_space<hbm>> -> memref<16x512xf32, #tpu.memory_space<hbm>>
    %dma_start3A_916 = arith.constant 0 : i32
    %dma_start3A_917 = tpu.memref_slice %arg3[%dma_start3A_911, %dma_start3A_912, %mul3A_2, %dma_start3A_916] : memref<16x3x512x512xf32, #tpu.memory_space<hbm>> -> memref<1x1x16x512xf32, #tpu.memory_space<hbm>>
    %dma_start3A_918 = tpu.memref_squeeze %dma_start3A_917 : memref<1x1x16x512xf32, #tpu.memory_space<hbm>> -> memref<16x512xf32, #tpu.memory_space<hbm>>
    tpu.enqueue_dma source(%dma_start3A_918 : memref<16x512xf32, #tpu.memory_space<hbm>>) target(%arg9 : memref<16x512xf32, #tpu.memory_space<vmem>>) target_semaphore(%arg18 : memref<!tpu.dma_semaphore, #tpu.memory_space<semaphore_mem>>)
    %dma_start3A_919 = arith.constant 14 : i32
    %dma_start3A_920 = arith.constant 2 : i32
    %dma_start3A_921 = arith.constant 0 : i32
    %dma_start3A_922 = tpu.memref_slice %arg4[%dma_start3A_919, %dma_start3A_920, %mul3A_2, %dma_start3A_921] : memref<16x3x512x512xf32, #tpu.memory_space<hbm>> -> memref<1x1x16x512xf32, #tpu.memory_space<hbm>>
    %dma_start3A_923 = tpu.memref_squeeze %dma_start3A_922 : memref<1x1x16x512xf32, #tpu.memory_space<hbm>> -> memref<16x512xf32, #tpu.memory_space<hbm>>
    %dma_start3A_924 = arith.constant 0 : i32
    %dma_start3A_925 = tpu.memref_slice %arg4[%dma_start3A_919, %dma_start3A_920, %mul3A_2, %dma_start3A_924] : memref<16x3x512x512xf32, #tpu.memory_space<hbm>> -> memref<1x1x16x512xf32, #tpu.memory_space<hbm>>
    %dma_start3A_926 = tpu.memref_squeeze %dma_start3A_925 : memref<1x1x16x512xf32, #tpu.memory_space<hbm>> -> memref<16x512xf32, #tpu.memory_space<hbm>>
    tpu.enqueue_dma source(%dma_start3A_926 : memref<16x512xf32, #tpu.memory_space<hbm>>) target(%arg10 : memref<16x512xf32, #tpu.memory_space<vmem>>) target_semaphore(%arg18 : memref<!tpu.dma_semaphore, #tpu.memory_space<semaphore_mem>>)
    %dma_wait3A_927 = arith.constant 0 : i32
    %dma_wait3A_928 = arith.constant 0 : i32
    %dma_wait3A_929 = arith.constant 0 : i32
    %dma_wait3A_930 = arith.constant 0 : i32
    %dma_wait3A_931 = tpu.memref_slice %arg2[%dma_wait3A_927, %dma_wait3A_928, %dma_wait3A_929, %dma_wait3A_930] : memref<16x3x512x512xf32, #tpu.memory_space<hbm>> -> memref<1x1x16x512xf32, #tpu.memory_space<hbm>>
    %dma_wait3A_932 = tpu.memref_squeeze %dma_wait3A_931 : memref<1x1x16x512xf32, #tpu.memory_space<hbm>> -> memref<16x512xf32, #tpu.memory_space<hbm>>
    %dma_wait3A_933 = arith.constant 0 : i32
    %dma_wait3A_934 = arith.constant 0 : i32
    %dma_wait3A_935 = tpu.memref_slice %arg2[%dma_wait3A_927, %dma_wait3A_928, %dma_wait3A_933, %dma_wait3A_934] : memref<16x3x512x512xf32, #tpu.memory_space<hbm>> -> memref<1x1x16x512xf32, #tpu.memory_space<hbm>>
    %dma_wait3A_936 = tpu.memref_squeeze %dma_wait3A_935 : memref<1x1x16x512xf32, #tpu.memory_space<hbm>> -> memref<16x512xf32, #tpu.memory_space<hbm>>
    tpu.wait_dma2 semaphore(%arg19 : memref<!tpu.dma_semaphore, #tpu.memory_space<semaphore_mem>>) src(%dma_wait3A_936 : memref<16x512xf32, #tpu.memory_space<hbm>>) dst(%arg11 : memref<16x512xf32, #tpu.memory_space<vmem>>)
    %dma_wait3A_937 = arith.constant 0 : i32
    %dma_wait3A_938 = arith.constant 0 : i32
    %dma_wait3A_939 = arith.constant 0 : i32
    %dma_wait3A_940 = arith.constant 0 : i32
    %dma_wait3A_941 = tpu.memref_slice %arg2[%dma_wait3A_937, %dma_wait3A_938, %dma_wait3A_939, %dma_wait3A_940] : memref<16x3x512x512xf32, #tpu.memory_space<hbm>> -> memref<1x1x16x512xf32, #tpu.memory_space<hbm>>
    %dma_wait3A_942 = tpu.memref_squeeze %dma_wait3A_941 : memref<1x1x16x512xf32, #tpu.memory_space<hbm>> -> memref<16x512xf32, #tpu.memory_space<hbm>>
    %dma_wait3A_943 = arith.constant 0 : i32
    %dma_wait3A_944 = arith.constant 0 : i32
    %dma_wait3A_945 = tpu.memref_slice %arg2[%dma_wait3A_937, %dma_wait3A_938, %dma_wait3A_943, %dma_wait3A_944] : memref<16x3x512x512xf32, #tpu.memory_space<hbm>> -> memref<1x1x16x512xf32, #tpu.memory_space<hbm>>
    %dma_wait3A_946 = tpu.memref_squeeze %dma_wait3A_945 : memref<1x1x16x512xf32, #tpu.memory_space<hbm>> -> memref<16x512xf32, #tpu.memory_space<hbm>>
    tpu.wait_dma2 semaphore(%arg19 : memref<!tpu.dma_semaphore, #tpu.memory_space<semaphore_mem>>) src(%dma_wait3A_946 : memref<16x512xf32, #tpu.memory_space<hbm>>) dst(%arg12 : memref<16x512xf32, #tpu.memory_space<vmem>>)
    %dma_wait3A_947 = arith.constant 0 : i32
    %dma_wait3A_948 = arith.constant 0 : i32
    %dma_wait3A_949 = arith.constant 0 : i32
    %dma_wait3A_950 = arith.constant 0 : i32
    %dma_wait3A_951 = tpu.memref_slice %arg2[%dma_wait3A_947, %dma_wait3A_948, %dma_wait3A_949, %dma_wait3A_950] : memref<16x3x512x512xf32, #tpu.memory_space<hbm>> -> memref<1x1x16x512xf32, #tpu.memory_space<hbm>>
    %dma_wait3A_952 = tpu.memref_squeeze %dma_wait3A_951 : memref<1x1x16x512xf32, #tpu.memory_space<hbm>> -> memref<16x512xf32, #tpu.memory_space<hbm>>
    %dma_wait3A_953 = arith.constant 0 : i32
    %dma_wait3A_954 = arith.constant 0 : i32
    %dma_wait3A_955 = tpu.memref_slice %arg2[%dma_wait3A_947, %dma_wait3A_948, %dma_wait3A_953, %dma_wait3A_954] : memref<16x3x512x512xf32, #tpu.memory_space<hbm>> -> memref<1x1x16x512xf32, #tpu.memory_space<hbm>>
    %dma_wait3A_956 = tpu.memref_squeeze %dma_wait3A_955 : memref<1x1x16x512xf32, #tpu.memory_space<hbm>> -> memref<16x512xf32, #tpu.memory_space<hbm>>
    tpu.wait_dma2 semaphore(%arg19 : memref<!tpu.dma_semaphore, #tpu.memory_space<semaphore_mem>>) src(%dma_wait3A_956 : memref<16x512xf32, #tpu.memory_space<hbm>>) dst(%arg13 : memref<16x512xf32, #tpu.memory_space<vmem>>)
    %scan3A_957 = arith.constant 0 : i32
    %scan3A_958 = arith.constant 512 : i32
    %scan3A_959 = arith.addi %scan3A_957, %scan3A_958 : i32
    %scan3A_960 = arith.constant 1 : i32
    %scan3A_961 = scf.for %scan3A_1196 = %scan3A_957 to %scan3A_959 step %scan3A_960 iter_args(%scan3A_1197 = %scan3A_893#0) -> (vector<16xf32>)  : i32 {
      %shift_right_arithmetic3A = arith.constant 5 : i32
      %shift_right_arithmetic3A_1198 = arith.shrsi %scan3A_1196, %shift_right_arithmetic3A : i32
      %and3A = arith.constant 31 : i32
      %and3A_1199 = arith.andi %scan3A_1196, %and3A : i32
      %mul3A_1200 = arith.constant 16 : i32
      %mul3A_1201 = arith.muli %and3A_1199, %mul3A_1200 : i32
      %get3A = arith.index_cast %shift_right_arithmetic3A_1198 : i32 to index
      %get3A_1202 = arith.index_cast %mul3A_1201 : i32 to index
      %get3A_1203 = tpu.vector_load %arg11[%get3A, %get3A_1202] {strides = array<i32>} : memref<16x512xf32, #tpu.memory_space<vmem>>, vector<1x16xf32>,
      %get3A_1204 = vector.shape_cast %get3A_1203 : vector<1x16xf32> to vector<16xf32>
      %get3A_1205 = arith.index_cast %shift_right_arithmetic3A_1198 : i32 to index
      %get3A_1206 = arith.index_cast %mul3A_1201 : i32 to index
      %get3A_1207 = tpu.vector_load %arg12[%get3A_1205, %get3A_1206] {strides = array<i32>} : memref<16x512xf32, #tpu.memory_space<vmem>>, vector<1x16xf32>,
      %get3A_1208 = vector.shape_cast %get3A_1207 : vector<1x16xf32> to vector<16xf32>
      %get3A_1209 = arith.index_cast %shift_right_arithmetic3A_1198 : i32 to index
      %get3A_1210 = arith.index_cast %mul3A_1201 : i32 to index
      %get3A_1211 = tpu.vector_load %arg13[%get3A_1209, %get3A_1210] {strides = array<i32>} : memref<16x512xf32, #tpu.memory_space<vmem>>, vector<1x16xf32>,
      %get3A_1212 = vector.shape_cast %get3A_1211 : vector<1x16xf32> to vector<16xf32>
      %get3A_1213 = arith.index_cast %shift_right_arithmetic3A_1198 : i32 to index
      %get3A_1214 = arith.index_cast %mul3A_1201 : i32 to index
      %get3A_1215 = tpu.vector_load %arg14[%get3A_1213, %get3A_1214] {strides = array<i32>} : memref<16x512xi32, #tpu.memory_space<vmem>>, vector<1x16xi32>,
      %get3A_1216 = vector.shape_cast %get3A_1215 : vector<1x16xi32> to vector<16xi32>
      %convert_element_type3A = arith.sitofp %get3A_1216 : vector<16xi32> to vector<16xf32>
      %sub3A = arith.subf %get3A_1208, %get3A_1204 : vector<16xf32>
      %mul3A_1217 = arith.mulf %get3A_1212, %get3A_1212 : vector<16xf32>
      %max3A = arith.constant 9.99999997E-7 : f32
      %max3A_1218 = vector.broadcast %max3A : f32 to vector<16xf32>
      %max3A_1219 = arith.maximumf %mul3A_1217, %max3A_1218 : vector<16xf32>
      %mul3A_1220 = arith.mulf %sub3A, %sub3A : vector<16xf32>
      %div3A = arith.divf %mul3A_1220, %max3A_1219 : vector<16xf32>
      %bitcast_convert_type3A = tpu.bitcast %max3A_1219 : vector<16xf32> -> vector<16xi32>
      %convert_element_type3A_1221 = arith.sitofp %bitcast_convert_type3A : vector<16xi32> to vector<16xf32>
      %mul3A_1222 = arith.constant 8.26295832E-8 : f32
      %mul3A_1223 = vector.broadcast %mul3A_1222 : f32 to vector<16xf32>
      %mul3A_1224 = arith.mulf %convert_element_type3A_1221, %mul3A_1223 : vector<16xf32>
      %and3A_1225 = arith.constant 8388607 : i32
      %and3A_1226 = vector.broadcast %and3A_1225 : i32 to vector<16xi32>
      %and3A_1227 = arith.andi %bitcast_convert_type3A, %and3A_1226 : vector<16xi32>
      %or3A = arith.constant 1065353216 : i32
      %or3A_1228 = vector.broadcast %or3A : i32 to vector<16xi32>
      %or3A_1229 = arith.ori %and3A_1227, %or3A_1228 : vector<16xi32>
      %bitcast_convert_type3A_1230 = tpu.bitcast %or3A_1229 : vector<16xi32> -> vector<16xf32>
      %sub3A_1231 = arith.constant 1.000000e+00 : f32
      %sub3A_1232 = vector.broadcast %sub3A_1231 : f32 to vector<16xf32>
      %sub3A_1233 = arith.subf %bitcast_convert_type3A_1230, %sub3A_1232 : vector<16xf32>
      %mul3A_1234 = arith.constant 0.106684729 : f32
      %mul3A_1235 = vector.broadcast %mul3A_1234 : f32 to vector<16xf32>
      %mul3A_1236 = arith.mulf %mul3A_1235, %sub3A_1233 : vector<16xf32>
      %add3A_1237 = arith.constant -0.393535793 : f32
      %add3A_1238 = vector.broadcast %add3A_1237 : f32 to vector<16xf32>
      %add3A_1239 = arith.addf %mul3A_1236, %add3A_1238 : vector<16xf32>
      %mul3A_1240 = arith.mulf %add3A_1239, %sub3A_1233 : vector<16xf32>
      %add3A_1241 = arith.constant 0.286606222 : f32
      %add3A_1242 = vector.broadcast %add3A_1241 : f32 to vector<16xf32>
      %add3A_1243 = arith.addf %mul3A_1240, %add3A_1242 : vector<16xf32>
      %mul3A_1244 = arith.mulf %add3A_1243, %sub3A_1233 : vector<16xf32>
      %add3A_1245 = arith.constant -88.0287704 : f32
      %add3A_1246 = vector.broadcast %add3A_1245 : f32 to vector<16xf32>
      %add3A_1247 = arith.addf %mul3A_1244, %add3A_1246 : vector<16xf32>
      %add3A_1248 = arith.addf %mul3A_1224, %add3A_1247 : vector<16xf32>
      %add3A_1249 = arith.addf %add3A_1248, %div3A : vector<16xf32>
      %mul3A_1250 = arith.mulf %add3A_1249, %convert_element_type3A : vector<16xf32>
      %add3A_1251 = arith.addf %scan3A_1197, %mul3A_1250 : vector<16xf32>
      scf.yield %add3A_1251 : vector<16xf32>
    }
    %scan3A_962 = arith.constant 512 : i32
    %dma_start3A_963 = arith.constant 15 : i32
    %dma_start3A_964 = arith.constant 0 : i32
    %dma_start3A_965 = arith.constant 0 : i32
    %dma_start3A_966 = tpu.memref_slice %arg2[%dma_start3A_963, %dma_start3A_964, %mul3A_2, %dma_start3A_965] : memref<16x3x512x512xf32, #tpu.memory_space<hbm>> -> memref<1x1x16x512xf32, #tpu.memory_space<hbm>>
    %dma_start3A_967 = tpu.memref_squeeze %dma_start3A_966 : memref<1x1x16x512xf32, #tpu.memory_space<hbm>> -> memref<16x512xf32, #tpu.memory_space<hbm>>
    %dma_start3A_968 = arith.constant 0 : i32
    %dma_start3A_969 = tpu.memref_slice %arg2[%dma_start3A_963, %dma_start3A_964, %mul3A_2, %dma_start3A_968] : memref<16x3x512x512xf32, #tpu.memory_space<hbm>> -> memref<1x1x16x512xf32, #tpu.memory_space<hbm>>
    %dma_start3A_970 = tpu.memref_squeeze %dma_start3A_969 : memref<1x1x16x512xf32, #tpu.memory_space<hbm>> -> memref<16x512xf32, #tpu.memory_space<hbm>>
    tpu.enqueue_dma source(%dma_start3A_970 : memref<16x512xf32, #tpu.memory_space<hbm>>) target(%arg11 : memref<16x512xf32, #tpu.memory_space<vmem>>) target_semaphore(%arg19 : memref<!tpu.dma_semaphore, #tpu.memory_space<semaphore_mem>>)
    %dma_start3A_971 = arith.constant 15 : i32
    %dma_start3A_972 = arith.constant 0 : i32
    %dma_start3A_973 = arith.constant 0 : i32
    %dma_start3A_974 = tpu.memref_slice %arg3[%dma_start3A_971, %dma_start3A_972, %mul3A_2, %dma_start3A_973] : memref<16x3x512x512xf32, #tpu.memory_space<hbm>> -> memref<1x1x16x512xf32, #tpu.memory_space<hbm>>
    %dma_start3A_975 = tpu.memref_squeeze %dma_start3A_974 : memref<1x1x16x512xf32, #tpu.memory_space<hbm>> -> memref<16x512xf32, #tpu.memory_space<hbm>>
    %dma_start3A_976 = arith.constant 0 : i32
    %dma_start3A_977 = tpu.memref_slice %arg3[%dma_start3A_971, %dma_start3A_972, %mul3A_2, %dma_start3A_976] : memref<16x3x512x512xf32, #tpu.memory_space<hbm>> -> memref<1x1x16x512xf32, #tpu.memory_space<hbm>>
    %dma_start3A_978 = tpu.memref_squeeze %dma_start3A_977 : memref<1x1x16x512xf32, #tpu.memory_space<hbm>> -> memref<16x512xf32, #tpu.memory_space<hbm>>
    tpu.enqueue_dma source(%dma_start3A_978 : memref<16x512xf32, #tpu.memory_space<hbm>>) target(%arg12 : memref<16x512xf32, #tpu.memory_space<vmem>>) target_semaphore(%arg19 : memref<!tpu.dma_semaphore, #tpu.memory_space<semaphore_mem>>)
    %dma_start3A_979 = arith.constant 15 : i32
    %dma_start3A_980 = arith.constant 0 : i32
    %dma_start3A_981 = arith.constant 0 : i32
    %dma_start3A_982 = tpu.memref_slice %arg4[%dma_start3A_979, %dma_start3A_980, %mul3A_2, %dma_start3A_981] : memref<16x3x512x512xf32, #tpu.memory_space<hbm>> -> memref<1x1x16x512xf32, #tpu.memory_space<hbm>>
    %dma_start3A_983 = tpu.memref_squeeze %dma_start3A_982 : memref<1x1x16x512xf32, #tpu.memory_space<hbm>> -> memref<16x512xf32, #tpu.memory_space<hbm>>
    %dma_start3A_984 = arith.constant 0 : i32
    %dma_start3A_985 = tpu.memref_slice %arg4[%dma_start3A_979, %dma_start3A_980, %mul3A_2, %dma_start3A_984] : memref<16x3x512x512xf32, #tpu.memory_space<hbm>> -> memref<1x1x16x512xf32, #tpu.memory_space<hbm>>
    %dma_start3A_986 = tpu.memref_squeeze %dma_start3A_985 : memref<1x1x16x512xf32, #tpu.memory_space<hbm>> -> memref<16x512xf32, #tpu.memory_space<hbm>>
    tpu.enqueue_dma source(%dma_start3A_986 : memref<16x512xf32, #tpu.memory_space<hbm>>) target(%arg13 : memref<16x512xf32, #tpu.memory_space<vmem>>) target_semaphore(%arg19 : memref<!tpu.dma_semaphore, #tpu.memory_space<semaphore_mem>>)
    %dma_wait3A_987 = arith.constant 0 : i32
    %dma_wait3A_988 = arith.constant 0 : i32
    %dma_wait3A_989 = arith.constant 0 : i32
    %dma_wait3A_990 = arith.constant 0 : i32
    %dma_wait3A_991 = tpu.memref_slice %arg2[%dma_wait3A_987, %dma_wait3A_988, %dma_wait3A_989, %dma_wait3A_990] : memref<16x3x512x512xf32, #tpu.memory_space<hbm>> -> memref<1x1x16x512xf32, #tpu.memory_space<hbm>>
    %dma_wait3A_992 = tpu.memref_squeeze %dma_wait3A_991 : memref<1x1x16x512xf32, #tpu.memory_space<hbm>> -> memref<16x512xf32, #tpu.memory_space<hbm>>
    %dma_wait3A_993 = arith.constant 0 : i32
    %dma_wait3A_994 = arith.constant 0 : i32
    %dma_wait3A_995 = tpu.memref_slice %arg2[%dma_wait3A_987, %dma_wait3A_988, %dma_wait3A_993, %dma_wait3A_994] : memref<16x3x512x512xf32, #tpu.memory_space<hbm>> -> memref<1x1x16x512xf32, #tpu.memory_space<hbm>>
    %dma_wait3A_996 = tpu.memref_squeeze %dma_wait3A_995 : memref<1x1x16x512xf32, #tpu.memory_space<hbm>> -> memref<16x512xf32, #tpu.memory_space<hbm>>
    tpu.wait_dma2 semaphore(%arg18 : memref<!tpu.dma_semaphore, #tpu.memory_space<semaphore_mem>>) src(%dma_wait3A_996 : memref<16x512xf32, #tpu.memory_space<hbm>>) dst(%arg8 : memref<16x512xf32, #tpu.memory_space<vmem>>)
    %dma_wait3A_997 = arith.constant 0 : i32
    %dma_wait3A_998 = arith.constant 0 : i32
    %dma_wait3A_999 = arith.constant 0 : i32
    %dma_wait3A_1000 = arith.constant 0 : i32
    %dma_wait3A_1001 = tpu.memref_slice %arg2[%dma_wait3A_997, %dma_wait3A_998, %dma_wait3A_999, %dma_wait3A_1000] : memref<16x3x512x512xf32, #tpu.memory_space<hbm>> -> memref<1x1x16x512xf32, #tpu.memory_space<hbm>>
    %dma_wait3A_1002 = tpu.memref_squeeze %dma_wait3A_1001 : memref<1x1x16x512xf32, #tpu.memory_space<hbm>> -> memref<16x512xf32, #tpu.memory_space<hbm>>
    %dma_wait3A_1003 = arith.constant 0 : i32
    %dma_wait3A_1004 = arith.constant 0 : i32
    %dma_wait3A_1005 = tpu.memref_slice %arg2[%dma_wait3A_997, %dma_wait3A_998, %dma_wait3A_1003, %dma_wait3A_1004] : memref<16x3x512x512xf32, #tpu.memory_space<hbm>> -> memref<1x1x16x512xf32, #tpu.memory_space<hbm>>
    %dma_wait3A_1006 = tpu.memref_squeeze %dma_wait3A_1005 : memref<1x1x16x512xf32, #tpu.memory_space<hbm>> -> memref<16x512xf32, #tpu.memory_space<hbm>>
    tpu.wait_dma2 semaphore(%arg18 : memref<!tpu.dma_semaphore, #tpu.memory_space<semaphore_mem>>) src(%dma_wait3A_1006 : memref<16x512xf32, #tpu.memory_space<hbm>>) dst(%arg9 : memref<16x512xf32, #tpu.memory_space<vmem>>)
    %dma_wait3A_1007 = arith.constant 0 : i32
    %dma_wait3A_1008 = arith.constant 0 : i32
    %dma_wait3A_1009 = arith.constant 0 : i32
    %dma_wait3A_1010 = arith.constant 0 : i32
    %dma_wait3A_1011 = tpu.memref_slice %arg2[%dma_wait3A_1007, %dma_wait3A_1008, %dma_wait3A_1009, %dma_wait3A_1010] : memref<16x3x512x512xf32, #tpu.memory_space<hbm>> -> memref<1x1x16x512xf32, #tpu.memory_space<hbm>>
    %dma_wait3A_1012 = tpu.memref_squeeze %dma_wait3A_1011 : memref<1x1x16x512xf32, #tpu.memory_space<hbm>> -> memref<16x512xf32, #tpu.memory_space<hbm>>
    %dma_wait3A_1013 = arith.constant 0 : i32
    %dma_wait3A_1014 = arith.constant 0 : i32
    %dma_wait3A_1015 = tpu.memref_slice %arg2[%dma_wait3A_1007, %dma_wait3A_1008, %dma_wait3A_1013, %dma_wait3A_1014] : memref<16x3x512x512xf32, #tpu.memory_space<hbm>> -> memref<1x1x16x512xf32, #tpu.memory_space<hbm>>
    %dma_wait3A_1016 = tpu.memref_squeeze %dma_wait3A_1015 : memref<1x1x16x512xf32, #tpu.memory_space<hbm>> -> memref<16x512xf32, #tpu.memory_space<hbm>>
    tpu.wait_dma2 semaphore(%arg18 : memref<!tpu.dma_semaphore, #tpu.memory_space<semaphore_mem>>) src(%dma_wait3A_1016 : memref<16x512xf32, #tpu.memory_space<hbm>>) dst(%arg10 : memref<16x512xf32, #tpu.memory_space<vmem>>)
    %scan3A_1017 = arith.constant 0 : i32
    %scan3A_1018 = arith.constant 512 : i32
    %scan3A_1019 = arith.addi %scan3A_1017, %scan3A_1018 : i32
    %scan3A_1020 = arith.constant 1 : i32
    %scan3A_1021 = scf.for %scan3A_1196 = %scan3A_1017 to %scan3A_1019 step %scan3A_1020 iter_args(%scan3A_1197 = %scan3A_961) -> (vector<16xf32>)  : i32 {
      %shift_right_arithmetic3A = arith.constant 5 : i32
      %shift_right_arithmetic3A_1198 = arith.shrsi %scan3A_1196, %shift_right_arithmetic3A : i32
      %and3A = arith.constant 31 : i32
      %and3A_1199 = arith.andi %scan3A_1196, %and3A : i32
      %mul3A_1200 = arith.constant 16 : i32
      %mul3A_1201 = arith.muli %and3A_1199, %mul3A_1200 : i32
      %get3A = arith.index_cast %shift_right_arithmetic3A_1198 : i32 to index
      %get3A_1202 = arith.index_cast %mul3A_1201 : i32 to index
      %get3A_1203 = tpu.vector_load %arg8[%get3A, %get3A_1202] {strides = array<i32>} : memref<16x512xf32, #tpu.memory_space<vmem>>, vector<1x16xf32>,
      %get3A_1204 = vector.shape_cast %get3A_1203 : vector<1x16xf32> to vector<16xf32>
      %get3A_1205 = arith.index_cast %shift_right_arithmetic3A_1198 : i32 to index
      %get3A_1206 = arith.index_cast %mul3A_1201 : i32 to index
      %get3A_1207 = tpu.vector_load %arg9[%get3A_1205, %get3A_1206] {strides = array<i32>} : memref<16x512xf32, #tpu.memory_space<vmem>>, vector<1x16xf32>,
      %get3A_1208 = vector.shape_cast %get3A_1207 : vector<1x16xf32> to vector<16xf32>
      %get3A_1209 = arith.index_cast %shift_right_arithmetic3A_1198 : i32 to index
      %get3A_1210 = arith.index_cast %mul3A_1201 : i32 to index
      %get3A_1211 = tpu.vector_load %arg10[%get3A_1209, %get3A_1210] {strides = array<i32>} : memref<16x512xf32, #tpu.memory_space<vmem>>, vector<1x16xf32>,
      %get3A_1212 = vector.shape_cast %get3A_1211 : vector<1x16xf32> to vector<16xf32>
      %get3A_1213 = arith.index_cast %shift_right_arithmetic3A_1198 : i32 to index
      %get3A_1214 = arith.index_cast %mul3A_1201 : i32 to index
      %get3A_1215 = tpu.vector_load %arg14[%get3A_1213, %get3A_1214] {strides = array<i32>} : memref<16x512xi32, #tpu.memory_space<vmem>>, vector<1x16xi32>,
      %get3A_1216 = vector.shape_cast %get3A_1215 : vector<1x16xi32> to vector<16xi32>
      %convert_element_type3A = arith.sitofp %get3A_1216 : vector<16xi32> to vector<16xf32>
      %sub3A = arith.subf %get3A_1208, %get3A_1204 : vector<16xf32>
      %mul3A_1217 = arith.mulf %get3A_1212, %get3A_1212 : vector<16xf32>
      %max3A = arith.constant 9.99999997E-7 : f32
      %max3A_1218 = vector.broadcast %max3A : f32 to vector<16xf32>
      %max3A_1219 = arith.maximumf %mul3A_1217, %max3A_1218 : vector<16xf32>
      %mul3A_1220 = arith.mulf %sub3A, %sub3A : vector<16xf32>
      %div3A = arith.divf %mul3A_1220, %max3A_1219 : vector<16xf32>
      %bitcast_convert_type3A = tpu.bitcast %max3A_1219 : vector<16xf32> -> vector<16xi32>
      %convert_element_type3A_1221 = arith.sitofp %bitcast_convert_type3A : vector<16xi32> to vector<16xf32>
      %mul3A_1222 = arith.constant 8.26295832E-8 : f32
      %mul3A_1223 = vector.broadcast %mul3A_1222 : f32 to vector<16xf32>
      %mul3A_1224 = arith.mulf %convert_element_type3A_1221, %mul3A_1223 : vector<16xf32>
      %and3A_1225 = arith.constant 8388607 : i32
      %and3A_1226 = vector.broadcast %and3A_1225 : i32 to vector<16xi32>
      %and3A_1227 = arith.andi %bitcast_convert_type3A, %and3A_1226 : vector<16xi32>
      %or3A = arith.constant 1065353216 : i32
      %or3A_1228 = vector.broadcast %or3A : i32 to vector<16xi32>
      %or3A_1229 = arith.ori %and3A_1227, %or3A_1228 : vector<16xi32>
      %bitcast_convert_type3A_1230 = tpu.bitcast %or3A_1229 : vector<16xi32> -> vector<16xf32>
      %sub3A_1231 = arith.constant 1.000000e+00 : f32
      %sub3A_1232 = vector.broadcast %sub3A_1231 : f32 to vector<16xf32>
      %sub3A_1233 = arith.subf %bitcast_convert_type3A_1230, %sub3A_1232 : vector<16xf32>
      %mul3A_1234 = arith.constant 0.106684729 : f32
      %mul3A_1235 = vector.broadcast %mul3A_1234 : f32 to vector<16xf32>
      %mul3A_1236 = arith.mulf %mul3A_1235, %sub3A_1233 : vector<16xf32>
      %add3A_1237 = arith.constant -0.393535793 : f32
      %add3A_1238 = vector.broadcast %add3A_1237 : f32 to vector<16xf32>
      %add3A_1239 = arith.addf %mul3A_1236, %add3A_1238 : vector<16xf32>
      %mul3A_1240 = arith.mulf %add3A_1239, %sub3A_1233 : vector<16xf32>
      %add3A_1241 = arith.constant 0.286606222 : f32
      %add3A_1242 = vector.broadcast %add3A_1241 : f32 to vector<16xf32>
      %add3A_1243 = arith.addf %mul3A_1240, %add3A_1242 : vector<16xf32>
      %mul3A_1244 = arith.mulf %add3A_1243, %sub3A_1233 : vector<16xf32>
      %add3A_1245 = arith.constant -88.0287704 : f32
      %add3A_1246 = vector.broadcast %add3A_1245 : f32 to vector<16xf32>
      %add3A_1247 = arith.addf %mul3A_1244, %add3A_1246 : vector<16xf32>
      %add3A_1248 = arith.addf %mul3A_1224, %add3A_1247 : vector<16xf32>
      %add3A_1249 = arith.addf %add3A_1248, %div3A : vector<16xf32>
      %mul3A_1250 = arith.mulf %add3A_1249, %convert_element_type3A : vector<16xf32>
      %add3A_1251 = arith.addf %scan3A_1197, %mul3A_1250 : vector<16xf32>
      scf.yield %add3A_1251 : vector<16xf32>
    }
    %scan3A_1022 = arith.constant 512 : i32
    %dma_start3A_1023 = arith.constant 15 : i32
    %dma_start3A_1024 = arith.constant 1 : i32
    %dma_start3A_1025 = arith.constant 0 : i32
    %dma_start3A_1026 = tpu.memref_slice %arg2[%dma_start3A_1023, %dma_start3A_1024, %mul3A_2, %dma_start3A_1025] : memref<16x3x512x512xf32, #tpu.memory_space<hbm>> -> memref<1x1x16x512xf32, #tpu.memory_space<hbm>>
    %dma_start3A_1027 = tpu.memref_squeeze %dma_start3A_1026 : memref<1x1x16x512xf32, #tpu.memory_space<hbm>> -> memref<16x512xf32, #tpu.memory_space<hbm>>
    %dma_start3A_1028 = arith.constant 0 : i32
    %dma_start3A_1029 = tpu.memref_slice %arg2[%dma_start3A_1023, %dma_start3A_1024, %mul3A_2, %dma_start3A_1028] : memref<16x3x512x512xf32, #tpu.memory_space<hbm>> -> memref<1x1x16x512xf32, #tpu.memory_space<hbm>>
    %dma_start3A_1030 = tpu.memref_squeeze %dma_start3A_1029 : memref<1x1x16x512xf32, #tpu.memory_space<hbm>> -> memref<16x512xf32, #tpu.memory_space<hbm>>
    tpu.enqueue_dma source(%dma_start3A_1030 : memref<16x512xf32, #tpu.memory_space<hbm>>) target(%arg8 : memref<16x512xf32, #tpu.memory_space<vmem>>) target_semaphore(%arg18 : memref<!tpu.dma_semaphore, #tpu.memory_space<semaphore_mem>>)
    %dma_start3A_1031 = arith.constant 15 : i32
    %dma_start3A_1032 = arith.constant 1 : i32
    %dma_start3A_1033 = arith.constant 0 : i32
    %dma_start3A_1034 = tpu.memref_slice %arg3[%dma_start3A_1031, %dma_start3A_1032, %mul3A_2, %dma_start3A_1033] : memref<16x3x512x512xf32, #tpu.memory_space<hbm>> -> memref<1x1x16x512xf32, #tpu.memory_space<hbm>>
    %dma_start3A_1035 = tpu.memref_squeeze %dma_start3A_1034 : memref<1x1x16x512xf32, #tpu.memory_space<hbm>> -> memref<16x512xf32, #tpu.memory_space<hbm>>
    %dma_start3A_1036 = arith.constant 0 : i32
    %dma_start3A_1037 = tpu.memref_slice %arg3[%dma_start3A_1031, %dma_start3A_1032, %mul3A_2, %dma_start3A_1036] : memref<16x3x512x512xf32, #tpu.memory_space<hbm>> -> memref<1x1x16x512xf32, #tpu.memory_space<hbm>>
    %dma_start3A_1038 = tpu.memref_squeeze %dma_start3A_1037 : memref<1x1x16x512xf32, #tpu.memory_space<hbm>> -> memref<16x512xf32, #tpu.memory_space<hbm>>
    tpu.enqueue_dma source(%dma_start3A_1038 : memref<16x512xf32, #tpu.memory_space<hbm>>) target(%arg9 : memref<16x512xf32, #tpu.memory_space<vmem>>) target_semaphore(%arg18 : memref<!tpu.dma_semaphore, #tpu.memory_space<semaphore_mem>>)
    %dma_start3A_1039 = arith.constant 15 : i32
    %dma_start3A_1040 = arith.constant 1 : i32
    %dma_start3A_1041 = arith.constant 0 : i32
    %dma_start3A_1042 = tpu.memref_slice %arg4[%dma_start3A_1039, %dma_start3A_1040, %mul3A_2, %dma_start3A_1041] : memref<16x3x512x512xf32, #tpu.memory_space<hbm>> -> memref<1x1x16x512xf32, #tpu.memory_space<hbm>>
    %dma_start3A_1043 = tpu.memref_squeeze %dma_start3A_1042 : memref<1x1x16x512xf32, #tpu.memory_space<hbm>> -> memref<16x512xf32, #tpu.memory_space<hbm>>
    %dma_start3A_1044 = arith.constant 0 : i32
    %dma_start3A_1045 = tpu.memref_slice %arg4[%dma_start3A_1039, %dma_start3A_1040, %mul3A_2, %dma_start3A_1044] : memref<16x3x512x512xf32, #tpu.memory_space<hbm>> -> memref<1x1x16x512xf32, #tpu.memory_space<hbm>>
    %dma_start3A_1046 = tpu.memref_squeeze %dma_start3A_1045 : memref<1x1x16x512xf32, #tpu.memory_space<hbm>> -> memref<16x512xf32, #tpu.memory_space<hbm>>
    tpu.enqueue_dma source(%dma_start3A_1046 : memref<16x512xf32, #tpu.memory_space<hbm>>) target(%arg10 : memref<16x512xf32, #tpu.memory_space<vmem>>) target_semaphore(%arg18 : memref<!tpu.dma_semaphore, #tpu.memory_space<semaphore_mem>>)
    %dma_wait3A_1047 = arith.constant 0 : i32
    %dma_wait3A_1048 = arith.constant 0 : i32
    %dma_wait3A_1049 = arith.constant 0 : i32
    %dma_wait3A_1050 = arith.constant 0 : i32
    %dma_wait3A_1051 = tpu.memref_slice %arg5[%dma_wait3A_1047, %dma_wait3A_1048, %dma_wait3A_1049, %dma_wait3A_1050] : memref<16x1x512x512xi32, #tpu.memory_space<hbm>> -> memref<1x1x16x512xi32, #tpu.memory_space<hbm>>
    %dma_wait3A_1052 = tpu.memref_squeeze %dma_wait3A_1051 : memref<1x1x16x512xi32, #tpu.memory_space<hbm>> -> memref<16x512xi32, #tpu.memory_space<hbm>>
    %dma_wait3A_1053 = arith.constant 0 : i32
    %dma_wait3A_1054 = arith.constant 0 : i32
    %dma_wait3A_1055 = tpu.memref_slice %arg5[%dma_wait3A_1047, %dma_wait3A_1048, %dma_wait3A_1053, %dma_wait3A_1054] : memref<16x1x512x512xi32, #tpu.memory_space<hbm>> -> memref<1x1x16x512xi32, #tpu.memory_space<hbm>>
    %dma_wait3A_1056 = tpu.memref_squeeze %dma_wait3A_1055 : memref<1x1x16x512xi32, #tpu.memory_space<hbm>> -> memref<16x512xi32, #tpu.memory_space<hbm>>
    tpu.wait_dma2 semaphore(%arg21 : memref<!tpu.dma_semaphore, #tpu.memory_space<semaphore_mem>>) src(%dma_wait3A_1056 : memref<16x512xi32, #tpu.memory_space<hbm>>) dst(%arg15 : memref<16x512xi32, #tpu.memory_space<vmem>>)
    %dma_wait3A_1057 = arith.constant 0 : i32
    %dma_wait3A_1058 = arith.constant 0 : i32
    %dma_wait3A_1059 = arith.constant 0 : i32
    %dma_wait3A_1060 = arith.constant 0 : i32
    %dma_wait3A_1061 = tpu.memref_slice %arg2[%dma_wait3A_1057, %dma_wait3A_1058, %dma_wait3A_1059, %dma_wait3A_1060] : memref<16x3x512x512xf32, #tpu.memory_space<hbm>> -> memref<1x1x16x512xf32, #tpu.memory_space<hbm>>
    %dma_wait3A_1062 = tpu.memref_squeeze %dma_wait3A_1061 : memref<1x1x16x512xf32, #tpu.memory_space<hbm>> -> memref<16x512xf32, #tpu.memory_space<hbm>>
    %dma_wait3A_1063 = arith.constant 0 : i32
    %dma_wait3A_1064 = arith.constant 0 : i32
    %dma_wait3A_1065 = tpu.memref_slice %arg2[%dma_wait3A_1057, %dma_wait3A_1058, %dma_wait3A_1063, %dma_wait3A_1064] : memref<16x3x512x512xf32, #tpu.memory_space<hbm>> -> memref<1x1x16x512xf32, #tpu.memory_space<hbm>>
    %dma_wait3A_1066 = tpu.memref_squeeze %dma_wait3A_1065 : memref<1x1x16x512xf32, #tpu.memory_space<hbm>> -> memref<16x512xf32, #tpu.memory_space<hbm>>
    tpu.wait_dma2 semaphore(%arg19 : memref<!tpu.dma_semaphore, #tpu.memory_space<semaphore_mem>>) src(%dma_wait3A_1066 : memref<16x512xf32, #tpu.memory_space<hbm>>) dst(%arg11 : memref<16x512xf32, #tpu.memory_space<vmem>>)
    %dma_wait3A_1067 = arith.constant 0 : i32
    %dma_wait3A_1068 = arith.constant 0 : i32
    %dma_wait3A_1069 = arith.constant 0 : i32
    %dma_wait3A_1070 = arith.constant 0 : i32
    %dma_wait3A_1071 = tpu.memref_slice %arg2[%dma_wait3A_1067, %dma_wait3A_1068, %dma_wait3A_1069, %dma_wait3A_1070] : memref<16x3x512x512xf32, #tpu.memory_space<hbm>> -> memref<1x1x16x512xf32, #tpu.memory_space<hbm>>
    %dma_wait3A_1072 = tpu.memref_squeeze %dma_wait3A_1071 : memref<1x1x16x512xf32, #tpu.memory_space<hbm>> -> memref<16x512xf32, #tpu.memory_space<hbm>>
    %dma_wait3A_1073 = arith.constant 0 : i32
    %dma_wait3A_1074 = arith.constant 0 : i32
    %dma_wait3A_1075 = tpu.memref_slice %arg2[%dma_wait3A_1067, %dma_wait3A_1068, %dma_wait3A_1073, %dma_wait3A_1074] : memref<16x3x512x512xf32, #tpu.memory_space<hbm>> -> memref<1x1x16x512xf32, #tpu.memory_space<hbm>>
    %dma_wait3A_1076 = tpu.memref_squeeze %dma_wait3A_1075 : memref<1x1x16x512xf32, #tpu.memory_space<hbm>> -> memref<16x512xf32, #tpu.memory_space<hbm>>
    tpu.wait_dma2 semaphore(%arg19 : memref<!tpu.dma_semaphore, #tpu.memory_space<semaphore_mem>>) src(%dma_wait3A_1076 : memref<16x512xf32, #tpu.memory_space<hbm>>) dst(%arg12 : memref<16x512xf32, #tpu.memory_space<vmem>>)
    %dma_wait3A_1077 = arith.constant 0 : i32
    %dma_wait3A_1078 = arith.constant 0 : i32
    %dma_wait3A_1079 = arith.constant 0 : i32
    %dma_wait3A_1080 = arith.constant 0 : i32
    %dma_wait3A_1081 = tpu.memref_slice %arg2[%dma_wait3A_1077, %dma_wait3A_1078, %dma_wait3A_1079, %dma_wait3A_1080] : memref<16x3x512x512xf32, #tpu.memory_space<hbm>> -> memref<1x1x16x512xf32, #tpu.memory_space<hbm>>
    %dma_wait3A_1082 = tpu.memref_squeeze %dma_wait3A_1081 : memref<1x1x16x512xf32, #tpu.memory_space<hbm>> -> memref<16x512xf32, #tpu.memory_space<hbm>>
    %dma_wait3A_1083 = arith.constant 0 : i32
    %dma_wait3A_1084 = arith.constant 0 : i32
    %dma_wait3A_1085 = tpu.memref_slice %arg2[%dma_wait3A_1077, %dma_wait3A_1078, %dma_wait3A_1083, %dma_wait3A_1084] : memref<16x3x512x512xf32, #tpu.memory_space<hbm>> -> memref<1x1x16x512xf32, #tpu.memory_space<hbm>>
    %dma_wait3A_1086 = tpu.memref_squeeze %dma_wait3A_1085 : memref<1x1x16x512xf32, #tpu.memory_space<hbm>> -> memref<16x512xf32, #tpu.memory_space<hbm>>
    tpu.wait_dma2 semaphore(%arg19 : memref<!tpu.dma_semaphore, #tpu.memory_space<semaphore_mem>>) src(%dma_wait3A_1086 : memref<16x512xf32, #tpu.memory_space<hbm>>) dst(%arg13 : memref<16x512xf32, #tpu.memory_space<vmem>>)
    %scan3A_1087 = arith.constant 0 : i32
    %scan3A_1088 = arith.constant 512 : i32
    %scan3A_1089 = arith.addi %scan3A_1087, %scan3A_1088 : i32
    %scan3A_1090 = arith.constant 1 : i32
    %scan3A_1091:2 = scf.for %scan3A_1196 = %scan3A_1087 to %scan3A_1089 step %scan3A_1090 iter_args(%scan3A_1197 = %scan3A_1021, %scan3A_1198 = %scan3A_893#1) -> (vector<16xf32>, vector<16xf32>)  : i32 {
      %shift_right_arithmetic3A = arith.constant 5 : i32
      %shift_right_arithmetic3A_1199 = arith.shrsi %scan3A_1196, %shift_right_arithmetic3A : i32
      %and3A = arith.constant 31 : i32
      %and3A_1200 = arith.andi %scan3A_1196, %and3A : i32
      %mul3A_1201 = arith.constant 16 : i32
      %mul3A_1202 = arith.muli %and3A_1200, %mul3A_1201 : i32
      %get3A = arith.index_cast %shift_right_arithmetic3A_1199 : i32 to index
      %get3A_1203 = arith.index_cast %mul3A_1202 : i32 to index
      %get3A_1204 = tpu.vector_load %arg11[%get3A, %get3A_1203] {strides = array<i32>} : memref<16x512xf32, #tpu.memory_space<vmem>>, vector<1x16xf32>,
      %get3A_1205 = vector.shape_cast %get3A_1204 : vector<1x16xf32> to vector<16xf32>
      %get3A_1206 = arith.index_cast %shift_right_arithmetic3A_1199 : i32 to index
      %get3A_1207 = arith.index_cast %mul3A_1202 : i32 to index
      %get3A_1208 = tpu.vector_load %arg12[%get3A_1206, %get3A_1207] {strides = array<i32>} : memref<16x512xf32, #tpu.memory_space<vmem>>, vector<1x16xf32>,
      %get3A_1209 = vector.shape_cast %get3A_1208 : vector<1x16xf32> to vector<16xf32>
      %get3A_1210 = arith.index_cast %shift_right_arithmetic3A_1199 : i32 to index
      %get3A_1211 = arith.index_cast %mul3A_1202 : i32 to index
      %get3A_1212 = tpu.vector_load %arg13[%get3A_1210, %get3A_1211] {strides = array<i32>} : memref<16x512xf32, #tpu.memory_space<vmem>>, vector<1x16xf32>,
      %get3A_1213 = vector.shape_cast %get3A_1212 : vector<1x16xf32> to vector<16xf32>
      %get3A_1214 = arith.index_cast %shift_right_arithmetic3A_1199 : i32 to index
      %get3A_1215 = arith.index_cast %mul3A_1202 : i32 to index
      %get3A_1216 = tpu.vector_load %arg15[%get3A_1214, %get3A_1215] {strides = array<i32>} : memref<16x512xi32, #tpu.memory_space<vmem>>, vector<1x16xi32>,
      %get3A_1217 = vector.shape_cast %get3A_1216 : vector<1x16xi32> to vector<16xi32>
      %convert_element_type3A = arith.sitofp %get3A_1217 : vector<16xi32> to vector<16xf32>
      %sub3A = arith.subf %get3A_1209, %get3A_1205 : vector<16xf32>
      %mul3A_1218 = arith.mulf %get3A_1213, %get3A_1213 : vector<16xf32>
      %max3A = arith.constant 9.99999997E-7 : f32
      %max3A_1219 = vector.broadcast %max3A : f32 to vector<16xf32>
      %max3A_1220 = arith.maximumf %mul3A_1218, %max3A_1219 : vector<16xf32>
      %mul3A_1221 = arith.mulf %sub3A, %sub3A : vector<16xf32>
      %div3A = arith.divf %mul3A_1221, %max3A_1220 : vector<16xf32>
      %bitcast_convert_type3A = tpu.bitcast %max3A_1220 : vector<16xf32> -> vector<16xi32>
      %convert_element_type3A_1222 = arith.sitofp %bitcast_convert_type3A : vector<16xi32> to vector<16xf32>
      %mul3A_1223 = arith.constant 8.26295832E-8 : f32
      %mul3A_1224 = vector.broadcast %mul3A_1223 : f32 to vector<16xf32>
      %mul3A_1225 = arith.mulf %convert_element_type3A_1222, %mul3A_1224 : vector<16xf32>
      %and3A_1226 = arith.constant 8388607 : i32
      %and3A_1227 = vector.broadcast %and3A_1226 : i32 to vector<16xi32>
      %and3A_1228 = arith.andi %bitcast_convert_type3A, %and3A_1227 : vector<16xi32>
      %or3A = arith.constant 1065353216 : i32
      %or3A_1229 = vector.broadcast %or3A : i32 to vector<16xi32>
      %or3A_1230 = arith.ori %and3A_1228, %or3A_1229 : vector<16xi32>
      %bitcast_convert_type3A_1231 = tpu.bitcast %or3A_1230 : vector<16xi32> -> vector<16xf32>
      %sub3A_1232 = arith.constant 1.000000e+00 : f32
      %sub3A_1233 = vector.broadcast %sub3A_1232 : f32 to vector<16xf32>
      %sub3A_1234 = arith.subf %bitcast_convert_type3A_1231, %sub3A_1233 : vector<16xf32>
      %mul3A_1235 = arith.constant 0.106684729 : f32
      %mul3A_1236 = vector.broadcast %mul3A_1235 : f32 to vector<16xf32>
      %mul3A_1237 = arith.mulf %mul3A_1236, %sub3A_1234 : vector<16xf32>
      %add3A_1238 = arith.constant -0.393535793 : f32
      %add3A_1239 = vector.broadcast %add3A_1238 : f32 to vector<16xf32>
      %add3A_1240 = arith.addf %mul3A_1237, %add3A_1239 : vector<16xf32>
      %mul3A_1241 = arith.mulf %add3A_1240, %sub3A_1234 : vector<16xf32>
      %add3A_1242 = arith.constant 0.286606222 : f32
      %add3A_1243 = vector.broadcast %add3A_1242 : f32 to vector<16xf32>
      %add3A_1244 = arith.addf %mul3A_1241, %add3A_1243 : vector<16xf32>
      %mul3A_1245 = arith.mulf %add3A_1244, %sub3A_1234 : vector<16xf32>
      %add3A_1246 = arith.constant -88.0287704 : f32
      %add3A_1247 = vector.broadcast %add3A_1246 : f32 to vector<16xf32>
      %add3A_1248 = arith.addf %mul3A_1245, %add3A_1247 : vector<16xf32>
      %add3A_1249 = arith.addf %mul3A_1225, %add3A_1248 : vector<16xf32>
      %add3A_1250 = arith.addf %add3A_1249, %div3A : vector<16xf32>
      %mul3A_1251 = arith.mulf %add3A_1250, %convert_element_type3A : vector<16xf32>
      %add3A_1252 = arith.addf %scan3A_1197, %mul3A_1251 : vector<16xf32>
      %add3A_1253 = arith.addf %scan3A_1198, %convert_element_type3A : vector<16xf32>
      scf.yield %add3A_1252, %add3A_1253 : vector<16xf32>, vector<16xf32>
    }
    %scan3A_1092 = arith.constant 512 : i32
    %dma_start3A_1093 = arith.constant 15 : i32
    %dma_start3A_1094 = arith.constant 2 : i32
    %dma_start3A_1095 = arith.constant 0 : i32
    %dma_start3A_1096 = tpu.memref_slice %arg2[%dma_start3A_1093, %dma_start3A_1094, %mul3A_2, %dma_start3A_1095] : memref<16x3x512x512xf32, #tpu.memory_space<hbm>> -> memref<1x1x16x512xf32, #tpu.memory_space<hbm>>
    %dma_start3A_1097 = tpu.memref_squeeze %dma_start3A_1096 : memref<1x1x16x512xf32, #tpu.memory_space<hbm>> -> memref<16x512xf32, #tpu.memory_space<hbm>>
    %dma_start3A_1098 = arith.constant 0 : i32
    %dma_start3A_1099 = tpu.memref_slice %arg2[%dma_start3A_1093, %dma_start3A_1094, %mul3A_2, %dma_start3A_1098] : memref<16x3x512x512xf32, #tpu.memory_space<hbm>> -> memref<1x1x16x512xf32, #tpu.memory_space<hbm>>
    %dma_start3A_1100 = tpu.memref_squeeze %dma_start3A_1099 : memref<1x1x16x512xf32, #tpu.memory_space<hbm>> -> memref<16x512xf32, #tpu.memory_space<hbm>>
    tpu.enqueue_dma source(%dma_start3A_1100 : memref<16x512xf32, #tpu.memory_space<hbm>>) target(%arg11 : memref<16x512xf32, #tpu.memory_space<vmem>>) target_semaphore(%arg19 : memref<!tpu.dma_semaphore, #tpu.memory_space<semaphore_mem>>)
    %dma_start3A_1101 = arith.constant 15 : i32
    %dma_start3A_1102 = arith.constant 2 : i32
    %dma_start3A_1103 = arith.constant 0 : i32
    %dma_start3A_1104 = tpu.memref_slice %arg3[%dma_start3A_1101, %dma_start3A_1102, %mul3A_2, %dma_start3A_1103] : memref<16x3x512x512xf32, #tpu.memory_space<hbm>> -> memref<1x1x16x512xf32, #tpu.memory_space<hbm>>
    %dma_start3A_1105 = tpu.memref_squeeze %dma_start3A_1104 : memref<1x1x16x512xf32, #tpu.memory_space<hbm>> -> memref<16x512xf32, #tpu.memory_space<hbm>>
    %dma_start3A_1106 = arith.constant 0 : i32
    %dma_start3A_1107 = tpu.memref_slice %arg3[%dma_start3A_1101, %dma_start3A_1102, %mul3A_2, %dma_start3A_1106] : memref<16x3x512x512xf32, #tpu.memory_space<hbm>> -> memref<1x1x16x512xf32, #tpu.memory_space<hbm>>
    %dma_start3A_1108 = tpu.memref_squeeze %dma_start3A_1107 : memref<1x1x16x512xf32, #tpu.memory_space<hbm>> -> memref<16x512xf32, #tpu.memory_space<hbm>>
    tpu.enqueue_dma source(%dma_start3A_1108 : memref<16x512xf32, #tpu.memory_space<hbm>>) target(%arg12 : memref<16x512xf32, #tpu.memory_space<vmem>>) target_semaphore(%arg19 : memref<!tpu.dma_semaphore, #tpu.memory_space<semaphore_mem>>)
    %dma_start3A_1109 = arith.constant 15 : i32
    %dma_start3A_1110 = arith.constant 2 : i32
    %dma_start3A_1111 = arith.constant 0 : i32
    %dma_start3A_1112 = tpu.memref_slice %arg4[%dma_start3A_1109, %dma_start3A_1110, %mul3A_2, %dma_start3A_1111] : memref<16x3x512x512xf32, #tpu.memory_space<hbm>> -> memref<1x1x16x512xf32, #tpu.memory_space<hbm>>
    %dma_start3A_1113 = tpu.memref_squeeze %dma_start3A_1112 : memref<1x1x16x512xf32, #tpu.memory_space<hbm>> -> memref<16x512xf32, #tpu.memory_space<hbm>>
    %dma_start3A_1114 = arith.constant 0 : i32
    %dma_start3A_1115 = tpu.memref_slice %arg4[%dma_start3A_1109, %dma_start3A_1110, %mul3A_2, %dma_start3A_1114] : memref<16x3x512x512xf32, #tpu.memory_space<hbm>> -> memref<1x1x16x512xf32, #tpu.memory_space<hbm>>
    %dma_start3A_1116 = tpu.memref_squeeze %dma_start3A_1115 : memref<1x1x16x512xf32, #tpu.memory_space<hbm>> -> memref<16x512xf32, #tpu.memory_space<hbm>>
    tpu.enqueue_dma source(%dma_start3A_1116 : memref<16x512xf32, #tpu.memory_space<hbm>>) target(%arg13 : memref<16x512xf32, #tpu.memory_space<vmem>>) target_semaphore(%arg19 : memref<!tpu.dma_semaphore, #tpu.memory_space<semaphore_mem>>)
    %dma_wait3A_1117 = arith.constant 0 : i32
    %dma_wait3A_1118 = arith.constant 0 : i32
    %dma_wait3A_1119 = arith.constant 0 : i32
    %dma_wait3A_1120 = arith.constant 0 : i32
    %dma_wait3A_1121 = tpu.memref_slice %arg2[%dma_wait3A_1117, %dma_wait3A_1118, %dma_wait3A_1119, %dma_wait3A_1120] : memref<16x3x512x512xf32, #tpu.memory_space<hbm>> -> memref<1x1x16x512xf32, #tpu.memory_space<hbm>>
    %dma_wait3A_1122 = tpu.memref_squeeze %dma_wait3A_1121 : memref<1x1x16x512xf32, #tpu.memory_space<hbm>> -> memref<16x512xf32, #tpu.memory_space<hbm>>
    %dma_wait3A_1123 = arith.constant 0 : i32
    %dma_wait3A_1124 = arith.constant 0 : i32
    %dma_wait3A_1125 = tpu.memref_slice %arg2[%dma_wait3A_1117, %dma_wait3A_1118, %dma_wait3A_1123, %dma_wait3A_1124] : memref<16x3x512x512xf32, #tpu.memory_space<hbm>> -> memref<1x1x16x512xf32, #tpu.memory_space<hbm>>
    %dma_wait3A_1126 = tpu.memref_squeeze %dma_wait3A_1125 : memref<1x1x16x512xf32, #tpu.memory_space<hbm>> -> memref<16x512xf32, #tpu.memory_space<hbm>>
    tpu.wait_dma2 semaphore(%arg18 : memref<!tpu.dma_semaphore, #tpu.memory_space<semaphore_mem>>) src(%dma_wait3A_1126 : memref<16x512xf32, #tpu.memory_space<hbm>>) dst(%arg8 : memref<16x512xf32, #tpu.memory_space<vmem>>)
    %dma_wait3A_1127 = arith.constant 0 : i32
    %dma_wait3A_1128 = arith.constant 0 : i32
    %dma_wait3A_1129 = arith.constant 0 : i32
    %dma_wait3A_1130 = arith.constant 0 : i32
    %dma_wait3A_1131 = tpu.memref_slice %arg2[%dma_wait3A_1127, %dma_wait3A_1128, %dma_wait3A_1129, %dma_wait3A_1130] : memref<16x3x512x512xf32, #tpu.memory_space<hbm>> -> memref<1x1x16x512xf32, #tpu.memory_space<hbm>>
    %dma_wait3A_1132 = tpu.memref_squeeze %dma_wait3A_1131 : memref<1x1x16x512xf32, #tpu.memory_space<hbm>> -> memref<16x512xf32, #tpu.memory_space<hbm>>
    %dma_wait3A_1133 = arith.constant 0 : i32
    %dma_wait3A_1134 = arith.constant 0 : i32
    %dma_wait3A_1135 = tpu.memref_slice %arg2[%dma_wait3A_1127, %dma_wait3A_1128, %dma_wait3A_1133, %dma_wait3A_1134] : memref<16x3x512x512xf32, #tpu.memory_space<hbm>> -> memref<1x1x16x512xf32, #tpu.memory_space<hbm>>
    %dma_wait3A_1136 = tpu.memref_squeeze %dma_wait3A_1135 : memref<1x1x16x512xf32, #tpu.memory_space<hbm>> -> memref<16x512xf32, #tpu.memory_space<hbm>>
    tpu.wait_dma2 semaphore(%arg18 : memref<!tpu.dma_semaphore, #tpu.memory_space<semaphore_mem>>) src(%dma_wait3A_1136 : memref<16x512xf32, #tpu.memory_space<hbm>>) dst(%arg9 : memref<16x512xf32, #tpu.memory_space<vmem>>)
    %dma_wait3A_1137 = arith.constant 0 : i32
    %dma_wait3A_1138 = arith.constant 0 : i32
    %dma_wait3A_1139 = arith.constant 0 : i32
    %dma_wait3A_1140 = arith.constant 0 : i32
    %dma_wait3A_1141 = tpu.memref_slice %arg2[%dma_wait3A_1137, %dma_wait3A_1138, %dma_wait3A_1139, %dma_wait3A_1140] : memref<16x3x512x512xf32, #tpu.memory_space<hbm>> -> memref<1x1x16x512xf32, #tpu.memory_space<hbm>>
    %dma_wait3A_1142 = tpu.memref_squeeze %dma_wait3A_1141 : memref<1x1x16x512xf32, #tpu.memory_space<hbm>> -> memref<16x512xf32, #tpu.memory_space<hbm>>
    %dma_wait3A_1143 = arith.constant 0 : i32
    %dma_wait3A_1144 = arith.constant 0 : i32
    %dma_wait3A_1145 = tpu.memref_slice %arg2[%dma_wait3A_1137, %dma_wait3A_1138, %dma_wait3A_1143, %dma_wait3A_1144] : memref<16x3x512x512xf32, #tpu.memory_space<hbm>> -> memref<1x1x16x512xf32, #tpu.memory_space<hbm>>
    %dma_wait3A_1146 = tpu.memref_squeeze %dma_wait3A_1145 : memref<1x1x16x512xf32, #tpu.memory_space<hbm>> -> memref<16x512xf32, #tpu.memory_space<hbm>>
    tpu.wait_dma2 semaphore(%arg18 : memref<!tpu.dma_semaphore, #tpu.memory_space<semaphore_mem>>) src(%dma_wait3A_1146 : memref<16x512xf32, #tpu.memory_space<hbm>>) dst(%arg10 : memref<16x512xf32, #tpu.memory_space<vmem>>)
    %scan3A_1147 = arith.constant 0 : i32
    %scan3A_1148 = arith.constant 512 : i32
    %scan3A_1149 = arith.addi %scan3A_1147, %scan3A_1148 : i32
    %scan3A_1150 = arith.constant 1 : i32
    %scan3A_1151 = scf.for %scan3A_1196 = %scan3A_1147 to %scan3A_1149 step %scan3A_1150 iter_args(%scan3A_1197 = %scan3A_1091#0) -> (vector<16xf32>)  : i32 {
      %shift_right_arithmetic3A = arith.constant 5 : i32
      %shift_right_arithmetic3A_1198 = arith.shrsi %scan3A_1196, %shift_right_arithmetic3A : i32
      %and3A = arith.constant 31 : i32
      %and3A_1199 = arith.andi %scan3A_1196, %and3A : i32
      %mul3A_1200 = arith.constant 16 : i32
      %mul3A_1201 = arith.muli %and3A_1199, %mul3A_1200 : i32
      %get3A = arith.index_cast %shift_right_arithmetic3A_1198 : i32 to index
      %get3A_1202 = arith.index_cast %mul3A_1201 : i32 to index
      %get3A_1203 = tpu.vector_load %arg8[%get3A, %get3A_1202] {strides = array<i32>} : memref<16x512xf32, #tpu.memory_space<vmem>>, vector<1x16xf32>,
      %get3A_1204 = vector.shape_cast %get3A_1203 : vector<1x16xf32> to vector<16xf32>
      %get3A_1205 = arith.index_cast %shift_right_arithmetic3A_1198 : i32 to index
      %get3A_1206 = arith.index_cast %mul3A_1201 : i32 to index
      %get3A_1207 = tpu.vector_load %arg9[%get3A_1205, %get3A_1206] {strides = array<i32>} : memref<16x512xf32, #tpu.memory_space<vmem>>, vector<1x16xf32>,
      %get3A_1208 = vector.shape_cast %get3A_1207 : vector<1x16xf32> to vector<16xf32>
      %get3A_1209 = arith.index_cast %shift_right_arithmetic3A_1198 : i32 to index
      %get3A_1210 = arith.index_cast %mul3A_1201 : i32 to index
      %get3A_1211 = tpu.vector_load %arg10[%get3A_1209, %get3A_1210] {strides = array<i32>} : memref<16x512xf32, #tpu.memory_space<vmem>>, vector<1x16xf32>,
      %get3A_1212 = vector.shape_cast %get3A_1211 : vector<1x16xf32> to vector<16xf32>
      %get3A_1213 = arith.index_cast %shift_right_arithmetic3A_1198 : i32 to index
      %get3A_1214 = arith.index_cast %mul3A_1201 : i32 to index
      %get3A_1215 = tpu.vector_load %arg15[%get3A_1213, %get3A_1214] {strides = array<i32>} : memref<16x512xi32, #tpu.memory_space<vmem>>, vector<1x16xi32>,
      %get3A_1216 = vector.shape_cast %get3A_1215 : vector<1x16xi32> to vector<16xi32>
      %convert_element_type3A = arith.sitofp %get3A_1216 : vector<16xi32> to vector<16xf32>
      %sub3A = arith.subf %get3A_1208, %get3A_1204 : vector<16xf32>
      %mul3A_1217 = arith.mulf %get3A_1212, %get3A_1212 : vector<16xf32>
      %max3A = arith.constant 9.99999997E-7 : f32
      %max3A_1218 = vector.broadcast %max3A : f32 to vector<16xf32>
      %max3A_1219 = arith.maximumf %mul3A_1217, %max3A_1218 : vector<16xf32>
      %mul3A_1220 = arith.mulf %sub3A, %sub3A : vector<16xf32>
      %div3A = arith.divf %mul3A_1220, %max3A_1219 : vector<16xf32>
      %bitcast_convert_type3A = tpu.bitcast %max3A_1219 : vector<16xf32> -> vector<16xi32>
      %convert_element_type3A_1221 = arith.sitofp %bitcast_convert_type3A : vector<16xi32> to vector<16xf32>
      %mul3A_1222 = arith.constant 8.26295832E-8 : f32
      %mul3A_1223 = vector.broadcast %mul3A_1222 : f32 to vector<16xf32>
      %mul3A_1224 = arith.mulf %convert_element_type3A_1221, %mul3A_1223 : vector<16xf32>
      %and3A_1225 = arith.constant 8388607 : i32
      %and3A_1226 = vector.broadcast %and3A_1225 : i32 to vector<16xi32>
      %and3A_1227 = arith.andi %bitcast_convert_type3A, %and3A_1226 : vector<16xi32>
      %or3A = arith.constant 1065353216 : i32
      %or3A_1228 = vector.broadcast %or3A : i32 to vector<16xi32>
      %or3A_1229 = arith.ori %and3A_1227, %or3A_1228 : vector<16xi32>
      %bitcast_convert_type3A_1230 = tpu.bitcast %or3A_1229 : vector<16xi32> -> vector<16xf32>
      %sub3A_1231 = arith.constant 1.000000e+00 : f32
      %sub3A_1232 = vector.broadcast %sub3A_1231 : f32 to vector<16xf32>
      %sub3A_1233 = arith.subf %bitcast_convert_type3A_1230, %sub3A_1232 : vector<16xf32>
      %mul3A_1234 = arith.constant 0.106684729 : f32
      %mul3A_1235 = vector.broadcast %mul3A_1234 : f32 to vector<16xf32>
      %mul3A_1236 = arith.mulf %mul3A_1235, %sub3A_1233 : vector<16xf32>
      %add3A_1237 = arith.constant -0.393535793 : f32
      %add3A_1238 = vector.broadcast %add3A_1237 : f32 to vector<16xf32>
      %add3A_1239 = arith.addf %mul3A_1236, %add3A_1238 : vector<16xf32>
      %mul3A_1240 = arith.mulf %add3A_1239, %sub3A_1233 : vector<16xf32>
      %add3A_1241 = arith.constant 0.286606222 : f32
      %add3A_1242 = vector.broadcast %add3A_1241 : f32 to vector<16xf32>
      %add3A_1243 = arith.addf %mul3A_1240, %add3A_1242 : vector<16xf32>
      %mul3A_1244 = arith.mulf %add3A_1243, %sub3A_1233 : vector<16xf32>
      %add3A_1245 = arith.constant -88.0287704 : f32
      %add3A_1246 = vector.broadcast %add3A_1245 : f32 to vector<16xf32>
      %add3A_1247 = arith.addf %mul3A_1244, %add3A_1246 : vector<16xf32>
      %add3A_1248 = arith.addf %mul3A_1224, %add3A_1247 : vector<16xf32>
      %add3A_1249 = arith.addf %add3A_1248, %div3A : vector<16xf32>
      %mul3A_1250 = arith.mulf %add3A_1249, %convert_element_type3A : vector<16xf32>
      %add3A_1251 = arith.addf %scan3A_1197, %mul3A_1250 : vector<16xf32>
      scf.yield %add3A_1251 : vector<16xf32>
    }
    %scan3A_1152 = arith.constant 512 : i32
    %dma_wait3A_1153 = arith.constant 0 : i32
    %dma_wait3A_1154 = arith.constant 0 : i32
    %dma_wait3A_1155 = arith.constant 0 : i32
    %dma_wait3A_1156 = arith.constant 0 : i32
    %dma_wait3A_1157 = tpu.memref_slice %arg2[%dma_wait3A_1153, %dma_wait3A_1154, %dma_wait3A_1155, %dma_wait3A_1156] : memref<16x3x512x512xf32, #tpu.memory_space<hbm>> -> memref<1x1x16x512xf32, #tpu.memory_space<hbm>>
    %dma_wait3A_1158 = tpu.memref_squeeze %dma_wait3A_1157 : memref<1x1x16x512xf32, #tpu.memory_space<hbm>> -> memref<16x512xf32, #tpu.memory_space<hbm>>
    %dma_wait3A_1159 = arith.constant 0 : i32
    %dma_wait3A_1160 = arith.constant 0 : i32
    %dma_wait3A_1161 = tpu.memref_slice %arg2[%dma_wait3A_1153, %dma_wait3A_1154, %dma_wait3A_1159, %dma_wait3A_1160] : memref<16x3x512x512xf32, #tpu.memory_space<hbm>> -> memref<1x1x16x512xf32, #tpu.memory_space<hbm>>
    %dma_wait3A_1162 = tpu.memref_squeeze %dma_wait3A_1161 : memref<1x1x16x512xf32, #tpu.memory_space<hbm>> -> memref<16x512xf32, #tpu.memory_space<hbm>>
    tpu.wait_dma2 semaphore(%arg19 : memref<!tpu.dma_semaphore, #tpu.memory_space<semaphore_mem>>) src(%dma_wait3A_1162 : memref<16x512xf32, #tpu.memory_space<hbm>>) dst(%arg11 : memref<16x512xf32, #tpu.memory_space<vmem>>)
    %dma_wait3A_1163 = arith.constant 0 : i32
    %dma_wait3A_1164 = arith.constant 0 : i32
    %dma_wait3A_1165 = arith.constant 0 : i32
    %dma_wait3A_1166 = arith.constant 0 : i32
    %dma_wait3A_1167 = tpu.memref_slice %arg2[%dma_wait3A_1163, %dma_wait3A_1164, %dma_wait3A_1165, %dma_wait3A_1166] : memref<16x3x512x512xf32, #tpu.memory_space<hbm>> -> memref<1x1x16x512xf32, #tpu.memory_space<hbm>>
    %dma_wait3A_1168 = tpu.memref_squeeze %dma_wait3A_1167 : memref<1x1x16x512xf32, #tpu.memory_space<hbm>> -> memref<16x512xf32, #tpu.memory_space<hbm>>
    %dma_wait3A_1169 = arith.constant 0 : i32
    %dma_wait3A_1170 = arith.constant 0 : i32
    %dma_wait3A_1171 = tpu.memref_slice %arg2[%dma_wait3A_1163, %dma_wait3A_1164, %dma_wait3A_1169, %dma_wait3A_1170] : memref<16x3x512x512xf32, #tpu.memory_space<hbm>> -> memref<1x1x16x512xf32, #tpu.memory_space<hbm>>
    %dma_wait3A_1172 = tpu.memref_squeeze %dma_wait3A_1171 : memref<1x1x16x512xf32, #tpu.memory_space<hbm>> -> memref<16x512xf32, #tpu.memory_space<hbm>>
    tpu.wait_dma2 semaphore(%arg19 : memref<!tpu.dma_semaphore, #tpu.memory_space<semaphore_mem>>) src(%dma_wait3A_1172 : memref<16x512xf32, #tpu.memory_space<hbm>>) dst(%arg12 : memref<16x512xf32, #tpu.memory_space<vmem>>)
    %dma_wait3A_1173 = arith.constant 0 : i32
    %dma_wait3A_1174 = arith.constant 0 : i32
    %dma_wait3A_1175 = arith.constant 0 : i32
    %dma_wait3A_1176 = arith.constant 0 : i32
    %dma_wait3A_1177 = tpu.memref_slice %arg2[%dma_wait3A_1173, %dma_wait3A_1174, %dma_wait3A_1175, %dma_wait3A_1176] : memref<16x3x512x512xf32, #tpu.memory_space<hbm>> -> memref<1x1x16x512xf32, #tpu.memory_space<hbm>>
    %dma_wait3A_1178 = tpu.memref_squeeze %dma_wait3A_1177 : memref<1x1x16x512xf32, #tpu.memory_space<hbm>> -> memref<16x512xf32, #tpu.memory_space<hbm>>
    %dma_wait3A_1179 = arith.constant 0 : i32
    %dma_wait3A_1180 = arith.constant 0 : i32
    %dma_wait3A_1181 = tpu.memref_slice %arg2[%dma_wait3A_1173, %dma_wait3A_1174, %dma_wait3A_1179, %dma_wait3A_1180] : memref<16x3x512x512xf32, #tpu.memory_space<hbm>> -> memref<1x1x16x512xf32, #tpu.memory_space<hbm>>
    %dma_wait3A_1182 = tpu.memref_squeeze %dma_wait3A_1181 : memref<1x1x16x512xf32, #tpu.memory_space<hbm>> -> memref<16x512xf32, #tpu.memory_space<hbm>>
    tpu.wait_dma2 semaphore(%arg19 : memref<!tpu.dma_semaphore, #tpu.memory_space<semaphore_mem>>) src(%dma_wait3A_1182 : memref<16x512xf32, #tpu.memory_space<hbm>>) dst(%arg13 : memref<16x512xf32, #tpu.memory_space<vmem>>)
    %scan3A_1183 = arith.constant 0 : i32
    %scan3A_1184 = arith.constant 512 : i32
    %scan3A_1185 = arith.addi %scan3A_1183, %scan3A_1184 : i32
    %scan3A_1186 = arith.constant 1 : i32
    %scan3A_1187 = scf.for %scan3A_1196 = %scan3A_1183 to %scan3A_1185 step %scan3A_1186 iter_args(%scan3A_1197 = %scan3A_1151) -> (vector<16xf32>)  : i32 {
      %shift_right_arithmetic3A = arith.constant 5 : i32
      %shift_right_arithmetic3A_1198 = arith.shrsi %scan3A_1196, %shift_right_arithmetic3A : i32
      %and3A = arith.constant 31 : i32
      %and3A_1199 = arith.andi %scan3A_1196, %and3A : i32
      %mul3A_1200 = arith.constant 16 : i32
      %mul3A_1201 = arith.muli %and3A_1199, %mul3A_1200 : i32
      %get3A = arith.index_cast %shift_right_arithmetic3A_1198 : i32 to index
      %get3A_1202 = arith.index_cast %mul3A_1201 : i32 to index
      %get3A_1203 = tpu.vector_load %arg11[%get3A, %get3A_1202] {strides = array<i32>} : memref<16x512xf32, #tpu.memory_space<vmem>>, vector<1x16xf32>,
      %get3A_1204 = vector.shape_cast %get3A_1203 : vector<1x16xf32> to vector<16xf32>
      %get3A_1205 = arith.index_cast %shift_right_arithmetic3A_1198 : i32 to index
      %get3A_1206 = arith.index_cast %mul3A_1201 : i32 to index
      %get3A_1207 = tpu.vector_load %arg12[%get3A_1205, %get3A_1206] {strides = array<i32>} : memref<16x512xf32, #tpu.memory_space<vmem>>, vector<1x16xf32>,
      %get3A_1208 = vector.shape_cast %get3A_1207 : vector<1x16xf32> to vector<16xf32>
      %get3A_1209 = arith.index_cast %shift_right_arithmetic3A_1198 : i32 to index
      %get3A_1210 = arith.index_cast %mul3A_1201 : i32 to index
      %get3A_1211 = tpu.vector_load %arg13[%get3A_1209, %get3A_1210] {strides = array<i32>} : memref<16x512xf32, #tpu.memory_space<vmem>>, vector<1x16xf32>,
      %get3A_1212 = vector.shape_cast %get3A_1211 : vector<1x16xf32> to vector<16xf32>
      %get3A_1213 = arith.index_cast %shift_right_arithmetic3A_1198 : i32 to index
      %get3A_1214 = arith.index_cast %mul3A_1201 : i32 to index
      %get3A_1215 = tpu.vector_load %arg15[%get3A_1213, %get3A_1214] {strides = array<i32>} : memref<16x512xi32, #tpu.memory_space<vmem>>, vector<1x16xi32>,
      %get3A_1216 = vector.shape_cast %get3A_1215 : vector<1x16xi32> to vector<16xi32>
      %convert_element_type3A = arith.sitofp %get3A_1216 : vector<16xi32> to vector<16xf32>
      %sub3A = arith.subf %get3A_1208, %get3A_1204 : vector<16xf32>
      %mul3A_1217 = arith.mulf %get3A_1212, %get3A_1212 : vector<16xf32>
      %max3A = arith.constant 9.99999997E-7 : f32
      %max3A_1218 = vector.broadcast %max3A : f32 to vector<16xf32>
      %max3A_1219 = arith.maximumf %mul3A_1217, %max3A_1218 : vector<16xf32>
      %mul3A_1220 = arith.mulf %sub3A, %sub3A : vector<16xf32>
      %div3A = arith.divf %mul3A_1220, %max3A_1219 : vector<16xf32>
      %bitcast_convert_type3A = tpu.bitcast %max3A_1219 : vector<16xf32> -> vector<16xi32>
      %convert_element_type3A_1221 = arith.sitofp %bitcast_convert_type3A : vector<16xi32> to vector<16xf32>
      %mul3A_1222 = arith.constant 8.26295832E-8 : f32
      %mul3A_1223 = vector.broadcast %mul3A_1222 : f32 to vector<16xf32>
      %mul3A_1224 = arith.mulf %convert_element_type3A_1221, %mul3A_1223 : vector<16xf32>
      %and3A_1225 = arith.constant 8388607 : i32
      %and3A_1226 = vector.broadcast %and3A_1225 : i32 to vector<16xi32>
      %and3A_1227 = arith.andi %bitcast_convert_type3A, %and3A_1226 : vector<16xi32>
      %or3A = arith.constant 1065353216 : i32
      %or3A_1228 = vector.broadcast %or3A : i32 to vector<16xi32>
      %or3A_1229 = arith.ori %and3A_1227, %or3A_1228 : vector<16xi32>
      %bitcast_convert_type3A_1230 = tpu.bitcast %or3A_1229 : vector<16xi32> -> vector<16xf32>
      %sub3A_1231 = arith.constant 1.000000e+00 : f32
      %sub3A_1232 = vector.broadcast %sub3A_1231 : f32 to vector<16xf32>
      %sub3A_1233 = arith.subf %bitcast_convert_type3A_1230, %sub3A_1232 : vector<16xf32>
      %mul3A_1234 = arith.constant 0.106684729 : f32
      %mul3A_1235 = vector.broadcast %mul3A_1234 : f32 to vector<16xf32>
      %mul3A_1236 = arith.mulf %mul3A_1235, %sub3A_1233 : vector<16xf32>
      %add3A_1237 = arith.constant -0.393535793 : f32
      %add3A_1238 = vector.broadcast %add3A_1237 : f32 to vector<16xf32>
      %add3A_1239 = arith.addf %mul3A_1236, %add3A_1238 : vector<16xf32>
      %mul3A_1240 = arith.mulf %add3A_1239, %sub3A_1233 : vector<16xf32>
      %add3A_1241 = arith.constant 0.286606222 : f32
      %add3A_1242 = vector.broadcast %add3A_1241 : f32 to vector<16xf32>
      %add3A_1243 = arith.addf %mul3A_1240, %add3A_1242 : vector<16xf32>
      %mul3A_1244 = arith.mulf %add3A_1243, %sub3A_1233 : vector<16xf32>
      %add3A_1245 = arith.constant -88.0287704 : f32
      %add3A_1246 = vector.broadcast %add3A_1245 : f32 to vector<16xf32>
      %add3A_1247 = arith.addf %mul3A_1244, %add3A_1246 : vector<16xf32>
      %add3A_1248 = arith.addf %mul3A_1224, %add3A_1247 : vector<16xf32>
      %add3A_1249 = arith.addf %add3A_1248, %div3A : vector<16xf32>
      %mul3A_1250 = arith.mulf %add3A_1249, %convert_element_type3A : vector<16xf32>
      %add3A_1251 = arith.addf %scan3A_1197, %mul3A_1250 : vector<16xf32>
      scf.yield %add3A_1251 : vector<16xf32>
    }
    %scan3A_1188 = arith.constant 512 : i32
    %swap3A = arith.constant 0 : index
    %swap3A_1189 = tpu.vector_load %arg16[%swap3A] {strides = array<i32>} : memref<16xf32, #tpu.memory_space<vmem>>, vector<16xf32>,
    %swap3A_1190 = vector.shape_cast %swap3A_1189 : vector<16xf32> to vector<16xf32>
    %swap3A_1191 = vector.shape_cast %scan3A_1187 : vector<16xf32> to vector<16xf32>
    tpu.vector_store %arg16[%swap3A], %swap3A_1191 {strides = array<i32>} : memref<16xf32, #tpu.memory_space<vmem>>, vector<16xf32>,
    %swap3A_1192 = arith.constant 0 : index
    %swap3A_1193 = tpu.vector_load %arg17[%swap3A_1192] {strides = array<i32>} : memref<16xf32, #tpu.memory_space<vmem>>, vector<16xf32>,
    %swap3A_1194 = vector.shape_cast %swap3A_1193 : vector<16xf32> to vector<16xf32>
    %swap3A_1195 = vector.shape_cast %scan3A_1091#1 : vector<16xf32> to vector<16xf32>
    tpu.vector_store %arg17[%swap3A_1192], %swap3A_1195 {strides = array<i32>} : memref<16xf32, #tpu.memory_space<vmem>>, vector<16xf32>,
    "tpu.region"() ({
      %run_scoped3A = tpu.sem_alloc : memref<!tpu.dma_semaphore, #tpu.memory_space<semaphore_mem>>
      %dma_start3A_1196 = arith.constant 0 : i32
      %dma_start3A_1197 = tpu.memref_slice %arg6[%add3A, %dma_start3A_1196] : memref<32x16xf32, #tpu.memory_space<hbm>> -> memref<1x16xf32, #tpu.memory_space<hbm>>
      %dma_start3A_1198 = tpu.memref_squeeze %dma_start3A_1197 : memref<1x16xf32, #tpu.memory_space<hbm>> -> memref<16xf32, #tpu.memory_space<hbm>>
      %dma_start3A_1199 = arith.constant 0 : i32
      %dma_start3A_1200 = tpu.memref_slice %arg6[%add3A, %dma_start3A_1199] : memref<32x16xf32, #tpu.memory_space<hbm>> -> memref<1x16xf32, #tpu.memory_space<hbm>>
      %dma_start3A_1201 = tpu.memref_squeeze %dma_start3A_1200 : memref<1x16xf32, #tpu.memory_space<hbm>> -> memref<16xf32, #tpu.memory_space<hbm>>
      tpu.enqueue_dma source(%arg16 : memref<16xf32, #tpu.memory_space<vmem>>) target(%dma_start3A_1201 : memref<16xf32, #tpu.memory_space<hbm>>) target_semaphore(%run_scoped3A : memref<!tpu.dma_semaphore, #tpu.memory_space<semaphore_mem>>)
      %dma_wait3A_1202 = arith.constant 0 : i32
      %dma_wait3A_1203 = tpu.memref_slice %arg6[%add3A, %dma_wait3A_1202] : memref<32x16xf32, #tpu.memory_space<hbm>> -> memref<1x16xf32, #tpu.memory_space<hbm>>
      %dma_wait3A_1204 = tpu.memref_squeeze %dma_wait3A_1203 : memref<1x16xf32, #tpu.memory_space<hbm>> -> memref<16xf32, #tpu.memory_space<hbm>>
      %dma_wait3A_1205 = arith.constant 0 : i32
      %dma_wait3A_1206 = tpu.memref_slice %arg6[%add3A, %dma_wait3A_1205] : memref<32x16xf32, #tpu.memory_space<hbm>> -> memref<1x16xf32, #tpu.memory_space<hbm>>
      %dma_wait3A_1207 = tpu.memref_squeeze %dma_wait3A_1206 : memref<1x16xf32, #tpu.memory_space<hbm>> -> memref<16xf32, #tpu.memory_space<hbm>>
      tpu.wait_dma2 semaphore(%run_scoped3A : memref<!tpu.dma_semaphore, #tpu.memory_space<semaphore_mem>>) src(%arg16 : memref<16xf32, #tpu.memory_space<vmem>>) dst(%dma_wait3A_1207 : memref<16xf32, #tpu.memory_space<hbm>>)
      tpu.yield
    }) : () -> ()
    "tpu.region"() ({
      %run_scoped3A = tpu.sem_alloc : memref<!tpu.dma_semaphore, #tpu.memory_space<semaphore_mem>>
      %dma_start3A_1196 = arith.constant 0 : i32
      %dma_start3A_1197 = tpu.memref_slice %arg7[%add3A, %dma_start3A_1196] : memref<32x16xf32, #tpu.memory_space<hbm>> -> memref<1x16xf32, #tpu.memory_space<hbm>>
      %dma_start3A_1198 = tpu.memref_squeeze %dma_start3A_1197 : memref<1x16xf32, #tpu.memory_space<hbm>> -> memref<16xf32, #tpu.memory_space<hbm>>
      %dma_start3A_1199 = arith.constant 0 : i32
      %dma_start3A_1200 = tpu.memref_slice %arg7[%add3A, %dma_start3A_1199] : memref<32x16xf32, #tpu.memory_space<hbm>> -> memref<1x16xf32, #tpu.memory_space<hbm>>
      %dma_start3A_1201 = tpu.memref_squeeze %dma_start3A_1200 : memref<1x16xf32, #tpu.memory_space<hbm>> -> memref<16xf32, #tpu.memory_space<hbm>>
      tpu.enqueue_dma source(%arg17 : memref<16xf32, #tpu.memory_space<vmem>>) target(%dma_start3A_1201 : memref<16xf32, #tpu.memory_space<hbm>>) target_semaphore(%run_scoped3A : memref<!tpu.dma_semaphore, #tpu.memory_space<semaphore_mem>>)
      %dma_wait3A_1202 = arith.constant 0 : i32
      %dma_wait3A_1203 = tpu.memref_slice %arg7[%add3A, %dma_wait3A_1202] : memref<32x16xf32, #tpu.memory_space<hbm>> -> memref<1x16xf32, #tpu.memory_space<hbm>>
      %dma_wait3A_1204 = tpu.memref_squeeze %dma_wait3A_1203 : memref<1x16xf32, #tpu.memory_space<hbm>> -> memref<16xf32, #tpu.memory_space<hbm>>
      %dma_wait3A_1205 = arith.constant 0 : i32
      %dma_wait3A_1206 = tpu.memref_slice %arg7[%add3A, %dma_wait3A_1205] : memref<32x16xf32, #tpu.memory_space<hbm>> -> memref<1x16xf32, #tpu.memory_space<hbm>>
      %dma_wait3A_1207 = tpu.memref_squeeze %dma_wait3A_1206 : memref<1x16xf32, #tpu.memory_space<hbm>> -> memref<16xf32, #tpu.memory_space<hbm>>
      tpu.wait_dma2 semaphore(%run_scoped3A : memref<!tpu.dma_semaphore, #tpu.memory_space<semaphore_mem>>) src(%arg17 : memref<16xf32, #tpu.memory_space<vmem>>) dst(%dma_wait3A_1207 : memref<16xf32, #tpu.memory_space<hbm>>)
      tpu.yield
    }) : () -> ()
    return
  }
}

module attributes {stable_mosaic.version = 14 : i64} {
  func.func @_tc_body(%arg0: i32, %arg1: memref<1x3x512x512xf32, #tpu.memory_space<vmem>>, %arg2: memref<1x3x512x512xf32, #tpu.memory_space<vmem>>, %arg3: memref<1x3x512x512xf32, #tpu.memory_space<vmem>>, %arg4: memref<1x1x512x512xi32, #tpu.memory_space<vmem>>, %arg5: memref<1x1xf32, #tpu.memory_space<smem>>, %arg6: memref<1x1xf32, #tpu.memory_space<smem>>, %arg7: memref<8x512xf32, #tpu.memory_space<vmem>>, %arg8: memref<8x512xf32, #tpu.memory_space<vmem>>) attributes {dimension_semantics = [#tpu.dimension_semantics<arbitrary>], iteration_bounds = array<i64: 10>, scalar_prefetch = 0 : i64, scratch_operands = 2 : i64, tpu.core_type = #tpu.core_type<tc>, window_params = [{transform_indices = @transform_0, window_bounds = array<i64: 1, 3, 512, 512>}, {transform_indices = @transform_1, window_bounds = array<i64: 1, 3, 512, 512>}, {transform_indices = @transform_2, window_bounds = array<i64: 1, 3, 512, 512>}, {transform_indices = @transform_3, window_bounds = array<i64: 1, 1, 512, 512>}, {transform_indices = @transform_4, window_bounds = array<i64: 1, 1>}, {transform_indices = @transform_5, window_bounds = array<i64: 1, 1>}]} {
    %eq3A = arith.constant 0 : i32
    %eq3A_0 = arith.cmpi eq, %arg0, %eq3A : i32
    %convert_element_type3A = arith.extui %eq3A_0 : i1 to i32
    %cond3A = arith.constant 0 : i32
    %cond3A_1 = arith.cmpi ne, %convert_element_type3A, %cond3A : i32
    scf.if %cond3A_1 {
      %broadcast_in_dim3A_110 = arith.constant 0.000000e+00 : f32
      %broadcast_in_dim3A_111 = vector.broadcast %broadcast_in_dim3A_110 : f32 to vector<8x512xf32>
      %swap3A_112 = arith.constant 0 : index
      %swap3A_113 = arith.constant 0 : index
      %swap3A_114 = vector.load %arg7[%swap3A_112, %swap3A_113] : memref<8x512xf32, #tpu.memory_space<vmem>>, vector<8x512xf32>
      tpu.vector_store %arg7[%swap3A_112, %swap3A_113], %broadcast_in_dim3A_111 {strides = array<i32>} : memref<8x512xf32, #tpu.memory_space<vmem>>, vector<8x512xf32>,
      %broadcast_in_dim3A_115 = arith.constant 0.000000e+00 : f32
      %broadcast_in_dim3A_116 = vector.broadcast %broadcast_in_dim3A_115 : f32 to vector<8x512xf32>
      %swap3A_117 = arith.constant 0 : index
      %swap3A_118 = arith.constant 0 : index
      %swap3A_119 = vector.load %arg8[%swap3A_117, %swap3A_118] : memref<8x512xf32, #tpu.memory_space<vmem>>, vector<8x512xf32>
      tpu.vector_store %arg8[%swap3A_117, %swap3A_118], %broadcast_in_dim3A_116 {strides = array<i32>} : memref<8x512xf32, #tpu.memory_space<vmem>>, vector<8x512xf32>,
    } else {
    }
    %get3A = arith.constant 0 : index
    %get3A_2 = arith.constant 0 : index
    %get3A_3 = arith.constant 0 : index
    %get3A_4 = arith.constant 0 : index
    %get3A_5 = vector.load %arg4[%get3A, %get3A_2, %get3A_3, %get3A_4] : memref<1x1x512x512xi32, #tpu.memory_space<vmem>>, vector<1x1x512x512xi32>
    %get3A_6 = vector.shape_cast %get3A_5 : vector<1x1x512x512xi32> to vector<512x512xi32>
    %convert_element_type3A_7 = arith.sitofp %get3A_6 : vector<512x512xi32> to vector<512x512xf32>
    %broadcast_in_dim3A = arith.constant 0.000000e+00 : f32
    %broadcast_in_dim3A_8 = vector.broadcast %broadcast_in_dim3A : f32 to vector<512x512xf32>
    %get3A_9 = arith.constant 0 : index
    %get3A_10 = arith.constant 0 : index
    %get3A_11 = arith.constant 0 : index
    %get3A_12 = arith.constant 0 : index
    %get3A_13 = vector.load %arg1[%get3A_9, %get3A_10, %get3A_11, %get3A_12] : memref<1x3x512x512xf32, #tpu.memory_space<vmem>>, vector<1x1x512x512xf32>
    %get3A_14 = vector.shape_cast %get3A_13 : vector<1x1x512x512xf32> to vector<512x512xf32>
    %get3A_15 = arith.constant 0 : index
    %get3A_16 = arith.constant 0 : index
    %get3A_17 = arith.constant 0 : index
    %get3A_18 = arith.constant 0 : index
    %get3A_19 = vector.load %arg2[%get3A_15, %get3A_16, %get3A_17, %get3A_18] : memref<1x3x512x512xf32, #tpu.memory_space<vmem>>, vector<1x1x512x512xf32>
    %get3A_20 = vector.shape_cast %get3A_19 : vector<1x1x512x512xf32> to vector<512x512xf32>
    %get3A_21 = arith.constant 0 : index
    %get3A_22 = arith.constant 0 : index
    %get3A_23 = arith.constant 0 : index
    %get3A_24 = arith.constant 0 : index
    %get3A_25 = vector.load %arg3[%get3A_21, %get3A_22, %get3A_23, %get3A_24] : memref<1x3x512x512xf32, #tpu.memory_space<vmem>>, vector<1x1x512x512xf32>
    %get3A_26 = vector.shape_cast %get3A_25 : vector<1x1x512x512xf32> to vector<512x512xf32>
    %mul3A = arith.mulf %get3A_26, %get3A_26 : vector<512x512xf32>
    %max3A = arith.constant 9.99999997E-7 : f32
    %max3A_27 = vector.broadcast %max3A : f32 to vector<512x512xf32>
    %max3A_28 = arith.maximumf %mul3A, %max3A_27 : vector<512x512xf32>
    %sub3A = arith.subf %get3A_20, %get3A_14 : vector<512x512xf32>
    %log3A = math.log %max3A_28 : vector<512x512xf32>
    %mul3A_29 = arith.mulf %sub3A, %sub3A : vector<512x512xf32>
    %div3A = arith.divf %mul3A_29, %max3A_28 : vector<512x512xf32>
    %add3A = arith.addf %log3A, %div3A : vector<512x512xf32>
    %add3A_30 = arith.addf %broadcast_in_dim3A_8, %add3A : vector<512x512xf32>
    %get3A_31 = arith.constant 0 : index
    %get3A_32 = arith.constant 1 : index
    %get3A_33 = arith.constant 0 : index
    %get3A_34 = arith.constant 0 : index
    %get3A_35 = vector.load %arg1[%get3A_31, %get3A_32, %get3A_33, %get3A_34] : memref<1x3x512x512xf32, #tpu.memory_space<vmem>>, vector<1x1x512x512xf32>
    %get3A_36 = vector.shape_cast %get3A_35 : vector<1x1x512x512xf32> to vector<512x512xf32>
    %get3A_37 = arith.constant 0 : index
    %get3A_38 = arith.constant 1 : index
    %get3A_39 = arith.constant 0 : index
    %get3A_40 = arith.constant 0 : index
    %get3A_41 = vector.load %arg2[%get3A_37, %get3A_38, %get3A_39, %get3A_40] : memref<1x3x512x512xf32, #tpu.memory_space<vmem>>, vector<1x1x512x512xf32>
    %get3A_42 = vector.shape_cast %get3A_41 : vector<1x1x512x512xf32> to vector<512x512xf32>
    %get3A_43 = arith.constant 0 : index
    %get3A_44 = arith.constant 1 : index
    %get3A_45 = arith.constant 0 : index
    %get3A_46 = arith.constant 0 : index
    %get3A_47 = vector.load %arg3[%get3A_43, %get3A_44, %get3A_45, %get3A_46] : memref<1x3x512x512xf32, #tpu.memory_space<vmem>>, vector<1x1x512x512xf32>
    %get3A_48 = vector.shape_cast %get3A_47 : vector<1x1x512x512xf32> to vector<512x512xf32>
    %mul3A_49 = arith.mulf %get3A_48, %get3A_48 : vector<512x512xf32>
    %max3A_50 = arith.constant 9.99999997E-7 : f32
    %max3A_51 = vector.broadcast %max3A_50 : f32 to vector<512x512xf32>
    %max3A_52 = arith.maximumf %mul3A_49, %max3A_51 : vector<512x512xf32>
    %sub3A_53 = arith.subf %get3A_42, %get3A_36 : vector<512x512xf32>
    %log3A_54 = math.log %max3A_52 : vector<512x512xf32>
    %mul3A_55 = arith.mulf %sub3A_53, %sub3A_53 : vector<512x512xf32>
    %div3A_56 = arith.divf %mul3A_55, %max3A_52 : vector<512x512xf32>
    %add3A_57 = arith.addf %log3A_54, %div3A_56 : vector<512x512xf32>
    %add3A_58 = arith.addf %add3A_30, %add3A_57 : vector<512x512xf32>
    %get3A_59 = arith.constant 0 : index
    %get3A_60 = arith.constant 2 : index
    %get3A_61 = arith.constant 0 : index
    %get3A_62 = arith.constant 0 : index
    %get3A_63 = vector.load %arg1[%get3A_59, %get3A_60, %get3A_61, %get3A_62] : memref<1x3x512x512xf32, #tpu.memory_space<vmem>>, vector<1x1x512x512xf32>
    %get3A_64 = vector.shape_cast %get3A_63 : vector<1x1x512x512xf32> to vector<512x512xf32>
    %get3A_65 = arith.constant 0 : index
    %get3A_66 = arith.constant 2 : index
    %get3A_67 = arith.constant 0 : index
    %get3A_68 = arith.constant 0 : index
    %get3A_69 = vector.load %arg2[%get3A_65, %get3A_66, %get3A_67, %get3A_68] : memref<1x3x512x512xf32, #tpu.memory_space<vmem>>, vector<1x1x512x512xf32>
    %get3A_70 = vector.shape_cast %get3A_69 : vector<1x1x512x512xf32> to vector<512x512xf32>
    %get3A_71 = arith.constant 0 : index
    %get3A_72 = arith.constant 2 : index
    %get3A_73 = arith.constant 0 : index
    %get3A_74 = arith.constant 0 : index
    %get3A_75 = vector.load %arg3[%get3A_71, %get3A_72, %get3A_73, %get3A_74] : memref<1x3x512x512xf32, #tpu.memory_space<vmem>>, vector<1x1x512x512xf32>
    %get3A_76 = vector.shape_cast %get3A_75 : vector<1x1x512x512xf32> to vector<512x512xf32>
    %mul3A_77 = arith.mulf %get3A_76, %get3A_76 : vector<512x512xf32>
    %max3A_78 = arith.constant 9.99999997E-7 : f32
    %max3A_79 = vector.broadcast %max3A_78 : f32 to vector<512x512xf32>
    %max3A_80 = arith.maximumf %mul3A_77, %max3A_79 : vector<512x512xf32>
    %sub3A_81 = arith.subf %get3A_70, %get3A_64 : vector<512x512xf32>
    %log3A_82 = math.log %max3A_80 : vector<512x512xf32>
    %mul3A_83 = arith.mulf %sub3A_81, %sub3A_81 : vector<512x512xf32>
    %div3A_84 = arith.divf %mul3A_83, %max3A_80 : vector<512x512xf32>
    %add3A_85 = arith.addf %log3A_82, %div3A_84 : vector<512x512xf32>
    %add3A_86 = arith.addf %add3A_58, %add3A_85 : vector<512x512xf32>
    %mul3A_87 = arith.mulf %add3A_86, %convert_element_type3A_7 : vector<512x512xf32>
    %get3A_88 = arith.constant 0 : index
    %get3A_89 = arith.constant 0 : index
    %get3A_90 = vector.load %arg7[%get3A_88, %get3A_89] : memref<8x512xf32, #tpu.memory_space<vmem>>, vector<8x512xf32>
    %reshape3A = vector.shape_cast %mul3A_87 : vector<512x512xf32> to vector<64x8x512xf32>
    %reduce_sum3A = arith.constant dense<0.000000e+00> : vector<8x512xf32>
    %reduce_sum3A_91 = vector.multi_reduction <add>, %reshape3A, %reduce_sum3A [0] : vector<64x8x512xf32> to vector<8x512xf32>
    %add3A_92 = arith.addf %get3A_90, %reduce_sum3A_91 : vector<8x512xf32>
    %swap3A = arith.constant 0 : index
    %swap3A_93 = arith.constant 0 : index
    %swap3A_94 = vector.load %arg7[%swap3A, %swap3A_93] : memref<8x512xf32, #tpu.memory_space<vmem>>, vector<8x512xf32>
    tpu.vector_store %arg7[%swap3A, %swap3A_93], %add3A_92 {strides = array<i32>} : memref<8x512xf32, #tpu.memory_space<vmem>>, vector<8x512xf32>,
    %get3A_95 = arith.constant 0 : index
    %get3A_96 = arith.constant 0 : index
    %get3A_97 = vector.load %arg8[%get3A_95, %get3A_96] : memref<8x512xf32, #tpu.memory_space<vmem>>, vector<8x512xf32>
    %reshape3A_98 = vector.shape_cast %convert_element_type3A_7 : vector<512x512xf32> to vector<64x8x512xf32>
    %reduce_sum3A_99 = arith.constant dense<0.000000e+00> : vector<8x512xf32>
    %reduce_sum3A_100 = vector.multi_reduction <add>, %reshape3A_98, %reduce_sum3A_99 [0] : vector<64x8x512xf32> to vector<8x512xf32>
    %add3A_101 = arith.addf %get3A_97, %reduce_sum3A_100 : vector<8x512xf32>
    %swap3A_102 = arith.constant 0 : index
    %swap3A_103 = arith.constant 0 : index
    %swap3A_104 = vector.load %arg8[%swap3A_102, %swap3A_103] : memref<8x512xf32, #tpu.memory_space<vmem>>, vector<8x512xf32>
    tpu.vector_store %arg8[%swap3A_102, %swap3A_103], %add3A_101 {strides = array<i32>} : memref<8x512xf32, #tpu.memory_space<vmem>>, vector<8x512xf32>,
    %eq3A_105 = arith.constant 9 : i32
    %eq3A_106 = arith.cmpi eq, %arg0, %eq3A_105 : i32
    %convert_element_type3A_107 = arith.extui %eq3A_106 : i1 to i32
    %cond3A_108 = arith.constant 0 : i32
    %cond3A_109 = arith.cmpi ne, %convert_element_type3A_107, %cond3A_108 : i32
    scf.if %cond3A_109 {
      %get3A_110 = arith.constant 0 : index
      %get3A_111 = arith.constant 0 : index
      %get3A_112 = vector.load %arg7[%get3A_110, %get3A_111] : memref<8x512xf32, #tpu.memory_space<vmem>>, vector<8x512xf32>
      %reduce_sum3A_113 = vector.shape_cast %get3A_112 : vector<8x512xf32> to vector<1x8x512xf32>
      %reduce_sum3A_114 = arith.constant dense<0.000000e+00> : vector<1xf32>
      %reduce_sum3A_115 = vector.multi_reduction <add>, %reduce_sum3A_113, %reduce_sum3A_114 [1, 2] : vector<1x8x512xf32> to vector<1xf32>
      %reduce_sum3A_116 = vector.shape_cast %reduce_sum3A_115 : vector<1xf32> to vector<1x1x1xf32>
      %reduce_sum3A_117 = vector.extract %reduce_sum3A_116[0, 0, 0] : f32 from vector<1x1x1xf32>
      %swap3A_118 = arith.constant 0 : index
      %swap3A_119 = arith.constant 0 : index
      %swap3A_120 = memref.load %arg5[%swap3A_118, %swap3A_119] : memref<1x1xf32, #tpu.memory_space<smem>>
      memref.store %reduce_sum3A_117, %arg5[%swap3A_118, %swap3A_119] : memref<1x1xf32, #tpu.memory_space<smem>>
      %get3A_121 = arith.constant 0 : index
      %get3A_122 = arith.constant 0 : index
      %get3A_123 = vector.load %arg8[%get3A_121, %get3A_122] : memref<8x512xf32, #tpu.memory_space<vmem>>, vector<8x512xf32>
      %reduce_sum3A_124 = vector.shape_cast %get3A_123 : vector<8x512xf32> to vector<1x8x512xf32>
      %reduce_sum3A_125 = arith.constant dense<0.000000e+00> : vector<1xf32>
      %reduce_sum3A_126 = vector.multi_reduction <add>, %reduce_sum3A_124, %reduce_sum3A_125 [1, 2] : vector<1x8x512xf32> to vector<1xf32>
      %reduce_sum3A_127 = vector.shape_cast %reduce_sum3A_126 : vector<1xf32> to vector<1x1x1xf32>
      %reduce_sum3A_128 = vector.extract %reduce_sum3A_127[0, 0, 0] : f32 from vector<1x1x1xf32>
      %swap3A_129 = arith.constant 0 : index
      %swap3A_130 = arith.constant 0 : index
      %swap3A_131 = memref.load %arg6[%swap3A_129, %swap3A_130] : memref<1x1xf32, #tpu.memory_space<smem>>
      memref.store %reduce_sum3A_128, %arg6[%swap3A_129, %swap3A_130] : memref<1x1xf32, #tpu.memory_space<smem>>
    } else {
    }
    return
  }
  func.func @transform_0(%arg0: i32) -> (i32, i32, i32, i32) {
    %c0_i32 = arith.constant 0 : i32
    %c0_i32_0 = arith.constant 0 : i32
    %c0_i32_1 = arith.constant 0 : i32
    %c0_i32_2 = arith.constant 0 : i32
    return %arg0, %c0_i32, %c0_i32_0, %c0_i32_1 : i32, i32, i32, i32
  }
  func.func @transform_1(%arg0: i32) -> (i32, i32, i32, i32) {
    %c0_i32 = arith.constant 0 : i32
    %c0_i32_0 = arith.constant 0 : i32
    %c0_i32_1 = arith.constant 0 : i32
    %c0_i32_2 = arith.constant 0 : i32
    return %arg0, %c0_i32, %c0_i32_0, %c0_i32_1 : i32, i32, i32, i32
  }
  func.func @transform_2(%arg0: i32) -> (i32, i32, i32, i32) {
    %c0_i32 = arith.constant 0 : i32
    %c0_i32_0 = arith.constant 0 : i32
    %c0_i32_1 = arith.constant 0 : i32
    %c0_i32_2 = arith.constant 0 : i32
    return %arg0, %c0_i32, %c0_i32_0, %c0_i32_1 : i32, i32, i32, i32
  }
  func.func @transform_3(%arg0: i32) -> (i32, i32, i32, i32) {
    %c0_i32 = arith.constant 0 : i32
    %c0_i32_0 = arith.constant 0 : i32
    %c0_i32_1 = arith.constant 0 : i32
    %c0_i32_2 = arith.constant 0 : i32
    return %arg0, %c0_i32, %c0_i32_0, %c0_i32_1 : i32, i32, i32, i32
  }
  func.func @transform_4(%arg0: i32) -> (i32, i32) {
    %c0_i32 = arith.constant 0 : i32
    %c0_i32_0 = arith.constant 0 : i32
    %c0_i32_1 = arith.constant 0 : i32
    return %c0_i32, %c0_i32_0 : i32, i32
  }
  func.func @transform_5(%arg0: i32) -> (i32, i32) {
    %c0_i32 = arith.constant 0 : i32
    %c0_i32_0 = arith.constant 0 : i32
    %c0_i32_1 = arith.constant 0 : i32
    return %c0_i32, %c0_i32_0 : i32, i32
  }
}

</mosaic_0001>

<sc_bundles>
// kernel: kernel.4.cloned.1.call-start
scs
__scs_entry_jumppad:
0x0: {  	(pc) =	sbr.rel $0x88, $3  }
0x1: {  	(tag) =	ssettag $0x0;
	lr =	simm.s32 $0x1  }
0x2: {  	[smem:$0x3F9D] =	sst lr;
	_ =	strace $0xD0000000  }
0x3: {  	_ = 	snop  }
0x4: {  	_ = 	snop  }
0x5: {  	_ = 	snop  }
0x6: {  	_ = 	snop  }
0x7: {  	_ = 	snop  }
__scs_overlays_trampoline_lowered:
0x8: {  	[smem:$0x3FAC] =	sst s0  }
0x9: {  	[smem:$0x3FAD] =	sst s1  }
0xa: {  	[smem:$0x3FAE] =	sst s2  }
0xb: {  	[smem:$0x3FAF] =	sst s3  }
0xc: {  	[smem:$0x3FB0] =	sst s4  }
0xd: {  	[smem:$0x3FB1] =	sst s5  }
0xe: {  	[smem:$0x3FB2] =	sst s6  }
0xf: {  	[smem:$0x3FB3] =	sst s7  }
0x10: {  	[smem:$0x3FB4] =	sst s8  }
0x11: {  	[smem:$0x3FB5] =	sst s9;
	s0 =	simm.s32 @!p0 $0x0  }
0x12: {  	s1 =	sld [smem:$0x3F9B];
	s0 =	simm.s32 @p0 $0x1  }
0x13: {  	[smem:$0x3FB6] =	sst s0;
	s0 =	simm.s32 @!p1 $0x0  }
0x14: {  	s2 =	sld [smem:$0x3F9A];
	s0 =	simm.s32 @p1 $0x1  }
0x15: {  	[smem:$0x3FB7] =	sst s0;
	s0 =	simm.s32 @!p2 $0x0  }
0x16: {  	s3 =	sld [smem:$0x3FDB];
	s0 =	simm.s32 @p2 $0x1  }
0x17: {  	s4 =	simm.s32 $0x1BF5;
	[smem:$0x3FB9] =	sst s0  }
0x18: {  	s0 =	sld [smem:$0x3F9C];
	_ =	swait.ge [sflag:s4], $0x0  }
0x19: {  	s7 =	sld [smem:$0x3F9D]  }
0x1a: {  	s8 =	sadd.s32 $0xFFFFE003, lr  }
0x1b: {  	s9 =	sadd.s32 $0xFFFFFEF7, lr;
	s5 =	simm.s32 $0xFFFFFFFF;
	p2 =	slt.u32 s8, $0xFFFFF086  }
0x1c: {  	p1 =	slt.u32 s9, $0xF7A;
	s5 =	simm.s32 @!p2 $0x0  }
0x1d: {  	s5 =	simm.s32 @p1 $0x1;
	p0 =	seq.s32 s7, s2  }
0x1e: {  	s7 =	smul.u32 @!p0 $0xF7A, s2;
	p2 =	seq.s32 @!p0 s5, $0x0  }
0x1f: {  	s9 =	smul.u32 $0xF7A, s1;
	s8 =	simm.s32 @!p0 $0x1BF5;
	p2 =	por !p2, p0  }
0x20: {  	[sflag:s8] =	ssyncset.s32 @!p0 $0xFFFFF086;
	s6 =	sadd.s32 @!p0 s3, s7;
	s7 =	simm.s32 @!p0 $0x108  }
0x21: {  	s3 =	sadd.s32 s3, s9;
	s6 =	sadd.s32 @!p0 $0x88, s6;
	s7 =	simm.s32 @p2 $0x1082  }
0x22: {  	[simem:s7], [sflag:s8] =	dma.local @!p0 [hbm:s6], $0xF7A  }
0x23: {  	s9 =	sor.u32 $0xD0000000, s2;
	s6 =	simm.s32 $0x108;
	_ =	swait.ge @!p0 [sflag:s8], $0x0  }
0x24: {  	s3 =	sadd.s32 $0x88, s3;
	s6 =	simm.s32 @!p1 $0x1082;
	[sflag:s4] =	ssyncset.s32 $0xFFFFF086  }
0x25: {  	[simem:s6], [sflag:s4] =	dma.local [hbm:s3], $0xF7A  }
0x26: {  	[smem:$0x3F9D] =	sst s1;
	(tag) =	ssettag s2;
	_ =	strace s9  }
0x27: {  	s1 =	sld [smem:$0x3FAD]  }
0x28: {  	s2 =	sld [smem:$0x3FAE]  }
0x29: {  	s4 =	sld [smem:$0x3FB0]  }
0x2a: {  	p0 =	seq.s32 s5, $0x0;
	s5 =	sld [smem:$0x3FB1]  }
0x2b: {  	s6 =	sld [smem:$0x3FB2]  }
0x2c: {  	s7 =	sld [smem:$0x3FB3]  }
0x2d: {  	s3 =	simm.s32 $0x108;
	s8 =	sld [smem:$0x3FB4]  }
0x2e: {  	s3 =	simm.s32 @!p0 $0x1082;
	s9 =	sld [smem:$0x3FB5]  }
0x2f: {  	lr =	sadd.s32 s0, s3;
	s0 =	sld [smem:$0x3FAC]  }
0x30: {  	s3 =	sld [smem:$0x3FAF]  }
0x31: {  	[smem:$0x3FB8] =	sst s10  }
0x32: {  	s10 =	sld [smem:$0x3FB6];
	_ =	sdelay $0x3  }
0x33: {  	p0 =	seq.s32 s10, $0x1;
	s10 =	sld [smem:$0x3FB8];
	_ =	sdelay $0x3  }
0x34: {  	[smem:$0x3FB8] =	sst s10  }
0x35: {  	s10 =	sld [smem:$0x3FB7];
	_ =	sdelay $0x3  }
0x36: {  	p1 =	seq.s32 s10, $0x1;
	s10 =	sld [smem:$0x3FB8];
	_ =	sdelay $0x3  }
0x37: {  	[smem:$0x3FB8] =	sst s10  }
0x38: {  	s10 =	sld [smem:$0x3FB9]  }
0x39: {  	_ = 	snop;
	(pc) =	sbr.ind lr, $3  }
0x3a: {  	_ = 	snop  }
0x3b: {  	_ = 	snop  }
0x3c: {  	p2 =	seq.s32 s10, $0x1;
	s10 =	sld [smem:$0x3FB8]  }
0x3d: {  	_ =	shalt  }
0x3e: {  	_ =	shalt  }
0x3f: {  	_ =	shalt  }
0x40: {  	_ =	shalt  }
0x41: {  	_ =	shalt  }
0x42: {  	_ =	shalt  }
0x43: {  	_ =	shalt  }
0x44: {  	_ =	shalt  }
0x45: {  	_ =	shalt  }
0x46: {  	_ =	shalt  }
0x47: {  	_ =	shalt  }
0x48: {  	_ =	shalt  }
0x49: {  	_ =	shalt  }
0x4a: {  	_ =	shalt  }
0x4b: {  	_ =	shalt  }
0x4c: {  	_ =	shalt  }
0x4d: {  	_ =	shalt  }
0x4e: {  	_ =	shalt  }
0x4f: {  	_ =	shalt  }
0x50: {  	_ =	shalt  }
0x51: {  	_ =	shalt  }
0x52: {  	_ =	shalt  }
0x53: {  	_ =	shalt  }
0x54: {  	_ =	shalt  }
0x55: {  	_ =	shalt  }
0x56: {  	_ =	shalt  }
0x57: {  	_ =	shalt  }
0x58: {  	_ =	shalt  }
0x59: {  	_ =	shalt  }
0x5a: {  	_ =	shalt  }
0x5b: {  	_ =	shalt  }
0x5c: {  	_ =	shalt  }
0x5d: {  	_ =	shalt  }
0x5e: {  	_ =	shalt  }
0x5f: {  	_ =	shalt  }
0x60: {  	_ =	shalt  }
0x61: {  	_ =	shalt  }
0x62: {  	_ =	shalt  }
0x63: {  	_ =	shalt  }
0x64: {  	_ =	shalt  }
0x65: {  	_ =	shalt  }
0x66: {  	_ =	shalt  }
0x67: {  	_ =	shalt  }
0x68: {  	_ =	shalt  }
0x69: {  	_ =	shalt  }
0x6a: {  	_ =	shalt  }
0x6b: {  	_ =	shalt  }
0x6c: {  	_ =	shalt  }
0x6d: {  	_ =	shalt  }
0x6e: {  	_ =	shalt  }
0x6f: {  	_ =	shalt  }
0x70: {  	_ =	shalt  }
0x71: {  	_ =	shalt  }
0x72: {  	_ =	shalt  }
0x73: {  	_ =	shalt  }
0x74: {  	_ =	shalt  }
0x75: {  	_ =	shalt  }
0x76: {  	_ =	shalt  }
0x77: {  	_ =	shalt  }
0x78: {  	_ =	shalt  }
0x79: {  	_ =	shalt  }
0x7a: {  	_ =	shalt  }
0x7b: {  	_ =	shalt  }
0x7c: {  	_ =	shalt  }
0x7d: {  	_ =	shalt  }
0x7e: {  	_ =	shalt  }
0x7f: {  	_ =	shalt  }
0x80: {  	_ =	shalt  }
0x81: {  	_ =	shalt  }
0x82: {  	_ =	shalt  }
0x83: {  	_ =	shalt  }
0x84: {  	_ =	shalt  }
0x85: {  	_ =	shalt  }
0x86: {  	_ =	shalt  }
0x87: {  	_ =	shalt  }
.Lfunc_end0:
.L_simem_size_0:
called_computation_lowered:
.L_overlay_start_0:
0x88: {  	s2 =	sld [smem:$0x3FD9]  }
0x89: {  	s3 =	sld [smem:$0x3FFE];
	_ =	sdelay $0x1  }
0x8a: {  	s1 =	srdreg.scid  }
0x8b: {  	s0 =	sand.u32 $0x1, s1  }
0x8c: {  	s17 =	sshll.u32 s0, $0xA;
	s2 =	sadd.s32 s3, s2  }
0x8d: {  	s2 =	sadd.s32 s2, s17  }
0x8e: {  	[smem:$0x3FC4] =	sst s2  }
0x8f: {  	_ = 	snop  }
0x90: {  	s2 =	sld [smem:$0x3FC9]  }
0x91: {  	s18 =	sld [smem:$0x3FC8]  }
0x92: {  	s4 =	sld [smem:$0x3FC7]  }
0x93: {  	s5 =	sld [smem:$0x3FC6];
	(tm) =	ssettm $0x1  }
0x94: {  	s6 =	sld [smem:$0x3FFB];
	_ =	sdelay $0x3  }
0x95: {  	_ =	strace s6  }
0x96: {  	s6 =	sld [smem:$0x3FFC];
	_ =	sdelay $0x3  }
0x97: {  	_ =	strace s6  }
0x98: {  	s6 =	sld [smem:$0x3FFD];
	_ =	sdelay $0x3  }
0x99: {  	_ =	strace s6  }
0x9a: {  	_ =	strace $0x8FFFFFFF  }
0x9b: {  	s19 =	sld [smem:$0x3FDB];
	_ =	sdelay $0x1  }
0x9c: {  	s7 =	simm.s32 $_scs_section_size  }
0x9d: {  	s8 =	simm.s32 $_size__tile_overlayer_lowered;
	s9 =	simm.s32 $_tile_overlayer_lowered  }
0x9e: {  	s22 =	simm.s32 $0x1BFF;
	s21 =	sshll.u32 s9, $0x1;
	s6 =	sadd.s32 s7, s19  }
0x9f: {  	s10 =	simm.s32 $0x0;
	s20 =	sshll.u32 s8, $0x1;
	s8 =	sadd.s32 s21, s6  }
0xa0: {  	[timem:s10], [sflag:s22] =	dma.local [hbm:s8], s20  }
0xa1: {  	_ =	swait.ge [sflag:s22], s20  }
0xa2: {  	s7 =	ssub.s32 $0x0, s20;
	[sflag:s22] =	ssyncset.done $0x0  }
0xa3: {  	[sflag:s22] =	ssyncadd.s32 s7;
	_ =	sdelay $0x1  }
0xa4: {  	s23 =	simm.s32 $0x1B8B  }
0xa5: {  	_ =	swait.ge [sflag:s23], $0x1  }
0xa6: {  	[sflag:s23] =	ssyncset.done $0x0  }
0xa7: {  	s25 =	simm.s32 $0x1B8E;
	s24 =	sld [smem:$0x3FFE];
	[sflag:s23] =	ssyncadd.s32 $0xFFFFFFFF  }
0xa8: {  	s26 =	simm.s32 $execute0_lowered;
	[smem:$0x3FD2] =	sst s25  }
0xa9: {  	s8 =	sshll.u32 s26, $0x1;
	_ =	strace $0x80000046;
	[dreg:$0x1] =	wrdreg $0xFFFFFFFF  }
0xaa: {  	s28 =	simm.s32 $_size_execute0_lowered;
	s6 =	sadd.s32 s6, s8;
	[dreg:$0x0] =	wrdreg $0x0  }
0xab: {  	s8 =	sshll.u32 s28, $0x1;
	[dreg:$0x2] =	wrdreg s6  }
0xac: {  	[dreg:$0x3] =	wrdreg s8  }
0xad: {  	[dreg:$0x4] =	wrdreg $0xC0  }
0xae: {  	_ =	task [dreg:s10], $0x5FFFF  }
0xaf: {  	[dreg:$0x1] =	wrdreg $0xFFFFFFFF  }
0xb0: {  	[dreg:$0x0] =	wrdreg $0x60  }
0xb1: {  	[dreg:$0x2] =	wrdreg s2  }
0xb2: {  	[dreg:$0x3] =	wrdreg s18  }
0xb3: {  	[dreg:$0x4] =	wrdreg s4  }
0xb4: {  	[dreg:$0x5] =	wrdreg s5  }
0xb5: {  	[dreg:$0x6] =	wrdreg s24  }
0xb6: {  	[dreg:$0x7] =	wrdreg $0x9  }
0xb7: {  	_ =	task.clear_ibuf [dreg:s10], $0x8FFFF;
	_ =	strace $0x90000046  }
0xb8: {  	s29 =	simm.s32 $0x9;
	_ =	strace $0x80000048  }
0xb9: {  	_ =	swait.ge [sflag:s29], $0x1  }
0xba: {  	[sflag:s29] =	ssyncadd.s32 $0xFFFFFFFF  }
0xbb: {  	_ =	strace $0x90000048  }
0xbc: {  	_ =	sfence  }
0xbd: {  	s30 =	sld [smem:$0x0];
	_ =	sdelay $0x2  }
0xbe: {  	s31 =	sshll.u32 s1, $0xD;
	s1 =	sshrl.u32 s1, $0x2  }
0xbf: {  	s3 =	sand.u32 $0x4000, s31;
	s1 =	sadd.s32 s1, s30  }
0xc0: {  	s0 =	sor.u32 s3, s0;
	s1 =	sshll.u32 s1, $0x11  }
0xc1: {  	s0 =	sor.u32 s1, s0  }
0xc2: {  	s0 =	sadd.s32 $0x8F2B, s0  }
0xc3: {  	[sflag:s0] =	ssyncadd.remote.s32 $0x1  }
0xc4: {  	_ =	sfence.sel $0xFFFF  }
0xc5: {  	[dreg:$0x0] =	wrdreg $0xFFFFFFFF;
	(pc) =	sbr.abs _section_cstart, $3  }
0xc6: {  	[dreg:$0x1] =	wrdreg $0xFFFFFFFF  }
0xc7: {  	_ =	task.clear_ibuf [dreg:s10], $0x2FFFF;
	_ =	strace $0x9FFFFFFF  }
0xc8: {  	(tm) =	ssettm $0x7FFFFFFF  }
0xc9: {  	_ =	shalt  }
tec
execute0_lowered:
.L_overlay_start_1:
0x0: {  	(tag) =	ssettag $0x1  }
0x1: {  	s3 =	rddreg [dreg:$0x0]  }
0x2: {  	s5 =	srdreg.scid;
	s7 =	stileid.u32  }
0x3: {  	s0 =	rddreg [dreg:$0x1];
	s5 =	sand.u32 $0x1, s5;
	s7 =	sshll.u32 s7, $0x1  }
0x4: {  	s2 =	rddreg [dreg:$0x2];
	s7 =	sor.u32 s5, s7  }
0x5: {  	s6 =	rddreg [dreg:$0x3];
	s8 =	sshll.u32 s7, $0x4;
	s7 =	sshll.u32 s7, $0xA  }
0x6: {  	s4 =	rddreg [dreg:$0x4];
	s1 =	simm.s32 $0x0;
	s9 =	sor.u32 $0xF0000, s7  }
0x7: {  	[smem:$0x7FF] =	sst s1;
	s10 =	sadd.s32 s3, s9  }
0x8: {  	s11 =	sadd.s32 s0, s9;
	[dreg:$0x6] =	wrdreg s10  }
0x9: {  	s13 =	sor.u32 $0xF8000, s7;
	s12 =	sadd.s32 s2, s9;
	[dreg:$0x7] =	wrdreg s11  }
0xa: {  	s14 =	sadd.s32 s3, s13;
	[dreg:$0x8] =	wrdreg s12  }
0xb: {  	s4 =	sadd.s32 s8, s4;
	s15 =	sadd.s32 s0, s13;
	[dreg:$0x9] =	wrdreg s14  }
0xc: {  	s16 =	sor.u32 $0x100000, s7;
	s8 =	sadd.s32 s2, s13;
	[dreg:$0xa] =	wrdreg s15  }
0xd: {  	s17 =	sadd.s32 s3, s16;
	[dreg:$0xb] =	wrdreg s8  }
0xe: {  	s18 =	sor.u32 $0x108000, s7;
	s9 =	sadd.s32 s2, s16;
	[dreg:$0xc] =	wrdreg s17  }
0xf: {  	s19 =	sadd.s32 s3, s18;
	[dreg:$0xe] =	wrdreg s9  }
0x10: {  	s21 =	sor.u32 $0x110000, s7;
	s20 =	sadd.s32 s0, s18;
	[dreg:$0xf] =	wrdreg s19  }
0x11: {  	s5 =	ssub.s32 $0x2, s5;
	s22 =	sadd.s32 s3, s21;
	[dreg:$0x10] =	wrdreg s20  }
0x12: {  	s24 =	sor.u32 $0x118000, s7;
	s23 =	sadd.s32 s0, s21;
	[dreg:$0x12] =	wrdreg s22  }
0x13: {  	s28 =	sshrl.u32 s5, $0x1;
	s25 =	sadd.s32 s3, s24;
	[dreg:$0x13] =	wrdreg s23  }
0x14: {  	s5 =	ssub.s32 s5, s28;
	s28 =	sadd.s32 s0, s24;
	[dreg:$0x15] =	wrdreg s25  }
0x15: {  	s10 =	sadd.s32 s0, s16;
	[dreg:$0x16] =	wrdreg s28  }
0x16: {  	s8 =	sadd.s32 s2, s18;
	[dreg:$0xd] =	wrdreg s10  }
0x17: {  	s26 =	sor.u32 $0x120000, s7;
	s9 =	sadd.s32 s2, s24;
	[dreg:$0x11] =	wrdreg s8  }
0x18: {  	s11 =	sadd.s32 s0, s26;
	[dreg:$0x17] =	wrdreg s9  }
0x19: {  	s8 =	sadd.s32 s2, s21;
	[dreg:$0x19] =	wrdreg s11  }
0x1a: {  	s12 =	sor.u32 $0x128000, s7;
	s10 =	sadd.s32 s3, s26;
	[dreg:$0x14] =	wrdreg s8  }
0x1b: {  	s13 =	sadd.s32 s3, s12;
	[dreg:$0x18] =	wrdreg s10  }
0x1c: {  	s15 =	sor.u32 $0x130000, s7;
	s14 =	sadd.s32 s0, s12;
	[dreg:$0x1b] =	wrdreg s13  }
0x1d: {  	s16 =	sadd.s32 s3, s15;
	[dreg:$0x1c] =	wrdreg s14  }
0x1e: {  	s18 =	sadd.s32 s0, s15;
	[dreg:$0x1e] =	wrdreg s16  }
0x1f: {  	s17 =	sor.u32 $0x138000, s7;
	s9 =	sadd.s32 s2, s15;
	[dreg:$0x1f] =	wrdreg s18  }
0x20: {  	s19 =	sadd.s32 s3, s17;
	[smem:$0x7E0] =	sst s9  }
0x21: {  	s24 =	sor.u32 $0x148000, s7;
	s20 =	sadd.s32 s0, s17;
	[smem:$0x7E1] =	sst s19  }
0x22: {  	s25 =	sadd.s32 s3, s24;
	[smem:$0x7E2] =	sst s20  }
0x23: {  	s28 =	sadd.s32 s0, s24;
	[smem:$0x7E7] =	sst s25  }
0x24: {  	s21 =	sor.u32 $0x140000, s7;
	s8 =	sadd.s32 s2, s26;
	[smem:$0x7E8] =	sst s28  }
0x25: {  	s6 =	sadd.s32 s7, s6;
	s22 =	sadd.s32 s3, s21;
	[dreg:$0x1a] =	wrdreg s8  }
0x26: {  	s29 =	sadd.s32 $0x60000, s6;
	s23 =	sadd.s32 s0, s21;
	[smem:$0x7E4] =	sst s22  }
0x27: {  	s30 =	sadd.s32 $0x68000, s6;
	s9 =	sadd.s32 s2, s24;
	[smem:$0x7E5] =	sst s23  }
0x28: {  	s26 =	sor.u32 $0x150000, s7;
	s8 =	sadd.s32 s2, s12;
	[smem:$0x7E9] =	sst s9  }
0x29: {  	s31 =	sadd.s32 $0x70000, s6;
	s11 =	sadd.s32 s3, s26;
	[dreg:$0x1d] =	wrdreg s8  }
0x2a: {  	s13 =	sor.u32 $0x158000, s7;
	s12 =	sadd.s32 s0, s26;
	[smem:$0x7EA] =	sst s11  }
0x2b: {  	s16 =	sor.u32 $0x160000, s7;
	s14 =	sadd.s32 s3, s13;
	[smem:$0x7EB] =	sst s12  }
0x2c: {  	s18 =	sor.u32 $0x168000, s7;
	s15 =	sadd.s32 s0, s13;
	[smem:$0x7ED] =	sst s14  }
0x2d: {  	s28 =	sadd.s32 $0x58000, s6;
	s19 =	sadd.s32 s0, s16;
	[smem:$0x7EE] =	sst s15  }
0x2e: {  	s10 =	simm.s32 $0xA000;
	s9 =	sadd.s32 s2, s16;
	[smem:$0x7F1] =	sst s19  }
0x2f: {  	s20 =	sadd.s32 s3, s18;
	s22 =	sor.u32 $0x170000, s7;
	[smem:$0x7F2] =	sst s9  }
0x30: {  	s7 =	sor.u32 $0x178000, s7;
	s8 =	sadd.s32 s2, s17;
	[smem:$0x7F3] =	sst s20  }
0x31: {  	s17 =	sadd.s32 s3, s16;
	s23 =	sadd.s32 s3, s22;
	[smem:$0x7E3] =	sst s8  }
0x32: {  	s24 =	sadd.s32 s0, s22;
	s3 =	sadd.s32 s3, s7;
	[smem:$0x7F0] =	sst s17  }
0x33: {  	s25 =	sadd.s32 s2, s7;
	s9 =	simm.s32 $0x8000;
	[smem:$0x7F6] =	sst s23  }
0x34: {  	s11 =	simm.s32 $0x3;
	s12 =	simm.s32 $0x1;
	[smem:$0x7F7] =	sst s24  }
0x35: {  	s14 =	simm.s32 $0x2;
	s15 =	simm.s32 $0x4;
	[smem:$0x7F9] =	sst s3  }
0x36: {  	s16 =	simm.s32 $0x5;
	s8 =	sadd.s32 s2, s21;
	[smem:$0x7FB] =	sst s25  }
0x37: {  	s21 =	sadd.s32 s0, s18;
	s0 =	sadd.s32 s0, s7;
	[smem:$0x7E6] =	sst s8  }
0x38: {  	s3 =	sadd.s32 $0xC00, s4;
	s7 =	simm.s32 $0x4000;
	[smem:$0x7F4] =	sst s21  }
0x39: {  	s17 =	simm.s32 $0x0;
	s8 =	sadd.s32 s2, s26;
	[smem:$0x7FA] =	sst s0  }
0x3a: {  	s26 =	sadd.s32 $0x50000, s6;
	[smem:$0x7EC] =	sst s8;
	s8 =	sadd.s32 s2, s13  }
0x3b: {  	s0 =	sadd.s32 $0x78000, s6;
	[smem:$0x7EF] =	sst s8;
	s8 =	sadd.s32 s2, s18  }
0x3c: {  	s6 =	simm.s32 $0x2000;
	[smem:$0x7F5] =	sst s8;
	s8 =	sadd.s32 s2, s22  }
0x3d: {  	s13 =	simm.s32 $0xE000;
	s2 =	sadd.s32 $0xA00, s4;
	[smem:$0x7F8] =	sst s8  }
0x3e: {  	s4 =	smax.u32 s5, $0x1;
	_ =	strace $0x80000047;
	[smem:$0x7FC] =	sst s26  }
0x3f: {  	s5 =	simm.s32 $0xC000;
	s8 =	simm.s32 $0x6000;
	[smem:$0x7FD] =	sst s28  }
.LBB2_1:
0x40: {  	s18 =	sld [smem:$0x7FC];
	_ =	sdelay $0x2  }
0x41: {  	[tilespmem:s5], [sflag:$0x3] =	stream.linear.gather [hbm4b:s18+s1], $0x2000, $0x38;
	[tilespmem:$0x10100] =	vst v63  }
0x42: {  	s19 =	rddreg [dreg:$0x6]  }
0x43: {  	[tilespmem:s1], [sflag:$0x1] =	stream.linear.gather [hbm4b:s19+s1], $0x2000, $0x38;
	[tilespmem:$0x10100] =	vst v63  }
0x44: {  	s20 =	rddreg [dreg:$0x7]  }
0x45: {  	[tilespmem:s6], [sflag:$0x1] =	stream.linear.gather [hbm4b:s20+s1], $0x2000, $0x38;
	[tilespmem:$0x10100] =	vst v63  }
0x46: {  	s21 =	rddreg [dreg:$0x8]  }
0x47: {  	[tilespmem:s7], [sflag:$0x1] =	stream.linear.gather [hbm4b:s21+s1], $0x2000, $0x38;
	[tilespmem:$0x10100] =	vst v63  }
0x48: {  	s22 =	rddreg [dreg:$0x9]  }
0x49: {  	[tilespmem:s8], [sflag:$0x2] =	stream.linear.gather [hbm4b:s22+s1], $0x2000, $0x38;
	[tilespmem:$0x10100] =	vst v63  }
0x4a: {  	s23 =	rddreg [dreg:$0xa]  }
0x4b: {  	[tilespmem:s9], [sflag:$0x2] =	stream.linear.gather [hbm4b:s23+s1], $0x2000, $0x38;
	[tilespmem:$0x10100] =	vst v63  }
0x4c: {  	s24 =	rddreg [dreg:$0xb]  }
0x4d: {  	[tilespmem:s10], [sflag:$0x2] =	stream.linear.gather [hbm4b:s24+s1], $0x2000, $0x38;
	[tilespmem:$0x10100] =	vst v63  }
0x4e: {  	_ =	swait.ge [sflag:s11], $0x2000  }
0x4f: {  	[sflag:s11] =	ssyncset.done $0x0  }
0x50: {  	[sflag:s11] =	ssyncadd.s32 $0xFFFFE000  }
0x51: {  	_ =	swait.ge [sflag:s12], $0x2000  }
0x52: {  	[sflag:s12] =	ssyncset.done $0x0  }
0x53: {  	[sflag:s12] =	ssyncadd.s32 $0xFFFFE000  }
0x54: {  	_ =	swait.ge [sflag:s12], $0x2000  }
0x55: {  	s25 =	sand.u32 $0x70, s1;
	s19 =	simm.s32 $0x0;
	[sflag:s12] =	ssyncset.done $0x0  }
0x56: {  	s19 =	sand.u32 $0x1000, s19;
	s20 =	sand.u32 $0xC00, s1;
	[sflag:s12] =	ssyncadd.s32 $0xFFFFE000  }
0x57: {  	s18 =	sor.u32 s20, s25;
	s21 =	simm.s32 $0x0;
	_ =	swait.ge [sflag:s12], $0x2000  }
0x58: {  	s18 =	sor.u32 s19, s18;
	s26 =	sand.u32 $0x380, s21;
	[sflag:s12] =	ssyncset.done $0x0  }
0x59: {  	s20 =	sor.u32 s26, s18;
	[sflag:s12] =	ssyncadd.s32 $0xFFFFE000  }
0x5a: {  	v0 =	vld [tilespmem:s20+$0x4000];
	_ =	sdelay $0x1  }
0x5b: {  	s28 =	simm.s32 $0x80;
	s21 =	simm.s32 $0x10  }
0x5c: {  	s19 =	sand.u32 $0x70, s21;
	s22 =	simm.s32 $0x10;
	s18 =	sand.u32 $0xC00, s28  }
0x5d: {  	s21 =	sand.u32 $0x1000, s22;
	s22 =	simm.s32 $0x4;
	s18 =	sor.u32 s18, s19  }
0x5e: {  	s23 =	sand.u32 $0x380, s22;
	s18 =	sor.u32 s21, s18;
	v0 =	vmul.f32 v0, v0  }
0x5f: {  	s22 =	sor.u32 s23, s18  }
0x60: {  	v1 =	vld [tilespmem:s22+$0x4000];
	v0 =	vmax.f32 v0, $9.999999970e-07  }
0x61: {  	v2 =	vand.u32 $0x7FFFFF, v0  }
0x62: {  	s25 =	simm.s32 $0x20;
	s24 =	simm.s32 $0x100;
	v2 =	vor.u32 $0x3F800000, v2  }
0x63: {  	s26 =	simm.s32 $0x20;
	s19 =	sand.u32 $0x70, s25;
	s18 =	sand.u32 $0xC00, s24;
	v3 =	vld [tilespmem:s20+$0x0];
	v2 =	vadd.f32 $-1.000000000e+00, v2  }
0x64: {  	s21 =	sand.u32 $0x1000, s26;
	s23 =	simm.s32 $0x8;
	s18 =	sor.u32 s18, s19;
	v6 =	vld [tilespmem:s20+$0x2000]  }
0x65: {  	s28 =	sand.u32 $0x380, s23;
	s18 =	sor.u32 s21, s18;
	v1 =	vmul.f32 v1, v1;
	v4 =	vmul.f32 $1.066847290e-01, v2  }
0x66: {  	s18 =	sor.u32 s28, s18;
	(erf) = vrcp.f32 v0  }
0x67: {  	v5 =	vld [tilespmem:s18+$0x4000];
	v10 =	vmax.f32 v1, $9.999999970e-07;
	v1 =	vadd.f32 $-3.935357930e-01, v4  }
0x68: {  	s23 =	simm.s32 $0x180;
	s24 =	simm.s32 $0x30  }
0x69: {  	s25 =	simm.s32 $0x30;
	s19 =	sand.u32 $0xC00, s23;
	s21 =	sand.u32 $0x70, s24;
	v3 =	vsub.f32 v6, v3;
	v4 =	vand.u32 $0x7FFFFF, v10;
	v1 =	vmul.f32 v1, v2  }
0x6a: {  	s23 =	sand.u32 $0x1000, s25;
	s24 =	simm.s32 $0xC;
	s19 =	sor.u32 s19, s21;
	v7 =	vld [tilespmem:s22+$0x0];
	v4 =	vor.u32 $0x3F800000, v4  }
0x6b: {  	s26 =	sand.u32 $0x380, s24;
	s19 =	sor.u32 s23, s19;
	v8 =	vld [tilespmem:s20+$0xC000];
	v3 =	vmul.f32 v3, v3;
	v12 =	vadd.f32 $-1.000000000e+00, v4;
	v1 =	vadd.f32 $2.866062220e-01, v1  }
0x6c: {  	s19 =	sor.u32 s26, s19;
	v9 =	vcvt.s32.f32 v0;
	v4 =	vmul.f32 v5, v5;
	v5 =	vld [tilespmem:s22+$0x2000]  }
0x6d: {  	v11 =	vld [tilespmem:s19+$0x4000];
	v6 =	vmul.f32 $1.066847290e-01, v12;
	v2 =	vmul.f32 v1, v2  }
0x6e: {  	(erf) = vrcp.f32 v10;
	v9 =	vmul.f32 $8.262958320e-08, v9;
	v0 =	vmax.f32 v4, $9.999999970e-07  }
0x6f: {  	v13 =	vpop (erf);
	v4 =	vand.u32 $0x7FFFFF, v0;
	v6 =	vadd.f32 $-3.935357930e-01, v6;
	v2 =	vadd.f32 $-8.802877040e+01, v2  }
0x70: {  	s21 =	simm.s32 $0x40;
	s20 =	simm.s32 $0x200;
	v14 =	vcvt.s32.f32 v8;
	v3 =	vmul.f32 v13, v3;
	v4 =	vor.u32 $0x3F800000, v4  }
0x71: {  	s28 =	sand.u32 $0x70, s21;
	s26 =	simm.s32 $0x40;
	s25 =	sand.u32 $0xC00, s20;
	v5 =	vsub.f32 v5, v7;
	v7 =	vmul.f32 v6, v12;
	v2 =	vadd.f32 v2, v9  }
0x72: {  	s24 =	sand.u32 $0x1000, s26;
	s26 =	simm.s32 $0x10;
	s23 =	sor.u32 s25, s28;
	v10 =	vcvt.s32.f32 v10;
	v13 =	vmul.f32 v11, v11;
	v4 =	vadd.f32 $-1.000000000e+00, v4;
	v6 =	vld [tilespmem:s18+$0x0]  }
0x73: {  	s28 =	sand.u32 $0x380, s26;
	s23 =	sor.u32 s24, s23;
	v1 =	vimm.f32 $0.0e+00;
	v9 =	vld [tilespmem:s18+$0x2000];
	v15 =	vadd.f32 $2.866062220e-01, v7;
	v16 =	vadd.f32 v2, v3  }
0x74: {  	s23 =	sor.u32 s28, s23;
	v8 =	vmul.f32 v5, v5;
	v11 =	vmul.f32 $1.066847290e-01, v4;
	v5 =	vadd.f32 v14, v1;
	v7 =	vld [tilespmem:s22+$0xC000]  }
0x75: {  	s22 =	simm.s32 $0x5;
	v3 =	vld [tilespmem:s23+$0x4000];
	v2 =	vmax.f32 v13, $9.999999970e-07;
	v13 =	vmul.f32 v15, v12;
	v12 =	vmul.f32 v14, v16  }
.LBB2_2:
0x76: {  	p0 =	sne.s32 s22, $0x1FF;
	v14 =	vand.u32 $0x7FFFFF, v2;
	v11 =	vadd.f32 $-3.935357930e-01, v11;
	(erf) = vrcp.f32 v0  }
0x77: {  	v10 =	vmul.f32 $8.262958320e-08, v10;
	v13 =	vadd.f32 $-8.802877040e+01, v13;
	v15 =	vpop (erf);
	v1 =	vadd.f32 v12, v1  }
0x78: {  	s20 =	sadd.s32 $0x80, s20;
	s21 =	sadd.s32 $0x10, s21;
	s25 =	sshll.u32 s22, $0x4;
	v12 =	vor.u32 $0x3F800000, v14;
	v14 =	vsub.f32 v9, v6  }
.Ltmp0:
0x79: {  	s24 =	sand.u32 $0x70, s21;
	s26 =	sand.u32 $0xC00, s20;
	v11 =	vmul.f32 v11, v4;
	v15 =	vmul.f32 v15, v8;
	v10 =	vadd.f32 v13, v10;
	(pc) =	sbr.rel @p0 .LBB2_2-.Ltmp0, $4  }
0x7a: {  	s28 =	sshll.u32 s22, $0x2;
	s25 =	sand.u32 $0x1000, s25;
	s24 =	sor.u32 s26, s24;
	v16 =	vadd.f32 $-1.000000000e+00, v12;
	v12 =	vcvt.s32.f32 v7;
	v13 =	vmul.f32 v3, v3;
	v6 =	vld [tilespmem:s19+$0x0]  }
0x7b: {  	s26 =	sand.u32 $0x380, s28;
	s24 =	sor.u32 s25, s24;
	v8 =	vmul.f32 v14, v14;
	v14 =	vadd.f32 $2.866062220e-01, v11;
	v9 =	vld [tilespmem:s19+$0x2000];
	v15 =	vadd.f32 v10, v15  }
0x7c: {  	v11 =	vmul.f32 $1.066847290e-01, v16;
	v10 =	vcvt.s32.f32 v0;
	v5 =	vadd.f32 v12, v5;
	v0 =	vmovc v2;
	v7 =	vld [tilespmem:s18+$0xC000];
	s18 =	smov.u32 s19;
	s19 =	smov.u32 s23;
	s23 =	sor.u32 s26, s24  }
0x7d: {  	s22 =	sadd.s32 $0x1, s22;
	v2 =	vmax.f32 v13, $9.999999970e-07;
	v13 =	vmul.f32 v14, v4;
	v4 =	vmovc v16;
	v3 =	vld [tilespmem:s23+$0x4000];
	v12 =	vmul.f32 v12, v15  }
0x7e: {  	_ =	sdelay $0x3  }
0x7f: {  	v14 =	vld [tilespmem:s19+$0x0];
	v3 =	vmul.f32 v3, v3  }
0x80: {  	v15 =	vld [tilespmem:s19+$0x2000];
	(erf) = vrcp.f32 v0  }
0x81: {  	v16 =	vld [tilespmem:s18+$0xC000];
	(erf) = vrcp.f32 v2;
	v17 =	vmax.f32 v3, $9.999999970e-07  }
0x82: {  	v18 =	vld [tilespmem:s23+$0x0];
	s28 =	sld [smem:$0x7FD];
	(erf) = vrcp.f32 v17  }
0x83: {  	v19 =	vld [tilespmem:s23+$0x2000]  }
0x84: {  	v20 =	vld [tilespmem:s19+$0xC000];
	s26 =	simm.s32 $0x0  }
0x85: {  	v3 =	vld [tilespmem:s23+$0xC000];
	[tilespmem:s13], [sflag:$0x4] =	stream.linear.gather [hbm4b:s28+s26], $0x2000, $0x38  }
0x86: {  	s20 =	rddreg [dreg:$0xc]  }
0x87: {  	[tilespmem:s26], [sflag:$0x1] =	stream.linear.gather [hbm4b:s20+s26], $0x2000, $0x38;
	[tilespmem:$0x10100] =	vst v63  }
0x88: {  	s21 =	rddreg [dreg:$0xd];
	v21 =	vpop (erf)  }
0x89: {  	v22 =	vpop (erf);
	[tilespmem:s6], [sflag:$0x1] =	stream.linear.gather [hbm4b:s21+s26], $0x2000, $0x38;
	[tilespmem:$0x10100] =	vst v63  }
0x8a: {  	s22 =	rddreg [dreg:$0xe];
	v25 =	vand.u32 $0x7FFFFF, v2;
	v23 =	vpop (erf)  }
0x8b: {  	v11 =	vadd.f32 $-3.935357930e-01, v11;
	v25 =	vor.u32 $0x3F800000, v25;
	[tilespmem:s7], [sflag:$0x1] =	stream.linear.gather [hbm4b:s22+s26], $0x2000, $0x38;
	v24 =	vpop (erf);
	[tilespmem:$0x10100] =	vst v63  }
0x8c: {  	v10 =	vmul.f32 $8.262958320e-08, v10;
	v13 =	vadd.f32 $-8.802877040e+01, v13;
	v25 =	vadd.f32 $-1.000000000e+00, v25;
	_ =	swait.ge [sflag:s14], $0x2000  }
0x8d: {  	v6 =	vsub.f32 v9, v6;
	v9 =	vmul.f32 v11, v4;
	[sflag:s14] =	ssyncset.done $0x0  }
0x8e: {  	v8 =	vmul.f32 v21, v8;
	v10 =	vadd.f32 v13, v10;
	v11 =	vmul.f32 $1.066847290e-01, v25;
	[sflag:s14] =	ssyncadd.s32 $0xFFFFE000  }
0x8f: {  	v0 =	vcvt.s32.f32 v0;
	v9 =	vadd.f32 $2.866062220e-01, v9;
	_ =	swait.ge [sflag:s14], $0x2000  }
0x90: {  	s18 =	sand.u32 $0xC00, s26;
	v7 =	vcvt.s32.f32 v7;
	v8 =	vadd.f32 v10, v8;
	s23 =	sand.u32 $0x70, s26;
	v10 =	vadd.f32 $-3.935357930e-01, v11;
	[sflag:s14] =	ssyncset.done $0x0  }
0x91: {  	v0 =	vmul.f32 $8.262958320e-08, v0;
	v4 =	vmul.f32 v9, v4;
	s18 =	sor.u32 s18, s23;
	s20 =	simm.s32 $0x0;
	[sflag:s14] =	ssyncadd.s32 $0xFFFFE000  }
0x92: {  	v6 =	vmul.f32 v6, v6;
	v5 =	vadd.f32 v7, v5;
	v9 =	vmul.f32 v10, v25;
	s20 =	sand.u32 $0x1000, s20;
	s21 =	simm.s32 $0x0;
	_ =	swait.ge [sflag:s14], $0x2000  }
0x93: {  	v7 =	vmul.f32 v7, v8;
	v8 =	vand.u32 $0x7FFFFF, v17;
	v4 =	vadd.f32 $-8.802877040e+01, v4;
	s18 =	sor.u32 s20, s18;
	s24 =	sand.u32 $0x380, s21;
	[sflag:s14] =	ssyncset.done $0x0  }
0x94: {  	v1 =	vadd.f32 v12, v1;
	v8 =	vor.u32 $0x3F800000, v8;
	v9 =	vadd.f32 $2.866062220e-01, v9;
	s21 =	sor.u32 s24, s18;
	[sflag:s14] =	ssyncadd.s32 $0xFFFFE000  }
0x95: {  	v8 =	vadd.f32 $-1.000000000e+00, v8;
	v6 =	vmul.f32 v22, v6;
	v0 =	vadd.f32 v4, v0;
	v10 =	vld [tilespmem:s21+$0xA000]  }
0x96: {  	s25 =	simm.s32 $0x80;
	v2 =	vcvt.s32.f32 v2;
	v1 =	vadd.f32 v7, v1;
	s26 =	simm.s32 $0x10;
	v7 =	vmul.f32 v9, v25  }
0x97: {  	s28 =	simm.s32 $0x10;
	v9 =	vmul.f32 $1.066847290e-01, v8;
	s18 =	sand.u32 $0xC00, s25;
	v0 =	vadd.f32 v0, v6;
	v6 =	vcvt.s32.f32 v16;
	s19 =	sand.u32 $0x70, s26  }
0x98: {  	v4 =	vsub.f32 v15, v14;
	s20 =	sand.u32 $0x1000, s28;
	s22 =	simm.s32 $0x4;
	s18 =	sor.u32 s18, s19  }
0x99: {  	v2 =	vmul.f32 $8.262958320e-08, v2;
	s22 =	sand.u32 $0x380, s22;
	v9 =	vadd.f32 $-3.935357930e-01, v9;
	v5 =	vadd.f32 v6, v5;
	s18 =	sor.u32 s20, s18  }
0x9a: {  	v0 =	vmul.f32 v6, v0;
	v6 =	vadd.f32 $-8.802877040e+01, v7;
	s20 =	sor.u32 s22, s18;
	v10 =	vmul.f32 v10, v10  }
0x9b: {  	v11 =	vsub.f32 v19, v18;
	v4 =	vmul.f32 v4, v4;
	v7 =	vmul.f32 v9, v8;
	v9 =	vld [tilespmem:s20+$0xA000]  }
0x9c: {  	s23 =	simm.s32 $0x100;
	s24 =	simm.s32 $0x20;
	v2 =	vadd.f32 v6, v2;
	v0 =	vadd.f32 v0, v1;
	v10 =	vmax.f32 v10, $9.999999970e-07  }
0x9d: {  	s25 =	simm.s32 $0x20;
	s19 =	sand.u32 $0x70, s24;
	s18 =	sand.u32 $0xC00, s23;
	v1 =	vcvt.s32.f32 v17;
	v6 =	vadd.f32 $2.866062220e-01, v7;
	v12 =	vand.u32 $0x7FFFFF, v10  }
0x9e: {  	v11 =	vmul.f32 v11, v11;
	s26 =	simm.s32 $0x8;
	v4 =	vmul.f32 v23, v4;
	s22 =	sand.u32 $0x1000, s25;
	s18 =	sor.u32 s18, s19;
	v7 =	vor.u32 $0x3F800000, v12  }
0x9f: {  	s28 =	sand.u32 $0x380, s26;
	s18 =	sor.u32 s22, s18;
	v1 =	vmul.f32 $8.262958320e-08, v1;
	v6 =	vmul.f32 v6, v8;
	v7 =	vadd.f32 $-1.000000000e+00, v7  }
0xa0: {  	v2 =	vadd.f32 v2, v4;
	s18 =	sor.u32 s28, s18;
	v8 =	vld [tilespmem:s21+$0x6000];
	v4 =	vmul.f32 v9, v9;
	v12 =	vcvt.s32.f32 v20  }
0xa1: {  	v3 =	vcvt.s32.f32 v3;
	v6 =	vadd.f32 $-8.802877040e+01, v6;
	v13 =	vld [tilespmem:s18+$0xA000];
	v9 =	vmul.f32 $1.066847290e-01, v7  }
0xa2: {  	v14 =	vld [tilespmem:s21+$0x8000];
	v4 =	vmax.f32 v4, $9.999999970e-07;
	(erf) = vrcp.f32 v10;
	v5 =	vadd.f32 v12, v5  }
0xa3: {  	v2 =	vmul.f32 v12, v2;
	v12 =	vand.u32 $0x7FFFFF, v4;
	v9 =	vadd.f32 $-3.935357930e-01, v9  }
0xa4: {  	v11 =	vmul.f32 v24, v11;
	v1 =	vadd.f32 v6, v1;
	v6 =	vor.u32 $0x3F800000, v12  }
0xa5: {  	s24 =	simm.s32 $0x30;
	s23 =	simm.s32 $0x180;
	s25 =	simm.s32 $0x30;
	v12 =	vld [tilespmem:s20+$0x6000];
	v2 =	vadd.f32 v2, v0;
	v15 =	vadd.f32 $-1.000000000e+00, v6;
	v9 =	vmul.f32 v9, v7  }
0xa6: {  	s19 =	sand.u32 $0xC00, s23;
	s23 =	sand.u32 $0x1000, s25;
	s22 =	sand.u32 $0x70, s24;
	v6 =	vadd.f32 v1, v11;
	v1 =	vmul.f32 v13, v13;
	v11 =	vld [tilespmem:s20+$0x8000];
	v0 =	vadd.f32 v3, v5  }
0xa7: {  	s24 =	simm.s32 $0xC;
	s19 =	sor.u32 s19, s22;
	v5 =	vsub.f32 v14, v8;
	v13 =	vld [tilespmem:s21+$0xC000];
	v8 =	vmul.f32 $1.066847290e-01, v15;
	v9 =	vadd.f32 $2.866062220e-01, v9  }
0xa8: {  	s26 =	sand.u32 $0x380, s24;
	s19 =	sor.u32 s23, s19;
	v10 =	vcvt.s32.f32 v10;
	(erf) = vrcp.f32 v4  }
0xa9: {  	s19 =	sor.u32 s26, s19;
	v1 =	vmax.f32 v1, $9.999999970e-07;
	v8 =	vadd.f32 $-3.935357930e-01, v8;
	v7 =	vmul.f32 v9, v7  }
0xaa: {  	v14 =	vld [tilespmem:s19+$0xA000];
	v6 =	vmul.f32 v3, v6;
	v3 =	vmul.f32 v5, v5;
	v5 =	vand.u32 $0x7FFFFF, v1  }
0xab: {  	s22 =	simm.s32 $0x40;
	s21 =	simm.s32 $0x200;
	v8 =	vmul.f32 v8, v15;
	v9 =	vmul.f32 $8.262958320e-08, v10;
	v7 =	vadd.f32 $-8.802877040e+01, v7  }
0xac: {  	s28 =	sand.u32 $0x70, s22;
	s26 =	simm.s32 $0x40;
	s25 =	sand.u32 $0xC00, s21;
	v62 =	vor.u32 $0x3F800000, v5;
	v11 =	vsub.f32 v11, v12;
	v63 =	vcvt.s32.f32 v13;
	v10 =	vpop (erf)  }
0xad: {  	s24 =	sand.u32 $0x1000, s26;
	s26 =	simm.s32 $0x10;
	s23 =	sor.u32 s25, s28;
	v10 =	vmul.f32 v10, v3;
	v13 =	vadd.f32 $2.866062220e-01, v8;
	v12 =	vadd.f32 v7, v9  }
0xae: {  	s28 =	sand.u32 $0x380, s26;
	s23 =	sor.u32 s24, s23;
	v5 =	vld [tilespmem:s18+$0x6000];
	v3 =	vadd.f32 $-1.000000000e+00, v62  }
0xaf: {  	s23 =	sor.u32 s28, s23;
	v14 =	vmul.f32 v14, v14;
	v13 =	vmul.f32 v13, v15;
	v7 =	vld [tilespmem:s18+$0x8000];
	v12 =	vadd.f32 v12, v10  }
0xb0: {  	v6 =	vadd.f32 v6, v2;
	v2 =	vld [tilespmem:s23+$0xA000];
	v9 =	vmul.f32 v11, v11;
	v10 =	vmul.f32 $1.066847290e-01, v3  }
0xb1: {  	v8 =	vld [tilespmem:s20+$0xC000];
	s20 =	simm.s32 $0x5;
	v11 =	vcvt.s32.f32 v4;
	v4 =	vmax.f32 v14, $9.999999970e-07;
	v12 =	vmul.f32 v63, v12  }
.LBB2_4:
0xb2: {  	p0 =	sne.s32 s20, $0x1FF;
	v14 =	vand.u32 $0x7FFFFF, v4;
	v10 =	vadd.f32 $-3.935357930e-01, v10;
	(erf) = vrcp.f32 v1  }
0xb3: {  	v11 =	vmul.f32 $8.262958320e-08, v11;
	v13 =	vadd.f32 $-8.802877040e+01, v13;
	v15 =	vpop (erf);
	v6 =	vadd.f32 v12, v6  }
0xb4: {  	s21 =	sadd.s32 $0x80, s21;
	s22 =	sadd.s32 $0x10, s22;
	s25 =	sshll.u32 s20, $0x4;
	v12 =	vor.u32 $0x3F800000, v14;
	v14 =	vsub.f32 v7, v5  }
.Ltmp1:
0xb5: {  	s24 =	sand.u32 $0x70, s22;
	s26 =	sand.u32 $0xC00, s21;
	v10 =	vmul.f32 v10, v3;
	v15 =	vmul.f32 v15, v9;
	v11 =	vadd.f32 v13, v11;
	(pc) =	sbr.rel @p0 .LBB2_4-.Ltmp1, $4  }
0xb6: {  	s28 =	sshll.u32 s20, $0x2;
	s25 =	sand.u32 $0x1000, s25;
	s24 =	sor.u32 s26, s24;
	v16 =	vadd.f32 $-1.000000000e+00, v12;
	v12 =	vcvt.s32.f32 v8;
	v13 =	vmul.f32 v2, v2;
	v5 =	vld [tilespmem:s19+$0x6000]  }
0xb7: {  	s26 =	sand.u32 $0x380, s28;
	s24 =	sor.u32 s25, s24;
	v9 =	vmul.f32 v14, v14;
	v14 =	vadd.f32 $2.866062220e-01, v10;
	v7 =	vld [tilespmem:s19+$0x8000];
	v15 =	vadd.f32 v11, v15  }
0xb8: {  	v10 =	vmul.f32 $1.066847290e-01, v16;
	v11 =	vcvt.s32.f32 v1;
	v1 =	vmov v4;
	v8 =	vld [tilespmem:s18+$0xC000];
	s18 =	smov.u32 s19;
	s19 =	smov.u32 s23;
	s23 =	sor.u32 s26, s24  }
0xb9: {  	s20 =	sadd.s32 $0x1, s20;
	v4 =	vmax.f32 v13, $9.999999970e-07;
	v13 =	vmul.f32 v14, v3;
	v3 =	vmovc v16;
	v2 =	vld [tilespmem:s23+$0xA000];
	v12 =	vmul.f32 v12, v15  }
0xba: {  	_ =	sdelay $0x3  }
0xbb: {  	v2 =	vmul.f32 v2, v2  }
0xbc: {  	(erf) = vrcp.f32 v1  }
0xbd: {  	v14 =	vld [tilespmem:s19+$0x6000];
	(erf) = vrcp.f32 v4;
	v16 =	vmax.f32 v2, $9.999999970e-07  }
0xbe: {  	v15 =	vld [tilespmem:s19+$0x8000];
	(erf) = vrcp.f32 v16  }
0xbf: {  	v17 =	vld [tilespmem:s18+$0xC000]  }
0xc0: {  	v18 =	vld [tilespmem:s23+$0x6000]  }
0xc1: {  	v19 =	vld [tilespmem:s23+$0x8000]  }
0xc2: {  	v20 =	vld [tilespmem:s19+$0xC000];
	s28 =	simm.s32 $0x0;
	s20 =	rddreg [dreg:$0xf]  }
0xc3: {  	v2 =	vld [tilespmem:s23+$0xC000];
	[tilespmem:s8], [sflag:$0x2] =	stream.linear.gather [hbm4b:s20+s28], $0x2000, $0x38  }
0xc4: {  	s21 =	rddreg [dreg:$0x10];
	v21 =	vpop (erf)  }
0xc5: {  	[tilespmem:s9], [sflag:$0x2] =	stream.linear.gather [hbm4b:s21+s28], $0x2000, $0x38;
	v22 =	vpop (erf);
	[tilespmem:$0x10100] =	vst v63  }
0xc6: {  	s22 =	rddreg [dreg:$0x11];
	v23 =	vpop (erf)  }
0xc7: {  	v25 =	vand.u32 $0x7FFFFF, v4;
	[tilespmem:s10], [sflag:$0x2] =	stream.linear.gather [hbm4b:s22+s28], $0x2000, $0x38;
	v24 =	vpop (erf);
	[tilespmem:$0x10100] =	vst v63  }
0xc8: {  	v11 =	vmul.f32 $8.262958320e-08, v11;
	v13 =	vadd.f32 $-8.802877040e+01, v13;
	_ =	swait.ge [sflag:s12], $0x2000  }
0xc9: {  	v10 =	vadd.f32 $-3.935357930e-01, v10;
	v25 =	vor.u32 $0x3F800000, v25;
	[sflag:s12] =	ssyncset.done $0x0  }
0xca: {  	v9 =	vmul.f32 v21, v9;
	v11 =	vadd.f32 v13, v11;
	v13 =	vadd.f32 $-1.000000000e+00, v25;
	[sflag:s12] =	ssyncadd.s32 $0xFFFFE000  }
0xcb: {  	v10 =	vmul.f32 v10, v3;
	_ =	swait.ge [sflag:s12], $0x2000  }
0xcc: {  	s18 =	sand.u32 $0xC00, s28;
	v8 =	vcvt.s32.f32 v8;
	v9 =	vadd.f32 v11, v9;
	v11 =	vmul.f32 $1.066847290e-01, v13;
	s20 =	simm.s32 $0x0;
	[sflag:s12] =	ssyncset.done $0x0  }
0xcd: {  	v1 =	vcvt.s32.f32 v1;
	v5 =	vsub.f32 v7, v5;
	v7 =	vadd.f32 $2.866062220e-01, v10;
	s23 =	sand.u32 $0x70, s28;
	s20 =	sand.u32 $0x1000, s20;
	[sflag:s12] =	ssyncadd.s32 $0xFFFFE000  }
0xce: {  	v6 =	vadd.f32 v12, v6;
	s18 =	sor.u32 s18, s23;
	v8 =	vmul.f32 v8, v9;
	v10 =	vadd.f32 $-3.935357930e-01, v11;
	s21 =	simm.s32 $0x0;
	_ =	swait.ge [sflag:s12], $0x2000  }
0xcf: {  	v1 =	vmul.f32 $8.262958320e-08, v1;
	v3 =	vmul.f32 v7, v3;
	v9 =	vand.u32 $0x7FFFFF, v16;
	s18 =	sor.u32 s20, s18;
	s24 =	sand.u32 $0x380, s21;
	[sflag:s12] =	ssyncset.done $0x0  }
0xd0: {  	v7 =	vor.u32 $0x3F800000, v9;
	v6 =	vadd.f32 v8, v6;
	v8 =	vmul.f32 v10, v13;
	s21 =	sor.u32 s24, s18;
	[sflag:s12] =	ssyncadd.s32 $0xFFFFE000  }
0xd1: {  	v5 =	vmul.f32 v5, v5;
	v3 =	vadd.f32 $-8.802877040e+01, v3;
	v7 =	vadd.f32 $-1.000000000e+00, v7;
	v9 =	vld [tilespmem:s21+$0x4000]  }
0xd2: {  	v10 =	vsub.f32 v15, v14;
	v8 =	vadd.f32 $2.866062220e-01, v8  }
0xd3: {  	s25 =	simm.s32 $0x80;
	s26 =	simm.s32 $0x10;
	v5 =	vmul.f32 v22, v5;
	v1 =	vadd.f32 v3, v1;
	v3 =	vcvt.s32.f32 v4  }
0xd4: {  	s19 =	sand.u32 $0x70, s26;
	s28 =	simm.s32 $0x10;
	s18 =	sand.u32 $0xC00, s25;
	v11 =	vmul.f32 $1.066847290e-01, v7;
	v4 =	vmul.f32 v8, v13  }
0xd5: {  	s22 =	simm.s32 $0x4;
	s20 =	sand.u32 $0x1000, s28;
	s18 =	sor.u32 s18, s19;
	v10 =	vmul.f32 v10, v10;
	v3 =	vmul.f32 $8.262958320e-08, v3  }
0xd6: {  	s22 =	sand.u32 $0x380, s22;
	s18 =	sor.u32 s20, s18;
	v8 =	vadd.f32 $-3.935357930e-01, v11;
	v4 =	vadd.f32 $-8.802877040e+01, v4;
	v9 =	vmul.f32 v9, v9  }
0xd7: {  	v1 =	vadd.f32 v1, v5;
	s20 =	sor.u32 s22, s18;
	v11 =	vcvt.s32.f32 v17;
	v10 =	vmul.f32 v23, v10  }
0xd8: {  	v5 =	vmul.f32 v8, v7;
	v3 =	vadd.f32 v4, v3;
	v8 =	vld [tilespmem:s20+$0x4000];
	v9 =	vmax.f32 v9, $9.999999970e-07  }
0xd9: {  	s23 =	simm.s32 $0x100;
	s24 =	simm.s32 $0x20;
	v1 =	vmul.f32 v11, v1;
	v11 =	vcvt.s32.f32 v20;
	v12 =	vand.u32 $0x7FFFFF, v9  }
0xda: {  	s25 =	simm.s32 $0x20;
	s19 =	sand.u32 $0x70, s24;
	s18 =	sand.u32 $0xC00, s23;
	v4 =	vadd.f32 $2.866062220e-01, v5;
	v3 =	vadd.f32 v3, v10;
	v5 =	vor.u32 $0x3F800000, v12  }
0xdb: {  	s26 =	simm.s32 $0x8;
	s22 =	sand.u32 $0x1000, s25;
	s18 =	sor.u32 s18, s19;
	v10 =	vcvt.s32.f32 v16;
	v5 =	vadd.f32 $-1.000000000e+00, v5  }
0xdc: {  	s28 =	sand.u32 $0x380, s26;
	s18 =	sor.u32 s22, s18;
	v4 =	vmul.f32 v4, v7;
	v3 =	vmul.f32 v11, v3;
	v7 =	vld [tilespmem:s21+$0x0]  }
0xdd: {  	s18 =	sor.u32 s28, s18;
	v1 =	vadd.f32 v1, v6;
	v13 =	vld [tilespmem:s21+$0x2000];
	v6 =	vmul.f32 v8, v8;
	v8 =	vmul.f32 $1.066847290e-01, v5  }
0xde: {  	v10 =	vmul.f32 $8.262958320e-08, v10;
	v4 =	vadd.f32 $-8.802877040e+01, v4;
	v11 =	vld [tilespmem:s18+$0x4000];
	v12 =	vsub.f32 v19, v18  }
0xdf: {  	s24 =	simm.s32 $0x30;
	s23 =	simm.s32 $0x180;
	v14 =	vmax.f32 v6, $9.999999970e-07;
	(erf) = vrcp.f32 v9;
	v6 =	vadd.f32 $-3.935357930e-01, v8  }
0xe0: {  	v2 =	vcvt.s32.f32 v2;
	s25 =	simm.s32 $0x30;
	s19 =	sand.u32 $0xC00, s23;
	s22 =	sand.u32 $0x70, s24;
	v3 =	vadd.f32 v3, v1;
	v8 =	vmul.f32 v12, v12  }
0xe1: {  	s23 =	sand.u32 $0x1000, s25;
	s24 =	simm.s32 $0xC;
	s19 =	sor.u32 s19, s22;
	v4 =	vadd.f32 v4, v10;
	v12 =	vand.u32 $0x7FFFFF, v14;
	v6 =	vmul.f32 v6, v5  }
0xe2: {  	s26 =	sand.u32 $0x380, s24;
	s19 =	sor.u32 s23, s19;
	v10 =	vld [tilespmem:s20+$0x0];
	v7 =	vsub.f32 v13, v7;
	v1 =	vor.u32 $0x3F800000, v12;
	v8 =	vmul.f32 v24, v8  }
0xe3: {  	s19 =	sor.u32 s26, s19;
	v15 =	vadd.f32 $-1.000000000e+00, v1;
	v1 =	vmul.f32 v11, v11;
	v11 =	vld [tilespmem:s20+$0x2000];
	v6 =	vadd.f32 $2.866062220e-01, v6  }
0xe4: {  	v13 =	vld [tilespmem:s19+$0x4000];
	v9 =	vcvt.s32.f32 v9;
	(erf) = vrcp.f32 v14;
	v4 =	vadd.f32 v4, v8  }
0xe5: {  	v12 =	vld [tilespmem:s21+$0xC000];
	v8 =	vmul.f32 $1.066847290e-01, v15;
	v1 =	vmax.f32 v1, $9.999999970e-07;
	v5 =	vmul.f32 v6, v5  }
0xe6: {  	s21 =	simm.s32 $0x200;
	v2 =	vmul.f32 v2, v4;
	v4 =	vmul.f32 v7, v7;
	v6 =	vand.u32 $0x7FFFFF, v1  }
0xe7: {  	s22 =	simm.s32 $0x40;
	v7 =	vadd.f32 $-3.935357930e-01, v8;
	v8 =	vmul.f32 $8.262958320e-08, v9;
	v5 =	vadd.f32 $-8.802877040e+01, v5  }
0xe8: {  	s28 =	sand.u32 $0x70, s22;
	s26 =	simm.s32 $0x40;
	s25 =	sand.u32 $0xC00, s21;
	v9 =	vpop (erf);
	v6 =	vor.u32 $0x3F800000, v6;
	v10 =	vsub.f32 v11, v10  }
0xe9: {  	s24 =	sand.u32 $0x1000, s26;
	s26 =	simm.s32 $0x10;
	s23 =	sor.u32 s25, s28;
	v7 =	vmul.f32 v7, v15;
	v4 =	vmul.f32 v9, v4;
	v11 =	vadd.f32 v5, v8  }
0xea: {  	v13 =	vmul.f32 v13, v13;
	s28 =	sand.u32 $0x380, s26;
	s23 =	sor.u32 s24, s23;
	v61 =	vcvt.s32.f32 v12;
	v9 =	vld [tilespmem:s18+$0x2000];
	v5 =	vadd.f32 $-1.000000000e+00, v6  }
0xeb: {  	s23 =	sor.u32 s28, s23;
	v8 =	vld [tilespmem:s18+$0x0];
	v6 =	vmul.f32 v10, v10;
	v62 =	vadd.f32 $2.866062220e-01, v7;
	v63 =	vadd.f32 v11, v4  }
0xec: {  	v7 =	vadd.f32 v2, v3;
	v10 =	vcvt.s32.f32 v14;
	v3 =	vld [tilespmem:s23+$0x4000];
	v12 =	vmul.f32 $1.066847290e-01, v5  }
0xed: {  	v2 =	vmax.f32 v13, $9.999999970e-07;
	v4 =	vld [tilespmem:s20+$0xC000];
	s20 =	simm.s32 $0x5;
	v11 =	vmul.f32 v62, v15;
	v13 =	vmul.f32 v61, v63  }
.LBB2_6:
0xee: {  	p0 =	sne.s32 s20, $0x1FF;
	v14 =	vand.u32 $0x7FFFFF, v2;
	v12 =	vadd.f32 $-3.935357930e-01, v12;
	(erf) = vrcp.f32 v1  }
0xef: {  	v10 =	vmul.f32 $8.262958320e-08, v10;
	v11 =	vadd.f32 $-8.802877040e+01, v11;
	v15 =	vpop (erf);
	v7 =	vadd.f32 v13, v7  }
0xf0: {  	s21 =	sadd.s32 $0x80, s21;
	s22 =	sadd.s32 $0x10, s22;
	s25 =	sshll.u32 s20, $0x4;
	v13 =	vor.u32 $0x3F800000, v14;
	v14 =	vsub.f32 v9, v8  }
.Ltmp2:
0xf1: {  	s24 =	sand.u32 $0x70, s22;
	s26 =	sand.u32 $0xC00, s21;
	v12 =	vmul.f32 v12, v5;
	v15 =	vmul.f32 v15, v6;
	v10 =	vadd.f32 v11, v10;
	(pc) =	sbr.rel @p0 .LBB2_6-.Ltmp2, $4  }
0xf2: {  	s28 =	sshll.u32 s20, $0x2;
	s25 =	sand.u32 $0x1000, s25;
	s24 =	sor.u32 s26, s24;
	v16 =	vadd.f32 $-1.000000000e+00, v13;
	v13 =	vcvt.s32.f32 v4;
	v11 =	vmul.f32 v3, v3;
	v8 =	vld [tilespmem:s19+$0x0]  }
0xf3: {  	s26 =	sand.u32 $0x380, s28;
	s24 =	sor.u32 s25, s24;
	v6 =	vmul.f32 v14, v14;
	v14 =	vadd.f32 $2.866062220e-01, v12;
	v9 =	vld [tilespmem:s19+$0x2000];
	v15 =	vadd.f32 v10, v15  }
0xf4: {  	v12 =	vmul.f32 $1.066847290e-01, v16;
	v10 =	vcvt.s32.f32 v1;
	v1 =	vmov v2;
	v4 =	vld [tilespmem:s18+$0xC000];
	s18 =	smov.u32 s19;
	s19 =	smov.u32 s23;
	s23 =	sor.u32 s26, s24  }
0xf5: {  	s20 =	sadd.s32 $0x1, s20;
	v2 =	vmax.f32 v11, $9.999999970e-07;
	v11 =	vmul.f32 v14, v5;
	v5 =	vmovc v16;
	v3 =	vld [tilespmem:s23+$0x4000];
	v13 =	vmul.f32 v13, v15  }
0xf6: {  	_ =	sdelay $0x3  }
0xf7: {  	v3 =	vmul.f32 v3, v3  }
0xf8: {  	(erf) = vrcp.f32 v1  }
0xf9: {  	v14 =	vld [tilespmem:s19+$0x0];
	(erf) = vrcp.f32 v2;
	v16 =	vmax.f32 v3, $9.999999970e-07  }
0xfa: {  	v15 =	vld [tilespmem:s19+$0x2000];
	(erf) = vrcp.f32 v16  }
0xfb: {  	v17 =	vld [tilespmem:s18+$0xC000]  }
0xfc: {  	v18 =	vld [tilespmem:s23+$0x0]  }
0xfd: {  	v19 =	vld [tilespmem:s23+$0x2000]  }
0xfe: {  	v20 =	vld [tilespmem:s19+$0xC000];
	s28 =	simm.s32 $0x0;
	s20 =	rddreg [dreg:$0x12]  }
0xff: {  	v3 =	vld [tilespmem:s23+$0xC000];
	[tilespmem:s28], [sflag:$0x1] =	stream.linear.gather [hbm4b:s20+s28], $0x2000, $0x38  }
0x100: {  	s21 =	rddreg [dreg:$0x13];
	v21 =	vpop (erf)  }
0x101: {  	[tilespmem:s6], [sflag:$0x1] =	stream.linear.gather [hbm4b:s21+s28], $0x2000, $0x38;
	v22 =	vpop (erf);
	[tilespmem:$0x10100] =	vst v63  }
0x102: {  	s22 =	rddreg [dreg:$0x14];
	v23 =	vpop (erf)  }
0x103: {  	[tilespmem:s7], [sflag:$0x1] =	stream.linear.gather [hbm4b:s22+s28], $0x2000, $0x38;
	v24 =	vpop (erf);
	[tilespmem:$0x10100] =	vst v63  }
0x104: {  	_ =	swait.ge [sflag:s15], $0x2000  }
0x105: {  	v12 =	vadd.f32 $-3.935357930e-01, v12;
	[sflag:s15] =	ssyncset.done $0x0  }
0x106: {  	[sflag:s15] =	ssyncadd.s32 $0xFFFFE000  }
0x107: {  	v12 =	vmul.f32 v12, v5;
	_ =	swait.ge [sflag:s14], $0x2000  }
0x108: {  	v25 =	vand.u32 $0x7FFFFF, v2;
	v10 =	vmul.f32 $8.262958320e-08, v10;
	[sflag:s14] =	ssyncset.done $0x0  }
0x109: {  	v1 =	vcvt.s32.f32 v1;
	v25 =	vor.u32 $0x3F800000, v25;
	v12 =	vadd.f32 $2.866062220e-01, v12;
	[sflag:s14] =	ssyncadd.s32 $0xFFFFE000  }
0x10a: {  	v11 =	vadd.f32 $-8.802877040e+01, v11;
	v2 =	vcvt.s32.f32 v2;
	v25 =	vadd.f32 $-1.000000000e+00, v25;
	_ =	swait.ge [sflag:s14], $0x2000  }
0x10b: {  	s18 =	sand.u32 $0xC00, s28;
	v8 =	vsub.f32 v9, v8;
	v1 =	vmul.f32 $8.262958320e-08, v1;
	v5 =	vmul.f32 v12, v5;
	s20 =	simm.s32 $0x0;
	[sflag:s14] =	ssyncset.done $0x0  }
0x10c: {  	v6 =	vmul.f32 v21, v6;
	v9 =	vmul.f32 $1.066847290e-01, v25;
	s23 =	sand.u32 $0x70, s28;
	s20 =	sand.u32 $0x1000, s20;
	[sflag:s14] =	ssyncadd.s32 $0xFFFFE000  }
0x10d: {  	v8 =	vmul.f32 v8, v8;
	s18 =	sor.u32 s18, s23;
	v12 =	vand.u32 $0x7FFFFF, v16;
	s21 =	simm.s32 $0x0;
	v5 =	vadd.f32 $-8.802877040e+01, v5;
	_ =	swait.ge [sflag:s14], $0x2000  }
0x10e: {  	v10 =	vadd.f32 v11, v10;
	v9 =	vadd.f32 $-3.935357930e-01, v9;
	s18 =	sor.u32 s20, s18;
	v11 =	vor.u32 $0x3F800000, v12;
	s24 =	sand.u32 $0x380, s21;
	[sflag:s14] =	ssyncset.done $0x0  }
0x10f: {  	s21 =	sor.u32 s24, s18;
	v8 =	vmul.f32 v22, v8;
	v1 =	vadd.f32 v5, v1;
	v5 =	vadd.f32 $-1.000000000e+00, v11;
	[sflag:s14] =	ssyncadd.s32 $0xFFFFE000  }
0x110: {  	v4 =	vcvt.s32.f32 v4;
	v9 =	vmul.f32 v9, v25;
	v12 =	vld [tilespmem:s21+$0xA000]  }
0x111: {  	v6 =	vadd.f32 v10, v6;
	v1 =	vadd.f32 v1, v8;
	v8 =	vmul.f32 $1.066847290e-01, v5  }
0x112: {  	s25 =	simm.s32 $0x80;
	s26 =	simm.s32 $0x10;
	v7 =	vadd.f32 v13, v7;
	v10 =	vcvt.s32.f32 v17;
	v9 =	vadd.f32 $2.866062220e-01, v9  }
0x113: {  	s19 =	sand.u32 $0x70, s26;
	v2 =	vmul.f32 $8.262958320e-08, v2;
	v4 =	vmul.f32 v4, v6;
	s28 =	simm.s32 $0x10;
	s18 =	sand.u32 $0xC00, s25;
	v8 =	vadd.f32 $-3.935357930e-01, v8  }
0x114: {  	v6 =	vsub.f32 v15, v14;
	s22 =	simm.s32 $0x4;
	s20 =	sand.u32 $0x1000, s28;
	s18 =	sor.u32 s18, s19;
	v9 =	vmul.f32 v9, v25;
	v1 =	vmul.f32 v10, v1  }
0x115: {  	s22 =	sand.u32 $0x380, s22;
	s18 =	sor.u32 s20, s18;
	v8 =	vmul.f32 v8, v5;
	v10 =	vmul.f32 v12, v12  }
0x116: {  	v4 =	vadd.f32 v4, v7;
	v6 =	vmul.f32 v6, v6;
	s20 =	sor.u32 s22, s18;
	v9 =	vadd.f32 $-8.802877040e+01, v9  }
0x117: {  	v7 =	vsub.f32 v19, v18;
	v8 =	vadd.f32 $2.866062220e-01, v8;
	v11 =	vld [tilespmem:s20+$0xA000];
	v10 =	vmax.f32 v10, $9.999999970e-07  }
0x118: {  	s23 =	simm.s32 $0x100;
	s24 =	simm.s32 $0x20;
	v6 =	vmul.f32 v23, v6;
	v2 =	vadd.f32 v9, v2;
	v12 =	vand.u32 $0x7FFFFF, v10  }
0x119: {  	s25 =	simm.s32 $0x20;
	s19 =	sand.u32 $0x70, s24;
	s18 =	sand.u32 $0xC00, s23;
	v9 =	vcvt.s32.f32 v16;
	v5 =	vmul.f32 v8, v5;
	v12 =	vor.u32 $0x3F800000, v12  }
0x11a: {  	s26 =	simm.s32 $0x8;
	v13 =	vcvt.s32.f32 v20;
	v7 =	vmul.f32 v7, v7;
	s22 =	sand.u32 $0x1000, s25;
	s18 =	sor.u32 s18, s19;
	v12 =	vadd.f32 $-1.000000000e+00, v12  }
0x11b: {  	s28 =	sand.u32 $0x380, s26;
	s18 =	sor.u32 s22, s18;
	v2 =	vadd.f32 v2, v6;
	v6 =	vmul.f32 $8.262958320e-08, v9;
	v5 =	vadd.f32 $-8.802877040e+01, v5  }
0x11c: {  	v1 =	vadd.f32 v1, v4;
	s18 =	sor.u32 s28, s18;
	v8 =	vld [tilespmem:s21+$0x6000];
	v4 =	vmul.f32 v11, v11;
	v11 =	vmul.f32 $1.066847290e-01, v12  }
0x11d: {  	v3 =	vcvt.s32.f32 v3;
	v7 =	vmul.f32 v24, v7;
	v5 =	vadd.f32 v5, v6;
	v9 =	vld [tilespmem:s18+$0xA000]  }
0x11e: {  	v14 =	vld [tilespmem:s21+$0x8000];
	v15 =	vmax.f32 v4, $9.999999970e-07;
	(erf) = vrcp.f32 v10;
	v4 =	vadd.f32 $-3.935357930e-01, v11  }
0x11f: {  	v2 =	vmul.f32 v13, v2;
	v5 =	vadd.f32 v5, v7;
	v6 =	vand.u32 $0x7FFFFF, v15  }
0x120: {  	s24 =	simm.s32 $0x30;
	s23 =	simm.s32 $0x180;
	v6 =	vor.u32 $0x3F800000, v6;
	v4 =	vmul.f32 v4, v12  }
0x121: {  	s25 =	simm.s32 $0x30;
	s19 =	sand.u32 $0xC00, s23;
	s22 =	sand.u32 $0x70, s24;
	v2 =	vadd.f32 v2, v1;
	v3 =	vmul.f32 v3, v5;
	v13 =	vadd.f32 $-1.000000000e+00, v6  }
0x122: {  	s23 =	sand.u32 $0x1000, s25;
	s24 =	simm.s32 $0xC;
	s19 =	sor.u32 s19, s22;
	v7 =	vld [tilespmem:s20+$0x6000];
	v1 =	vmul.f32 v9, v9;
	v4 =	vadd.f32 $2.866062220e-01, v4  }
0x123: {  	s26 =	sand.u32 $0x380, s24;
	s19 =	sor.u32 s23, s19;
	v2 =	vadd.f32 v3, v2;
	v5 =	vsub.f32 v14, v8;
	v6 =	vld [tilespmem:s20+$0x8000];
	v8 =	vmul.f32 $1.066847290e-01, v13  }
0x124: {  	s19 =	sor.u32 s26, s19;
	v9 =	vld [tilespmem:s21+$0xE000];
	v1 =	vmax.f32 v1, $9.999999970e-07;
	v10 =	vcvt.s32.f32 v10;
	v4 =	vmul.f32 v4, v12  }
0x125: {  	v3 =	vmul.f32 v5, v5;
	(erf) = vrcp.f32 v15;
	v11 =	vld [tilespmem:s19+$0xA000];
	v8 =	vadd.f32 $-3.935357930e-01, v8  }
0x126: {  	v5 =	vand.u32 $0x7FFFFF, v1;
	v10 =	vmul.f32 $8.262958320e-08, v10;
	v4 =	vadd.f32 $-8.802877040e+01, v4  }
0x127: {  	s22 =	simm.s32 $0x40;
	s21 =	simm.s32 $0x200;
	v5 =	vor.u32 $0x3F800000, v5;
	v14 =	vmul.f32 v8, v13;
	v12 =	vpop (erf)  }
0x128: {  	s28 =	sand.u32 $0x70, s22;
	s26 =	simm.s32 $0x40;
	s25 =	sand.u32 $0xC00, s21;
	v7 =	vsub.f32 v6, v7;
	v3 =	vmul.f32 v12, v3;
	v10 =	vadd.f32 v4, v10  }
0x129: {  	s24 =	sand.u32 $0x1000, s26;
	s26 =	simm.s32 $0x10;
	s23 =	sor.u32 s25, s28;
	v62 =	vcvt.s32.f32 v9;
	v9 =	vld [tilespmem:s18+$0x8000];
	v14 =	vadd.f32 $2.866062220e-01, v14;
	v4 =	vadd.f32 $-1.000000000e+00, v5  }
0x12a: {  	s28 =	sand.u32 $0x380, s26;
	s23 =	sor.u32 s24, s23;
	v6 =	vld [tilespmem:s18+$0x6000];
	v8 =	vmul.f32 v7, v7;
	v12 =	vmul.f32 v11, v11;
	v63 =	vadd.f32 v10, v3  }
0x12b: {  	s23 =	sor.u32 s28, s23;
	v7 =	vld [tilespmem:s20+$0xE000];
	v13 =	vmul.f32 v14, v13;
	v5 =	vadd.f32 v62, v0;
	v11 =	vmul.f32 $1.066847290e-01, v4  }
0x12c: {  	s20 =	simm.s32 $0x5;
	v0 =	vmax.f32 v12, $9.999999970e-07;
	v10 =	vcvt.s32.f32 v15;
	v3 =	vld [tilespmem:s23+$0xA000];
	v12 =	vmul.f32 v62, v63  }
.LBB2_8:
0x12d: {  	p0 =	sne.s32 s20, $0x1FF;
	v14 =	vand.u32 $0x7FFFFF, v0;
	v11 =	vadd.f32 $-3.935357930e-01, v11;
	(erf) = vrcp.f32 v1  }
0x12e: {  	v10 =	vmul.f32 $8.262958320e-08, v10;
	v13 =	vadd.f32 $-8.802877040e+01, v13;
	v15 =	vpop (erf);
	v2 =	vadd.f32 v12, v2  }
0x12f: {  	s21 =	sadd.s32 $0x80, s21;
	s22 =	sadd.s32 $0x10, s22;
	s25 =	sshll.u32 s20, $0x4;
	v12 =	vor.u32 $0x3F800000, v14;
	v14 =	vsub.f32 v9, v6  }
.Ltmp3:
0x130: {  	s24 =	sand.u32 $0x70, s22;
	s26 =	sand.u32 $0xC00, s21;
	v11 =	vmul.f32 v11, v4;
	v15 =	vmul.f32 v15, v8;
	v10 =	vadd.f32 v13, v10;
	(pc) =	sbr.rel @p0 .LBB2_8-.Ltmp3, $4  }
0x131: {  	s28 =	sshll.u32 s20, $0x2;
	s25 =	sand.u32 $0x1000, s25;
	s24 =	sor.u32 s26, s24;
	v16 =	vadd.f32 $-1.000000000e+00, v12;
	v12 =	vcvt.s32.f32 v7;
	v13 =	vmul.f32 v3, v3;
	v6 =	vld [tilespmem:s19+$0x6000]  }
0x132: {  	s26 =	sand.u32 $0x380, s28;
	s24 =	sor.u32 s25, s24;
	v8 =	vmul.f32 v14, v14;
	v14 =	vadd.f32 $2.866062220e-01, v11;
	v9 =	vld [tilespmem:s19+$0x8000];
	v15 =	vadd.f32 v10, v15  }
0x133: {  	v11 =	vmul.f32 $1.066847290e-01, v16;
	v10 =	vcvt.s32.f32 v1;
	v5 =	vadd.f32 v12, v5;
	v1 =	vmovc v0;
	v7 =	vld [tilespmem:s18+$0xE000];
	s18 =	smov.u32 s19;
	s19 =	smov.u32 s23;
	s23 =	sor.u32 s26, s24  }
0x134: {  	s20 =	sadd.s32 $0x1, s20;
	v0 =	vmax.f32 v13, $9.999999970e-07;
	v13 =	vmul.f32 v14, v4;
	v4 =	vmovc v16;
	v3 =	vld [tilespmem:s23+$0xA000];
	v12 =	vmul.f32 v12, v15  }
0x135: {  	_ =	sdelay $0x3  }
0x136: {  	v14 =	vld [tilespmem:s19+$0x6000];
	v3 =	vmul.f32 v3, v3  }
0x137: {  	v15 =	vld [tilespmem:s19+$0x8000];
	(erf) = vrcp.f32 v1  }
0x138: {  	v16 =	vld [tilespmem:s18+$0xE000];
	(erf) = vrcp.f32 v0;
	v17 =	vmax.f32 v3, $9.999999970e-07  }
0x139: {  	v18 =	vld [tilespmem:s23+$0x6000];
	(erf) = vrcp.f32 v17  }
0x13a: {  	v19 =	vld [tilespmem:s23+$0x8000]  }
0x13b: {  	v20 =	vld [tilespmem:s19+$0xE000];
	s28 =	simm.s32 $0x0  }
0x13c: {  	v3 =	vld [tilespmem:s23+$0xE000];
	[tilespmem:s5], [sflag:$0x3] =	stream.linear.gather [hbm4b:s29+s28], $0x2000, $0x38  }
0x13d: {  	s20 =	rddreg [dreg:$0x15]  }
0x13e: {  	[tilespmem:s8], [sflag:$0x2] =	stream.linear.gather [hbm4b:s20+s28], $0x2000, $0x38;
	[tilespmem:$0x10100] =	vst v63  }
0x13f: {  	s21 =	rddreg [dreg:$0x16];
	v25 =	vand.u32 $0x7FFFFF, v0;
	v21 =	vpop (erf)  }
0x140: {  	v11 =	vadd.f32 $-3.935357930e-01, v11;
	v25 =	vor.u32 $0x3F800000, v25;
	v22 =	vpop (erf);
	[tilespmem:s9], [sflag:$0x2] =	stream.linear.gather [hbm4b:s21+s28], $0x2000, $0x38;
	[tilespmem:$0x10100] =	vst v63  }
0x141: {  	s22 =	rddreg [dreg:$0x17];
	v10 =	vmul.f32 $8.262958320e-08, v10;
	v13 =	vadd.f32 $-8.802877040e+01, v13;
	v25 =	vadd.f32 $-1.000000000e+00, v25;
	v23 =	vpop (erf)  }
0x142: {  	v1 =	vcvt.s32.f32 v1;
	v6 =	vsub.f32 v9, v6;
	v9 =	vmul.f32 v11, v4;
	[tilespmem:s10], [sflag:$0x2] =	stream.linear.gather [hbm4b:s22+s28], $0x2000, $0x38;
	v24 =	vpop (erf);
	[tilespmem:$0x10100] =	vst v63  }
0x143: {  	v8 =	vmul.f32 v21, v8;
	v10 =	vadd.f32 v13, v10;
	v11 =	vmul.f32 $1.066847290e-01, v25;
	_ =	swait.ge [sflag:s12], $0x2000  }
0x144: {  	v2 =	vadd.f32 v12, v2;
	v7 =	vcvt.s32.f32 v7;
	v9 =	vadd.f32 $2.866062220e-01, v9;
	[sflag:s12] =	ssyncset.done $0x0  }
0x145: {  	v8 =	vadd.f32 v10, v8;
	v10 =	vadd.f32 $-3.935357930e-01, v11;
	[sflag:s12] =	ssyncadd.s32 $0xFFFFE000  }
0x146: {  	v1 =	vmul.f32 $8.262958320e-08, v1;
	v5 =	vadd.f32 v7, v5;
	v4 =	vmul.f32 v9, v4;
	_ =	swait.ge [sflag:s12], $0x2000  }
0x147: {  	s18 =	sand.u32 $0xC00, s28;
	s23 =	sand.u32 $0x70, s28;
	v7 =	vmul.f32 v7, v8;
	v8 =	vand.u32 $0x7FFFFF, v17;
	v9 =	vmul.f32 v10, v25;
	[sflag:s12] =	ssyncset.done $0x0  }
0x148: {  	v6 =	vmul.f32 v6, v6;
	s18 =	sor.u32 s18, s23;
	s20 =	simm.s32 $0x0;
	v4 =	vadd.f32 $-8.802877040e+01, v4;
	v8 =	vor.u32 $0x3F800000, v8;
	[sflag:s12] =	ssyncadd.s32 $0xFFFFE000  }
0x149: {  	s20 =	sand.u32 $0x1000, s20;
	v8 =	vadd.f32 $-1.000000000e+00, v8;
	s21 =	simm.s32 $0x0;
	v9 =	vadd.f32 $2.866062220e-01, v9;
	_ =	swait.ge [sflag:s12], $0x2000  }
0x14a: {  	s18 =	sor.u32 s20, s18;
	v6 =	vmul.f32 v22, v6;
	v1 =	vadd.f32 v4, v1;
	s24 =	sand.u32 $0x380, s21;
	[sflag:s12] =	ssyncset.done $0x0  }
0x14b: {  	v2 =	vadd.f32 v7, v2;
	s21 =	sor.u32 s24, s18;
	v7 =	vmul.f32 v9, v25;
	v9 =	vmul.f32 $1.066847290e-01, v8;
	[sflag:s12] =	ssyncadd.s32 $0xFFFFE000  }
0x14c: {  	v0 =	vcvt.s32.f32 v0;
	v1 =	vadd.f32 v1, v6;
	v6 =	vcvt.s32.f32 v16;
	v10 =	vld [tilespmem:s21+$0x4000]  }
0x14d: {  	v9 =	vadd.f32 $-3.935357930e-01, v9  }
0x14e: {  	s25 =	simm.s32 $0x80;
	s26 =	simm.s32 $0x10;
	v0 =	vmul.f32 $8.262958320e-08, v0;
	v5 =	vadd.f32 v6, v5  }
0x14f: {  	s19 =	sand.u32 $0x70, s26;
	s28 =	simm.s32 $0x10;
	s18 =	sand.u32 $0xC00, s25;
	v1 =	vmul.f32 v6, v1;
	v6 =	vadd.f32 $-8.802877040e+01, v7;
	v7 =	vmul.f32 v9, v8  }
0x150: {  	v11 =	vsub.f32 v19, v18;
	s22 =	simm.s32 $0x4;
	s20 =	sand.u32 $0x1000, s28;
	s18 =	sor.u32 s18, s19  }
0x151: {  	s22 =	sand.u32 $0x380, s22;
	s18 =	sor.u32 s20, s18;
	v0 =	vadd.f32 v6, v0;
	v6 =	vadd.f32 $2.866062220e-01, v7;
	v10 =	vmul.f32 v10, v10  }
0x152: {  	v4 =	vsub.f32 v15, v14;
	s20 =	sor.u32 s22, s18;
	v1 =	vadd.f32 v1, v2  }
0x153: {  	v2 =	vcvt.s32.f32 v17;
	v6 =	vmul.f32 v6, v8;
	v9 =	vld [tilespmem:s20+$0x4000];
	v10 =	vmax.f32 v10, $9.999999970e-07  }
0x154: {  	s23 =	simm.s32 $0x100;
	v11 =	vmul.f32 v11, v11;
	v4 =	vmul.f32 v4, v4;
	s24 =	simm.s32 $0x20;
	v12 =	vand.u32 $0x7FFFFF, v10  }
0x155: {  	s25 =	simm.s32 $0x20;
	s19 =	sand.u32 $0x70, s24;
	s18 =	sand.u32 $0xC00, s23;
	v2 =	vmul.f32 $8.262958320e-08, v2;
	v6 =	vadd.f32 $-8.802877040e+01, v6;
	v7 =	vor.u32 $0x3F800000, v12  }
0x156: {  	s26 =	simm.s32 $0x8;
	v4 =	vmul.f32 v23, v4;
	s22 =	sand.u32 $0x1000, s25;
	s18 =	sor.u32 s18, s19;
	v7 =	vadd.f32 $-1.000000000e+00, v7  }
0x157: {  	s28 =	sand.u32 $0x380, s26;
	s18 =	sor.u32 s22, s18;
	v11 =	vmul.f32 v24, v11;
	v2 =	vadd.f32 v6, v2  }
0x158: {  	v0 =	vadd.f32 v0, v4;
	s18 =	sor.u32 s28, s18;
	v8 =	vld [tilespmem:s21+$0x0];
	v4 =	vmul.f32 v9, v9;
	v9 =	vmul.f32 $1.066847290e-01, v7  }
0x159: {  	v3 =	vcvt.s32.f32 v3;
	v13 =	vld [tilespmem:s18+$0x4000];
	v2 =	vadd.f32 v2, v11;
	v12 =	vcvt.s32.f32 v20  }
0x15a: {  	v14 =	vld [tilespmem:s21+$0x2000];
	v4 =	vmax.f32 v4, $9.999999970e-07;
	(erf) = vrcp.f32 v10;
	v9 =	vadd.f32 $-3.935357930e-01, v9  }
0x15b: {  	s24 =	simm.s32 $0x30;
	s23 =	simm.s32 $0x180;
	v5 =	vadd.f32 v12, v5;
	v0 =	vmul.f32 v12, v0;
	v12 =	vand.u32 $0x7FFFFF, v4  }
0x15c: {  	s25 =	simm.s32 $0x30;
	s19 =	sand.u32 $0xC00, s23;
	s22 =	sand.u32 $0x70, s24;
	v6 =	vor.u32 $0x3F800000, v12;
	v9 =	vmul.f32 v9, v7  }
0x15d: {  	s23 =	sand.u32 $0x1000, s25;
	s24 =	simm.s32 $0xC;
	s19 =	sor.u32 s19, s22;
	v2 =	vmul.f32 v3, v2;
	v10 =	vcvt.s32.f32 v10;
	v62 =	vadd.f32 $-1.000000000e+00, v6  }
0x15e: {  	s26 =	sand.u32 $0x380, s24;
	s19 =	sor.u32 s23, s19;
	v15 =	vld [tilespmem:s20+$0x0];
	v12 =	vadd.f32 v0, v1;
	v1 =	vmul.f32 v13, v13;
	v9 =	vadd.f32 $2.866062220e-01, v9  }
0x15f: {  	s19 =	sor.u32 s26, s19;
	v6 =	vld [tilespmem:s20+$0x2000];
	v0 =	vadd.f32 v3, v5;
	v5 =	vsub.f32 v14, v8;
	v8 =	vmul.f32 $1.066847290e-01, v62  }
0x160: {  	(erf) = vrcp.f32 v4;
	v13 =	vld [tilespmem:s19+$0x4000];
	v7 =	vmul.f32 v9, v7  }
0x161: {  	v11 =	vld [tilespmem:s21+$0xE000];
	v1 =	vmax.f32 v1, $9.999999970e-07;
	v3 =	vmul.f32 v5, v5;
	v8 =	vadd.f32 $-3.935357930e-01, v8  }
0x162: {  	v5 =	vand.u32 $0x7FFFFF, v1;
	v9 =	vmul.f32 $8.262958320e-08, v10;
	v7 =	vadd.f32 $-8.802877040e+01, v7  }
0x163: {  	s22 =	simm.s32 $0x40;
	s21 =	simm.s32 $0x200;
	v14 =	vor.u32 $0x3F800000, v5;
	v8 =	vmul.f32 v8, v62;
	v10 =	vpop (erf)  }
0x164: {  	s28 =	sand.u32 $0x70, s22;
	s26 =	simm.s32 $0x40;
	s25 =	sand.u32 $0xC00, s21;
	v6 =	vsub.f32 v6, v15;
	v10 =	vmul.f32 v10, v3;
	v15 =	vadd.f32 v7, v9  }
0x165: {  	s24 =	sand.u32 $0x1000, s26;
	s26 =	simm.s32 $0x10;
	s23 =	sor.u32 s25, s28;
	v5 =	vld [tilespmem:s18+$0x0];
	v13 =	vmul.f32 v13, v13;
	v3 =	vadd.f32 $-1.000000000e+00, v14;
	v63 =	vadd.f32 $2.866062220e-01, v8  }
0x166: {  	s28 =	sand.u32 $0x380, s26;
	s23 =	sor.u32 s24, s23;
	v14 =	vcvt.s32.f32 v11;
	v11 =	vcvt.s32.f32 v4;
	v7 =	vld [tilespmem:s18+$0x2000];
	v15 =	vadd.f32 v15, v10  }
0x167: {  	s23 =	sor.u32 s28, s23;
	v8 =	vld [tilespmem:s20+$0xE000];
	v4 =	vmax.f32 v13, $9.999999970e-07;
	v13 =	vmul.f32 v63, v62;
	v10 =	vmul.f32 $1.066847290e-01, v3  }
0x168: {  	s20 =	simm.s32 $0x5;
	v9 =	vmul.f32 v6, v6;
	v6 =	vadd.f32 v2, v12;
	v2 =	vld [tilespmem:s23+$0x4000];
	v12 =	vmul.f32 v14, v15  }
.LBB2_10:
0x169: {  	p0 =	sne.s32 s20, $0x1FF;
	v14 =	vand.u32 $0x7FFFFF, v4;
	v10 =	vadd.f32 $-3.935357930e-01, v10;
	(erf) = vrcp.f32 v1  }
0x16a: {  	v11 =	vmul.f32 $8.262958320e-08, v11;
	v13 =	vadd.f32 $-8.802877040e+01, v13;
	v15 =	vpop (erf);
	v6 =	vadd.f32 v12, v6  }
0x16b: {  	s21 =	sadd.s32 $0x80, s21;
	s22 =	sadd.s32 $0x10, s22;
	s25 =	sshll.u32 s20, $0x4;
	v12 =	vor.u32 $0x3F800000, v14;
	v14 =	vsub.f32 v7, v5  }
.Ltmp4:
0x16c: {  	s24 =	sand.u32 $0x70, s22;
	s26 =	sand.u32 $0xC00, s21;
	v10 =	vmul.f32 v10, v3;
	v15 =	vmul.f32 v15, v9;
	v11 =	vadd.f32 v13, v11;
	(pc) =	sbr.rel @p0 .LBB2_10-.Ltmp4, $4  }
0x16d: {  	s28 =	sshll.u32 s20, $0x2;
	s25 =	sand.u32 $0x1000, s25;
	s24 =	sor.u32 s26, s24;
	v16 =	vadd.f32 $-1.000000000e+00, v12;
	v12 =	vcvt.s32.f32 v8;
	v13 =	vmul.f32 v2, v2;
	v5 =	vld [tilespmem:s19+$0x0]  }
0x16e: {  	s26 =	sand.u32 $0x380, s28;
	s24 =	sor.u32 s25, s24;
	v9 =	vmul.f32 v14, v14;
	v14 =	vadd.f32 $2.866062220e-01, v10;
	v7 =	vld [tilespmem:s19+$0x2000];
	v15 =	vadd.f32 v11, v15  }
0x16f: {  	v10 =	vmul.f32 $1.066847290e-01, v16;
	v11 =	vcvt.s32.f32 v1;
	v1 =	vmov v4;
	v8 =	vld [tilespmem:s18+$0xE000];
	s18 =	smov.u32 s19;
	s19 =	smov.u32 s23;
	s23 =	sor.u32 s26, s24  }
0x170: {  	s20 =	sadd.s32 $0x1, s20;
	v4 =	vmax.f32 v13, $9.999999970e-07;
	v13 =	vmul.f32 v14, v3;
	v3 =	vmovc v16;
	v2 =	vld [tilespmem:s23+$0x4000];
	v12 =	vmul.f32 v12, v15  }
0x171: {  	_ =	sdelay $0x3  }
0x172: {  	v2 =	vmul.f32 v2, v2  }
0x173: {  	(erf) = vrcp.f32 v1  }
0x174: {  	v14 =	vld [tilespmem:s19+$0x0];
	(erf) = vrcp.f32 v4;
	v16 =	vmax.f32 v2, $9.999999970e-07  }
0x175: {  	v15 =	vld [tilespmem:s19+$0x2000];
	(erf) = vrcp.f32 v16  }
0x176: {  	v17 =	vld [tilespmem:s18+$0xE000]  }
0x177: {  	v18 =	vld [tilespmem:s23+$0x0]  }
0x178: {  	v19 =	vld [tilespmem:s23+$0x2000]  }
0x179: {  	v20 =	vld [tilespmem:s19+$0xE000];
	s28 =	simm.s32 $0x0;
	s20 =	rddreg [dreg:$0x18]  }
0x17a: {  	v2 =	vld [tilespmem:s23+$0xE000];
	[tilespmem:s28], [sflag:$0x1] =	stream.linear.gather [hbm4b:s20+s28], $0x2000, $0x38  }
0x17b: {  	s21 =	rddreg [dreg:$0x19];
	v21 =	vpop (erf)  }
0x17c: {  	[tilespmem:s6], [sflag:$0x1] =	stream.linear.gather [hbm4b:s21+s28], $0x2000, $0x38;
	v22 =	vpop (erf);
	[tilespmem:$0x10100] =	vst v63  }
0x17d: {  	s22 =	rddreg [dreg:$0x1a];
	v23 =	vpop (erf)  }
0x17e: {  	v25 =	vand.u32 $0x7FFFFF, v4;
	[tilespmem:s7], [sflag:$0x1] =	stream.linear.gather [hbm4b:s22+s28], $0x2000, $0x38;
	v24 =	vpop (erf);
	[tilespmem:$0x10100] =	vst v63  }
0x17f: {  	v11 =	vmul.f32 $8.262958320e-08, v11;
	v13 =	vadd.f32 $-8.802877040e+01, v13;
	_ =	swait.ge [sflag:s14], $0x2000  }
0x180: {  	v10 =	vadd.f32 $-3.935357930e-01, v10;
	v25 =	vor.u32 $0x3F800000, v25;
	[sflag:s14] =	ssyncset.done $0x0  }
0x181: {  	v9 =	vmul.f32 v21, v9;
	v11 =	vadd.f32 v13, v11;
	v13 =	vadd.f32 $-1.000000000e+00, v25;
	[sflag:s14] =	ssyncadd.s32 $0xFFFFE000  }
0x182: {  	v10 =	vmul.f32 v10, v3;
	_ =	swait.ge [sflag:s14], $0x2000  }
0x183: {  	s18 =	sand.u32 $0xC00, s28;
	v8 =	vcvt.s32.f32 v8;
	v9 =	vadd.f32 v11, v9;
	v11 =	vmul.f32 $1.066847290e-01, v13;
	s20 =	simm.s32 $0x0;
	[sflag:s14] =	ssyncset.done $0x0  }
0x184: {  	v1 =	vcvt.s32.f32 v1;
	v5 =	vsub.f32 v7, v5;
	v7 =	vadd.f32 $2.866062220e-01, v10;
	s23 =	sand.u32 $0x70, s28;
	s20 =	sand.u32 $0x1000, s20;
	[sflag:s14] =	ssyncadd.s32 $0xFFFFE000  }
0x185: {  	v6 =	vadd.f32 v12, v6;
	s18 =	sor.u32 s18, s23;
	v8 =	vmul.f32 v8, v9;
	v10 =	vadd.f32 $-3.935357930e-01, v11;
	s21 =	simm.s32 $0x0;
	_ =	swait.ge [sflag:s14], $0x2000  }
0x186: {  	v1 =	vmul.f32 $8.262958320e-08, v1;
	v3 =	vmul.f32 v7, v3;
	v9 =	vand.u32 $0x7FFFFF, v16;
	s18 =	sor.u32 s20, s18;
	s24 =	sand.u32 $0x380, s21;
	[sflag:s14] =	ssyncset.done $0x0  }
0x187: {  	v7 =	vor.u32 $0x3F800000, v9;
	v6 =	vadd.f32 v8, v6;
	v8 =	vmul.f32 v10, v13;
	s21 =	sor.u32 s24, s18;
	[sflag:s14] =	ssyncadd.s32 $0xFFFFE000  }
0x188: {  	v5 =	vmul.f32 v5, v5;
	v3 =	vadd.f32 $-8.802877040e+01, v3;
	v7 =	vadd.f32 $-1.000000000e+00, v7;
	v9 =	vld [tilespmem:s21+$0xA000]  }
0x189: {  	v10 =	vsub.f32 v15, v14;
	v8 =	vadd.f32 $2.866062220e-01, v8  }
0x18a: {  	s25 =	simm.s32 $0x80;
	s26 =	simm.s32 $0x10;
	v5 =	vmul.f32 v22, v5;
	v1 =	vadd.f32 v3, v1;
	v3 =	vcvt.s32.f32 v4  }
0x18b: {  	s19 =	sand.u32 $0x70, s26;
	s28 =	simm.s32 $0x10;
	s18 =	sand.u32 $0xC00, s25;
	v11 =	vmul.f32 $1.066847290e-01, v7;
	v4 =	vmul.f32 v8, v13  }
0x18c: {  	s22 =	simm.s32 $0x4;
	s20 =	sand.u32 $0x1000, s28;
	s18 =	sor.u32 s18, s19;
	v10 =	vmul.f32 v10, v10;
	v3 =	vmul.f32 $8.262958320e-08, v3  }
0x18d: {  	s22 =	sand.u32 $0x380, s22;
	s18 =	sor.u32 s20, s18;
	v8 =	vadd.f32 $-3.935357930e-01, v11;
	v4 =	vadd.f32 $-8.802877040e+01, v4;
	v9 =	vmul.f32 v9, v9  }
0x18e: {  	v1 =	vadd.f32 v1, v5;
	s20 =	sor.u32 s22, s18;
	v11 =	vcvt.s32.f32 v17;
	v10 =	vmul.f32 v23, v10  }
0x18f: {  	v5 =	vmul.f32 v8, v7;
	v3 =	vadd.f32 v4, v3;
	v8 =	vld [tilespmem:s20+$0xA000];
	v9 =	vmax.f32 v9, $9.999999970e-07  }
0x190: {  	s23 =	simm.s32 $0x100;
	s24 =	simm.s32 $0x20;
	v1 =	vmul.f32 v11, v1;
	v11 =	vcvt.s32.f32 v20;
	v12 =	vand.u32 $0x7FFFFF, v9  }
0x191: {  	s25 =	simm.s32 $0x20;
	s19 =	sand.u32 $0x70, s24;
	s18 =	sand.u32 $0xC00, s23;
	v4 =	vadd.f32 $2.866062220e-01, v5;
	v3 =	vadd.f32 v3, v10;
	v5 =	vor.u32 $0x3F800000, v12  }
0x192: {  	s26 =	simm.s32 $0x8;
	s22 =	sand.u32 $0x1000, s25;
	s18 =	sor.u32 s18, s19;
	v10 =	vcvt.s32.f32 v16;
	v5 =	vadd.f32 $-1.000000000e+00, v5  }
0x193: {  	s28 =	sand.u32 $0x380, s26;
	s18 =	sor.u32 s22, s18;
	v4 =	vmul.f32 v4, v7;
	v3 =	vmul.f32 v11, v3;
	v7 =	vld [tilespmem:s21+$0x6000]  }
0x194: {  	s18 =	sor.u32 s28, s18;
	v1 =	vadd.f32 v1, v6;
	v13 =	vld [tilespmem:s21+$0x8000];
	v6 =	vmul.f32 v8, v8;
	v8 =	vmul.f32 $1.066847290e-01, v5  }
0x195: {  	v10 =	vmul.f32 $8.262958320e-08, v10;
	v4 =	vadd.f32 $-8.802877040e+01, v4;
	v11 =	vld [tilespmem:s18+$0xA000];
	v12 =	vsub.f32 v19, v18  }
0x196: {  	s24 =	simm.s32 $0x30;
	s23 =	simm.s32 $0x180;
	v14 =	vmax.f32 v6, $9.999999970e-07;
	(erf) = vrcp.f32 v9;
	v6 =	vadd.f32 $-3.935357930e-01, v8  }
0x197: {  	v2 =	vcvt.s32.f32 v2;
	s25 =	simm.s32 $0x30;
	s19 =	sand.u32 $0xC00, s23;
	s22 =	sand.u32 $0x70, s24;
	v3 =	vadd.f32 v3, v1;
	v8 =	vmul.f32 v12, v12  }
0x198: {  	s23 =	sand.u32 $0x1000, s25;
	s24 =	simm.s32 $0xC;
	s19 =	sor.u32 s19, s22;
	v4 =	vadd.f32 v4, v10;
	v12 =	vand.u32 $0x7FFFFF, v14;
	v6 =	vmul.f32 v6, v5  }
0x199: {  	s26 =	sand.u32 $0x380, s24;
	s19 =	sor.u32 s23, s19;
	v10 =	vld [tilespmem:s20+$0x6000];
	v7 =	vsub.f32 v13, v7;
	v1 =	vor.u32 $0x3F800000, v12;
	v8 =	vmul.f32 v24, v8  }
0x19a: {  	s19 =	sor.u32 s26, s19;
	v15 =	vadd.f32 $-1.000000000e+00, v1;
	v1 =	vmul.f32 v11, v11;
	v11 =	vld [tilespmem:s20+$0x8000];
	v6 =	vadd.f32 $2.866062220e-01, v6  }
0x19b: {  	v13 =	vld [tilespmem:s19+$0xA000];
	v9 =	vcvt.s32.f32 v9;
	(erf) = vrcp.f32 v14;
	v4 =	vadd.f32 v4, v8  }
0x19c: {  	v12 =	vld [tilespmem:s21+$0xE000];
	v8 =	vmul.f32 $1.066847290e-01, v15;
	v1 =	vmax.f32 v1, $9.999999970e-07;
	v5 =	vmul.f32 v6, v5  }
0x19d: {  	s21 =	simm.s32 $0x200;
	v2 =	vmul.f32 v2, v4;
	v4 =	vmul.f32 v7, v7;
	v6 =	vand.u32 $0x7FFFFF, v1  }
0x19e: {  	s22 =	simm.s32 $0x40;
	v7 =	vadd.f32 $-3.935357930e-01, v8;
	v8 =	vmul.f32 $8.262958320e-08, v9;
	v5 =	vadd.f32 $-8.802877040e+01, v5  }
0x19f: {  	s28 =	sand.u32 $0x70, s22;
	s26 =	simm.s32 $0x40;
	s25 =	sand.u32 $0xC00, s21;
	v9 =	vpop (erf);
	v6 =	vor.u32 $0x3F800000, v6;
	v10 =	vsub.f32 v11, v10  }
0x1a0: {  	s24 =	sand.u32 $0x1000, s26;
	s26 =	simm.s32 $0x10;
	s23 =	sor.u32 s25, s28;
	v7 =	vmul.f32 v7, v15;
	v4 =	vmul.f32 v9, v4;
	v11 =	vadd.f32 v5, v8  }
0x1a1: {  	v13 =	vmul.f32 v13, v13;
	s28 =	sand.u32 $0x380, s26;
	s23 =	sor.u32 s24, s23;
	v61 =	vcvt.s32.f32 v12;
	v9 =	vld [tilespmem:s18+$0x8000];
	v5 =	vadd.f32 $-1.000000000e+00, v6  }
0x1a2: {  	s23 =	sor.u32 s28, s23;
	v8 =	vld [tilespmem:s18+$0x6000];
	v6 =	vmul.f32 v10, v10;
	v62 =	vadd.f32 $2.866062220e-01, v7;
	v63 =	vadd.f32 v11, v4  }
0x1a3: {  	v7 =	vadd.f32 v2, v3;
	v10 =	vcvt.s32.f32 v14;
	v3 =	vld [tilespmem:s23+$0xA000];
	v12 =	vmul.f32 $1.066847290e-01, v5  }
0x1a4: {  	v2 =	vmax.f32 v13, $9.999999970e-07;
	v4 =	vld [tilespmem:s20+$0xE000];
	s20 =	simm.s32 $0x5;
	v11 =	vmul.f32 v62, v15;
	v13 =	vmul.f32 v61, v63  }
.LBB2_12:
0x1a5: {  	p0 =	sne.s32 s20, $0x1FF;
	v14 =	vand.u32 $0x7FFFFF, v2;
	v12 =	vadd.f32 $-3.935357930e-01, v12;
	(erf) = vrcp.f32 v1  }
0x1a6: {  	v10 =	vmul.f32 $8.262958320e-08, v10;
	v11 =	vadd.f32 $-8.802877040e+01, v11;
	v15 =	vpop (erf);
	v7 =	vadd.f32 v13, v7  }
0x1a7: {  	s21 =	sadd.s32 $0x80, s21;
	s22 =	sadd.s32 $0x10, s22;
	s25 =	sshll.u32 s20, $0x4;
	v13 =	vor.u32 $0x3F800000, v14;
	v14 =	vsub.f32 v9, v8  }
.Ltmp5:
0x1a8: {  	s24 =	sand.u32 $0x70, s22;
	s26 =	sand.u32 $0xC00, s21;
	v12 =	vmul.f32 v12, v5;
	v15 =	vmul.f32 v15, v6;
	v10 =	vadd.f32 v11, v10;
	(pc) =	sbr.rel @p0 .LBB2_12-.Ltmp5, $4  }
0x1a9: {  	s28 =	sshll.u32 s20, $0x2;
	s25 =	sand.u32 $0x1000, s25;
	s24 =	sor.u32 s26, s24;
	v16 =	vadd.f32 $-1.000000000e+00, v13;
	v13 =	vcvt.s32.f32 v4;
	v11 =	vmul.f32 v3, v3;
	v8 =	vld [tilespmem:s19+$0x6000]  }
0x1aa: {  	s26 =	sand.u32 $0x380, s28;
	s24 =	sor.u32 s25, s24;
	v6 =	vmul.f32 v14, v14;
	v14 =	vadd.f32 $2.866062220e-01, v12;
	v9 =	vld [tilespmem:s19+$0x8000];
	v15 =	vadd.f32 v10, v15  }
0x1ab: {  	v12 =	vmul.f32 $1.066847290e-01, v16;
	v10 =	vcvt.s32.f32 v1;
	v1 =	vmov v2;
	v4 =	vld [tilespmem:s18+$0xE000];
	s18 =	smov.u32 s19;
	s19 =	smov.u32 s23;
	s23 =	sor.u32 s26, s24  }
0x1ac: {  	s20 =	sadd.s32 $0x1, s20;
	v2 =	vmax.f32 v11, $9.999999970e-07;
	v11 =	vmul.f32 v14, v5;
	v5 =	vmovc v16;
	v3 =	vld [tilespmem:s23+$0xA000];
	v13 =	vmul.f32 v13, v15  }
0x1ad: {  	_ =	sdelay $0x3  }
0x1ae: {  	v3 =	vmul.f32 v3, v3  }
0x1af: {  	(erf) = vrcp.f32 v1  }
0x1b0: {  	v14 =	vld [tilespmem:s19+$0x6000];
	(erf) = vrcp.f32 v2;
	v16 =	vmax.f32 v3, $9.999999970e-07  }
0x1b1: {  	v15 =	vld [tilespmem:s19+$0x8000];
	(erf) = vrcp.f32 v16  }
0x1b2: {  	v17 =	vld [tilespmem:s18+$0xE000]  }
0x1b3: {  	v18 =	vld [tilespmem:s23+$0x6000]  }
0x1b4: {  	v19 =	vld [tilespmem:s23+$0x8000]  }
0x1b5: {  	v20 =	vld [tilespmem:s19+$0xE000];
	s28 =	simm.s32 $0x0;
	s20 =	rddreg [dreg:$0x1b]  }
0x1b6: {  	v3 =	vld [tilespmem:s23+$0xE000];
	[tilespmem:s8], [sflag:$0x2] =	stream.linear.gather [hbm4b:s20+s28], $0x2000, $0x38  }
0x1b7: {  	s21 =	rddreg [dreg:$0x1c];
	v21 =	vpop (erf)  }
0x1b8: {  	[tilespmem:s9], [sflag:$0x2] =	stream.linear.gather [hbm4b:s21+s28], $0x2000, $0x38;
	v22 =	vpop (erf);
	[tilespmem:$0x10100] =	vst v63  }
0x1b9: {  	s22 =	rddreg [dreg:$0x1d];
	v23 =	vpop (erf)  }
0x1ba: {  	[tilespmem:s10], [sflag:$0x2] =	stream.linear.gather [hbm4b:s22+s28], $0x2000, $0x38;
	v24 =	vpop (erf);
	[tilespmem:$0x10100] =	vst v63  }
0x1bb: {  	_ =	swait.ge [sflag:s11], $0x2000  }
0x1bc: {  	v12 =	vadd.f32 $-3.935357930e-01, v12;
	[sflag:s11] =	ssyncset.done $0x0  }
0x1bd: {  	[sflag:s11] =	ssyncadd.s32 $0xFFFFE000  }
0x1be: {  	v12 =	vmul.f32 v12, v5;
	_ =	swait.ge [sflag:s12], $0x2000  }
0x1bf: {  	v25 =	vand.u32 $0x7FFFFF, v2;
	v10 =	vmul.f32 $8.262958320e-08, v10;
	[sflag:s12] =	ssyncset.done $0x0  }
0x1c0: {  	v1 =	vcvt.s32.f32 v1;
	v25 =	vor.u32 $0x3F800000, v25;
	v12 =	vadd.f32 $2.866062220e-01, v12;
	[sflag:s12] =	ssyncadd.s32 $0xFFFFE000  }
0x1c1: {  	v11 =	vadd.f32 $-8.802877040e+01, v11;
	v2 =	vcvt.s32.f32 v2;
	v25 =	vadd.f32 $-1.000000000e+00, v25;
	_ =	swait.ge [sflag:s12], $0x2000  }
0x1c2: {  	s18 =	sand.u32 $0xC00, s28;
	v8 =	vsub.f32 v9, v8;
	v1 =	vmul.f32 $8.262958320e-08, v1;
	v5 =	vmul.f32 v12, v5;
	s20 =	simm.s32 $0x0;
	[sflag:s12] =	ssyncset.done $0x0  }
0x1c3: {  	v6 =	vmul.f32 v21, v6;
	v9 =	vmul.f32 $1.066847290e-01, v25;
	s23 =	sand.u32 $0x70, s28;
	s20 =	sand.u32 $0x1000, s20;
	[sflag:s12] =	ssyncadd.s32 $0xFFFFE000  }
0x1c4: {  	v8 =	vmul.f32 v8, v8;
	s18 =	sor.u32 s18, s23;
	v12 =	vand.u32 $0x7FFFFF, v16;
	s21 =	simm.s32 $0x0;
	v5 =	vadd.f32 $-8.802877040e+01, v5;
	_ =	swait.ge [sflag:s12], $0x2000  }
0x1c5: {  	v10 =	vadd.f32 v11, v10;
	v9 =	vadd.f32 $-3.935357930e-01, v9;
	s18 =	sor.u32 s20, s18;
	v11 =	vor.u32 $0x3F800000, v12;
	s24 =	sand.u32 $0x380, s21;
	[sflag:s12] =	ssyncset.done $0x0  }
0x1c6: {  	s21 =	sor.u32 s24, s18;
	v8 =	vmul.f32 v22, v8;
	v1 =	vadd.f32 v5, v1;
	v5 =	vadd.f32 $-1.000000000e+00, v11;
	[sflag:s12] =	ssyncadd.s32 $0xFFFFE000  }
0x1c7: {  	v4 =	vcvt.s32.f32 v4;
	v9 =	vmul.f32 v9, v25;
	v12 =	vld [tilespmem:s21+$0x4000]  }
0x1c8: {  	v6 =	vadd.f32 v10, v6;
	v1 =	vadd.f32 v1, v8;
	v8 =	vmul.f32 $1.066847290e-01, v5  }
0x1c9: {  	s25 =	simm.s32 $0x80;
	s26 =	simm.s32 $0x10;
	v7 =	vadd.f32 v13, v7;
	v10 =	vcvt.s32.f32 v17;
	v9 =	vadd.f32 $2.866062220e-01, v9  }
0x1ca: {  	s19 =	sand.u32 $0x70, s26;
	v2 =	vmul.f32 $8.262958320e-08, v2;
	v4 =	vmul.f32 v4, v6;
	s28 =	simm.s32 $0x10;
	s18 =	sand.u32 $0xC00, s25;
	v8 =	vadd.f32 $-3.935357930e-01, v8  }
0x1cb: {  	v6 =	vsub.f32 v15, v14;
	s22 =	simm.s32 $0x4;
	s20 =	sand.u32 $0x1000, s28;
	s18 =	sor.u32 s18, s19;
	v9 =	vmul.f32 v9, v25;
	v1 =	vmul.f32 v10, v1  }
0x1cc: {  	s22 =	sand.u32 $0x380, s22;
	s18 =	sor.u32 s20, s18;
	v8 =	vmul.f32 v8, v5;
	v10 =	vmul.f32 v12, v12  }
0x1cd: {  	v4 =	vadd.f32 v4, v7;
	v6 =	vmul.f32 v6, v6;
	s20 =	sor.u32 s22, s18;
	v9 =	vadd.f32 $-8.802877040e+01, v9  }
0x1ce: {  	v7 =	vsub.f32 v19, v18;
	v8 =	vadd.f32 $2.866062220e-01, v8;
	v11 =	vld [tilespmem:s20+$0x4000];
	v10 =	vmax.f32 v10, $9.999999970e-07  }
0x1cf: {  	s23 =	simm.s32 $0x100;
	s24 =	simm.s32 $0x20;
	v6 =	vmul.f32 v23, v6;
	v2 =	vadd.f32 v9, v2;
	v12 =	vand.u32 $0x7FFFFF, v10  }
0x1d0: {  	s25 =	simm.s32 $0x20;
	s19 =	sand.u32 $0x70, s24;
	s18 =	sand.u32 $0xC00, s23;
	v9 =	vcvt.s32.f32 v16;
	v5 =	vmul.f32 v8, v5;
	v12 =	vor.u32 $0x3F800000, v12  }
0x1d1: {  	s26 =	simm.s32 $0x8;
	v13 =	vcvt.s32.f32 v20;
	v7 =	vmul.f32 v7, v7;
	s22 =	sand.u32 $0x1000, s25;
	s18 =	sor.u32 s18, s19;
	v12 =	vadd.f32 $-1.000000000e+00, v12  }
0x1d2: {  	s28 =	sand.u32 $0x380, s26;
	s18 =	sor.u32 s22, s18;
	v2 =	vadd.f32 v2, v6;
	v6 =	vmul.f32 $8.262958320e-08, v9;
	v5 =	vadd.f32 $-8.802877040e+01, v5  }
0x1d3: {  	v1 =	vadd.f32 v1, v4;
	s18 =	sor.u32 s28, s18;
	v8 =	vld [tilespmem:s21+$0x0];
	v4 =	vmul.f32 v11, v11;
	v11 =	vmul.f32 $1.066847290e-01, v12  }
0x1d4: {  	v3 =	vcvt.s32.f32 v3;
	v7 =	vmul.f32 v24, v7;
	v5 =	vadd.f32 v5, v6;
	v9 =	vld [tilespmem:s18+$0x4000]  }
0x1d5: {  	v14 =	vld [tilespmem:s21+$0x2000];
	v15 =	vmax.f32 v4, $9.999999970e-07;
	(erf) = vrcp.f32 v10;
	v4 =	vadd.f32 $-3.935357930e-01, v11  }
0x1d6: {  	v2 =	vmul.f32 v13, v2;
	v5 =	vadd.f32 v5, v7;
	v6 =	vand.u32 $0x7FFFFF, v15  }
0x1d7: {  	s24 =	simm.s32 $0x30;
	s23 =	simm.s32 $0x180;
	v6 =	vor.u32 $0x3F800000, v6;
	v4 =	vmul.f32 v4, v12  }
0x1d8: {  	s25 =	simm.s32 $0x30;
	s19 =	sand.u32 $0xC00, s23;
	s22 =	sand.u32 $0x70, s24;
	v2 =	vadd.f32 v2, v1;
	v3 =	vmul.f32 v3, v5;
	v13 =	vadd.f32 $-1.000000000e+00, v6  }
0x1d9: {  	s23 =	sand.u32 $0x1000, s25;
	s24 =	simm.s32 $0xC;
	s19 =	sor.u32 s19, s22;
	v7 =	vld [tilespmem:s20+$0x0];
	v1 =	vmul.f32 v9, v9;
	v4 =	vadd.f32 $2.866062220e-01, v4  }
0x1da: {  	s26 =	sand.u32 $0x380, s24;
	s19 =	sor.u32 s23, s19;
	v2 =	vadd.f32 v3, v2;
	v5 =	vsub.f32 v14, v8;
	v6 =	vld [tilespmem:s20+$0x2000];
	v8 =	vmul.f32 $1.066847290e-01, v13  }
0x1db: {  	s19 =	sor.u32 s26, s19;
	v9 =	vld [tilespmem:s21+$0xC000];
	v1 =	vmax.f32 v1, $9.999999970e-07;
	v10 =	vcvt.s32.f32 v10;
	v4 =	vmul.f32 v4, v12  }
0x1dc: {  	v3 =	vmul.f32 v5, v5;
	(erf) = vrcp.f32 v15;
	v11 =	vld [tilespmem:s19+$0x4000];
	v8 =	vadd.f32 $-3.935357930e-01, v8  }
0x1dd: {  	v5 =	vand.u32 $0x7FFFFF, v1;
	v10 =	vmul.f32 $8.262958320e-08, v10;
	v4 =	vadd.f32 $-8.802877040e+01, v4  }
0x1de: {  	s22 =	simm.s32 $0x40;
	s21 =	simm.s32 $0x200;
	v5 =	vor.u32 $0x3F800000, v5;
	v14 =	vmul.f32 v8, v13;
	v12 =	vpop (erf)  }
0x1df: {  	s28 =	sand.u32 $0x70, s22;
	s26 =	simm.s32 $0x40;
	s25 =	sand.u32 $0xC00, s21;
	v7 =	vsub.f32 v6, v7;
	v3 =	vmul.f32 v12, v3;
	v10 =	vadd.f32 v4, v10  }
0x1e0: {  	s24 =	sand.u32 $0x1000, s26;
	s26 =	simm.s32 $0x10;
	s23 =	sor.u32 s25, s28;
	v62 =	vcvt.s32.f32 v9;
	v9 =	vld [tilespmem:s18+$0x2000];
	v14 =	vadd.f32 $2.866062220e-01, v14;
	v4 =	vadd.f32 $-1.000000000e+00, v5  }
0x1e1: {  	s28 =	sand.u32 $0x380, s26;
	s23 =	sor.u32 s24, s23;
	v6 =	vld [tilespmem:s18+$0x0];
	v8 =	vmul.f32 v7, v7;
	v12 =	vmul.f32 v11, v11;
	v63 =	vadd.f32 v10, v3  }
0x1e2: {  	s23 =	sor.u32 s28, s23;
	v7 =	vld [tilespmem:s20+$0xC000];
	v13 =	vmul.f32 v14, v13;
	v5 =	vadd.f32 v62, v0;
	v11 =	vmul.f32 $1.066847290e-01, v4  }
0x1e3: {  	s20 =	simm.s32 $0x5;
	v0 =	vmax.f32 v12, $9.999999970e-07;
	v10 =	vcvt.s32.f32 v15;
	v3 =	vld [tilespmem:s23+$0x4000];
	v12 =	vmul.f32 v62, v63  }
.LBB2_14:
0x1e4: {  	p0 =	sne.s32 s20, $0x1FF;
	v14 =	vand.u32 $0x7FFFFF, v0;
	v11 =	vadd.f32 $-3.935357930e-01, v11;
	(erf) = vrcp.f32 v1  }
0x1e5: {  	v10 =	vmul.f32 $8.262958320e-08, v10;
	v13 =	vadd.f32 $-8.802877040e+01, v13;
	v15 =	vpop (erf);
	v2 =	vadd.f32 v12, v2  }
0x1e6: {  	s21 =	sadd.s32 $0x80, s21;
	s22 =	sadd.s32 $0x10, s22;
	s25 =	sshll.u32 s20, $0x4;
	v12 =	vor.u32 $0x3F800000, v14;
	v14 =	vsub.f32 v9, v6  }
.Ltmp6:
0x1e7: {  	s24 =	sand.u32 $0x70, s22;
	s26 =	sand.u32 $0xC00, s21;
	v11 =	vmul.f32 v11, v4;
	v15 =	vmul.f32 v15, v8;
	v10 =	vadd.f32 v13, v10;
	(pc) =	sbr.rel @p0 .LBB2_14-.Ltmp6, $4  }
0x1e8: {  	s28 =	sshll.u32 s20, $0x2;
	s25 =	sand.u32 $0x1000, s25;
	s24 =	sor.u32 s26, s24;
	v16 =	vadd.f32 $-1.000000000e+00, v12;
	v12 =	vcvt.s32.f32 v7;
	v13 =	vmul.f32 v3, v3;
	v6 =	vld [tilespmem:s19+$0x0]  }
0x1e9: {  	s26 =	sand.u32 $0x380, s28;
	s24 =	sor.u32 s25, s24;
	v8 =	vmul.f32 v14, v14;
	v14 =	vadd.f32 $2.866062220e-01, v11;
	v9 =	vld [tilespmem:s19+$0x2000];
	v15 =	vadd.f32 v10, v15  }
0x1ea: {  	v11 =	vmul.f32 $1.066847290e-01, v16;
	v10 =	vcvt.s32.f32 v1;
	v5 =	vadd.f32 v12, v5;
	v1 =	vmovc v0;
	v7 =	vld [tilespmem:s18+$0xC000];
	s18 =	smov.u32 s19;
	s19 =	smov.u32 s23;
	s23 =	sor.u32 s26, s24  }
0x1eb: {  	s20 =	sadd.s32 $0x1, s20;
	v0 =	vmax.f32 v13, $9.999999970e-07;
	v13 =	vmul.f32 v14, v4;
	v4 =	vmovc v16;
	v3 =	vld [tilespmem:s23+$0x4000];
	v12 =	vmul.f32 v12, v15  }
0x1ec: {  	_ =	sdelay $0x3  }
0x1ed: {  	v14 =	vld [tilespmem:s19+$0x0];
	v3 =	vmul.f32 v3, v3  }
0x1ee: {  	v15 =	vld [tilespmem:s19+$0x2000];
	(erf) = vrcp.f32 v1  }
0x1ef: {  	v16 =	vld [tilespmem:s18+$0xC000];
	(erf) = vrcp.f32 v0;
	v17 =	vmax.f32 v3, $9.999999970e-07  }
0x1f0: {  	v18 =	vld [tilespmem:s23+$0x0];
	(erf) = vrcp.f32 v17  }
0x1f1: {  	v19 =	vld [tilespmem:s23+$0x2000]  }
0x1f2: {  	v20 =	vld [tilespmem:s19+$0xC000];
	s28 =	simm.s32 $0x0;
	s20 =	rddreg [dreg:$0x1e]  }
0x1f3: {  	v3 =	vld [tilespmem:s23+$0xC000];
	[tilespmem:s13], [sflag:$0x4] =	stream.linear.gather [hbm4b:s30+s28], $0x2000, $0x38  }
0x1f4: {  	s21 =	rddreg [dreg:$0x1f]  }
0x1f5: {  	[tilespmem:s28], [sflag:$0x1] =	stream.linear.gather [hbm4b:s20+s28], $0x2000, $0x38;
	[tilespmem:$0x10100] =	vst v63  }
0x1f6: {  	s22 =	sld [smem:$0x7E0];
	v25 =	vand.u32 $0x7FFFFF, v0;
	v21 =	vpop (erf)  }
0x1f7: {  	v11 =	vadd.f32 $-3.935357930e-01, v11;
	v25 =	vor.u32 $0x3F800000, v25;
	v22 =	vpop (erf);
	[tilespmem:s6], [sflag:$0x1] =	stream.linear.gather [hbm4b:s21+s28], $0x2000, $0x38;
	[tilespmem:$0x10100] =	vst v63  }
0x1f8: {  	v10 =	vmul.f32 $8.262958320e-08, v10;
	v13 =	vadd.f32 $-8.802877040e+01, v13;
	v25 =	vadd.f32 $-1.000000000e+00, v25;
	v23 =	vpop (erf)  }
0x1f9: {  	v1 =	vcvt.s32.f32 v1;
	v6 =	vsub.f32 v9, v6;
	v9 =	vmul.f32 v11, v4;
	[tilespmem:s7], [sflag:$0x1] =	stream.linear.gather [hbm4b:s22+s28], $0x2000, $0x38;
	v24 =	vpop (erf);
	[tilespmem:$0x10100] =	vst v63  }
0x1fa: {  	v8 =	vmul.f32 v21, v8;
	v10 =	vadd.f32 v13, v10;
	v11 =	vmul.f32 $1.066847290e-01, v25;
	_ =	swait.ge [sflag:s14], $0x2000  }
0x1fb: {  	v2 =	vadd.f32 v12, v2;
	v7 =	vcvt.s32.f32 v7;
	v9 =	vadd.f32 $2.866062220e-01, v9;
	[sflag:s14] =	ssyncset.done $0x0  }
0x1fc: {  	v8 =	vadd.f32 v10, v8;
	v10 =	vadd.f32 $-3.935357930e-01, v11;
	[sflag:s14] =	ssyncadd.s32 $0xFFFFE000  }
0x1fd: {  	v1 =	vmul.f32 $8.262958320e-08, v1;
	v5 =	vadd.f32 v7, v5;
	v4 =	vmul.f32 v9, v4;
	_ =	swait.ge [sflag:s14], $0x2000  }
0x1fe: {  	s18 =	sand.u32 $0xC00, s28;
	s23 =	sand.u32 $0x70, s28;
	v7 =	vmul.f32 v7, v8;
	v8 =	vand.u32 $0x7FFFFF, v17;
	v9 =	vmul.f32 v10, v25;
	[sflag:s14] =	ssyncset.done $0x0  }
0x1ff: {  	v6 =	vmul.f32 v6, v6;
	s18 =	sor.u32 s18, s23;
	s20 =	simm.s32 $0x0;
	v4 =	vadd.f32 $-8.802877040e+01, v4;
	v8 =	vor.u32 $0x3F800000, v8;
	[sflag:s14] =	ssyncadd.s32 $0xFFFFE000  }
0x200: {  	s20 =	sand.u32 $0x1000, s20;
	v8 =	vadd.f32 $-1.000000000e+00, v8;
	s21 =	simm.s32 $0x0;
	v9 =	vadd.f32 $2.866062220e-01, v9;
	_ =	swait.ge [sflag:s14], $0x2000  }
0x201: {  	s18 =	sor.u32 s20, s18;
	v6 =	vmul.f32 v22, v6;
	v1 =	vadd.f32 v4, v1;
	s24 =	sand.u32 $0x380, s21;
	[sflag:s14] =	ssyncset.done $0x0  }
0x202: {  	v2 =	vadd.f32 v7, v2;
	s21 =	sor.u32 s24, s18;
	v7 =	vmul.f32 v9, v25;
	v9 =	vmul.f32 $1.066847290e-01, v8;
	[sflag:s14] =	ssyncadd.s32 $0xFFFFE000  }
0x203: {  	v0 =	vcvt.s32.f32 v0;
	v1 =	vadd.f32 v1, v6;
	v6 =	vcvt.s32.f32 v16;
	v10 =	vld [tilespmem:s21+$0xA000]  }
0x204: {  	v9 =	vadd.f32 $-3.935357930e-01, v9  }
0x205: {  	s25 =	simm.s32 $0x80;
	s26 =	simm.s32 $0x10;
	v0 =	vmul.f32 $8.262958320e-08, v0;
	v5 =	vadd.f32 v6, v5  }
0x206: {  	s19 =	sand.u32 $0x70, s26;
	s28 =	simm.s32 $0x10;
	s18 =	sand.u32 $0xC00, s25;
	v1 =	vmul.f32 v6, v1;
	v6 =	vadd.f32 $-8.802877040e+01, v7;
	v7 =	vmul.f32 v9, v8  }
0x207: {  	v11 =	vsub.f32 v19, v18;
	s22 =	simm.s32 $0x4;
	s20 =	sand.u32 $0x1000, s28;
	s18 =	sor.u32 s18, s19  }
0x208: {  	s22 =	sand.u32 $0x380, s22;
	s18 =	sor.u32 s20, s18;
	v0 =	vadd.f32 v6, v0;
	v6 =	vadd.f32 $2.866062220e-01, v7;
	v10 =	vmul.f32 v10, v10  }
0x209: {  	v4 =	vsub.f32 v15, v14;
	s20 =	sor.u32 s22, s18;
	v1 =	vadd.f32 v1, v2  }
0x20a: {  	v2 =	vcvt.s32.f32 v17;
	v6 =	vmul.f32 v6, v8;
	v9 =	vld [tilespmem:s20+$0xA000];
	v10 =	vmax.f32 v10, $9.999999970e-07  }
0x20b: {  	s23 =	simm.s32 $0x100;
	v11 =	vmul.f32 v11, v11;
	v4 =	vmul.f32 v4, v4;
	s24 =	simm.s32 $0x20;
	v12 =	vand.u32 $0x7FFFFF, v10  }
0x20c: {  	s25 =	simm.s32 $0x20;
	s19 =	sand.u32 $0x70, s24;
	s18 =	sand.u32 $0xC00, s23;
	v2 =	vmul.f32 $8.262958320e-08, v2;
	v6 =	vadd.f32 $-8.802877040e+01, v6;
	v7 =	vor.u32 $0x3F800000, v12  }
0x20d: {  	s26 =	simm.s32 $0x8;
	v4 =	vmul.f32 v23, v4;
	s22 =	sand.u32 $0x1000, s25;
	s18 =	sor.u32 s18, s19;
	v7 =	vadd.f32 $-1.000000000e+00, v7  }
0x20e: {  	s28 =	sand.u32 $0x380, s26;
	s18 =	sor.u32 s22, s18;
	v11 =	vmul.f32 v24, v11;
	v2 =	vadd.f32 v6, v2  }
0x20f: {  	v0 =	vadd.f32 v0, v4;
	s18 =	sor.u32 s28, s18;
	v8 =	vld [tilespmem:s21+$0x6000];
	v4 =	vmul.f32 v9, v9;
	v9 =	vmul.f32 $1.066847290e-01, v7  }
0x210: {  	v3 =	vcvt.s32.f32 v3;
	v13 =	vld [tilespmem:s18+$0xA000];
	v2 =	vadd.f32 v2, v11;
	v12 =	vcvt.s32.f32 v20  }
0x211: {  	v14 =	vld [tilespmem:s21+$0x8000];
	v4 =	vmax.f32 v4, $9.999999970e-07;
	(erf) = vrcp.f32 v10;
	v9 =	vadd.f32 $-3.935357930e-01, v9  }
0x212: {  	s24 =	simm.s32 $0x30;
	s23 =	simm.s32 $0x180;
	v5 =	vadd.f32 v12, v5;
	v0 =	vmul.f32 v12, v0;
	v12 =	vand.u32 $0x7FFFFF, v4  }
0x213: {  	s25 =	simm.s32 $0x30;
	s19 =	sand.u32 $0xC00, s23;
	s22 =	sand.u32 $0x70, s24;
	v6 =	vor.u32 $0x3F800000, v12;
	v9 =	vmul.f32 v9, v7  }
0x214: {  	s23 =	sand.u32 $0x1000, s25;
	s24 =	simm.s32 $0xC;
	s19 =	sor.u32 s19, s22;
	v2 =	vmul.f32 v3, v2;
	v10 =	vcvt.s32.f32 v10;
	v62 =	vadd.f32 $-1.000000000e+00, v6  }
0x215: {  	s26 =	sand.u32 $0x380, s24;
	s19 =	sor.u32 s23, s19;
	v15 =	vld [tilespmem:s20+$0x6000];
	v12 =	vadd.f32 v0, v1;
	v1 =	vmul.f32 v13, v13;
	v9 =	vadd.f32 $2.866062220e-01, v9  }
0x216: {  	s19 =	sor.u32 s26, s19;
	v6 =	vld [tilespmem:s20+$0x8000];
	v0 =	vadd.f32 v3, v5;
	v5 =	vsub.f32 v14, v8;
	v8 =	vmul.f32 $1.066847290e-01, v62  }
0x217: {  	(erf) = vrcp.f32 v4;
	v13 =	vld [tilespmem:s19+$0xA000];
	v7 =	vmul.f32 v9, v7  }
0x218: {  	v11 =	vld [tilespmem:s21+$0xC000];
	v1 =	vmax.f32 v1, $9.999999970e-07;
	v3 =	vmul.f32 v5, v5;
	v8 =	vadd.f32 $-3.935357930e-01, v8  }
0x219: {  	v5 =	vand.u32 $0x7FFFFF, v1;
	v9 =	vmul.f32 $8.262958320e-08, v10;
	v7 =	vadd.f32 $-8.802877040e+01, v7  }
0x21a: {  	s22 =	simm.s32 $0x40;
	s21 =	simm.s32 $0x200;
	v14 =	vor.u32 $0x3F800000, v5;
	v8 =	vmul.f32 v8, v62;
	v10 =	vpop (erf)  }
0x21b: {  	s28 =	sand.u32 $0x70, s22;
	s26 =	simm.s32 $0x40;
	s25 =	sand.u32 $0xC00, s21;
	v6 =	vsub.f32 v6, v15;
	v10 =	vmul.f32 v10, v3;
	v15 =	vadd.f32 v7, v9  }
0x21c: {  	s24 =	sand.u32 $0x1000, s26;
	s26 =	simm.s32 $0x10;
	s23 =	sor.u32 s25, s28;
	v5 =	vld [tilespmem:s18+$0x6000];
	v13 =	vmul.f32 v13, v13;
	v3 =	vadd.f32 $-1.000000000e+00, v14;
	v63 =	vadd.f32 $2.866062220e-01, v8  }
0x21d: {  	s28 =	sand.u32 $0x380, s26;
	s23 =	sor.u32 s24, s23;
	v14 =	vcvt.s32.f32 v11;
	v11 =	vcvt.s32.f32 v4;
	v7 =	vld [tilespmem:s18+$0x8000];
	v15 =	vadd.f32 v15, v10  }
0x21e: {  	s23 =	sor.u32 s28, s23;
	v8 =	vld [tilespmem:s20+$0xC000];
	v4 =	vmax.f32 v13, $9.999999970e-07;
	v13 =	vmul.f32 v63, v62;
	v10 =	vmul.f32 $1.066847290e-01, v3  }
0x21f: {  	s20 =	simm.s32 $0x5;
	v9 =	vmul.f32 v6, v6;
	v6 =	vadd.f32 v2, v12;
	v2 =	vld [tilespmem:s23+$0xA000];
	v12 =	vmul.f32 v14, v15  }
.LBB2_16:
0x220: {  	p0 =	sne.s32 s20, $0x1FF;
	v14 =	vand.u32 $0x7FFFFF, v4;
	v10 =	vadd.f32 $-3.935357930e-01, v10;
	(erf) = vrcp.f32 v1  }
0x221: {  	v11 =	vmul.f32 $8.262958320e-08, v11;
	v13 =	vadd.f32 $-8.802877040e+01, v13;
	v15 =	vpop (erf);
	v6 =	vadd.f32 v12, v6  }
0x222: {  	s21 =	sadd.s32 $0x80, s21;
	s22 =	sadd.s32 $0x10, s22;
	s25 =	sshll.u32 s20, $0x4;
	v12 =	vor.u32 $0x3F800000, v14;
	v14 =	vsub.f32 v7, v5  }
.Ltmp7:
0x223: {  	s24 =	sand.u32 $0x70, s22;
	s26 =	sand.u32 $0xC00, s21;
	v10 =	vmul.f32 v10, v3;
	v15 =	vmul.f32 v15, v9;
	v11 =	vadd.f32 v13, v11;
	(pc) =	sbr.rel @p0 .LBB2_16-.Ltmp7, $4  }
0x224: {  	s28 =	sshll.u32 s20, $0x2;
	s25 =	sand.u32 $0x1000, s25;
	s24 =	sor.u32 s26, s24;
	v16 =	vadd.f32 $-1.000000000e+00, v12;
	v12 =	vcvt.s32.f32 v8;
	v13 =	vmul.f32 v2, v2;
	v5 =	vld [tilespmem:s19+$0x6000]  }
0x225: {  	s26 =	sand.u32 $0x380, s28;
	s24 =	sor.u32 s25, s24;
	v9 =	vmul.f32 v14, v14;
	v14 =	vadd.f32 $2.866062220e-01, v10;
	v7 =	vld [tilespmem:s19+$0x8000];
	v15 =	vadd.f32 v11, v15  }
0x226: {  	v10 =	vmul.f32 $1.066847290e-01, v16;
	v11 =	vcvt.s32.f32 v1;
	v1 =	vmov v4;
	v8 =	vld [tilespmem:s18+$0xC000];
	s18 =	smov.u32 s19;
	s19 =	smov.u32 s23;
	s23 =	sor.u32 s26, s24  }
0x227: {  	s20 =	sadd.s32 $0x1, s20;
	v4 =	vmax.f32 v13, $9.999999970e-07;
	v13 =	vmul.f32 v14, v3;
	v3 =	vmovc v16;
	v2 =	vld [tilespmem:s23+$0xA000];
	v12 =	vmul.f32 v12, v15  }
0x228: {  	_ =	sdelay $0x3  }
0x229: {  	v2 =	vmul.f32 v2, v2  }
0x22a: {  	(erf) = vrcp.f32 v1  }
0x22b: {  	v14 =	vld [tilespmem:s19+$0x6000];
	(erf) = vrcp.f32 v4;
	v16 =	vmax.f32 v2, $9.999999970e-07  }
0x22c: {  	v15 =	vld [tilespmem:s19+$0x8000];
	(erf) = vrcp.f32 v16  }
0x22d: {  	v17 =	vld [tilespmem:s18+$0xC000]  }
0x22e: {  	v18 =	vld [tilespmem:s23+$0x6000];
	s20 =	sld [smem:$0x7E1]  }
0x22f: {  	v19 =	vld [tilespmem:s23+$0x8000]  }
0x230: {  	v20 =	vld [tilespmem:s19+$0xC000];
	s28 =	simm.s32 $0x0;
	s21 =	sld [smem:$0x7E2]  }
0x231: {  	v2 =	vld [tilespmem:s23+$0xC000];
	[tilespmem:s8], [sflag:$0x2] =	stream.linear.gather [hbm4b:s20+s28], $0x2000, $0x38  }
0x232: {  	s22 =	sld [smem:$0x7E3];
	v21 =	vpop (erf)  }
0x233: {  	[tilespmem:s9], [sflag:$0x2] =	stream.linear.gather [hbm4b:s21+s28], $0x2000, $0x38;
	v22 =	vpop (erf);
	[tilespmem:$0x10100] =	vst v63  }
0x234: {  	v23 =	vpop (erf)  }
0x235: {  	v25 =	vand.u32 $0x7FFFFF, v4;
	[tilespmem:s10], [sflag:$0x2] =	stream.linear.gather [hbm4b:s22+s28], $0x2000, $0x38;
	v24 =	vpop (erf);
	[tilespmem:$0x10100] =	vst v63  }
0x236: {  	v11 =	vmul.f32 $8.262958320e-08, v11;
	v13 =	vadd.f32 $-8.802877040e+01, v13;
	_ =	swait.ge [sflag:s12], $0x2000  }
0x237: {  	v10 =	vadd.f32 $-3.935357930e-01, v10;
	v25 =	vor.u32 $0x3F800000, v25;
	[sflag:s12] =	ssyncset.done $0x0  }
0x238: {  	v9 =	vmul.f32 v21, v9;
	v11 =	vadd.f32 v13, v11;
	v13 =	vadd.f32 $-1.000000000e+00, v25;
	[sflag:s12] =	ssyncadd.s32 $0xFFFFE000  }
0x239: {  	v10 =	vmul.f32 v10, v3;
	_ =	swait.ge [sflag:s12], $0x2000  }
0x23a: {  	s18 =	sand.u32 $0xC00, s28;
	v8 =	vcvt.s32.f32 v8;
	v9 =	vadd.f32 v11, v9;
	v11 =	vmul.f32 $1.066847290e-01, v13;
	s20 =	simm.s32 $0x0;
	[sflag:s12] =	ssyncset.done $0x0  }
0x23b: {  	v1 =	vcvt.s32.f32 v1;
	v5 =	vsub.f32 v7, v5;
	v7 =	vadd.f32 $2.866062220e-01, v10;
	s23 =	sand.u32 $0x70, s28;
	s20 =	sand.u32 $0x1000, s20;
	[sflag:s12] =	ssyncadd.s32 $0xFFFFE000  }
0x23c: {  	v6 =	vadd.f32 v12, v6;
	s18 =	sor.u32 s18, s23;
	v8 =	vmul.f32 v8, v9;
	v10 =	vadd.f32 $-3.935357930e-01, v11;
	s21 =	simm.s32 $0x0;
	_ =	swait.ge [sflag:s12], $0x2000  }
0x23d: {  	v1 =	vmul.f32 $8.262958320e-08, v1;
	v3 =	vmul.f32 v7, v3;
	v9 =	vand.u32 $0x7FFFFF, v16;
	s18 =	sor.u32 s20, s18;
	s24 =	sand.u32 $0x380, s21;
	[sflag:s12] =	ssyncset.done $0x0  }
0x23e: {  	v7 =	vor.u32 $0x3F800000, v9;
	v6 =	vadd.f32 v8, v6;
	v8 =	vmul.f32 v10, v13;
	s21 =	sor.u32 s24, s18;
	[sflag:s12] =	ssyncadd.s32 $0xFFFFE000  }
0x23f: {  	v5 =	vmul.f32 v5, v5;
	v3 =	vadd.f32 $-8.802877040e+01, v3;
	v7 =	vadd.f32 $-1.000000000e+00, v7;
	v9 =	vld [tilespmem:s21+$0x4000]  }
0x240: {  	v10 =	vsub.f32 v15, v14;
	v8 =	vadd.f32 $2.866062220e-01, v8  }
0x241: {  	s25 =	simm.s32 $0x80;
	s26 =	simm.s32 $0x10;
	v5 =	vmul.f32 v22, v5;
	v1 =	vadd.f32 v3, v1;
	v3 =	vcvt.s32.f32 v4  }
0x242: {  	s19 =	sand.u32 $0x70, s26;
	s28 =	simm.s32 $0x10;
	s18 =	sand.u32 $0xC00, s25;
	v11 =	vmul.f32 $1.066847290e-01, v7;
	v4 =	vmul.f32 v8, v13  }
0x243: {  	s22 =	simm.s32 $0x4;
	s20 =	sand.u32 $0x1000, s28;
	s18 =	sor.u32 s18, s19;
	v10 =	vmul.f32 v10, v10;
	v3 =	vmul.f32 $8.262958320e-08, v3  }
0x244: {  	s22 =	sand.u32 $0x380, s22;
	s18 =	sor.u32 s20, s18;
	v8 =	vadd.f32 $-3.935357930e-01, v11;
	v4 =	vadd.f32 $-8.802877040e+01, v4;
	v9 =	vmul.f32 v9, v9  }
0x245: {  	v1 =	vadd.f32 v1, v5;
	s20 =	sor.u32 s22, s18;
	v11 =	vcvt.s32.f32 v17;
	v10 =	vmul.f32 v23, v10  }
0x246: {  	v5 =	vmul.f32 v8, v7;
	v3 =	vadd.f32 v4, v3;
	v8 =	vld [tilespmem:s20+$0x4000];
	v9 =	vmax.f32 v9, $9.999999970e-07  }
0x247: {  	s23 =	simm.s32 $0x100;
	s24 =	simm.s32 $0x20;
	v1 =	vmul.f32 v11, v1;
	v11 =	vcvt.s32.f32 v20;
	v12 =	vand.u32 $0x7FFFFF, v9  }
0x248: {  	s25 =	simm.s32 $0x20;
	s19 =	sand.u32 $0x70, s24;
	s18 =	sand.u32 $0xC00, s23;
	v4 =	vadd.f32 $2.866062220e-01, v5;
	v3 =	vadd.f32 v3, v10;
	v5 =	vor.u32 $0x3F800000, v12  }
0x249: {  	s26 =	simm.s32 $0x8;
	s22 =	sand.u32 $0x1000, s25;
	s18 =	sor.u32 s18, s19;
	v10 =	vcvt.s32.f32 v16;
	v5 =	vadd.f32 $-1.000000000e+00, v5  }
0x24a: {  	s28 =	sand.u32 $0x380, s26;
	s18 =	sor.u32 s22, s18;
	v4 =	vmul.f32 v4, v7;
	v3 =	vmul.f32 v11, v3;
	v7 =	vld [tilespmem:s21+$0x0]  }
0x24b: {  	s18 =	sor.u32 s28, s18;
	v1 =	vadd.f32 v1, v6;
	v13 =	vld [tilespmem:s21+$0x2000];
	v6 =	vmul.f32 v8, v8;
	v8 =	vmul.f32 $1.066847290e-01, v5  }
0x24c: {  	v10 =	vmul.f32 $8.262958320e-08, v10;
	v4 =	vadd.f32 $-8.802877040e+01, v4;
	v11 =	vld [tilespmem:s18+$0x4000];
	v12 =	vsub.f32 v19, v18  }
0x24d: {  	s24 =	simm.s32 $0x30;
	s23 =	simm.s32 $0x180;
	v14 =	vmax.f32 v6, $9.999999970e-07;
	(erf) = vrcp.f32 v9;
	v6 =	vadd.f32 $-3.935357930e-01, v8  }
0x24e: {  	v2 =	vcvt.s32.f32 v2;
	s25 =	simm.s32 $0x30;
	s19 =	sand.u32 $0xC00, s23;
	s22 =	sand.u32 $0x70, s24;
	v3 =	vadd.f32 v3, v1;
	v8 =	vmul.f32 v12, v12  }
0x24f: {  	s23 =	sand.u32 $0x1000, s25;
	s24 =	simm.s32 $0xC;
	s19 =	sor.u32 s19, s22;
	v4 =	vadd.f32 v4, v10;
	v12 =	vand.u32 $0x7FFFFF, v14;
	v6 =	vmul.f32 v6, v5  }
0x250: {  	s26 =	sand.u32 $0x380, s24;
	s19 =	sor.u32 s23, s19;
	v10 =	vld [tilespmem:s20+$0x0];
	v7 =	vsub.f32 v13, v7;
	v1 =	vor.u32 $0x3F800000, v12;
	v8 =	vmul.f32 v24, v8  }
0x251: {  	s19 =	sor.u32 s26, s19;
	v15 =	vadd.f32 $-1.000000000e+00, v1;
	v1 =	vmul.f32 v11, v11;
	v11 =	vld [tilespmem:s20+$0x2000];
	v6 =	vadd.f32 $2.866062220e-01, v6  }
0x252: {  	v13 =	vld [tilespmem:s19+$0x4000];
	v9 =	vcvt.s32.f32 v9;
	(erf) = vrcp.f32 v14;
	v4 =	vadd.f32 v4, v8  }
0x253: {  	v12 =	vld [tilespmem:s21+$0xC000];
	v8 =	vmul.f32 $1.066847290e-01, v15;
	v1 =	vmax.f32 v1, $9.999999970e-07;
	v5 =	vmul.f32 v6, v5  }
0x254: {  	s21 =	simm.s32 $0x200;
	v2 =	vmul.f32 v2, v4;
	v4 =	vmul.f32 v7, v7;
	v6 =	vand.u32 $0x7FFFFF, v1  }
0x255: {  	s22 =	simm.s32 $0x40;
	v7 =	vadd.f32 $-3.935357930e-01, v8;
	v8 =	vmul.f32 $8.262958320e-08, v9;
	v5 =	vadd.f32 $-8.802877040e+01, v5  }
0x256: {  	s28 =	sand.u32 $0x70, s22;
	s26 =	simm.s32 $0x40;
	s25 =	sand.u32 $0xC00, s21;
	v9 =	vpop (erf);
	v6 =	vor.u32 $0x3F800000, v6;
	v10 =	vsub.f32 v11, v10  }
0x257: {  	s24 =	sand.u32 $0x1000, s26;
	s26 =	simm.s32 $0x10;
	s23 =	sor.u32 s25, s28;
	v7 =	vmul.f32 v7, v15;
	v4 =	vmul.f32 v9, v4;
	v11 =	vadd.f32 v5, v8  }
0x258: {  	v13 =	vmul.f32 v13, v13;
	s28 =	sand.u32 $0x380, s26;
	s23 =	sor.u32 s24, s23;
	v61 =	vcvt.s32.f32 v12;
	v9 =	vld [tilespmem:s18+$0x2000];
	v5 =	vadd.f32 $-1.000000000e+00, v6  }
0x259: {  	s23 =	sor.u32 s28, s23;
	v8 =	vld [tilespmem:s18+$0x0];
	v6 =	vmul.f32 v10, v10;
	v62 =	vadd.f32 $2.866062220e-01, v7;
	v63 =	vadd.f32 v11, v4  }
0x25a: {  	v7 =	vadd.f32 v2, v3;
	v10 =	vcvt.s32.f32 v14;
	v3 =	vld [tilespmem:s23+$0x4000];
	v12 =	vmul.f32 $1.066847290e-01, v5  }
0x25b: {  	v2 =	vmax.f32 v13, $9.999999970e-07;
	v4 =	vld [tilespmem:s20+$0xC000];
	s20 =	simm.s32 $0x5;
	v11 =	vmul.f32 v62, v15;
	v13 =	vmul.f32 v61, v63  }
.LBB2_18:
0x25c: {  	p0 =	sne.s32 s20, $0x1FF;
	v14 =	vand.u32 $0x7FFFFF, v2;
	v12 =	vadd.f32 $-3.935357930e-01, v12;
	(erf) = vrcp.f32 v1  }
0x25d: {  	v10 =	vmul.f32 $8.262958320e-08, v10;
	v11 =	vadd.f32 $-8.802877040e+01, v11;
	v15 =	vpop (erf);
	v7 =	vadd.f32 v13, v7  }
0x25e: {  	s21 =	sadd.s32 $0x80, s21;
	s22 =	sadd.s32 $0x10, s22;
	s25 =	sshll.u32 s20, $0x4;
	v13 =	vor.u32 $0x3F800000, v14;
	v14 =	vsub.f32 v9, v8  }
.Ltmp8:
0x25f: {  	s24 =	sand.u32 $0x70, s22;
	s26 =	sand.u32 $0xC00, s21;
	v12 =	vmul.f32 v12, v5;
	v15 =	vmul.f32 v15, v6;
	v10 =	vadd.f32 v11, v10;
	(pc) =	sbr.rel @p0 .LBB2_18-.Ltmp8, $4  }
0x260: {  	s28 =	sshll.u32 s20, $0x2;
	s25 =	sand.u32 $0x1000, s25;
	s24 =	sor.u32 s26, s24;
	v16 =	vadd.f32 $-1.000000000e+00, v13;
	v13 =	vcvt.s32.f32 v4;
	v11 =	vmul.f32 v3, v3;
	v8 =	vld [tilespmem:s19+$0x0]  }
0x261: {  	s26 =	sand.u32 $0x380, s28;
	s24 =	sor.u32 s25, s24;
	v6 =	vmul.f32 v14, v14;
	v14 =	vadd.f32 $2.866062220e-01, v12;
	v9 =	vld [tilespmem:s19+$0x2000];
	v15 =	vadd.f32 v10, v15  }
0x262: {  	v12 =	vmul.f32 $1.066847290e-01, v16;
	v10 =	vcvt.s32.f32 v1;
	v1 =	vmov v2;
	v4 =	vld [tilespmem:s18+$0xC000];
	s18 =	smov.u32 s19;
	s19 =	smov.u32 s23;
	s23 =	sor.u32 s26, s24  }
0x263: {  	s20 =	sadd.s32 $0x1, s20;
	v2 =	vmax.f32 v11, $9.999999970e-07;
	v11 =	vmul.f32 v14, v5;
	v5 =	vmovc v16;
	v3 =	vld [tilespmem:s23+$0x4000];
	v13 =	vmul.f32 v13, v15  }
0x264: {  	_ =	sdelay $0x3  }
0x265: {  	v3 =	vmul.f32 v3, v3  }
0x266: {  	(erf) = vrcp.f32 v1  }
0x267: {  	v14 =	vld [tilespmem:s19+$0x0];
	(erf) = vrcp.f32 v2;
	v16 =	vmax.f32 v3, $9.999999970e-07  }
0x268: {  	v15 =	vld [tilespmem:s19+$0x2000];
	(erf) = vrcp.f32 v16  }
0x269: {  	v17 =	vld [tilespmem:s18+$0xC000]  }
0x26a: {  	v18 =	vld [tilespmem:s23+$0x0];
	s20 =	sld [smem:$0x7E4]  }
0x26b: {  	v19 =	vld [tilespmem:s23+$0x2000]  }
0x26c: {  	v20 =	vld [tilespmem:s19+$0xC000];
	s28 =	simm.s32 $0x0;
	s21 =	sld [smem:$0x7E5]  }
0x26d: {  	v3 =	vld [tilespmem:s23+$0xC000];
	[tilespmem:s28], [sflag:$0x1] =	stream.linear.gather [hbm4b:s20+s28], $0x2000, $0x38  }
0x26e: {  	s22 =	sld [smem:$0x7E6];
	v21 =	vpop (erf)  }
0x26f: {  	[tilespmem:s6], [sflag:$0x1] =	stream.linear.gather [hbm4b:s21+s28], $0x2000, $0x38;
	v22 =	vpop (erf);
	[tilespmem:$0x10100] =	vst v63  }
0x270: {  	v23 =	vpop (erf)  }
0x271: {  	[tilespmem:s7], [sflag:$0x1] =	stream.linear.gather [hbm4b:s22+s28], $0x2000, $0x38;
	v24 =	vpop (erf);
	[tilespmem:$0x10100] =	vst v63  }
0x272: {  	_ =	swait.ge [sflag:s15], $0x2000  }
0x273: {  	v12 =	vadd.f32 $-3.935357930e-01, v12;
	[sflag:s15] =	ssyncset.done $0x0  }
0x274: {  	[sflag:s15] =	ssyncadd.s32 $0xFFFFE000  }
0x275: {  	v12 =	vmul.f32 v12, v5;
	_ =	swait.ge [sflag:s14], $0x2000  }
0x276: {  	v25 =	vand.u32 $0x7FFFFF, v2;
	v10 =	vmul.f32 $8.262958320e-08, v10;
	[sflag:s14] =	ssyncset.done $0x0  }
0x277: {  	v1 =	vcvt.s32.f32 v1;
	v25 =	vor.u32 $0x3F800000, v25;
	v12 =	vadd.f32 $2.866062220e-01, v12;
	[sflag:s14] =	ssyncadd.s32 $0xFFFFE000  }
0x278: {  	v11 =	vadd.f32 $-8.802877040e+01, v11;
	v2 =	vcvt.s32.f32 v2;
	v25 =	vadd.f32 $-1.000000000e+00, v25;
	_ =	swait.ge [sflag:s14], $0x2000  }
0x279: {  	s18 =	sand.u32 $0xC00, s28;
	v8 =	vsub.f32 v9, v8;
	v1 =	vmul.f32 $8.262958320e-08, v1;
	v5 =	vmul.f32 v12, v5;
	s20 =	simm.s32 $0x0;
	[sflag:s14] =	ssyncset.done $0x0  }
0x27a: {  	v6 =	vmul.f32 v21, v6;
	v9 =	vmul.f32 $1.066847290e-01, v25;
	s23 =	sand.u32 $0x70, s28;
	s20 =	sand.u32 $0x1000, s20;
	[sflag:s14] =	ssyncadd.s32 $0xFFFFE000  }
0x27b: {  	v8 =	vmul.f32 v8, v8;
	s18 =	sor.u32 s18, s23;
	v12 =	vand.u32 $0x7FFFFF, v16;
	s21 =	simm.s32 $0x0;
	v5 =	vadd.f32 $-8.802877040e+01, v5;
	_ =	swait.ge [sflag:s14], $0x2000  }
0x27c: {  	v10 =	vadd.f32 v11, v10;
	v9 =	vadd.f32 $-3.935357930e-01, v9;
	s18 =	sor.u32 s20, s18;
	v11 =	vor.u32 $0x3F800000, v12;
	s24 =	sand.u32 $0x380, s21;
	[sflag:s14] =	ssyncset.done $0x0  }
0x27d: {  	s21 =	sor.u32 s24, s18;
	v8 =	vmul.f32 v22, v8;
	v1 =	vadd.f32 v5, v1;
	v5 =	vadd.f32 $-1.000000000e+00, v11;
	[sflag:s14] =	ssyncadd.s32 $0xFFFFE000  }
0x27e: {  	v4 =	vcvt.s32.f32 v4;
	v9 =	vmul.f32 v9, v25;
	v12 =	vld [tilespmem:s21+$0xA000]  }
0x27f: {  	v6 =	vadd.f32 v10, v6;
	v1 =	vadd.f32 v1, v8;
	v8 =	vmul.f32 $1.066847290e-01, v5  }
0x280: {  	s25 =	simm.s32 $0x80;
	s26 =	simm.s32 $0x10;
	v7 =	vadd.f32 v13, v7;
	v10 =	vcvt.s32.f32 v17;
	v9 =	vadd.f32 $2.866062220e-01, v9  }
0x281: {  	s19 =	sand.u32 $0x70, s26;
	v2 =	vmul.f32 $8.262958320e-08, v2;
	v4 =	vmul.f32 v4, v6;
	s28 =	simm.s32 $0x10;
	s18 =	sand.u32 $0xC00, s25;
	v8 =	vadd.f32 $-3.935357930e-01, v8  }
0x282: {  	v6 =	vsub.f32 v15, v14;
	s22 =	simm.s32 $0x4;
	s20 =	sand.u32 $0x1000, s28;
	s18 =	sor.u32 s18, s19;
	v9 =	vmul.f32 v9, v25;
	v1 =	vmul.f32 v10, v1  }
0x283: {  	s22 =	sand.u32 $0x380, s22;
	s18 =	sor.u32 s20, s18;
	v8 =	vmul.f32 v8, v5;
	v10 =	vmul.f32 v12, v12  }
0x284: {  	v4 =	vadd.f32 v4, v7;
	v6 =	vmul.f32 v6, v6;
	s20 =	sor.u32 s22, s18;
	v9 =	vadd.f32 $-8.802877040e+01, v9  }
0x285: {  	v7 =	vsub.f32 v19, v18;
	v8 =	vadd.f32 $2.866062220e-01, v8;
	v11 =	vld [tilespmem:s20+$0xA000];
	v10 =	vmax.f32 v10, $9.999999970e-07  }
0x286: {  	s23 =	simm.s32 $0x100;
	s24 =	simm.s32 $0x20;
	v6 =	vmul.f32 v23, v6;
	v2 =	vadd.f32 v9, v2;
	v12 =	vand.u32 $0x7FFFFF, v10  }
0x287: {  	s25 =	simm.s32 $0x20;
	s19 =	sand.u32 $0x70, s24;
	s18 =	sand.u32 $0xC00, s23;
	v9 =	vcvt.s32.f32 v16;
	v5 =	vmul.f32 v8, v5;
	v12 =	vor.u32 $0x3F800000, v12  }
0x288: {  	s26 =	simm.s32 $0x8;
	v13 =	vcvt.s32.f32 v20;
	v7 =	vmul.f32 v7, v7;
	s22 =	sand.u32 $0x1000, s25;
	s18 =	sor.u32 s18, s19;
	v12 =	vadd.f32 $-1.000000000e+00, v12  }
0x289: {  	s28 =	sand.u32 $0x380, s26;
	s18 =	sor.u32 s22, s18;
	v2 =	vadd.f32 v2, v6;
	v6 =	vmul.f32 $8.262958320e-08, v9;
	v5 =	vadd.f32 $-8.802877040e+01, v5  }
0x28a: {  	v1 =	vadd.f32 v1, v4;
	s18 =	sor.u32 s28, s18;
	v8 =	vld [tilespmem:s21+$0x6000];
	v4 =	vmul.f32 v11, v11;
	v11 =	vmul.f32 $1.066847290e-01, v12  }
0x28b: {  	v3 =	vcvt.s32.f32 v3;
	v7 =	vmul.f32 v24, v7;
	v5 =	vadd.f32 v5, v6;
	v9 =	vld [tilespmem:s18+$0xA000]  }
0x28c: {  	v14 =	vld [tilespmem:s21+$0x8000];
	v15 =	vmax.f32 v4, $9.999999970e-07;
	(erf) = vrcp.f32 v10;
	v4 =	vadd.f32 $-3.935357930e-01, v11  }
0x28d: {  	v2 =	vmul.f32 v13, v2;
	v5 =	vadd.f32 v5, v7;
	v6 =	vand.u32 $0x7FFFFF, v15  }
0x28e: {  	s24 =	simm.s32 $0x30;
	s23 =	simm.s32 $0x180;
	v6 =	vor.u32 $0x3F800000, v6;
	v4 =	vmul.f32 v4, v12  }
0x28f: {  	s25 =	simm.s32 $0x30;
	s19 =	sand.u32 $0xC00, s23;
	s22 =	sand.u32 $0x70, s24;
	v2 =	vadd.f32 v2, v1;
	v3 =	vmul.f32 v3, v5;
	v13 =	vadd.f32 $-1.000000000e+00, v6  }
0x290: {  	s23 =	sand.u32 $0x1000, s25;
	s24 =	simm.s32 $0xC;
	s19 =	sor.u32 s19, s22;
	v7 =	vld [tilespmem:s20+$0x6000];
	v1 =	vmul.f32 v9, v9;
	v4 =	vadd.f32 $2.866062220e-01, v4  }
0x291: {  	s26 =	sand.u32 $0x380, s24;
	s19 =	sor.u32 s23, s19;
	v2 =	vadd.f32 v3, v2;
	v5 =	vsub.f32 v14, v8;
	v6 =	vld [tilespmem:s20+$0x8000];
	v8 =	vmul.f32 $1.066847290e-01, v13  }
0x292: {  	s19 =	sor.u32 s26, s19;
	v9 =	vld [tilespmem:s21+$0xE000];
	v1 =	vmax.f32 v1, $9.999999970e-07;
	v10 =	vcvt.s32.f32 v10;
	v4 =	vmul.f32 v4, v12  }
0x293: {  	v3 =	vmul.f32 v5, v5;
	(erf) = vrcp.f32 v15;
	v11 =	vld [tilespmem:s19+$0xA000];
	v8 =	vadd.f32 $-3.935357930e-01, v8  }
0x294: {  	v5 =	vand.u32 $0x7FFFFF, v1;
	v10 =	vmul.f32 $8.262958320e-08, v10;
	v4 =	vadd.f32 $-8.802877040e+01, v4  }
0x295: {  	s22 =	simm.s32 $0x40;
	s21 =	simm.s32 $0x200;
	v5 =	vor.u32 $0x3F800000, v5;
	v14 =	vmul.f32 v8, v13;
	v12 =	vpop (erf)  }
0x296: {  	s28 =	sand.u32 $0x70, s22;
	s26 =	simm.s32 $0x40;
	s25 =	sand.u32 $0xC00, s21;
	v7 =	vsub.f32 v6, v7;
	v3 =	vmul.f32 v12, v3;
	v10 =	vadd.f32 v4, v10  }
0x297: {  	s24 =	sand.u32 $0x1000, s26;
	s26 =	simm.s32 $0x10;
	s23 =	sor.u32 s25, s28;
	v62 =	vcvt.s32.f32 v9;
	v9 =	vld [tilespmem:s18+$0x8000];
	v14 =	vadd.f32 $2.866062220e-01, v14;
	v4 =	vadd.f32 $-1.000000000e+00, v5  }
0x298: {  	s28 =	sand.u32 $0x380, s26;
	s23 =	sor.u32 s24, s23;
	v6 =	vld [tilespmem:s18+$0x6000];
	v8 =	vmul.f32 v7, v7;
	v12 =	vmul.f32 v11, v11;
	v63 =	vadd.f32 v10, v3  }
0x299: {  	s23 =	sor.u32 s28, s23;
	v7 =	vld [tilespmem:s20+$0xE000];
	v13 =	vmul.f32 v14, v13;
	v5 =	vadd.f32 v62, v0;
	v11 =	vmul.f32 $1.066847290e-01, v4  }
0x29a: {  	s20 =	simm.s32 $0x5;
	v0 =	vmax.f32 v12, $9.999999970e-07;
	v10 =	vcvt.s32.f32 v15;
	v3 =	vld [tilespmem:s23+$0xA000];
	v12 =	vmul.f32 v62, v63  }
.LBB2_20:
0x29b: {  	p0 =	sne.s32 s20, $0x1FF;
	v14 =	vand.u32 $0x7FFFFF, v0;
	v11 =	vadd.f32 $-3.935357930e-01, v11;
	(erf) = vrcp.f32 v1  }
0x29c: {  	v10 =	vmul.f32 $8.262958320e-08, v10;
	v13 =	vadd.f32 $-8.802877040e+01, v13;
	v15 =	vpop (erf);
	v2 =	vadd.f32 v12, v2  }
0x29d: {  	s21 =	sadd.s32 $0x80, s21;
	s22 =	sadd.s32 $0x10, s22;
	s25 =	sshll.u32 s20, $0x4;
	v12 =	vor.u32 $0x3F800000, v14;
	v14 =	vsub.f32 v9, v6  }
.Ltmp9:
0x29e: {  	s24 =	sand.u32 $0x70, s22;
	s26 =	sand.u32 $0xC00, s21;
	v11 =	vmul.f32 v11, v4;
	v15 =	vmul.f32 v15, v8;
	v10 =	vadd.f32 v13, v10;
	(pc) =	sbr.rel @p0 .LBB2_20-.Ltmp9, $4  }
0x29f: {  	s28 =	sshll.u32 s20, $0x2;
	s25 =	sand.u32 $0x1000, s25;
	s24 =	sor.u32 s26, s24;
	v16 =	vadd.f32 $-1.000000000e+00, v12;
	v12 =	vcvt.s32.f32 v7;
	v13 =	vmul.f32 v3, v3;
	v6 =	vld [tilespmem:s19+$0x6000]  }
0x2a0: {  	s26 =	sand.u32 $0x380, s28;
	s24 =	sor.u32 s25, s24;
	v8 =	vmul.f32 v14, v14;
	v14 =	vadd.f32 $2.866062220e-01, v11;
	v9 =	vld [tilespmem:s19+$0x8000];
	v15 =	vadd.f32 v10, v15  }
0x2a1: {  	v11 =	vmul.f32 $1.066847290e-01, v16;
	v10 =	vcvt.s32.f32 v1;
	v5 =	vadd.f32 v12, v5;
	v1 =	vmovc v0;
	v7 =	vld [tilespmem:s18+$0xE000];
	s18 =	smov.u32 s19;
	s19 =	smov.u32 s23;
	s23 =	sor.u32 s26, s24  }
0x2a2: {  	s20 =	sadd.s32 $0x1, s20;
	v0 =	vmax.f32 v13, $9.999999970e-07;
	v13 =	vmul.f32 v14, v4;
	v4 =	vmovc v16;
	v3 =	vld [tilespmem:s23+$0xA000];
	v12 =	vmul.f32 v12, v15  }
0x2a3: {  	_ =	sdelay $0x3  }
0x2a4: {  	v14 =	vld [tilespmem:s19+$0x6000];
	v3 =	vmul.f32 v3, v3  }
0x2a5: {  	v15 =	vld [tilespmem:s19+$0x8000];
	(erf) = vrcp.f32 v1  }
0x2a6: {  	v16 =	vld [tilespmem:s18+$0xE000];
	(erf) = vrcp.f32 v0;
	v17 =	vmax.f32 v3, $9.999999970e-07  }
0x2a7: {  	v18 =	vld [tilespmem:s23+$0x6000];
	(erf) = vrcp.f32 v17  }
0x2a8: {  	v19 =	vld [tilespmem:s23+$0x8000]  }
0x2a9: {  	v20 =	vld [tilespmem:s19+$0xE000];
	s28 =	simm.s32 $0x0;
	s20 =	sld [smem:$0x7E7]  }
0x2aa: {  	v3 =	vld [tilespmem:s23+$0xE000];
	[tilespmem:s5], [sflag:$0x3] =	stream.linear.gather [hbm4b:s31+s28], $0x2000, $0x38  }
0x2ab: {  	s21 =	sld [smem:$0x7E8]  }
0x2ac: {  	[tilespmem:s8], [sflag:$0x2] =	stream.linear.gather [hbm4b:s20+s28], $0x2000, $0x38;
	[tilespmem:$0x10100] =	vst v63  }
0x2ad: {  	s22 =	sld [smem:$0x7E9];
	v25 =	vand.u32 $0x7FFFFF, v0;
	v21 =	vpop (erf)  }
0x2ae: {  	v11 =	vadd.f32 $-3.935357930e-01, v11;
	v25 =	vor.u32 $0x3F800000, v25;
	v22 =	vpop (erf);
	[tilespmem:s9], [sflag:$0x2] =	stream.linear.gather [hbm4b:s21+s28], $0x2000, $0x38;
	[tilespmem:$0x10100] =	vst v63  }
0x2af: {  	v10 =	vmul.f32 $8.262958320e-08, v10;
	v13 =	vadd.f32 $-8.802877040e+01, v13;
	v25 =	vadd.f32 $-1.000000000e+00, v25;
	v23 =	vpop (erf)  }
0x2b0: {  	v1 =	vcvt.s32.f32 v1;
	v6 =	vsub.f32 v9, v6;
	v9 =	vmul.f32 v11, v4;
	[tilespmem:s10], [sflag:$0x2] =	stream.linear.gather [hbm4b:s22+s28], $0x2000, $0x38;
	v24 =	vpop (erf);
	[tilespmem:$0x10100] =	vst v63  }
0x2b1: {  	v8 =	vmul.f32 v21, v8;
	v10 =	vadd.f32 v13, v10;
	v11 =	vmul.f32 $1.066847290e-01, v25;
	_ =	swait.ge [sflag:s12], $0x2000  }
0x2b2: {  	v2 =	vadd.f32 v12, v2;
	v7 =	vcvt.s32.f32 v7;
	v9 =	vadd.f32 $2.866062220e-01, v9;
	[sflag:s12] =	ssyncset.done $0x0  }
0x2b3: {  	v8 =	vadd.f32 v10, v8;
	v10 =	vadd.f32 $-3.935357930e-01, v11;
	[sflag:s12] =	ssyncadd.s32 $0xFFFFE000  }
0x2b4: {  	v1 =	vmul.f32 $8.262958320e-08, v1;
	v5 =	vadd.f32 v7, v5;
	v4 =	vmul.f32 v9, v4;
	_ =	swait.ge [sflag:s12], $0x2000  }
0x2b5: {  	s18 =	sand.u32 $0xC00, s28;
	s23 =	sand.u32 $0x70, s28;
	v7 =	vmul.f32 v7, v8;
	v8 =	vand.u32 $0x7FFFFF, v17;
	v9 =	vmul.f32 v10, v25;
	[sflag:s12] =	ssyncset.done $0x0  }
0x2b6: {  	v6 =	vmul.f32 v6, v6;
	s18 =	sor.u32 s18, s23;
	s20 =	simm.s32 $0x0;
	v4 =	vadd.f32 $-8.802877040e+01, v4;
	v8 =	vor.u32 $0x3F800000, v8;
	[sflag:s12] =	ssyncadd.s32 $0xFFFFE000  }
0x2b7: {  	s20 =	sand.u32 $0x1000, s20;
	v8 =	vadd.f32 $-1.000000000e+00, v8;
	s21 =	simm.s32 $0x0;
	v9 =	vadd.f32 $2.866062220e-01, v9;
	_ =	swait.ge [sflag:s12], $0x2000  }
0x2b8: {  	s18 =	sor.u32 s20, s18;
	v6 =	vmul.f32 v22, v6;
	v1 =	vadd.f32 v4, v1;
	s24 =	sand.u32 $0x380, s21;
	[sflag:s12] =	ssyncset.done $0x0  }
0x2b9: {  	v2 =	vadd.f32 v7, v2;
	s21 =	sor.u32 s24, s18;
	v7 =	vmul.f32 v9, v25;
	v9 =	vmul.f32 $1.066847290e-01, v8;
	[sflag:s12] =	ssyncadd.s32 $0xFFFFE000  }
0x2ba: {  	v0 =	vcvt.s32.f32 v0;
	v1 =	vadd.f32 v1, v6;
	v6 =	vcvt.s32.f32 v16;
	v10 =	vld [tilespmem:s21+$0x4000]  }
0x2bb: {  	v9 =	vadd.f32 $-3.935357930e-01, v9  }
0x2bc: {  	s25 =	simm.s32 $0x80;
	s26 =	simm.s32 $0x10;
	v0 =	vmul.f32 $8.262958320e-08, v0;
	v5 =	vadd.f32 v6, v5  }
0x2bd: {  	s19 =	sand.u32 $0x70, s26;
	s28 =	simm.s32 $0x10;
	s18 =	sand.u32 $0xC00, s25;
	v1 =	vmul.f32 v6, v1;
	v6 =	vadd.f32 $-8.802877040e+01, v7;
	v7 =	vmul.f32 v9, v8  }
0x2be: {  	v11 =	vsub.f32 v19, v18;
	s22 =	simm.s32 $0x4;
	s20 =	sand.u32 $0x1000, s28;
	s18 =	sor.u32 s18, s19  }
0x2bf: {  	s22 =	sand.u32 $0x380, s22;
	s18 =	sor.u32 s20, s18;
	v0 =	vadd.f32 v6, v0;
	v6 =	vadd.f32 $2.866062220e-01, v7;
	v10 =	vmul.f32 v10, v10  }
0x2c0: {  	v4 =	vsub.f32 v15, v14;
	s20 =	sor.u32 s22, s18;
	v1 =	vadd.f32 v1, v2  }
0x2c1: {  	v2 =	vcvt.s32.f32 v17;
	v6 =	vmul.f32 v6, v8;
	v9 =	vld [tilespmem:s20+$0x4000];
	v10 =	vmax.f32 v10, $9.999999970e-07  }
0x2c2: {  	s23 =	simm.s32 $0x100;
	v11 =	vmul.f32 v11, v11;
	v4 =	vmul.f32 v4, v4;
	s24 =	simm.s32 $0x20;
	v12 =	vand.u32 $0x7FFFFF, v10  }
0x2c3: {  	s25 =	simm.s32 $0x20;
	s19 =	sand.u32 $0x70, s24;
	s18 =	sand.u32 $0xC00, s23;
	v2 =	vmul.f32 $8.262958320e-08, v2;
	v6 =	vadd.f32 $-8.802877040e+01, v6;
	v7 =	vor.u32 $0x3F800000, v12  }
0x2c4: {  	s26 =	simm.s32 $0x8;
	v4 =	vmul.f32 v23, v4;
	s22 =	sand.u32 $0x1000, s25;
	s18 =	sor.u32 s18, s19;
	v7 =	vadd.f32 $-1.000000000e+00, v7  }
0x2c5: {  	s28 =	sand.u32 $0x380, s26;
	s18 =	sor.u32 s22, s18;
	v11 =	vmul.f32 v24, v11;
	v2 =	vadd.f32 v6, v2  }
0x2c6: {  	v0 =	vadd.f32 v0, v4;
	s18 =	sor.u32 s28, s18;
	v8 =	vld [tilespmem:s21+$0x0];
	v4 =	vmul.f32 v9, v9;
	v9 =	vmul.f32 $1.066847290e-01, v7  }
0x2c7: {  	v3 =	vcvt.s32.f32 v3;
	v13 =	vld [tilespmem:s18+$0x4000];
	v2 =	vadd.f32 v2, v11;
	v12 =	vcvt.s32.f32 v20  }
0x2c8: {  	v14 =	vld [tilespmem:s21+$0x2000];
	v4 =	vmax.f32 v4, $9.999999970e-07;
	(erf) = vrcp.f32 v10;
	v9 =	vadd.f32 $-3.935357930e-01, v9  }
0x2c9: {  	s24 =	simm.s32 $0x30;
	s23 =	simm.s32 $0x180;
	v5 =	vadd.f32 v12, v5;
	v0 =	vmul.f32 v12, v0;
	v12 =	vand.u32 $0x7FFFFF, v4  }
0x2ca: {  	s25 =	simm.s32 $0x30;
	s19 =	sand.u32 $0xC00, s23;
	s22 =	sand.u32 $0x70, s24;
	v6 =	vor.u32 $0x3F800000, v12;
	v9 =	vmul.f32 v9, v7  }
0x2cb: {  	s23 =	sand.u32 $0x1000, s25;
	s24 =	simm.s32 $0xC;
	s19 =	sor.u32 s19, s22;
	v2 =	vmul.f32 v3, v2;
	v10 =	vcvt.s32.f32 v10;
	v62 =	vadd.f32 $-1.000000000e+00, v6  }
0x2cc: {  	s26 =	sand.u32 $0x380, s24;
	s19 =	sor.u32 s23, s19;
	v15 =	vld [tilespmem:s20+$0x0];
	v12 =	vadd.f32 v0, v1;
	v1 =	vmul.f32 v13, v13;
	v9 =	vadd.f32 $2.866062220e-01, v9  }
0x2cd: {  	s19 =	sor.u32 s26, s19;
	v6 =	vld [tilespmem:s20+$0x2000];
	v0 =	vadd.f32 v3, v5;
	v5 =	vsub.f32 v14, v8;
	v8 =	vmul.f32 $1.066847290e-01, v62  }
0x2ce: {  	(erf) = vrcp.f32 v4;
	v13 =	vld [tilespmem:s19+$0x4000];
	v7 =	vmul.f32 v9, v7  }
0x2cf: {  	v11 =	vld [tilespmem:s21+$0xE000];
	v1 =	vmax.f32 v1, $9.999999970e-07;
	v3 =	vmul.f32 v5, v5;
	v8 =	vadd.f32 $-3.935357930e-01, v8  }
0x2d0: {  	v5 =	vand.u32 $0x7FFFFF, v1;
	v9 =	vmul.f32 $8.262958320e-08, v10;
	v7 =	vadd.f32 $-8.802877040e+01, v7  }
0x2d1: {  	s22 =	simm.s32 $0x40;
	s21 =	simm.s32 $0x200;
	v14 =	vor.u32 $0x3F800000, v5;
	v8 =	vmul.f32 v8, v62;
	v10 =	vpop (erf)  }
0x2d2: {  	s28 =	sand.u32 $0x70, s22;
	s26 =	simm.s32 $0x40;
	s25 =	sand.u32 $0xC00, s21;
	v6 =	vsub.f32 v6, v15;
	v10 =	vmul.f32 v10, v3;
	v15 =	vadd.f32 v7, v9  }
0x2d3: {  	s24 =	sand.u32 $0x1000, s26;
	s26 =	simm.s32 $0x10;
	s23 =	sor.u32 s25, s28;
	v5 =	vld [tilespmem:s18+$0x0];
	v13 =	vmul.f32 v13, v13;
	v3 =	vadd.f32 $-1.000000000e+00, v14;
	v63 =	vadd.f32 $2.866062220e-01, v8  }
0x2d4: {  	s28 =	sand.u32 $0x380, s26;
	s23 =	sor.u32 s24, s23;
	v14 =	vcvt.s32.f32 v11;
	v11 =	vcvt.s32.f32 v4;
	v7 =	vld [tilespmem:s18+$0x2000];
	v15 =	vadd.f32 v15, v10  }
0x2d5: {  	s23 =	sor.u32 s28, s23;
	v8 =	vld [tilespmem:s20+$0xE000];
	v4 =	vmax.f32 v13, $9.999999970e-07;
	v13 =	vmul.f32 v63, v62;
	v10 =	vmul.f32 $1.066847290e-01, v3  }
0x2d6: {  	s20 =	simm.s32 $0x5;
	v9 =	vmul.f32 v6, v6;
	v6 =	vadd.f32 v2, v12;
	v2 =	vld [tilespmem:s23+$0x4000];
	v12 =	vmul.f32 v14, v15  }
.LBB2_22:
0x2d7: {  	p0 =	sne.s32 s20, $0x1FF;
	v14 =	vand.u32 $0x7FFFFF, v4;
	v10 =	vadd.f32 $-3.935357930e-01, v10;
	(erf) = vrcp.f32 v1  }
0x2d8: {  	v11 =	vmul.f32 $8.262958320e-08, v11;
	v13 =	vadd.f32 $-8.802877040e+01, v13;
	v15 =	vpop (erf);
	v6 =	vadd.f32 v12, v6  }
0x2d9: {  	s21 =	sadd.s32 $0x80, s21;
	s22 =	sadd.s32 $0x10, s22;
	s25 =	sshll.u32 s20, $0x4;
	v12 =	vor.u32 $0x3F800000, v14;
	v14 =	vsub.f32 v7, v5  }
.Ltmp10:
0x2da: {  	s24 =	sand.u32 $0x70, s22;
	s26 =	sand.u32 $0xC00, s21;
	v10 =	vmul.f32 v10, v3;
	v15 =	vmul.f32 v15, v9;
	v11 =	vadd.f32 v13, v11;
	(pc) =	sbr.rel @p0 .LBB2_22-.Ltmp10, $4  }
0x2db: {  	s28 =	sshll.u32 s20, $0x2;
	s25 =	sand.u32 $0x1000, s25;
	s24 =	sor.u32 s26, s24;
	v16 =	vadd.f32 $-1.000000000e+00, v12;
	v12 =	vcvt.s32.f32 v8;
	v13 =	vmul.f32 v2, v2;
	v5 =	vld [tilespmem:s19+$0x0]  }
0x2dc: {  	s26 =	sand.u32 $0x380, s28;
	s24 =	sor.u32 s25, s24;
	v9 =	vmul.f32 v14, v14;
	v14 =	vadd.f32 $2.866062220e-01, v10;
	v7 =	vld [tilespmem:s19+$0x2000];
	v15 =	vadd.f32 v11, v15  }
0x2dd: {  	v10 =	vmul.f32 $1.066847290e-01, v16;
	v11 =	vcvt.s32.f32 v1;
	v1 =	vmov v4;
	v8 =	vld [tilespmem:s18+$0xE000];
	s18 =	smov.u32 s19;
	s19 =	smov.u32 s23;
	s23 =	sor.u32 s26, s24  }
0x2de: {  	s20 =	sadd.s32 $0x1, s20;
	v4 =	vmax.f32 v13, $9.999999970e-07;
	v13 =	vmul.f32 v14, v3;
	v3 =	vmovc v16;
	v2 =	vld [tilespmem:s23+$0x4000];
	v12 =	vmul.f32 v12, v15  }
0x2df: {  	_ =	sdelay $0x3  }
0x2e0: {  	v2 =	vmul.f32 v2, v2  }
0x2e1: {  	(erf) = vrcp.f32 v1  }
0x2e2: {  	v14 =	vld [tilespmem:s19+$0x0];
	(erf) = vrcp.f32 v4;
	v16 =	vmax.f32 v2, $9.999999970e-07  }
0x2e3: {  	v15 =	vld [tilespmem:s19+$0x2000];
	(erf) = vrcp.f32 v16  }
0x2e4: {  	v17 =	vld [tilespmem:s18+$0xE000]  }
0x2e5: {  	v18 =	vld [tilespmem:s23+$0x0];
	s20 =	sld [smem:$0x7EA]  }
0x2e6: {  	v19 =	vld [tilespmem:s23+$0x2000]  }
0x2e7: {  	v20 =	vld [tilespmem:s19+$0xE000];
	s28 =	simm.s32 $0x0;
	s21 =	sld [smem:$0x7EB]  }
0x2e8: {  	v2 =	vld [tilespmem:s23+$0xE000];
	[tilespmem:s28], [sflag:$0x1] =	stream.linear.gather [hbm4b:s20+s28], $0x2000, $0x38  }
0x2e9: {  	s22 =	sld [smem:$0x7EC];
	v21 =	vpop (erf)  }
0x2ea: {  	[tilespmem:s6], [sflag:$0x1] =	stream.linear.gather [hbm4b:s21+s28], $0x2000, $0x38;
	v22 =	vpop (erf);
	[tilespmem:$0x10100] =	vst v63  }
0x2eb: {  	v23 =	vpop (erf)  }
0x2ec: {  	v25 =	vand.u32 $0x7FFFFF, v4;
	[tilespmem:s7], [sflag:$0x1] =	stream.linear.gather [hbm4b:s22+s28], $0x2000, $0x38;
	v24 =	vpop (erf);
	[tilespmem:$0x10100] =	vst v63  }
0x2ed: {  	v11 =	vmul.f32 $8.262958320e-08, v11;
	v13 =	vadd.f32 $-8.802877040e+01, v13;
	_ =	swait.ge [sflag:s14], $0x2000  }
0x2ee: {  	v10 =	vadd.f32 $-3.935357930e-01, v10;
	v25 =	vor.u32 $0x3F800000, v25;
	[sflag:s14] =	ssyncset.done $0x0  }
0x2ef: {  	v9 =	vmul.f32 v21, v9;
	v11 =	vadd.f32 v13, v11;
	v13 =	vadd.f32 $-1.000000000e+00, v25;
	[sflag:s14] =	ssyncadd.s32 $0xFFFFE000  }
0x2f0: {  	v10 =	vmul.f32 v10, v3;
	_ =	swait.ge [sflag:s14], $0x2000  }
0x2f1: {  	s18 =	sand.u32 $0xC00, s28;
	v8 =	vcvt.s32.f32 v8;
	v9 =	vadd.f32 v11, v9;
	v11 =	vmul.f32 $1.066847290e-01, v13;
	s20 =	simm.s32 $0x0;
	[sflag:s14] =	ssyncset.done $0x0  }
0x2f2: {  	v1 =	vcvt.s32.f32 v1;
	v5 =	vsub.f32 v7, v5;
	v7 =	vadd.f32 $2.866062220e-01, v10;
	s23 =	sand.u32 $0x70, s28;
	s20 =	sand.u32 $0x1000, s20;
	[sflag:s14] =	ssyncadd.s32 $0xFFFFE000  }
0x2f3: {  	v6 =	vadd.f32 v12, v6;
	s18 =	sor.u32 s18, s23;
	v8 =	vmul.f32 v8, v9;
	v10 =	vadd.f32 $-3.935357930e-01, v11;
	s21 =	simm.s32 $0x0;
	_ =	swait.ge [sflag:s14], $0x2000  }
0x2f4: {  	v1 =	vmul.f32 $8.262958320e-08, v1;
	v3 =	vmul.f32 v7, v3;
	v9 =	vand.u32 $0x7FFFFF, v16;
	s18 =	sor.u32 s20, s18;
	s24 =	sand.u32 $0x380, s21;
	[sflag:s14] =	ssyncset.done $0x0  }
0x2f5: {  	v7 =	vor.u32 $0x3F800000, v9;
	v6 =	vadd.f32 v8, v6;
	v8 =	vmul.f32 v10, v13;
	s21 =	sor.u32 s24, s18;
	[sflag:s14] =	ssyncadd.s32 $0xFFFFE000  }
0x2f6: {  	v5 =	vmul.f32 v5, v5;
	v3 =	vadd.f32 $-8.802877040e+01, v3;
	v7 =	vadd.f32 $-1.000000000e+00, v7;
	v9 =	vld [tilespmem:s21+$0xA000]  }
0x2f7: {  	v10 =	vsub.f32 v15, v14;
	v8 =	vadd.f32 $2.866062220e-01, v8  }
0x2f8: {  	s25 =	simm.s32 $0x80;
	s26 =	simm.s32 $0x10;
	v5 =	vmul.f32 v22, v5;
	v1 =	vadd.f32 v3, v1;
	v3 =	vcvt.s32.f32 v4  }
0x2f9: {  	s19 =	sand.u32 $0x70, s26;
	s28 =	simm.s32 $0x10;
	s18 =	sand.u32 $0xC00, s25;
	v11 =	vmul.f32 $1.066847290e-01, v7;
	v4 =	vmul.f32 v8, v13  }
0x2fa: {  	s22 =	simm.s32 $0x4;
	s20 =	sand.u32 $0x1000, s28;
	s18 =	sor.u32 s18, s19;
	v10 =	vmul.f32 v10, v10;
	v3 =	vmul.f32 $8.262958320e-08, v3  }
0x2fb: {  	s22 =	sand.u32 $0x380, s22;
	s18 =	sor.u32 s20, s18;
	v8 =	vadd.f32 $-3.935357930e-01, v11;
	v4 =	vadd.f32 $-8.802877040e+01, v4;
	v9 =	vmul.f32 v9, v9  }
0x2fc: {  	v1 =	vadd.f32 v1, v5;
	s20 =	sor.u32 s22, s18;
	v11 =	vcvt.s32.f32 v17;
	v10 =	vmul.f32 v23, v10  }
0x2fd: {  	v5 =	vmul.f32 v8, v7;
	v3 =	vadd.f32 v4, v3;
	v8 =	vld [tilespmem:s20+$0xA000];
	v9 =	vmax.f32 v9, $9.999999970e-07  }
0x2fe: {  	s23 =	simm.s32 $0x100;
	s24 =	simm.s32 $0x20;
	v1 =	vmul.f32 v11, v1;
	v11 =	vcvt.s32.f32 v20;
	v12 =	vand.u32 $0x7FFFFF, v9  }
0x2ff: {  	s25 =	simm.s32 $0x20;
	s19 =	sand.u32 $0x70, s24;
	s18 =	sand.u32 $0xC00, s23;
	v4 =	vadd.f32 $2.866062220e-01, v5;
	v3 =	vadd.f32 v3, v10;
	v5 =	vor.u32 $0x3F800000, v12  }
0x300: {  	s26 =	simm.s32 $0x8;
	s22 =	sand.u32 $0x1000, s25;
	s18 =	sor.u32 s18, s19;
	v10 =	vcvt.s32.f32 v16;
	v5 =	vadd.f32 $-1.000000000e+00, v5  }
0x301: {  	s28 =	sand.u32 $0x380, s26;
	s18 =	sor.u32 s22, s18;
	v4 =	vmul.f32 v4, v7;
	v3 =	vmul.f32 v11, v3;
	v7 =	vld [tilespmem:s21+$0x6000]  }
0x302: {  	s18 =	sor.u32 s28, s18;
	v1 =	vadd.f32 v1, v6;
	v13 =	vld [tilespmem:s21+$0x8000];
	v6 =	vmul.f32 v8, v8;
	v8 =	vmul.f32 $1.066847290e-01, v5  }
0x303: {  	v10 =	vmul.f32 $8.262958320e-08, v10;
	v4 =	vadd.f32 $-8.802877040e+01, v4;
	v11 =	vld [tilespmem:s18+$0xA000];
	v12 =	vsub.f32 v19, v18  }
0x304: {  	s24 =	simm.s32 $0x30;
	s23 =	simm.s32 $0x180;
	v14 =	vmax.f32 v6, $9.999999970e-07;
	(erf) = vrcp.f32 v9;
	v6 =	vadd.f32 $-3.935357930e-01, v8  }
0x305: {  	v2 =	vcvt.s32.f32 v2;
	s25 =	simm.s32 $0x30;
	s19 =	sand.u32 $0xC00, s23;
	s22 =	sand.u32 $0x70, s24;
	v3 =	vadd.f32 v3, v1;
	v8 =	vmul.f32 v12, v12  }
0x306: {  	s23 =	sand.u32 $0x1000, s25;
	s24 =	simm.s32 $0xC;
	s19 =	sor.u32 s19, s22;
	v4 =	vadd.f32 v4, v10;
	v12 =	vand.u32 $0x7FFFFF, v14;
	v6 =	vmul.f32 v6, v5  }
0x307: {  	s26 =	sand.u32 $0x380, s24;
	s19 =	sor.u32 s23, s19;
	v10 =	vld [tilespmem:s20+$0x6000];
	v7 =	vsub.f32 v13, v7;
	v1 =	vor.u32 $0x3F800000, v12;
	v8 =	vmul.f32 v24, v8  }
0x308: {  	s19 =	sor.u32 s26, s19;
	v15 =	vadd.f32 $-1.000000000e+00, v1;
	v1 =	vmul.f32 v11, v11;
	v11 =	vld [tilespmem:s20+$0x8000];
	v6 =	vadd.f32 $2.866062220e-01, v6  }
0x309: {  	v13 =	vld [tilespmem:s19+$0xA000];
	v9 =	vcvt.s32.f32 v9;
	(erf) = vrcp.f32 v14;
	v4 =	vadd.f32 v4, v8  }
0x30a: {  	v12 =	vld [tilespmem:s21+$0xE000];
	v8 =	vmul.f32 $1.066847290e-01, v15;
	v1 =	vmax.f32 v1, $9.999999970e-07;
	v5 =	vmul.f32 v6, v5  }
0x30b: {  	s21 =	simm.s32 $0x200;
	v2 =	vmul.f32 v2, v4;
	v4 =	vmul.f32 v7, v7;
	v6 =	vand.u32 $0x7FFFFF, v1  }
0x30c: {  	s22 =	simm.s32 $0x40;
	v7 =	vadd.f32 $-3.935357930e-01, v8;
	v8 =	vmul.f32 $8.262958320e-08, v9;
	v5 =	vadd.f32 $-8.802877040e+01, v5  }
0x30d: {  	s28 =	sand.u32 $0x70, s22;
	s26 =	simm.s32 $0x40;
	s25 =	sand.u32 $0xC00, s21;
	v9 =	vpop (erf);
	v6 =	vor.u32 $0x3F800000, v6;
	v10 =	vsub.f32 v11, v10  }
0x30e: {  	s24 =	sand.u32 $0x1000, s26;
	s26 =	simm.s32 $0x10;
	s23 =	sor.u32 s25, s28;
	v7 =	vmul.f32 v7, v15;
	v4 =	vmul.f32 v9, v4;
	v11 =	vadd.f32 v5, v8  }
0x30f: {  	v13 =	vmul.f32 v13, v13;
	s28 =	sand.u32 $0x380, s26;
	s23 =	sor.u32 s24, s23;
	v61 =	vcvt.s32.f32 v12;
	v9 =	vld [tilespmem:s18+$0x8000];
	v5 =	vadd.f32 $-1.000000000e+00, v6  }
0x310: {  	s23 =	sor.u32 s28, s23;
	v8 =	vld [tilespmem:s18+$0x6000];
	v6 =	vmul.f32 v10, v10;
	v62 =	vadd.f32 $2.866062220e-01, v7;
	v63 =	vadd.f32 v11, v4  }
0x311: {  	v7 =	vadd.f32 v2, v3;
	v10 =	vcvt.s32.f32 v14;
	v3 =	vld [tilespmem:s23+$0xA000];
	v12 =	vmul.f32 $1.066847290e-01, v5  }
0x312: {  	v2 =	vmax.f32 v13, $9.999999970e-07;
	v4 =	vld [tilespmem:s20+$0xE000];
	s20 =	simm.s32 $0x5;
	v11 =	vmul.f32 v62, v15;
	v13 =	vmul.f32 v61, v63  }
.LBB2_24:
0x313: {  	p0 =	sne.s32 s20, $0x1FF;
	v14 =	vand.u32 $0x7FFFFF, v2;
	v12 =	vadd.f32 $-3.935357930e-01, v12;
	(erf) = vrcp.f32 v1  }
0x314: {  	v10 =	vmul.f32 $8.262958320e-08, v10;
	v11 =	vadd.f32 $-8.802877040e+01, v11;
	v15 =	vpop (erf);
	v7 =	vadd.f32 v13, v7  }
0x315: {  	s21 =	sadd.s32 $0x80, s21;
	s22 =	sadd.s32 $0x10, s22;
	s25 =	sshll.u32 s20, $0x4;
	v13 =	vor.u32 $0x3F800000, v14;
	v14 =	vsub.f32 v9, v8  }
.Ltmp11:
0x316: {  	s24 =	sand.u32 $0x70, s22;
	s26 =	sand.u32 $0xC00, s21;
	v12 =	vmul.f32 v12, v5;
	v15 =	vmul.f32 v15, v6;
	v10 =	vadd.f32 v11, v10;
	(pc) =	sbr.rel @p0 .LBB2_24-.Ltmp11, $4  }
0x317: {  	s28 =	sshll.u32 s20, $0x2;
	s25 =	sand.u32 $0x1000, s25;
	s24 =	sor.u32 s26, s24;
	v16 =	vadd.f32 $-1.000000000e+00, v13;
	v13 =	vcvt.s32.f32 v4;
	v11 =	vmul.f32 v3, v3;
	v8 =	vld [tilespmem:s19+$0x6000]  }
0x318: {  	s26 =	sand.u32 $0x380, s28;
	s24 =	sor.u32 s25, s24;
	v6 =	vmul.f32 v14, v14;
	v14 =	vadd.f32 $2.866062220e-01, v12;
	v9 =	vld [tilespmem:s19+$0x8000];
	v15 =	vadd.f32 v10, v15  }
0x319: {  	v12 =	vmul.f32 $1.066847290e-01, v16;
	v10 =	vcvt.s32.f32 v1;
	v1 =	vmov v2;
	v4 =	vld [tilespmem:s18+$0xE000];
	s18 =	smov.u32 s19;
	s19 =	smov.u32 s23;
	s23 =	sor.u32 s26, s24  }
0x31a: {  	s20 =	sadd.s32 $0x1, s20;
	v2 =	vmax.f32 v11, $9.999999970e-07;
	v11 =	vmul.f32 v14, v5;
	v5 =	vmovc v16;
	v3 =	vld [tilespmem:s23+$0xA000];
	v13 =	vmul.f32 v13, v15  }
0x31b: {  	_ =	sdelay $0x3  }
0x31c: {  	v3 =	vmul.f32 v3, v3  }
0x31d: {  	(erf) = vrcp.f32 v1  }
0x31e: {  	v14 =	vld [tilespmem:s19+$0x6000];
	(erf) = vrcp.f32 v2;
	v16 =	vmax.f32 v3, $9.999999970e-07  }
0x31f: {  	v15 =	vld [tilespmem:s19+$0x8000];
	(erf) = vrcp.f32 v16  }
0x320: {  	v17 =	vld [tilespmem:s18+$0xE000]  }
0x321: {  	v18 =	vld [tilespmem:s23+$0x6000];
	s20 =	sld [smem:$0x7ED]  }
0x322: {  	v19 =	vld [tilespmem:s23+$0x8000]  }
0x323: {  	v20 =	vld [tilespmem:s19+$0xE000];
	s28 =	simm.s32 $0x0;
	s21 =	sld [smem:$0x7EE]  }
0x324: {  	v3 =	vld [tilespmem:s23+$0xE000];
	[tilespmem:s8], [sflag:$0x2] =	stream.linear.gather [hbm4b:s20+s28], $0x2000, $0x38  }
0x325: {  	s22 =	sld [smem:$0x7EF];
	v21 =	vpop (erf)  }
0x326: {  	[tilespmem:s9], [sflag:$0x2] =	stream.linear.gather [hbm4b:s21+s28], $0x2000, $0x38;
	v22 =	vpop (erf);
	[tilespmem:$0x10100] =	vst v63  }
0x327: {  	v23 =	vpop (erf)  }
0x328: {  	[tilespmem:s10], [sflag:$0x2] =	stream.linear.gather [hbm4b:s22+s28], $0x2000, $0x38;
	v24 =	vpop (erf);
	[tilespmem:$0x10100] =	vst v63  }
0x329: {  	_ =	swait.ge [sflag:s11], $0x2000  }
0x32a: {  	v12 =	vadd.f32 $-3.935357930e-01, v12;
	[sflag:s11] =	ssyncset.done $0x0  }
0x32b: {  	[sflag:s11] =	ssyncadd.s32 $0xFFFFE000  }
0x32c: {  	v12 =	vmul.f32 v12, v5;
	_ =	swait.ge [sflag:s12], $0x2000  }
0x32d: {  	v25 =	vand.u32 $0x7FFFFF, v2;
	v10 =	vmul.f32 $8.262958320e-08, v10;
	[sflag:s12] =	ssyncset.done $0x0  }
0x32e: {  	v1 =	vcvt.s32.f32 v1;
	v25 =	vor.u32 $0x3F800000, v25;
	v12 =	vadd.f32 $2.866062220e-01, v12;
	[sflag:s12] =	ssyncadd.s32 $0xFFFFE000  }
0x32f: {  	v11 =	vadd.f32 $-8.802877040e+01, v11;
	v2 =	vcvt.s32.f32 v2;
	v25 =	vadd.f32 $-1.000000000e+00, v25;
	_ =	swait.ge [sflag:s12], $0x2000  }
0x330: {  	s18 =	sand.u32 $0xC00, s28;
	v8 =	vsub.f32 v9, v8;
	v1 =	vmul.f32 $8.262958320e-08, v1;
	v5 =	vmul.f32 v12, v5;
	s20 =	simm.s32 $0x0;
	[sflag:s12] =	ssyncset.done $0x0  }
0x331: {  	v6 =	vmul.f32 v21, v6;
	v9 =	vmul.f32 $1.066847290e-01, v25;
	s23 =	sand.u32 $0x70, s28;
	s20 =	sand.u32 $0x1000, s20;
	[sflag:s12] =	ssyncadd.s32 $0xFFFFE000  }
0x332: {  	v8 =	vmul.f32 v8, v8;
	s18 =	sor.u32 s18, s23;
	v12 =	vand.u32 $0x7FFFFF, v16;
	s21 =	simm.s32 $0x0;
	v5 =	vadd.f32 $-8.802877040e+01, v5;
	_ =	swait.ge [sflag:s12], $0x2000  }
0x333: {  	v10 =	vadd.f32 v11, v10;
	v9 =	vadd.f32 $-3.935357930e-01, v9;
	s18 =	sor.u32 s20, s18;
	v11 =	vor.u32 $0x3F800000, v12;
	s24 =	sand.u32 $0x380, s21;
	[sflag:s12] =	ssyncset.done $0x0  }
0x334: {  	s21 =	sor.u32 s24, s18;
	v8 =	vmul.f32 v22, v8;
	v1 =	vadd.f32 v5, v1;
	v5 =	vadd.f32 $-1.000000000e+00, v11;
	[sflag:s12] =	ssyncadd.s32 $0xFFFFE000  }
0x335: {  	v4 =	vcvt.s32.f32 v4;
	v9 =	vmul.f32 v9, v25;
	v12 =	vld [tilespmem:s21+$0x4000]  }
0x336: {  	v6 =	vadd.f32 v10, v6;
	v1 =	vadd.f32 v1, v8;
	v8 =	vmul.f32 $1.066847290e-01, v5  }
0x337: {  	s25 =	simm.s32 $0x80;
	s26 =	simm.s32 $0x10;
	v7 =	vadd.f32 v13, v7;
	v10 =	vcvt.s32.f32 v17;
	v9 =	vadd.f32 $2.866062220e-01, v9  }
0x338: {  	s19 =	sand.u32 $0x70, s26;
	v2 =	vmul.f32 $8.262958320e-08, v2;
	v4 =	vmul.f32 v4, v6;
	s28 =	simm.s32 $0x10;
	s18 =	sand.u32 $0xC00, s25;
	v8 =	vadd.f32 $-3.935357930e-01, v8  }
0x339: {  	v6 =	vsub.f32 v15, v14;
	s22 =	simm.s32 $0x4;
	s20 =	sand.u32 $0x1000, s28;
	s18 =	sor.u32 s18, s19;
	v9 =	vmul.f32 v9, v25;
	v1 =	vmul.f32 v10, v1  }
0x33a: {  	s22 =	sand.u32 $0x380, s22;
	s18 =	sor.u32 s20, s18;
	v8 =	vmul.f32 v8, v5;
	v10 =	vmul.f32 v12, v12  }
0x33b: {  	v4 =	vadd.f32 v4, v7;
	v6 =	vmul.f32 v6, v6;
	s20 =	sor.u32 s22, s18;
	v9 =	vadd.f32 $-8.802877040e+01, v9  }
0x33c: {  	v7 =	vsub.f32 v19, v18;
	v8 =	vadd.f32 $2.866062220e-01, v8;
	v11 =	vld [tilespmem:s20+$0x4000];
	v10 =	vmax.f32 v10, $9.999999970e-07  }
0x33d: {  	s23 =	simm.s32 $0x100;
	s24 =	simm.s32 $0x20;
	v6 =	vmul.f32 v23, v6;
	v2 =	vadd.f32 v9, v2;
	v12 =	vand.u32 $0x7FFFFF, v10  }
0x33e: {  	s25 =	simm.s32 $0x20;
	s19 =	sand.u32 $0x70, s24;
	s18 =	sand.u32 $0xC00, s23;
	v9 =	vcvt.s32.f32 v16;
	v5 =	vmul.f32 v8, v5;
	v12 =	vor.u32 $0x3F800000, v12  }
0x33f: {  	s26 =	simm.s32 $0x8;
	v13 =	vcvt.s32.f32 v20;
	v7 =	vmul.f32 v7, v7;
	s22 =	sand.u32 $0x1000, s25;
	s18 =	sor.u32 s18, s19;
	v12 =	vadd.f32 $-1.000000000e+00, v12  }
0x340: {  	s28 =	sand.u32 $0x380, s26;
	s18 =	sor.u32 s22, s18;
	v2 =	vadd.f32 v2, v6;
	v6 =	vmul.f32 $8.262958320e-08, v9;
	v5 =	vadd.f32 $-8.802877040e+01, v5  }
0x341: {  	v1 =	vadd.f32 v1, v4;
	s18 =	sor.u32 s28, s18;
	v8 =	vld [tilespmem:s21+$0x0];
	v4 =	vmul.f32 v11, v11;
	v11 =	vmul.f32 $1.066847290e-01, v12  }
0x342: {  	v3 =	vcvt.s32.f32 v3;
	v7 =	vmul.f32 v24, v7;
	v5 =	vadd.f32 v5, v6;
	v9 =	vld [tilespmem:s18+$0x4000]  }
0x343: {  	v14 =	vld [tilespmem:s21+$0x2000];
	v15 =	vmax.f32 v4, $9.999999970e-07;
	(erf) = vrcp.f32 v10;
	v4 =	vadd.f32 $-3.935357930e-01, v11  }
0x344: {  	v2 =	vmul.f32 v13, v2;
	v5 =	vadd.f32 v5, v7;
	v6 =	vand.u32 $0x7FFFFF, v15  }
0x345: {  	s24 =	simm.s32 $0x30;
	s23 =	simm.s32 $0x180;
	v6 =	vor.u32 $0x3F800000, v6;
	v4 =	vmul.f32 v4, v12  }
0x346: {  	s25 =	simm.s32 $0x30;
	s19 =	sand.u32 $0xC00, s23;
	s22 =	sand.u32 $0x70, s24;
	v2 =	vadd.f32 v2, v1;
	v3 =	vmul.f32 v3, v5;
	v13 =	vadd.f32 $-1.000000000e+00, v6  }
0x347: {  	s23 =	sand.u32 $0x1000, s25;
	s24 =	simm.s32 $0xC;
	s19 =	sor.u32 s19, s22;
	v7 =	vld [tilespmem:s20+$0x0];
	v1 =	vmul.f32 v9, v9;
	v4 =	vadd.f32 $2.866062220e-01, v4  }
0x348: {  	s26 =	sand.u32 $0x380, s24;
	s19 =	sor.u32 s23, s19;
	v2 =	vadd.f32 v3, v2;
	v5 =	vsub.f32 v14, v8;
	v6 =	vld [tilespmem:s20+$0x2000];
	v8 =	vmul.f32 $1.066847290e-01, v13  }
0x349: {  	s19 =	sor.u32 s26, s19;
	v9 =	vld [tilespmem:s21+$0xC000];
	v1 =	vmax.f32 v1, $9.999999970e-07;
	v10 =	vcvt.s32.f32 v10;
	v4 =	vmul.f32 v4, v12  }
0x34a: {  	v3 =	vmul.f32 v5, v5;
	(erf) = vrcp.f32 v15;
	v11 =	vld [tilespmem:s19+$0x4000];
	v8 =	vadd.f32 $-3.935357930e-01, v8  }
0x34b: {  	v5 =	vand.u32 $0x7FFFFF, v1;
	v10 =	vmul.f32 $8.262958320e-08, v10;
	v4 =	vadd.f32 $-8.802877040e+01, v4  }
0x34c: {  	s22 =	simm.s32 $0x40;
	s21 =	simm.s32 $0x200;
	v5 =	vor.u32 $0x3F800000, v5;
	v14 =	vmul.f32 v8, v13;
	v12 =	vpop (erf)  }
0x34d: {  	s28 =	sand.u32 $0x70, s22;
	s26 =	simm.s32 $0x40;
	s25 =	sand.u32 $0xC00, s21;
	v7 =	vsub.f32 v6, v7;
	v3 =	vmul.f32 v12, v3;
	v10 =	vadd.f32 v4, v10  }
0x34e: {  	s24 =	sand.u32 $0x1000, s26;
	s26 =	simm.s32 $0x10;
	s23 =	sor.u32 s25, s28;
	v62 =	vcvt.s32.f32 v9;
	v9 =	vld [tilespmem:s18+$0x2000];
	v14 =	vadd.f32 $2.866062220e-01, v14;
	v4 =	vadd.f32 $-1.000000000e+00, v5  }
0x34f: {  	s28 =	sand.u32 $0x380, s26;
	s23 =	sor.u32 s24, s23;
	v6 =	vld [tilespmem:s18+$0x0];
	v8 =	vmul.f32 v7, v7;
	v12 =	vmul.f32 v11, v11;
	v63 =	vadd.f32 v10, v3  }
0x350: {  	s23 =	sor.u32 s28, s23;
	v7 =	vld [tilespmem:s20+$0xC000];
	v13 =	vmul.f32 v14, v13;
	v5 =	vadd.f32 v62, v0;
	v11 =	vmul.f32 $1.066847290e-01, v4  }
0x351: {  	s20 =	simm.s32 $0x5;
	v0 =	vmax.f32 v12, $9.999999970e-07;
	v10 =	vcvt.s32.f32 v15;
	v3 =	vld [tilespmem:s23+$0x4000];
	v12 =	vmul.f32 v62, v63  }
.LBB2_26:
0x352: {  	p0 =	sne.s32 s20, $0x1FF;
	v14 =	vand.u32 $0x7FFFFF, v0;
	v11 =	vadd.f32 $-3.935357930e-01, v11;
	(erf) = vrcp.f32 v1  }
0x353: {  	v10 =	vmul.f32 $8.262958320e-08, v10;
	v13 =	vadd.f32 $-8.802877040e+01, v13;
	v15 =	vpop (erf);
	v2 =	vadd.f32 v12, v2  }
0x354: {  	s21 =	sadd.s32 $0x80, s21;
	s22 =	sadd.s32 $0x10, s22;
	s25 =	sshll.u32 s20, $0x4;
	v12 =	vor.u32 $0x3F800000, v14;
	v14 =	vsub.f32 v9, v6  }
.Ltmp12:
0x355: {  	s24 =	sand.u32 $0x70, s22;
	s26 =	sand.u32 $0xC00, s21;
	v11 =	vmul.f32 v11, v4;
	v15 =	vmul.f32 v15, v8;
	v10 =	vadd.f32 v13, v10;
	(pc) =	sbr.rel @p0 .LBB2_26-.Ltmp12, $4  }
0x356: {  	s28 =	sshll.u32 s20, $0x2;
	s25 =	sand.u32 $0x1000, s25;
	s24 =	sor.u32 s26, s24;
	v16 =	vadd.f32 $-1.000000000e+00, v12;
	v12 =	vcvt.s32.f32 v7;
	v13 =	vmul.f32 v3, v3;
	v6 =	vld [tilespmem:s19+$0x0]  }
0x357: {  	s26 =	sand.u32 $0x380, s28;
	s24 =	sor.u32 s25, s24;
	v8 =	vmul.f32 v14, v14;
	v14 =	vadd.f32 $2.866062220e-01, v11;
	v9 =	vld [tilespmem:s19+$0x2000];
	v15 =	vadd.f32 v10, v15  }
0x358: {  	v11 =	vmul.f32 $1.066847290e-01, v16;
	v10 =	vcvt.s32.f32 v1;
	v5 =	vadd.f32 v12, v5;
	v1 =	vmovc v0;
	v7 =	vld [tilespmem:s18+$0xC000];
	s18 =	smov.u32 s19;
	s19 =	smov.u32 s23;
	s23 =	sor.u32 s26, s24  }
0x359: {  	s20 =	sadd.s32 $0x1, s20;
	v0 =	vmax.f32 v13, $9.999999970e-07;
	v13 =	vmul.f32 v14, v4;
	v4 =	vmovc v16;
	v3 =	vld [tilespmem:s23+$0x4000];
	v12 =	vmul.f32 v12, v15  }
0x35a: {  	_ =	sdelay $0x3  }
0x35b: {  	v14 =	vld [tilespmem:s19+$0x0];
	v3 =	vmul.f32 v3, v3  }
0x35c: {  	v15 =	vld [tilespmem:s19+$0x2000];
	(erf) = vrcp.f32 v1  }
0x35d: {  	v16 =	vld [tilespmem:s18+$0xC000];
	(erf) = vrcp.f32 v0;
	v17 =	vmax.f32 v3, $9.999999970e-07  }
0x35e: {  	v18 =	vld [tilespmem:s23+$0x0];
	(erf) = vrcp.f32 v17  }
0x35f: {  	v19 =	vld [tilespmem:s23+$0x2000]  }
0x360: {  	v20 =	vld [tilespmem:s19+$0xC000];
	s28 =	simm.s32 $0x0;
	s20 =	sld [smem:$0x7F0]  }
0x361: {  	v3 =	vld [tilespmem:s23+$0xC000];
	[tilespmem:s13], [sflag:$0x4] =	stream.linear.gather [hbm4b:s0+s28], $0x2000, $0x38  }
0x362: {  	s21 =	sld [smem:$0x7F1]  }
0x363: {  	[tilespmem:s28], [sflag:$0x1] =	stream.linear.gather [hbm4b:s20+s28], $0x2000, $0x38;
	[tilespmem:$0x10100] =	vst v63  }
0x364: {  	s22 =	sld [smem:$0x7F2];
	v25 =	vand.u32 $0x7FFFFF, v0;
	v21 =	vpop (erf)  }
0x365: {  	v11 =	vadd.f32 $-3.935357930e-01, v11;
	v25 =	vor.u32 $0x3F800000, v25;
	v22 =	vpop (erf);
	[tilespmem:s6], [sflag:$0x1] =	stream.linear.gather [hbm4b:s21+s28], $0x2000, $0x38;
	[tilespmem:$0x10100] =	vst v63  }
0x366: {  	v10 =	vmul.f32 $8.262958320e-08, v10;
	v13 =	vadd.f32 $-8.802877040e+01, v13;
	v25 =	vadd.f32 $-1.000000000e+00, v25;
	v23 =	vpop (erf)  }
0x367: {  	v1 =	vcvt.s32.f32 v1;
	v6 =	vsub.f32 v9, v6;
	v9 =	vmul.f32 v11, v4;
	[tilespmem:s7], [sflag:$0x1] =	stream.linear.gather [hbm4b:s22+s28], $0x2000, $0x38;
	v24 =	vpop (erf);
	[tilespmem:$0x10100] =	vst v63  }
0x368: {  	v8 =	vmul.f32 v21, v8;
	v10 =	vadd.f32 v13, v10;
	v11 =	vmul.f32 $1.066847290e-01, v25;
	_ =	swait.ge [sflag:s14], $0x2000  }
0x369: {  	v2 =	vadd.f32 v12, v2;
	v7 =	vcvt.s32.f32 v7;
	v9 =	vadd.f32 $2.866062220e-01, v9;
	[sflag:s14] =	ssyncset.done $0x0  }
0x36a: {  	v8 =	vadd.f32 v10, v8;
	v10 =	vadd.f32 $-3.935357930e-01, v11;
	[sflag:s14] =	ssyncadd.s32 $0xFFFFE000  }
0x36b: {  	v1 =	vmul.f32 $8.262958320e-08, v1;
	v5 =	vadd.f32 v7, v5;
	v4 =	vmul.f32 v9, v4;
	_ =	swait.ge [sflag:s14], $0x2000  }
0x36c: {  	s18 =	sand.u32 $0xC00, s28;
	s23 =	sand.u32 $0x70, s28;
	v7 =	vmul.f32 v7, v8;
	v8 =	vand.u32 $0x7FFFFF, v17;
	v9 =	vmul.f32 v10, v25;
	[sflag:s14] =	ssyncset.done $0x0  }
0x36d: {  	v6 =	vmul.f32 v6, v6;
	s18 =	sor.u32 s18, s23;
	s20 =	simm.s32 $0x0;
	v4 =	vadd.f32 $-8.802877040e+01, v4;
	v8 =	vor.u32 $0x3F800000, v8;
	[sflag:s14] =	ssyncadd.s32 $0xFFFFE000  }
0x36e: {  	s20 =	sand.u32 $0x1000, s20;
	v8 =	vadd.f32 $-1.000000000e+00, v8;
	s21 =	simm.s32 $0x0;
	v9 =	vadd.f32 $2.866062220e-01, v9;
	_ =	swait.ge [sflag:s14], $0x2000  }
0x36f: {  	s18 =	sor.u32 s20, s18;
	v6 =	vmul.f32 v22, v6;
	v1 =	vadd.f32 v4, v1;
	s24 =	sand.u32 $0x380, s21;
	[sflag:s14] =	ssyncset.done $0x0  }
0x370: {  	v2 =	vadd.f32 v7, v2;
	s21 =	sor.u32 s24, s18;
	v7 =	vmul.f32 v9, v25;
	v9 =	vmul.f32 $1.066847290e-01, v8;
	[sflag:s14] =	ssyncadd.s32 $0xFFFFE000  }
0x371: {  	v0 =	vcvt.s32.f32 v0;
	v1 =	vadd.f32 v1, v6;
	v6 =	vcvt.s32.f32 v16;
	v10 =	vld [tilespmem:s21+$0xA000]  }
0x372: {  	v9 =	vadd.f32 $-3.935357930e-01, v9  }
0x373: {  	s25 =	simm.s32 $0x80;
	s26 =	simm.s32 $0x10;
	v0 =	vmul.f32 $8.262958320e-08, v0;
	v5 =	vadd.f32 v6, v5  }
0x374: {  	s19 =	sand.u32 $0x70, s26;
	s28 =	simm.s32 $0x10;
	s18 =	sand.u32 $0xC00, s25;
	v1 =	vmul.f32 v6, v1;
	v6 =	vadd.f32 $-8.802877040e+01, v7;
	v7 =	vmul.f32 v9, v8  }
0x375: {  	v11 =	vsub.f32 v19, v18;
	s22 =	simm.s32 $0x4;
	s20 =	sand.u32 $0x1000, s28;
	s18 =	sor.u32 s18, s19  }
0x376: {  	s22 =	sand.u32 $0x380, s22;
	s18 =	sor.u32 s20, s18;
	v0 =	vadd.f32 v6, v0;
	v6 =	vadd.f32 $2.866062220e-01, v7;
	v10 =	vmul.f32 v10, v10  }
0x377: {  	v4 =	vsub.f32 v15, v14;
	s20 =	sor.u32 s22, s18;
	v1 =	vadd.f32 v1, v2  }
0x378: {  	v2 =	vcvt.s32.f32 v17;
	v6 =	vmul.f32 v6, v8;
	v9 =	vld [tilespmem:s20+$0xA000];
	v10 =	vmax.f32 v10, $9.999999970e-07  }
0x379: {  	s23 =	simm.s32 $0x100;
	v11 =	vmul.f32 v11, v11;
	v4 =	vmul.f32 v4, v4;
	s24 =	simm.s32 $0x20;
	v12 =	vand.u32 $0x7FFFFF, v10  }
0x37a: {  	s25 =	simm.s32 $0x20;
	s19 =	sand.u32 $0x70, s24;
	s18 =	sand.u32 $0xC00, s23;
	v2 =	vmul.f32 $8.262958320e-08, v2;
	v6 =	vadd.f32 $-8.802877040e+01, v6;
	v7 =	vor.u32 $0x3F800000, v12  }
0x37b: {  	s26 =	simm.s32 $0x8;
	v4 =	vmul.f32 v23, v4;
	s22 =	sand.u32 $0x1000, s25;
	s18 =	sor.u32 s18, s19;
	v7 =	vadd.f32 $-1.000000000e+00, v7  }
0x37c: {  	s28 =	sand.u32 $0x380, s26;
	s18 =	sor.u32 s22, s18;
	v11 =	vmul.f32 v24, v11;
	v2 =	vadd.f32 v6, v2  }
0x37d: {  	v0 =	vadd.f32 v0, v4;
	s18 =	sor.u32 s28, s18;
	v8 =	vld [tilespmem:s21+$0x6000];
	v4 =	vmul.f32 v9, v9;
	v9 =	vmul.f32 $1.066847290e-01, v7  }
0x37e: {  	v3 =	vcvt.s32.f32 v3;
	v13 =	vld [tilespmem:s18+$0xA000];
	v2 =	vadd.f32 v2, v11;
	v12 =	vcvt.s32.f32 v20  }
0x37f: {  	v14 =	vld [tilespmem:s21+$0x8000];
	v4 =	vmax.f32 v4, $9.999999970e-07;
	(erf) = vrcp.f32 v10;
	v9 =	vadd.f32 $-3.935357930e-01, v9  }
0x380: {  	s24 =	simm.s32 $0x30;
	s23 =	simm.s32 $0x180;
	v5 =	vadd.f32 v12, v5;
	v0 =	vmul.f32 v12, v0;
	v12 =	vand.u32 $0x7FFFFF, v4  }
0x381: {  	s25 =	simm.s32 $0x30;
	s19 =	sand.u32 $0xC00, s23;
	s22 =	sand.u32 $0x70, s24;
	v6 =	vor.u32 $0x3F800000, v12;
	v9 =	vmul.f32 v9, v7  }
0x382: {  	s23 =	sand.u32 $0x1000, s25;
	s24 =	simm.s32 $0xC;
	s19 =	sor.u32 s19, s22;
	v2 =	vmul.f32 v3, v2;
	v10 =	vcvt.s32.f32 v10;
	v62 =	vadd.f32 $-1.000000000e+00, v6  }
0x383: {  	s26 =	sand.u32 $0x380, s24;
	s19 =	sor.u32 s23, s19;
	v15 =	vld [tilespmem:s20+$0x6000];
	v12 =	vadd.f32 v0, v1;
	v1 =	vmul.f32 v13, v13;
	v9 =	vadd.f32 $2.866062220e-01, v9  }
0x384: {  	s19 =	sor.u32 s26, s19;
	v6 =	vld [tilespmem:s20+$0x8000];
	v0 =	vadd.f32 v3, v5;
	v5 =	vsub.f32 v14, v8;
	v8 =	vmul.f32 $1.066847290e-01, v62  }
0x385: {  	(erf) = vrcp.f32 v4;
	v13 =	vld [tilespmem:s19+$0xA000];
	v7 =	vmul.f32 v9, v7  }
0x386: {  	v11 =	vld [tilespmem:s21+$0xC000];
	v1 =	vmax.f32 v1, $9.999999970e-07;
	v3 =	vmul.f32 v5, v5;
	v8 =	vadd.f32 $-3.935357930e-01, v8  }
0x387: {  	v5 =	vand.u32 $0x7FFFFF, v1;
	v9 =	vmul.f32 $8.262958320e-08, v10;
	v7 =	vadd.f32 $-8.802877040e+01, v7  }
0x388: {  	s22 =	simm.s32 $0x40;
	s21 =	simm.s32 $0x200;
	v14 =	vor.u32 $0x3F800000, v5;
	v8 =	vmul.f32 v8, v62;
	v10 =	vpop (erf)  }
0x389: {  	s28 =	sand.u32 $0x70, s22;
	s26 =	simm.s32 $0x40;
	s25 =	sand.u32 $0xC00, s21;
	v6 =	vsub.f32 v6, v15;
	v10 =	vmul.f32 v10, v3;
	v15 =	vadd.f32 v7, v9  }
0x38a: {  	s24 =	sand.u32 $0x1000, s26;
	s26 =	simm.s32 $0x10;
	s23 =	sor.u32 s25, s28;
	v5 =	vld [tilespmem:s18+$0x6000];
	v13 =	vmul.f32 v13, v13;
	v3 =	vadd.f32 $-1.000000000e+00, v14;
	v63 =	vadd.f32 $2.866062220e-01, v8  }
0x38b: {  	s28 =	sand.u32 $0x380, s26;
	s23 =	sor.u32 s24, s23;
	v14 =	vcvt.s32.f32 v11;
	v11 =	vcvt.s32.f32 v4;
	v7 =	vld [tilespmem:s18+$0x8000];
	v15 =	vadd.f32 v15, v10  }
0x38c: {  	s23 =	sor.u32 s28, s23;
	v8 =	vld [tilespmem:s20+$0xC000];
	v4 =	vmax.f32 v13, $9.999999970e-07;
	v13 =	vmul.f32 v63, v62;
	v10 =	vmul.f32 $1.066847290e-01, v3  }
0x38d: {  	s20 =	simm.s32 $0x5;
	v9 =	vmul.f32 v6, v6;
	v6 =	vadd.f32 v2, v12;
	v2 =	vld [tilespmem:s23+$0xA000];
	v12 =	vmul.f32 v14, v15  }
.LBB2_28:
0x38e: {  	p0 =	sne.s32 s20, $0x1FF;
	v14 =	vand.u32 $0x7FFFFF, v4;
	v10 =	vadd.f32 $-3.935357930e-01, v10;
	(erf) = vrcp.f32 v1  }
0x38f: {  	v11 =	vmul.f32 $8.262958320e-08, v11;
	v13 =	vadd.f32 $-8.802877040e+01, v13;
	v15 =	vpop (erf);
	v6 =	vadd.f32 v12, v6  }
0x390: {  	s21 =	sadd.s32 $0x80, s21;
	s22 =	sadd.s32 $0x10, s22;
	s25 =	sshll.u32 s20, $0x4;
	v12 =	vor.u32 $0x3F800000, v14;
	v14 =	vsub.f32 v7, v5  }
.Ltmp13:
0x391: {  	s24 =	sand.u32 $0x70, s22;
	s26 =	sand.u32 $0xC00, s21;
	v10 =	vmul.f32 v10, v3;
	v15 =	vmul.f32 v15, v9;
	v11 =	vadd.f32 v13, v11;
	(pc) =	sbr.rel @p0 .LBB2_28-.Ltmp13, $4  }
0x392: {  	s28 =	sshll.u32 s20, $0x2;
	s25 =	sand.u32 $0x1000, s25;
	s24 =	sor.u32 s26, s24;
	v16 =	vadd.f32 $-1.000000000e+00, v12;
	v12 =	vcvt.s32.f32 v8;
	v13 =	vmul.f32 v2, v2;
	v5 =	vld [tilespmem:s19+$0x6000]  }
0x393: {  	s26 =	sand.u32 $0x380, s28;
	s24 =	sor.u32 s25, s24;
	v9 =	vmul.f32 v14, v14;
	v14 =	vadd.f32 $2.866062220e-01, v10;
	v7 =	vld [tilespmem:s19+$0x8000];
	v15 =	vadd.f32 v11, v15  }
0x394: {  	v10 =	vmul.f32 $1.066847290e-01, v16;
	v11 =	vcvt.s32.f32 v1;
	v1 =	vmov v4;
	v8 =	vld [tilespmem:s18+$0xC000];
	s18 =	smov.u32 s19;
	s19 =	smov.u32 s23;
	s23 =	sor.u32 s26, s24  }
0x395: {  	s20 =	sadd.s32 $0x1, s20;
	v4 =	vmax.f32 v13, $9.999999970e-07;
	v13 =	vmul.f32 v14, v3;
	v3 =	vmovc v16;
	v2 =	vld [tilespmem:s23+$0xA000];
	v12 =	vmul.f32 v12, v15  }
0x396: {  	_ =	sdelay $0x3  }
0x397: {  	v2 =	vmul.f32 v2, v2  }
0x398: {  	(erf) = vrcp.f32 v1  }
0x399: {  	v14 =	vld [tilespmem:s19+$0x6000];
	(erf) = vrcp.f32 v4;
	v16 =	vmax.f32 v2, $9.999999970e-07  }
0x39a: {  	v15 =	vld [tilespmem:s19+$0x8000];
	(erf) = vrcp.f32 v16  }
0x39b: {  	v17 =	vld [tilespmem:s18+$0xC000]  }
0x39c: {  	v18 =	vld [tilespmem:s23+$0x6000];
	s20 =	sld [smem:$0x7F3]  }
0x39d: {  	v19 =	vld [tilespmem:s23+$0x8000]  }
0x39e: {  	v20 =	vld [tilespmem:s19+$0xC000];
	s28 =	simm.s32 $0x0;
	s21 =	sld [smem:$0x7F4]  }
0x39f: {  	v2 =	vld [tilespmem:s23+$0xC000];
	[tilespmem:s8], [sflag:$0x2] =	stream.linear.gather [hbm4b:s20+s28], $0x2000, $0x38  }
0x3a0: {  	s22 =	sld [smem:$0x7F5];
	v21 =	vpop (erf)  }
0x3a1: {  	[tilespmem:s9], [sflag:$0x2] =	stream.linear.gather [hbm4b:s21+s28], $0x2000, $0x38;
	v22 =	vpop (erf);
	[tilespmem:$0x10100] =	vst v63  }
0x3a2: {  	v23 =	vpop (erf)  }
0x3a3: {  	v25 =	vand.u32 $0x7FFFFF, v4;
	[tilespmem:s10], [sflag:$0x2] =	stream.linear.gather [hbm4b:s22+s28], $0x2000, $0x38;
	v24 =	vpop (erf);
	[tilespmem:$0x10100] =	vst v63  }
0x3a4: {  	v11 =	vmul.f32 $8.262958320e-08, v11;
	v13 =	vadd.f32 $-8.802877040e+01, v13;
	_ =	swait.ge [sflag:s12], $0x2000  }
0x3a5: {  	v10 =	vadd.f32 $-3.935357930e-01, v10;
	v25 =	vor.u32 $0x3F800000, v25;
	[sflag:s12] =	ssyncset.done $0x0  }
0x3a6: {  	v9 =	vmul.f32 v21, v9;
	v11 =	vadd.f32 v13, v11;
	v13 =	vadd.f32 $-1.000000000e+00, v25;
	[sflag:s12] =	ssyncadd.s32 $0xFFFFE000  }
0x3a7: {  	v10 =	vmul.f32 v10, v3;
	_ =	swait.ge [sflag:s12], $0x2000  }
0x3a8: {  	s18 =	sand.u32 $0xC00, s28;
	v8 =	vcvt.s32.f32 v8;
	v9 =	vadd.f32 v11, v9;
	v11 =	vmul.f32 $1.066847290e-01, v13;
	s20 =	simm.s32 $0x0;
	[sflag:s12] =	ssyncset.done $0x0  }
0x3a9: {  	v1 =	vcvt.s32.f32 v1;
	v5 =	vsub.f32 v7, v5;
	v7 =	vadd.f32 $2.866062220e-01, v10;
	s23 =	sand.u32 $0x70, s28;
	s20 =	sand.u32 $0x1000, s20;
	[sflag:s12] =	ssyncadd.s32 $0xFFFFE000  }
0x3aa: {  	v6 =	vadd.f32 v12, v6;
	s18 =	sor.u32 s18, s23;
	v8 =	vmul.f32 v8, v9;
	v10 =	vadd.f32 $-3.935357930e-01, v11;
	s21 =	simm.s32 $0x0;
	_ =	swait.ge [sflag:s12], $0x2000  }
0x3ab: {  	v1 =	vmul.f32 $8.262958320e-08, v1;
	v3 =	vmul.f32 v7, v3;
	v9 =	vand.u32 $0x7FFFFF, v16;
	s18 =	sor.u32 s20, s18;
	s24 =	sand.u32 $0x380, s21;
	[sflag:s12] =	ssyncset.done $0x0  }
0x3ac: {  	v7 =	vor.u32 $0x3F800000, v9;
	v6 =	vadd.f32 v8, v6;
	v8 =	vmul.f32 v10, v13;
	s21 =	sor.u32 s24, s18;
	[sflag:s12] =	ssyncadd.s32 $0xFFFFE000  }
0x3ad: {  	v5 =	vmul.f32 v5, v5;
	v3 =	vadd.f32 $-8.802877040e+01, v3;
	v7 =	vadd.f32 $-1.000000000e+00, v7;
	v9 =	vld [tilespmem:s21+$0x4000]  }
0x3ae: {  	v10 =	vsub.f32 v15, v14;
	v8 =	vadd.f32 $2.866062220e-01, v8  }
0x3af: {  	s25 =	simm.s32 $0x80;
	s26 =	simm.s32 $0x10;
	v5 =	vmul.f32 v22, v5;
	v1 =	vadd.f32 v3, v1;
	v3 =	vcvt.s32.f32 v4  }
0x3b0: {  	s19 =	sand.u32 $0x70, s26;
	s28 =	simm.s32 $0x10;
	s18 =	sand.u32 $0xC00, s25;
	v11 =	vmul.f32 $1.066847290e-01, v7;
	v4 =	vmul.f32 v8, v13  }
0x3b1: {  	s22 =	simm.s32 $0x4;
	s20 =	sand.u32 $0x1000, s28;
	s18 =	sor.u32 s18, s19;
	v10 =	vmul.f32 v10, v10;
	v3 =	vmul.f32 $8.262958320e-08, v3  }
0x3b2: {  	s22 =	sand.u32 $0x380, s22;
	s18 =	sor.u32 s20, s18;
	v8 =	vadd.f32 $-3.935357930e-01, v11;
	v4 =	vadd.f32 $-8.802877040e+01, v4;
	v9 =	vmul.f32 v9, v9  }
0x3b3: {  	v1 =	vadd.f32 v1, v5;
	s20 =	sor.u32 s22, s18;
	v11 =	vcvt.s32.f32 v17;
	v10 =	vmul.f32 v23, v10  }
0x3b4: {  	v5 =	vmul.f32 v8, v7;
	v3 =	vadd.f32 v4, v3;
	v8 =	vld [tilespmem:s20+$0x4000];
	v9 =	vmax.f32 v9, $9.999999970e-07  }
0x3b5: {  	s23 =	simm.s32 $0x100;
	s24 =	simm.s32 $0x20;
	v1 =	vmul.f32 v11, v1;
	v11 =	vcvt.s32.f32 v20;
	v12 =	vand.u32 $0x7FFFFF, v9  }
0x3b6: {  	s25 =	simm.s32 $0x20;
	s19 =	sand.u32 $0x70, s24;
	s18 =	sand.u32 $0xC00, s23;
	v4 =	vadd.f32 $2.866062220e-01, v5;
	v3 =	vadd.f32 v3, v10;
	v5 =	vor.u32 $0x3F800000, v12  }
0x3b7: {  	s26 =	simm.s32 $0x8;
	s22 =	sand.u32 $0x1000, s25;
	s18 =	sor.u32 s18, s19;
	v10 =	vcvt.s32.f32 v16;
	v5 =	vadd.f32 $-1.000000000e+00, v5  }
0x3b8: {  	s28 =	sand.u32 $0x380, s26;
	s18 =	sor.u32 s22, s18;
	v4 =	vmul.f32 v4, v7;
	v3 =	vmul.f32 v11, v3;
	v7 =	vld [tilespmem:s21+$0x0]  }
0x3b9: {  	s18 =	sor.u32 s28, s18;
	v1 =	vadd.f32 v1, v6;
	v13 =	vld [tilespmem:s21+$0x2000];
	v6 =	vmul.f32 v8, v8;
	v8 =	vmul.f32 $1.066847290e-01, v5  }
0x3ba: {  	v10 =	vmul.f32 $8.262958320e-08, v10;
	v4 =	vadd.f32 $-8.802877040e+01, v4;
	v11 =	vld [tilespmem:s18+$0x4000];
	v12 =	vsub.f32 v19, v18  }
0x3bb: {  	s24 =	simm.s32 $0x30;
	s23 =	simm.s32 $0x180;
	v14 =	vmax.f32 v6, $9.999999970e-07;
	(erf) = vrcp.f32 v9;
	v6 =	vadd.f32 $-3.935357930e-01, v8  }
0x3bc: {  	v2 =	vcvt.s32.f32 v2;
	s25 =	simm.s32 $0x30;
	s19 =	sand.u32 $0xC00, s23;
	s22 =	sand.u32 $0x70, s24;
	v3 =	vadd.f32 v3, v1;
	v8 =	vmul.f32 v12, v12  }
0x3bd: {  	s23 =	sand.u32 $0x1000, s25;
	s24 =	simm.s32 $0xC;
	s19 =	sor.u32 s19, s22;
	v4 =	vadd.f32 v4, v10;
	v12 =	vand.u32 $0x7FFFFF, v14;
	v6 =	vmul.f32 v6, v5  }
0x3be: {  	s26 =	sand.u32 $0x380, s24;
	s19 =	sor.u32 s23, s19;
	v10 =	vld [tilespmem:s20+$0x0];
	v7 =	vsub.f32 v13, v7;
	v1 =	vor.u32 $0x3F800000, v12;
	v8 =	vmul.f32 v24, v8  }
0x3bf: {  	s19 =	sor.u32 s26, s19;
	v15 =	vadd.f32 $-1.000000000e+00, v1;
	v1 =	vmul.f32 v11, v11;
	v11 =	vld [tilespmem:s20+$0x2000];
	v6 =	vadd.f32 $2.866062220e-01, v6  }
0x3c0: {  	v13 =	vld [tilespmem:s19+$0x4000];
	v9 =	vcvt.s32.f32 v9;
	(erf) = vrcp.f32 v14;
	v4 =	vadd.f32 v4, v8  }
0x3c1: {  	v12 =	vld [tilespmem:s21+$0xC000];
	v8 =	vmul.f32 $1.066847290e-01, v15;
	v1 =	vmax.f32 v1, $9.999999970e-07;
	v5 =	vmul.f32 v6, v5  }
0x3c2: {  	s21 =	simm.s32 $0x200;
	v2 =	vmul.f32 v2, v4;
	v4 =	vmul.f32 v7, v7;
	v6 =	vand.u32 $0x7FFFFF, v1  }
0x3c3: {  	s22 =	simm.s32 $0x40;
	v7 =	vadd.f32 $-3.935357930e-01, v8;
	v8 =	vmul.f32 $8.262958320e-08, v9;
	v5 =	vadd.f32 $-8.802877040e+01, v5  }
0x3c4: {  	s28 =	sand.u32 $0x70, s22;
	s26 =	simm.s32 $0x40;
	s25 =	sand.u32 $0xC00, s21;
	v9 =	vpop (erf);
	v6 =	vor.u32 $0x3F800000, v6;
	v10 =	vsub.f32 v11, v10  }
0x3c5: {  	s24 =	sand.u32 $0x1000, s26;
	s26 =	simm.s32 $0x10;
	s23 =	sor.u32 s25, s28;
	v7 =	vmul.f32 v7, v15;
	v4 =	vmul.f32 v9, v4;
	v11 =	vadd.f32 v5, v8  }
0x3c6: {  	v13 =	vmul.f32 v13, v13;
	s28 =	sand.u32 $0x380, s26;
	s23 =	sor.u32 s24, s23;
	v61 =	vcvt.s32.f32 v12;
	v9 =	vld [tilespmem:s18+$0x2000];
	v5 =	vadd.f32 $-1.000000000e+00, v6  }
0x3c7: {  	s23 =	sor.u32 s28, s23;
	v8 =	vld [tilespmem:s18+$0x0];
	v6 =	vmul.f32 v10, v10;
	v62 =	vadd.f32 $2.866062220e-01, v7;
	v63 =	vadd.f32 v11, v4  }
0x3c8: {  	v7 =	vadd.f32 v2, v3;
	v10 =	vcvt.s32.f32 v14;
	v3 =	vld [tilespmem:s23+$0x4000];
	v12 =	vmul.f32 $1.066847290e-01, v5  }
0x3c9: {  	v2 =	vmax.f32 v13, $9.999999970e-07;
	v4 =	vld [tilespmem:s20+$0xC000];
	s20 =	simm.s32 $0x5;
	v11 =	vmul.f32 v62, v15;
	v13 =	vmul.f32 v61, v63  }
.LBB2_30:
0x3ca: {  	p0 =	sne.s32 s20, $0x1FF;
	v14 =	vand.u32 $0x7FFFFF, v2;
	v12 =	vadd.f32 $-3.935357930e-01, v12;
	(erf) = vrcp.f32 v1  }
0x3cb: {  	v10 =	vmul.f32 $8.262958320e-08, v10;
	v11 =	vadd.f32 $-8.802877040e+01, v11;
	v15 =	vpop (erf);
	v7 =	vadd.f32 v13, v7  }
0x3cc: {  	s21 =	sadd.s32 $0x80, s21;
	s22 =	sadd.s32 $0x10, s22;
	s25 =	sshll.u32 s20, $0x4;
	v13 =	vor.u32 $0x3F800000, v14;
	v14 =	vsub.f32 v9, v8  }
.Ltmp14:
0x3cd: {  	s24 =	sand.u32 $0x70, s22;
	s26 =	sand.u32 $0xC00, s21;
	v12 =	vmul.f32 v12, v5;
	v15 =	vmul.f32 v15, v6;
	v10 =	vadd.f32 v11, v10;
	(pc) =	sbr.rel @p0 .LBB2_30-.Ltmp14, $4  }
0x3ce: {  	s28 =	sshll.u32 s20, $0x2;
	s25 =	sand.u32 $0x1000, s25;
	s24 =	sor.u32 s26, s24;
	v16 =	vadd.f32 $-1.000000000e+00, v13;
	v13 =	vcvt.s32.f32 v4;
	v11 =	vmul.f32 v3, v3;
	v8 =	vld [tilespmem:s19+$0x0]  }
0x3cf: {  	s26 =	sand.u32 $0x380, s28;
	s24 =	sor.u32 s25, s24;
	v6 =	vmul.f32 v14, v14;
	v14 =	vadd.f32 $2.866062220e-01, v12;
	v9 =	vld [tilespmem:s19+$0x2000];
	v15 =	vadd.f32 v10, v15  }
0x3d0: {  	v12 =	vmul.f32 $1.066847290e-01, v16;
	v10 =	vcvt.s32.f32 v1;
	v1 =	vmov v2;
	v4 =	vld [tilespmem:s18+$0xC000];
	s18 =	smov.u32 s19;
	s19 =	smov.u32 s23;
	s23 =	sor.u32 s26, s24  }
0x3d1: {  	s20 =	sadd.s32 $0x1, s20;
	v2 =	vmax.f32 v11, $9.999999970e-07;
	v11 =	vmul.f32 v14, v5;
	v5 =	vmovc v16;
	v3 =	vld [tilespmem:s23+$0x4000];
	v13 =	vmul.f32 v13, v15  }
0x3d2: {  	_ =	sdelay $0x3  }
0x3d3: {  	v3 =	vmul.f32 v3, v3  }
0x3d4: {  	(erf) = vrcp.f32 v1  }
0x3d5: {  	v14 =	vld [tilespmem:s19+$0x0];
	(erf) = vrcp.f32 v2;
	v16 =	vmax.f32 v3, $9.999999970e-07  }
0x3d6: {  	v15 =	vld [tilespmem:s19+$0x2000];
	(erf) = vrcp.f32 v16  }
0x3d7: {  	v17 =	vld [tilespmem:s18+$0xC000]  }
0x3d8: {  	v18 =	vld [tilespmem:s23+$0x0];
	s20 =	sld [smem:$0x7F6]  }
0x3d9: {  	v19 =	vld [tilespmem:s23+$0x2000]  }
0x3da: {  	v20 =	vld [tilespmem:s19+$0xC000];
	s28 =	simm.s32 $0x0;
	s21 =	sld [smem:$0x7F7]  }
0x3db: {  	v3 =	vld [tilespmem:s23+$0xC000];
	[tilespmem:s28], [sflag:$0x1] =	stream.linear.gather [hbm4b:s20+s28], $0x2000, $0x38  }
0x3dc: {  	s22 =	sld [smem:$0x7F8];
	v21 =	vpop (erf)  }
0x3dd: {  	[tilespmem:s6], [sflag:$0x1] =	stream.linear.gather [hbm4b:s21+s28], $0x2000, $0x38;
	v22 =	vpop (erf);
	[tilespmem:$0x10100] =	vst v63  }
0x3de: {  	v23 =	vpop (erf)  }
0x3df: {  	[tilespmem:s7], [sflag:$0x1] =	stream.linear.gather [hbm4b:s22+s28], $0x2000, $0x38;
	v24 =	vpop (erf);
	[tilespmem:$0x10100] =	vst v63  }
0x3e0: {  	_ =	swait.ge [sflag:s15], $0x2000  }
0x3e1: {  	v12 =	vadd.f32 $-3.935357930e-01, v12;
	[sflag:s15] =	ssyncset.done $0x0  }
0x3e2: {  	[sflag:s15] =	ssyncadd.s32 $0xFFFFE000  }
0x3e3: {  	v12 =	vmul.f32 v12, v5;
	_ =	swait.ge [sflag:s14], $0x2000  }
0x3e4: {  	v25 =	vand.u32 $0x7FFFFF, v2;
	v10 =	vmul.f32 $8.262958320e-08, v10;
	[sflag:s14] =	ssyncset.done $0x0  }
0x3e5: {  	v1 =	vcvt.s32.f32 v1;
	v25 =	vor.u32 $0x3F800000, v25;
	v12 =	vadd.f32 $2.866062220e-01, v12;
	[sflag:s14] =	ssyncadd.s32 $0xFFFFE000  }
0x3e6: {  	v11 =	vadd.f32 $-8.802877040e+01, v11;
	v2 =	vcvt.s32.f32 v2;
	v25 =	vadd.f32 $-1.000000000e+00, v25;
	_ =	swait.ge [sflag:s14], $0x2000  }
0x3e7: {  	s18 =	sand.u32 $0xC00, s28;
	v8 =	vsub.f32 v9, v8;
	v1 =	vmul.f32 $8.262958320e-08, v1;
	v5 =	vmul.f32 v12, v5;
	s20 =	simm.s32 $0x0;
	[sflag:s14] =	ssyncset.done $0x0  }
0x3e8: {  	v6 =	vmul.f32 v21, v6;
	v9 =	vmul.f32 $1.066847290e-01, v25;
	s23 =	sand.u32 $0x70, s28;
	s20 =	sand.u32 $0x1000, s20;
	[sflag:s14] =	ssyncadd.s32 $0xFFFFE000  }
0x3e9: {  	v8 =	vmul.f32 v8, v8;
	s18 =	sor.u32 s18, s23;
	v12 =	vand.u32 $0x7FFFFF, v16;
	s21 =	simm.s32 $0x0;
	v5 =	vadd.f32 $-8.802877040e+01, v5;
	_ =	swait.ge [sflag:s14], $0x2000  }
0x3ea: {  	v10 =	vadd.f32 v11, v10;
	v9 =	vadd.f32 $-3.935357930e-01, v9;
	s18 =	sor.u32 s20, s18;
	v11 =	vor.u32 $0x3F800000, v12;
	s24 =	sand.u32 $0x380, s21;
	[sflag:s14] =	ssyncset.done $0x0  }
0x3eb: {  	s21 =	sor.u32 s24, s18;
	v8 =	vmul.f32 v22, v8;
	v1 =	vadd.f32 v5, v1;
	v5 =	vadd.f32 $-1.000000000e+00, v11;
	[sflag:s14] =	ssyncadd.s32 $0xFFFFE000  }
0x3ec: {  	v4 =	vcvt.s32.f32 v4;
	v9 =	vmul.f32 v9, v25;
	v12 =	vld [tilespmem:s21+$0xA000]  }
0x3ed: {  	v6 =	vadd.f32 v10, v6;
	v1 =	vadd.f32 v1, v8;
	v8 =	vmul.f32 $1.066847290e-01, v5  }
0x3ee: {  	s25 =	simm.s32 $0x80;
	s26 =	simm.s32 $0x10;
	v7 =	vadd.f32 v13, v7;
	v10 =	vcvt.s32.f32 v17;
	v9 =	vadd.f32 $2.866062220e-01, v9  }
0x3ef: {  	s19 =	sand.u32 $0x70, s26;
	v2 =	vmul.f32 $8.262958320e-08, v2;
	v4 =	vmul.f32 v4, v6;
	s28 =	simm.s32 $0x10;
	s18 =	sand.u32 $0xC00, s25;
	v8 =	vadd.f32 $-3.935357930e-01, v8  }
0x3f0: {  	v6 =	vsub.f32 v15, v14;
	s22 =	simm.s32 $0x4;
	s20 =	sand.u32 $0x1000, s28;
	s18 =	sor.u32 s18, s19;
	v9 =	vmul.f32 v9, v25;
	v1 =	vmul.f32 v10, v1  }
0x3f1: {  	s22 =	sand.u32 $0x380, s22;
	s18 =	sor.u32 s20, s18;
	v8 =	vmul.f32 v8, v5;
	v10 =	vmul.f32 v12, v12  }
0x3f2: {  	v4 =	vadd.f32 v4, v7;
	v6 =	vmul.f32 v6, v6;
	s20 =	sor.u32 s22, s18;
	v9 =	vadd.f32 $-8.802877040e+01, v9  }
0x3f3: {  	v7 =	vsub.f32 v19, v18;
	v8 =	vadd.f32 $2.866062220e-01, v8;
	v11 =	vld [tilespmem:s20+$0xA000];
	v10 =	vmax.f32 v10, $9.999999970e-07  }
0x3f4: {  	s23 =	simm.s32 $0x100;
	s24 =	simm.s32 $0x20;
	v6 =	vmul.f32 v23, v6;
	v2 =	vadd.f32 v9, v2;
	v12 =	vand.u32 $0x7FFFFF, v10  }
0x3f5: {  	s25 =	simm.s32 $0x20;
	s19 =	sand.u32 $0x70, s24;
	s18 =	sand.u32 $0xC00, s23;
	v9 =	vcvt.s32.f32 v16;
	v5 =	vmul.f32 v8, v5;
	v12 =	vor.u32 $0x3F800000, v12  }
0x3f6: {  	s26 =	simm.s32 $0x8;
	v13 =	vcvt.s32.f32 v20;
	v7 =	vmul.f32 v7, v7;
	s22 =	sand.u32 $0x1000, s25;
	s18 =	sor.u32 s18, s19;
	v12 =	vadd.f32 $-1.000000000e+00, v12  }
0x3f7: {  	s28 =	sand.u32 $0x380, s26;
	s18 =	sor.u32 s22, s18;
	v2 =	vadd.f32 v2, v6;
	v6 =	vmul.f32 $8.262958320e-08, v9;
	v5 =	vadd.f32 $-8.802877040e+01, v5  }
0x3f8: {  	v1 =	vadd.f32 v1, v4;
	s18 =	sor.u32 s28, s18;
	v8 =	vld [tilespmem:s21+$0x6000];
	v4 =	vmul.f32 v11, v11;
	v11 =	vmul.f32 $1.066847290e-01, v12  }
0x3f9: {  	v3 =	vcvt.s32.f32 v3;
	v7 =	vmul.f32 v24, v7;
	v5 =	vadd.f32 v5, v6;
	v9 =	vld [tilespmem:s18+$0xA000]  }
0x3fa: {  	v14 =	vld [tilespmem:s21+$0x8000];
	v15 =	vmax.f32 v4, $9.999999970e-07;
	(erf) = vrcp.f32 v10;
	v4 =	vadd.f32 $-3.935357930e-01, v11  }
0x3fb: {  	v2 =	vmul.f32 v13, v2;
	v5 =	vadd.f32 v5, v7;
	v6 =	vand.u32 $0x7FFFFF, v15  }
0x3fc: {  	s24 =	simm.s32 $0x30;
	s23 =	simm.s32 $0x180;
	v6 =	vor.u32 $0x3F800000, v6;
	v4 =	vmul.f32 v4, v12  }
0x3fd: {  	s25 =	simm.s32 $0x30;
	s19 =	sand.u32 $0xC00, s23;
	s22 =	sand.u32 $0x70, s24;
	v2 =	vadd.f32 v2, v1;
	v3 =	vmul.f32 v3, v5;
	v13 =	vadd.f32 $-1.000000000e+00, v6  }
0x3fe: {  	s23 =	sand.u32 $0x1000, s25;
	s24 =	simm.s32 $0xC;
	s19 =	sor.u32 s19, s22;
	v7 =	vld [tilespmem:s20+$0x6000];
	v1 =	vmul.f32 v9, v9;
	v4 =	vadd.f32 $2.866062220e-01, v4  }
0x3ff: {  	s26 =	sand.u32 $0x380, s24;
	s19 =	sor.u32 s23, s19;
	v2 =	vadd.f32 v3, v2;
	v5 =	vsub.f32 v14, v8;
	v6 =	vld [tilespmem:s20+$0x8000];
	v8 =	vmul.f32 $1.066847290e-01, v13  }
0x400: {  	s19 =	sor.u32 s26, s19;
	v9 =	vld [tilespmem:s21+$0xE000];
	v1 =	vmax.f32 v1, $9.999999970e-07;
	v10 =	vcvt.s32.f32 v10;
	v4 =	vmul.f32 v4, v12  }
0x401: {  	v3 =	vmul.f32 v5, v5;
	(erf) = vrcp.f32 v15;
	v11 =	vld [tilespmem:s19+$0xA000];
	v8 =	vadd.f32 $-3.935357930e-01, v8  }
0x402: {  	v5 =	vand.u32 $0x7FFFFF, v1;
	v10 =	vmul.f32 $8.262958320e-08, v10;
	v4 =	vadd.f32 $-8.802877040e+01, v4  }
0x403: {  	s22 =	simm.s32 $0x40;
	s21 =	simm.s32 $0x200;
	v5 =	vor.u32 $0x3F800000, v5;
	v14 =	vmul.f32 v8, v13;
	v12 =	vpop (erf)  }
0x404: {  	s28 =	sand.u32 $0x70, s22;
	s26 =	simm.s32 $0x40;
	s25 =	sand.u32 $0xC00, s21;
	v7 =	vsub.f32 v6, v7;
	v3 =	vmul.f32 v12, v3;
	v10 =	vadd.f32 v4, v10  }
0x405: {  	s24 =	sand.u32 $0x1000, s26;
	s26 =	simm.s32 $0x10;
	s23 =	sor.u32 s25, s28;
	v62 =	vcvt.s32.f32 v9;
	v9 =	vld [tilespmem:s18+$0x8000];
	v14 =	vadd.f32 $2.866062220e-01, v14;
	v4 =	vadd.f32 $-1.000000000e+00, v5  }
0x406: {  	s28 =	sand.u32 $0x380, s26;
	s23 =	sor.u32 s24, s23;
	v6 =	vld [tilespmem:s18+$0x6000];
	v8 =	vmul.f32 v7, v7;
	v12 =	vmul.f32 v11, v11;
	v63 =	vadd.f32 v10, v3  }
0x407: {  	s23 =	sor.u32 s28, s23;
	v7 =	vld [tilespmem:s20+$0xE000];
	v13 =	vmul.f32 v14, v13;
	v5 =	vadd.f32 v62, v0;
	v11 =	vmul.f32 $1.066847290e-01, v4  }
0x408: {  	s20 =	simm.s32 $0x5;
	v0 =	vmax.f32 v12, $9.999999970e-07;
	v10 =	vcvt.s32.f32 v15;
	v3 =	vld [tilespmem:s23+$0xA000];
	v12 =	vmul.f32 v62, v63  }
.LBB2_32:
0x409: {  	p0 =	sne.s32 s20, $0x1FF;
	v14 =	vand.u32 $0x7FFFFF, v0;
	v11 =	vadd.f32 $-3.935357930e-01, v11;
	(erf) = vrcp.f32 v1  }
0x40a: {  	v10 =	vmul.f32 $8.262958320e-08, v10;
	v13 =	vadd.f32 $-8.802877040e+01, v13;
	v15 =	vpop (erf);
	v2 =	vadd.f32 v12, v2  }
0x40b: {  	s21 =	sadd.s32 $0x80, s21;
	s22 =	sadd.s32 $0x10, s22;
	s25 =	sshll.u32 s20, $0x4;
	v12 =	vor.u32 $0x3F800000, v14;
	v14 =	vsub.f32 v9, v6  }
.Ltmp15:
0x40c: {  	s24 =	sand.u32 $0x70, s22;
	s26 =	sand.u32 $0xC00, s21;
	v11 =	vmul.f32 v11, v4;
	v15 =	vmul.f32 v15, v8;
	v10 =	vadd.f32 v13, v10;
	(pc) =	sbr.rel @p0 .LBB2_32-.Ltmp15, $4  }
0x40d: {  	s28 =	sshll.u32 s20, $0x2;
	s25 =	sand.u32 $0x1000, s25;
	s24 =	sor.u32 s26, s24;
	v16 =	vadd.f32 $-1.000000000e+00, v12;
	v12 =	vcvt.s32.f32 v7;
	v13 =	vmul.f32 v3, v3;
	v6 =	vld [tilespmem:s19+$0x6000]  }
0x40e: {  	s26 =	sand.u32 $0x380, s28;
	s24 =	sor.u32 s25, s24;
	v8 =	vmul.f32 v14, v14;
	v14 =	vadd.f32 $2.866062220e-01, v11;
	v9 =	vld [tilespmem:s19+$0x8000];
	v15 =	vadd.f32 v10, v15  }
0x40f: {  	v11 =	vmul.f32 $1.066847290e-01, v16;
	v10 =	vcvt.s32.f32 v1;
	v5 =	vadd.f32 v12, v5;
	v1 =	vmovc v0;
	v7 =	vld [tilespmem:s18+$0xE000];
	s18 =	smov.u32 s19;
	s19 =	smov.u32 s23;
	s23 =	sor.u32 s26, s24  }
0x410: {  	s20 =	sadd.s32 $0x1, s20;
	v0 =	vmax.f32 v13, $9.999999970e-07;
	v13 =	vmul.f32 v14, v4;
	v4 =	vmovc v16;
	v3 =	vld [tilespmem:s23+$0xA000];
	v12 =	vmul.f32 v12, v15  }
0x411: {  	_ =	sdelay $0x3  }
0x412: {  	v3 =	vmul.f32 v3, v3  }
0x413: {  	(erf) = vrcp.f32 v1  }
0x414: {  	v14 =	vld [tilespmem:s19+$0x6000];
	(erf) = vrcp.f32 v0;
	v16 =	vmax.f32 v3, $9.999999970e-07  }
0x415: {  	v15 =	vld [tilespmem:s19+$0x8000];
	(erf) = vrcp.f32 v16  }
0x416: {  	v17 =	vld [tilespmem:s18+$0xE000]  }
0x417: {  	v18 =	vld [tilespmem:s23+$0x6000];
	s20 =	sld [smem:$0x7F9]  }
0x418: {  	v19 =	vld [tilespmem:s23+$0x8000]  }
0x419: {  	v20 =	vld [tilespmem:s19+$0xE000];
	s28 =	simm.s32 $0x0;
	s21 =	sld [smem:$0x7FA]  }
0x41a: {  	v3 =	vld [tilespmem:s23+$0xE000];
	[tilespmem:s8], [sflag:$0x2] =	stream.linear.gather [hbm4b:s20+s28], $0x2000, $0x38  }
0x41b: {  	s22 =	sld [smem:$0x7FB];
	v25 =	vand.u32 $0x7FFFFF, v0;
	v21 =	vpop (erf)  }
0x41c: {  	v11 =	vadd.f32 $-3.935357930e-01, v11;
	v25 =	vor.u32 $0x3F800000, v25;
	[tilespmem:s9], [sflag:$0x2] =	stream.linear.gather [hbm4b:s21+s28], $0x2000, $0x38;
	v22 =	vpop (erf);
	[tilespmem:$0x10100] =	vst v63  }
0x41d: {  	v10 =	vmul.f32 $8.262958320e-08, v10;
	v13 =	vadd.f32 $-8.802877040e+01, v13;
	v25 =	vadd.f32 $-1.000000000e+00, v25;
	v23 =	vpop (erf)  }
0x41e: {  	v1 =	vcvt.s32.f32 v1;
	v6 =	vsub.f32 v9, v6;
	v9 =	vmul.f32 v11, v4;
	[tilespmem:s10], [sflag:$0x2] =	stream.linear.gather [hbm4b:s22+s28], $0x2000, $0x38;
	v24 =	vpop (erf);
	[tilespmem:$0x10100] =	vst v63  }
0x41f: {  	v8 =	vmul.f32 v21, v8;
	v10 =	vadd.f32 v13, v10;
	v11 =	vmul.f32 $1.066847290e-01, v25;
	_ =	swait.ge [sflag:s12], $0x2000  }
0x420: {  	v2 =	vadd.f32 v12, v2;
	v7 =	vcvt.s32.f32 v7;
	v9 =	vadd.f32 $2.866062220e-01, v9;
	[sflag:s12] =	ssyncset.done $0x0  }
0x421: {  	v8 =	vadd.f32 v10, v8;
	v10 =	vadd.f32 $-3.935357930e-01, v11;
	[sflag:s12] =	ssyncadd.s32 $0xFFFFE000  }
0x422: {  	v1 =	vmul.f32 $8.262958320e-08, v1;
	v5 =	vadd.f32 v7, v5;
	v4 =	vmul.f32 v9, v4;
	_ =	swait.ge [sflag:s12], $0x2000  }
0x423: {  	s18 =	sand.u32 $0xC00, s28;
	s20 =	simm.s32 $0x0;
	v7 =	vmul.f32 v7, v8;
	v8 =	vand.u32 $0x7FFFFF, v16;
	v9 =	vmul.f32 v10, v25;
	[sflag:s12] =	ssyncset.done $0x0  }
0x424: {  	v6 =	vmul.f32 v6, v6;
	s23 =	sand.u32 $0x70, s28;
	s20 =	sand.u32 $0x1000, s20;
	v4 =	vadd.f32 $-8.802877040e+01, v4;
	v8 =	vor.u32 $0x3F800000, v8;
	[sflag:s12] =	ssyncadd.s32 $0xFFFFE000  }
0x425: {  	s18 =	sor.u32 s18, s23;
	s21 =	simm.s32 $0x0;
	v8 =	vadd.f32 $-1.000000000e+00, v8;
	v9 =	vadd.f32 $2.866062220e-01, v9;
	_ =	swait.ge [sflag:s12], $0x2000  }
0x426: {  	s18 =	sor.u32 s20, s18;
	s24 =	sand.u32 $0x380, s21;
	v6 =	vmul.f32 v22, v6;
	v1 =	vadd.f32 v4, v1;
	[sflag:s12] =	ssyncset.done $0x0  }
0x427: {  	v2 =	vadd.f32 v7, v2;
	s21 =	sor.u32 s24, s18;
	v7 =	vmul.f32 v9, v25;
	v9 =	vmul.f32 $1.066847290e-01, v8;
	[sflag:s12] =	ssyncadd.s32 $0xFFFFE000  }
0x428: {  	v0 =	vcvt.s32.f32 v0;
	v1 =	vadd.f32 v1, v6;
	v6 =	vcvt.s32.f32 v17;
	v10 =	vld [tilespmem:s21+$0x4000]  }
0x429: {  	v9 =	vadd.f32 $-3.935357930e-01, v9  }
0x42a: {  	s25 =	simm.s32 $0x80;
	s26 =	simm.s32 $0x10;
	v0 =	vmul.f32 $8.262958320e-08, v0;
	v5 =	vadd.f32 v6, v5  }
0x42b: {  	s19 =	sand.u32 $0x70, s26;
	s28 =	simm.s32 $0x10;
	s18 =	sand.u32 $0xC00, s25;
	v1 =	vmul.f32 v6, v1;
	v6 =	vadd.f32 $-8.802877040e+01, v7;
	v7 =	vmul.f32 v9, v8  }
0x42c: {  	v11 =	vsub.f32 v19, v18;
	s22 =	simm.s32 $0x4;
	s20 =	sand.u32 $0x1000, s28;
	s18 =	sor.u32 s18, s19  }
0x42d: {  	s22 =	sand.u32 $0x380, s22;
	s18 =	sor.u32 s20, s18;
	v0 =	vadd.f32 v6, v0;
	v6 =	vadd.f32 $2.866062220e-01, v7;
	v10 =	vmul.f32 v10, v10  }
0x42e: {  	v4 =	vsub.f32 v15, v14;
	s20 =	sor.u32 s22, s18;
	v1 =	vadd.f32 v1, v2  }
0x42f: {  	v2 =	vcvt.s32.f32 v16;
	v6 =	vmul.f32 v6, v8;
	v9 =	vld [tilespmem:s20+$0x4000];
	v10 =	vmax.f32 v10, $9.999999970e-07  }
0x430: {  	s23 =	simm.s32 $0x100;
	v11 =	vmul.f32 v11, v11;
	s24 =	simm.s32 $0x20;
	v4 =	vmul.f32 v4, v4;
	v12 =	vand.u32 $0x7FFFFF, v10  }
0x431: {  	s25 =	simm.s32 $0x20;
	s19 =	sand.u32 $0x70, s24;
	s18 =	sand.u32 $0xC00, s23;
	v2 =	vmul.f32 $8.262958320e-08, v2;
	v6 =	vadd.f32 $-8.802877040e+01, v6;
	v7 =	vor.u32 $0x3F800000, v12  }
0x432: {  	s26 =	simm.s32 $0x8;
	s22 =	sand.u32 $0x1000, s25;
	v4 =	vmul.f32 v23, v4;
	s18 =	sor.u32 s18, s19;
	v7 =	vadd.f32 $-1.000000000e+00, v7  }
0x433: {  	s28 =	sand.u32 $0x380, s26;
	s18 =	sor.u32 s22, s18;
	v11 =	vmul.f32 v24, v11;
	v2 =	vadd.f32 v6, v2  }
0x434: {  	s18 =	sor.u32 s28, s18;
	v0 =	vadd.f32 v0, v4;
	v8 =	vld [tilespmem:s21+$0x0];
	v4 =	vmul.f32 v9, v9;
	v9 =	vmul.f32 $1.066847290e-01, v7  }
0x435: {  	v3 =	vcvt.s32.f32 v3;
	v13 =	vld [tilespmem:s18+$0x4000];
	v2 =	vadd.f32 v2, v11;
	v12 =	vcvt.s32.f32 v20  }
0x436: {  	v14 =	vld [tilespmem:s21+$0x2000];
	v4 =	vmax.f32 v4, $9.999999970e-07;
	(erf) = vrcp.f32 v10;
	v9 =	vadd.f32 $-3.935357930e-01, v9  }
0x437: {  	s24 =	simm.s32 $0x30;
	s23 =	simm.s32 $0x180;
	v5 =	vadd.f32 v12, v5;
	v0 =	vmul.f32 v12, v0;
	v12 =	vand.u32 $0x7FFFFF, v4  }
0x438: {  	s25 =	simm.s32 $0x30;
	s19 =	sand.u32 $0xC00, s23;
	s22 =	sand.u32 $0x70, s24;
	v6 =	vor.u32 $0x3F800000, v12;
	v9 =	vmul.f32 v9, v7  }
0x439: {  	s23 =	sand.u32 $0x1000, s25;
	s24 =	simm.s32 $0xC;
	s19 =	sor.u32 s19, s22;
	v2 =	vmul.f32 v3, v2;
	v10 =	vcvt.s32.f32 v10;
	v62 =	vadd.f32 $-1.000000000e+00, v6  }
0x43a: {  	s26 =	sand.u32 $0x380, s24;
	s19 =	sor.u32 s23, s19;
	v15 =	vld [tilespmem:s20+$0x0];
	v12 =	vadd.f32 v0, v1;
	v1 =	vmul.f32 v13, v13;
	v9 =	vadd.f32 $2.866062220e-01, v9  }
0x43b: {  	s19 =	sor.u32 s26, s19;
	v6 =	vld [tilespmem:s20+$0x2000];
	v0 =	vadd.f32 v3, v5;
	v5 =	vsub.f32 v14, v8;
	v8 =	vmul.f32 $1.066847290e-01, v62  }
0x43c: {  	(erf) = vrcp.f32 v4;
	v13 =	vld [tilespmem:s19+$0x4000];
	v7 =	vmul.f32 v9, v7  }
0x43d: {  	v11 =	vld [tilespmem:s21+$0xE000];
	v1 =	vmax.f32 v1, $9.999999970e-07;
	v3 =	vmul.f32 v5, v5;
	v8 =	vadd.f32 $-3.935357930e-01, v8  }
0x43e: {  	v5 =	vand.u32 $0x7FFFFF, v1;
	v9 =	vmul.f32 $8.262958320e-08, v10;
	v7 =	vadd.f32 $-8.802877040e+01, v7  }
0x43f: {  	s22 =	simm.s32 $0x40;
	s21 =	simm.s32 $0x200;
	v14 =	vor.u32 $0x3F800000, v5;
	v8 =	vmul.f32 v8, v62;
	v10 =	vpop (erf)  }
0x440: {  	s28 =	sand.u32 $0x70, s22;
	s26 =	simm.s32 $0x40;
	s25 =	sand.u32 $0xC00, s21;
	v6 =	vsub.f32 v6, v15;
	v10 =	vmul.f32 v10, v3;
	v15 =	vadd.f32 v7, v9  }
0x441: {  	s24 =	sand.u32 $0x1000, s26;
	s26 =	simm.s32 $0x10;
	s23 =	sor.u32 s25, s28;
	v5 =	vld [tilespmem:s18+$0x0];
	v13 =	vmul.f32 v13, v13;
	v3 =	vadd.f32 $-1.000000000e+00, v14;
	v63 =	vadd.f32 $2.866062220e-01, v8  }
0x442: {  	s28 =	sand.u32 $0x380, s26;
	s23 =	sor.u32 s24, s23;
	v14 =	vcvt.s32.f32 v11;
	v11 =	vcvt.s32.f32 v4;
	v7 =	vld [tilespmem:s18+$0x2000];
	v15 =	vadd.f32 v15, v10  }
0x443: {  	s23 =	sor.u32 s28, s23;
	v8 =	vld [tilespmem:s20+$0xE000];
	v4 =	vmax.f32 v13, $9.999999970e-07;
	v13 =	vmul.f32 v63, v62;
	v10 =	vmul.f32 $1.066847290e-01, v3  }
0x444: {  	s20 =	simm.s32 $0x5;
	v9 =	vmul.f32 v6, v6;
	v6 =	vadd.f32 v2, v12;
	v2 =	vld [tilespmem:s23+$0x4000];
	v12 =	vmul.f32 v14, v15  }
.LBB2_34:
0x445: {  	p0 =	sne.s32 s20, $0x1FF;
	v14 =	vand.u32 $0x7FFFFF, v4;
	v10 =	vadd.f32 $-3.935357930e-01, v10;
	(erf) = vrcp.f32 v1  }
0x446: {  	v11 =	vmul.f32 $8.262958320e-08, v11;
	v13 =	vadd.f32 $-8.802877040e+01, v13;
	v15 =	vpop (erf);
	v6 =	vadd.f32 v12, v6  }
0x447: {  	s21 =	sadd.s32 $0x80, s21;
	s22 =	sadd.s32 $0x10, s22;
	s25 =	sshll.u32 s20, $0x4;
	v12 =	vor.u32 $0x3F800000, v14;
	v14 =	vsub.f32 v7, v5  }
.Ltmp16:
0x448: {  	s24 =	sand.u32 $0x70, s22;
	s26 =	sand.u32 $0xC00, s21;
	v10 =	vmul.f32 v10, v3;
	v15 =	vmul.f32 v15, v9;
	v11 =	vadd.f32 v13, v11;
	(pc) =	sbr.rel @p0 .LBB2_34-.Ltmp16, $4  }
0x449: {  	s28 =	sshll.u32 s20, $0x2;
	s25 =	sand.u32 $0x1000, s25;
	s24 =	sor.u32 s26, s24;
	v16 =	vadd.f32 $-1.000000000e+00, v12;
	v12 =	vcvt.s32.f32 v8;
	v13 =	vmul.f32 v2, v2;
	v5 =	vld [tilespmem:s19+$0x0]  }
0x44a: {  	s26 =	sand.u32 $0x380, s28;
	s24 =	sor.u32 s25, s24;
	v9 =	vmul.f32 v14, v14;
	v14 =	vadd.f32 $2.866062220e-01, v10;
	v7 =	vld [tilespmem:s19+$0x2000];
	v15 =	vadd.f32 v11, v15  }
0x44b: {  	v10 =	vmul.f32 $1.066847290e-01, v16;
	v11 =	vcvt.s32.f32 v1;
	v1 =	vmov v4;
	v8 =	vld [tilespmem:s18+$0xE000];
	s18 =	smov.u32 s19;
	s19 =	smov.u32 s23;
	s23 =	sor.u32 s26, s24  }
0x44c: {  	s20 =	sadd.s32 $0x1, s20;
	v4 =	vmax.f32 v13, $9.999999970e-07;
	v13 =	vmul.f32 v14, v3;
	v3 =	vmovc v16;
	v2 =	vld [tilespmem:s23+$0x4000];
	v12 =	vmul.f32 v12, v15  }
0x44d: {  	_ =	sdelay $0x3  }
0x44e: {  	v2 =	vmul.f32 v2, v2  }
0x44f: {  	(erf) = vrcp.f32 v1  }
0x450: {  	(erf) = vrcp.f32 v4;
	v14 =	vmax.f32 v2, $9.999999970e-07  }
0x451: {  	(erf) = vrcp.f32 v14;
	_ =	sdelay $0x3  }
0x452: {  	v15 =	vld [tilespmem:s19+$0x0]  }
0x453: {  	v16 =	vld [tilespmem:s19+$0x2000]  }
0x454: {  	v17 =	vld [tilespmem:s18+$0xE000];
	v18 =	vpop (erf)  }
0x455: {  	v19 =	vld [tilespmem:s23+$0x0];
	v20 =	vpop (erf)  }
0x456: {  	v21 =	vld [tilespmem:s23+$0x2000];
	v23 =	vpop (erf)  }
0x457: {  	v22 =	vld [tilespmem:s19+$0xE000];
	v25 =	vand.u32 $0x7FFFFF, v4;
	v11 =	vmul.f32 $8.262958320e-08, v11;
	v24 =	vpop (erf)  }
0x458: {  	v13 =	vadd.f32 $-8.802877040e+01, v13;
	v2 =	vld [tilespmem:s23+$0xE000];
	_ =	swait.ge [sflag:s14], $0x2000  }
0x459: {  	v10 =	vadd.f32 $-3.935357930e-01, v10;
	v25 =	vor.u32 $0x3F800000, v25;
	[sflag:s14] =	ssyncset.done $0x0  }
0x45a: {  	v9 =	vmul.f32 v18, v9;
	v11 =	vadd.f32 v13, v11;
	v13 =	vadd.f32 $-1.000000000e+00, v25;
	[sflag:s14] =	ssyncadd.s32 $0xFFFFE000  }
0x45b: {  	s22 =	simm.s32 $0x0;
	v10 =	vmul.f32 v10, v3;
	_ =	swait.ge [sflag:s14], $0x2000  }
0x45c: {  	s20 =	simm.s32 $0x0;
	s21 =	simm.s32 $0x0;
	v8 =	vcvt.s32.f32 v8;
	v9 =	vadd.f32 v11, v9;
	v11 =	vmul.f32 $1.066847290e-01, v13;
	[sflag:s14] =	ssyncset.done $0x0  }
0x45d: {  	v1 =	vcvt.s32.f32 v1;
	s18 =	sand.u32 $0xC00, s22;
	v5 =	vsub.f32 v7, v5;
	v7 =	vadd.f32 $2.866062220e-01, v10;
	s23 =	sand.u32 $0x70, s22;
	[sflag:s14] =	ssyncadd.s32 $0xFFFFE000  }
0x45e: {  	v6 =	vadd.f32 v12, v6;
	s20 =	sand.u32 $0x1000, s20;
	s18 =	sor.u32 s18, s23;
	v8 =	vmul.f32 v8, v9;
	v10 =	vadd.f32 $-3.935357930e-01, v11;
	_ =	swait.ge [sflag:s14], $0x2000  }
0x45f: {  	s24 =	sand.u32 $0x380, s21;
	v1 =	vmul.f32 $8.262958320e-08, v1;
	v3 =	vmul.f32 v7, v3;
	v9 =	vand.u32 $0x7FFFFF, v14;
	s18 =	sor.u32 s20, s18;
	[sflag:s14] =	ssyncset.done $0x0  }
0x460: {  	v7 =	vor.u32 $0x3F800000, v9;
	s20 =	sor.u32 s24, s18;
	v6 =	vadd.f32 v8, v6;
	v8 =	vmul.f32 v10, v13;
	[sflag:s14] =	ssyncadd.s32 $0xFFFFE000  }
0x461: {  	v5 =	vmul.f32 v5, v5;
	v3 =	vadd.f32 $-8.802877040e+01, v3;
	v7 =	vadd.f32 $-1.000000000e+00, v7;
	v9 =	vld [tilespmem:s20+$0xA000]  }
0x462: {  	v10 =	vsub.f32 v16, v15;
	v8 =	vadd.f32 $2.866062220e-01, v8  }
0x463: {  	s25 =	simm.s32 $0x80;
	s26 =	simm.s32 $0x10;
	v5 =	vmul.f32 v20, v5;
	v1 =	vadd.f32 v3, v1;
	v3 =	vcvt.s32.f32 v4  }
0x464: {  	s28 =	simm.s32 $0x10;
	s19 =	sand.u32 $0x70, s26;
	s18 =	sand.u32 $0xC00, s25;
	v11 =	vmul.f32 $1.066847290e-01, v7;
	v4 =	vmul.f32 v8, v13  }
0x465: {  	s21 =	sand.u32 $0x1000, s28;
	s22 =	simm.s32 $0x4;
	s18 =	sor.u32 s18, s19;
	v10 =	vmul.f32 v10, v10;
	v3 =	vmul.f32 $8.262958320e-08, v3  }
0x466: {  	s22 =	sand.u32 $0x380, s22;
	s18 =	sor.u32 s21, s18;
	v8 =	vadd.f32 $-3.935357930e-01, v11;
	v4 =	vadd.f32 $-8.802877040e+01, v4;
	v9 =	vmul.f32 v9, v9  }
0x467: {  	v1 =	vadd.f32 v1, v5;
	s21 =	sor.u32 s22, s18;
	v11 =	vcvt.s32.f32 v17;
	v10 =	vmul.f32 v23, v10  }
0x468: {  	v5 =	vmul.f32 v8, v7;
	v3 =	vadd.f32 v4, v3;
	v8 =	vld [tilespmem:s21+$0xA000];
	v9 =	vmax.f32 v9, $9.999999970e-07  }
0x469: {  	s23 =	simm.s32 $0x100;
	s24 =	simm.s32 $0x20;
	v1 =	vmul.f32 v11, v1;
	v11 =	vcvt.s32.f32 v22;
	v12 =	vand.u32 $0x7FFFFF, v9  }
0x46a: {  	s25 =	simm.s32 $0x20;
	s19 =	sand.u32 $0x70, s24;
	s18 =	sand.u32 $0xC00, s23;
	v4 =	vadd.f32 $2.866062220e-01, v5;
	v3 =	vadd.f32 v3, v10;
	v5 =	vor.u32 $0x3F800000, v12  }
0x46b: {  	s26 =	simm.s32 $0x8;
	s22 =	sand.u32 $0x1000, s25;
	s18 =	sor.u32 s18, s19;
	v10 =	vcvt.s32.f32 v14;
	v5 =	vadd.f32 $-1.000000000e+00, v5  }
0x46c: {  	s28 =	sand.u32 $0x380, s26;
	s18 =	sor.u32 s22, s18;
	v4 =	vmul.f32 v4, v7;
	v3 =	vmul.f32 v11, v3;
	v7 =	vld [tilespmem:s20+$0x6000]  }
0x46d: {  	s18 =	sor.u32 s28, s18;
	v1 =	vadd.f32 v1, v6;
	v13 =	vld [tilespmem:s20+$0x8000];
	v6 =	vmul.f32 v8, v8;
	v8 =	vmul.f32 $1.066847290e-01, v5  }
0x46e: {  	v10 =	vmul.f32 $8.262958320e-08, v10;
	v4 =	vadd.f32 $-8.802877040e+01, v4;
	v11 =	vld [tilespmem:s18+$0xA000];
	v12 =	vsub.f32 v21, v19  }
0x46f: {  	s24 =	simm.s32 $0x30;
	s23 =	simm.s32 $0x180;
	v14 =	vmax.f32 v6, $9.999999970e-07;
	(erf) = vrcp.f32 v9;
	v6 =	vadd.f32 $-3.935357930e-01, v8  }
0x470: {  	v2 =	vcvt.s32.f32 v2;
	s25 =	simm.s32 $0x30;
	s19 =	sand.u32 $0xC00, s23;
	s22 =	sand.u32 $0x70, s24;
	v3 =	vadd.f32 v3, v1;
	v8 =	vmul.f32 v12, v12  }
0x471: {  	s23 =	sand.u32 $0x1000, s25;
	s24 =	simm.s32 $0xC;
	s19 =	sor.u32 s19, s22;
	v4 =	vadd.f32 v4, v10;
	v12 =	vand.u32 $0x7FFFFF, v14;
	v6 =	vmul.f32 v6, v5  }
0x472: {  	s26 =	sand.u32 $0x380, s24;
	s19 =	sor.u32 s23, s19;
	v10 =	vld [tilespmem:s21+$0x6000];
	v7 =	vsub.f32 v13, v7;
	v1 =	vor.u32 $0x3F800000, v12;
	v8 =	vmul.f32 v24, v8  }
0x473: {  	s19 =	sor.u32 s26, s19;
	v12 =	vadd.f32 $-1.000000000e+00, v1;
	v1 =	vmul.f32 v11, v11;
	v11 =	vld [tilespmem:s21+$0x8000];
	v6 =	vadd.f32 $2.866062220e-01, v6  }
0x474: {  	v15 =	vld [tilespmem:s19+$0xA000];
	v9 =	vcvt.s32.f32 v9;
	(erf) = vrcp.f32 v14;
	v4 =	vadd.f32 v4, v8  }
0x475: {  	v13 =	vld [tilespmem:s20+$0xE000];
	v8 =	vmul.f32 $1.066847290e-01, v12;
	v1 =	vmax.f32 v1, $9.999999970e-07;
	v5 =	vmul.f32 v6, v5  }
0x476: {  	v4 =	vmul.f32 v2, v4;
	v2 =	vmul.f32 v7, v7;
	v6 =	vand.u32 $0x7FFFFF, v1  }
0x477: {  	v7 =	vadd.f32 $-3.935357930e-01, v8;
	v8 =	vmul.f32 $8.262958320e-08, v9;
	v5 =	vadd.f32 $-8.802877040e+01, v5  }
0x478: {  	s22 =	simm.s32 $0x200;
	s23 =	simm.s32 $0x40;
	v9 =	vpop (erf);
	v61 =	vor.u32 $0x3F800000, v6;
	v10 =	vsub.f32 v11, v10  }
0x479: {  	s25 =	sand.u32 $0xC00, s22;
	s28 =	sand.u32 $0x70, s23;
	s26 =	simm.s32 $0x40;
	v11 =	vmul.f32 v7, v12;
	v9 =	vmul.f32 v9, v2;
	v5 =	vadd.f32 v5, v8  }
0x47a: {  	s24 =	sand.u32 $0x1000, s26;
	s26 =	simm.s32 $0x10;
	s20 =	sor.u32 s25, s28;
	v15 =	vmul.f32 v15, v15;
	v62 =	vcvt.s32.f32 v13;
	v6 =	vld [tilespmem:s18+$0x6000];
	v2 =	vadd.f32 $-1.000000000e+00, v61  }
0x47b: {  	s28 =	sand.u32 $0x380, s26;
	s20 =	sor.u32 s24, s20;
	v7 =	vmul.f32 v10, v10;
	v8 =	vld [tilespmem:s18+$0x8000];
	v13 =	vadd.f32 $2.866062220e-01, v11;
	v63 =	vadd.f32 v5, v9  }
0x47c: {  	s20 =	sor.u32 s28, s20;
	v4 =	vadd.f32 v4, v3;
	v10 =	vmul.f32 $1.066847290e-01, v2;
	v11 =	vcvt.s32.f32 v14;
	v5 =	vld [tilespmem:s21+$0xE000]  }
0x47d: {  	v3 =	vmax.f32 v15, $9.999999970e-07;
	v9 =	vld [tilespmem:s20+$0xA000];
	s21 =	simm.s32 $0x5;
	v13 =	vmul.f32 v13, v12;
	v12 =	vmul.f32 v62, v63  }
.LBB2_36:
0x47e: {  	p0 =	sne.s32 s21, $0x1FF;
	v14 =	vand.u32 $0x7FFFFF, v3;
	v10 =	vadd.f32 $-3.935357930e-01, v10;
	(erf) = vrcp.f32 v1  }
0x47f: {  	v11 =	vmul.f32 $8.262958320e-08, v11;
	v13 =	vadd.f32 $-8.802877040e+01, v13;
	v15 =	vpop (erf);
	v4 =	vadd.f32 v12, v4  }
0x480: {  	s22 =	sadd.s32 $0x80, s22;
	s23 =	sadd.s32 $0x10, s23;
	s25 =	sshll.u32 s21, $0x4;
	v12 =	vor.u32 $0x3F800000, v14;
	v14 =	vsub.f32 v8, v6  }
.Ltmp17:
0x481: {  	s24 =	sand.u32 $0x70, s23;
	s26 =	sand.u32 $0xC00, s22;
	v10 =	vmul.f32 v10, v2;
	v15 =	vmul.f32 v15, v7;
	v11 =	vadd.f32 v13, v11;
	(pc) =	sbr.rel @p0 .LBB2_36-.Ltmp17, $4  }
0x482: {  	s28 =	sshll.u32 s21, $0x2;
	s25 =	sand.u32 $0x1000, s25;
	s24 =	sor.u32 s26, s24;
	v16 =	vadd.f32 $-1.000000000e+00, v12;
	v12 =	vcvt.s32.f32 v5;
	v13 =	vmul.f32 v9, v9;
	v6 =	vld [tilespmem:s19+$0x6000]  }
0x483: {  	s26 =	sand.u32 $0x380, s28;
	s24 =	sor.u32 s25, s24;
	v7 =	vmul.f32 v14, v14;
	v14 =	vadd.f32 $2.866062220e-01, v10;
	v8 =	vld [tilespmem:s19+$0x8000];
	v15 =	vadd.f32 v11, v15  }
0x484: {  	v10 =	vmul.f32 $1.066847290e-01, v16;
	v11 =	vcvt.s32.f32 v1;
	v1 =	vmov v3;
	v5 =	vld [tilespmem:s18+$0xE000];
	s18 =	smov.u32 s19;
	s19 =	smov.u32 s20;
	s20 =	sor.u32 s26, s24  }
0x485: {  	s21 =	sadd.s32 $0x1, s21;
	v3 =	vmax.f32 v13, $9.999999970e-07;
	v13 =	vmul.f32 v14, v2;
	v2 =	vmovc v16;
	v9 =	vld [tilespmem:s20+$0xA000];
	v12 =	vmul.f32 v12, v15  }
0x486: {  	_ =	sdelay $0x3  }
0x487: {  	v14 =	vand.u32 $0x7FFFFF, v3;
	(erf) = vrcp.f32 v1;
	v9 =	vmul.f32 v9, v9  }
0x488: {  	v10 =	vadd.f32 $-3.935357930e-01, v10;
	v11 =	vmul.f32 $8.262958320e-08, v11;
	v46 =	vcvt.s32.f32 v1  }
0x489: {  	v52 =	vcvt.s32.f32 v3;
	v14 =	vor.u32 $0x3F800000, v14;
	v9 =	vmax.f32 v9, $9.999999970e-07  }
0x48a: {  	v13 =	vadd.f32 $-8.802877040e+01, v13;
	v14 =	vadd.f32 $-1.000000000e+00, v14;
	v40 =	vand.u32 $0x7FFFFF, v9  }
0x48b: {  	v42 =	vld [tilespmem:s19+$0x6000];
	v41 =	vpop (erf);
	(erf) = vrcp.f32 v3;
	v6 =	vsub.f32 v8, v6;
	v8 =	vor.u32 $0x3F800000, v40  }
0x48c: {  	v44 =	vld [tilespmem:s19+$0x8000];
	v10 =	vmul.f32 v10, v2;
	v15 =	vmul.f32 $1.066847290e-01, v14;
	v8 =	vadd.f32 $-1.000000000e+00, v8  }
0x48d: {  	v45 =	vld [tilespmem:s18+$0xE000];
	v4 =	vadd.f32 v12, v4;
	v7 =	vmul.f32 v41, v7;
	v1 =	vmul.f32 $8.262958320e-08, v46  }
0x48e: {  	v3 =	vmul.f32 $8.262958320e-08, v52;
	v43 =	vadd.f32 $-3.935357930e-01, v15;
	v16 =	vmul.f32 $1.066847290e-01, v8  }
0x48f: {  	v17 =	vld [tilespmem:s20+$0x6000];
	v11 =	vadd.f32 v13, v11;
	v5 =	vcvt.s32.f32 v5;
	v10 =	vadd.f32 $2.866062220e-01, v10  }
0x490: {  	v49 =	vld [tilespmem:s20+$0x8000];
	v13 =	vmul.f32 v43, v14;
	v48 =	vpop (erf);
	(erf) = vrcp.f32 v9;
	v16 =	vadd.f32 $-3.935357930e-01, v16  }
0x491: {  	v6 =	vmul.f32 v6, v6;
	v7 =	vadd.f32 v11, v7;
	v47 =	vmul.f32 v10, v2  }
0x492: {  	v12 =	vsub.f32 v44, v42;
	v50 =	vadd.f32 $2.866062220e-01, v13;
	v51 =	vmul.f32 v16, v8  }
0x493: {  	v53 =	vcvt.s32.f32 v45;
	v5 =	vmul.f32 v5, v7;
	v2 =	vadd.f32 $-8.802877040e+01, v47  }
0x494: {  	v54 =	vld [tilespmem:s19+$0xE000];
	v12 =	vmul.f32 v12, v12;
	v10 =	vmul.f32 v50, v14;
	v13 =	vadd.f32 $2.866062220e-01, v51  }
0x495: {  	v7 =	vsub.f32 v49, v17;
	v6 =	vmul.f32 v48, v6;
	v1 =	vadd.f32 v2, v1  }
0x496: {  	v57 =	vld [tilespmem:s20+$0xE000];
	v9 =	vcvt.s32.f32 v9;
	v55 =	vpop (erf);
	v10 =	vadd.f32 $-8.802877040e+01, v10;
	v8 =	vmul.f32 v13, v8  }
0x497: {  	v7 =	vmul.f32 v7, v7;
	v56 =	vmul.f32 v55, v12;
	v1 =	vadd.f32 v1, v6  }
0x498: {  	v9 =	vmul.f32 $8.262958320e-08, v9;
	v3 =	vadd.f32 v10, v3;
	v8 =	vadd.f32 $-8.802877040e+01, v8  }
0x499: {  	v58 =	vcvt.s32.f32 v54;
	v4 =	vadd.f32 v5, v4;
	v1 =	vmul.f32 v53, v1;
	v59 =	vpop (erf)  }
0x49a: {  	v3 =	vadd.f32 v3, v56;
	v5 =	vmul.f32 v59, v7;
	v60 =	vadd.f32 v8, v9  }
0x49b: {  	v61 =	vcvt.s32.f32 v57  }
0x49c: {  	v1 =	vadd.f32 v1, v4;
	v2 =	vmul.f32 v58, v3;
	v62 =	vadd.f32 v60, v5;
	_ =	sdelay $0x1  }
0x49d: {  	v1 =	vadd.f32 v2, v1;
	v63 =	vmul.f32 v61, v62;
	_ =	sdelay $0x1  }
0x49e: {  	v1 =	vadd.f32 v63, v1  }
0x49f: {  	[tilespmem:$0x10080] =	vst v0  }
0x4a0: {  	s26 =	simm.s32 $0x10000;
	[tilespmem:$0x10000] =	vst v1  }
0x4a1: {  	[hbm4b:s2+s1] =	stream.linear.scatter [tilespmem:s26], [sflag:$0x5], $0x80, $0x38;
	[tilespmem:$0x10100] =	vst v63  }
0x4a2: {  	s17 =	sadd.s32 $0x1, s17;
	_ =	swait.ge [sflag:s16], $0x80  }
0x4a3: {  	p0 =	sne.s32 s17, s4;
	[sflag:s16] =	ssyncset.done $0x0  }
.Ltmp18:
0x4a4: {  	s28 =	simm.s32 $0x10080;
	[sflag:s16] =	ssyncadd.s32 $0xFFFFFF80;
	(pc) =	sbr.rel @p0 .LBB2_1-.Ltmp18, $4  }
0x4a5: {  	[hbm4b:s3+s1] =	stream.linear.scatter [tilespmem:s28], [sflag:$0x5], $0x80, $0x38;
	[tilespmem:$0x10100] =	vst v63  }
0x4a6: {  	_ =	swait.ge [sflag:s16], $0x80  }
0x4a7: {  	[sflag:s16] =	ssyncset.done $0x0  }
0x4a8: {  	[sflag:s16] =	ssyncadd.s32 $0xFFFFFF80  }
0x4a9: {  	_ =	sfence.sel $0x180000  }
0x4aa: {  	[bflag:$0x0] =	sbarrier.arrive $0xFFFF  }
0x4ab: {  	_ =	strace $0x90000047  }
0x4ac: {  	s0 =	stileid.u32;
	[bflag:$0x2] =	sbarrier.arrive $0xFFFF  }
0x4ad: {  	p0 =	sne.s32 s0, $0x0;
	s0 =	rddreg [dreg:$0x5]  }
0x4ae: {  	s0 =	sadd.s32 @!p0 $0x100000, s0  }
0x4af: {  	[sflag:s0] =	ssyncadd.tile.s32 @!p0 $0x1;
	_ =	shalt  }
.Lfunc_end2:
_tile_overlayer_lowered:
.L_overlay_start_2:
0x4b0: {  	(tag) =	ssettag $0x2  }
0x4b1: {  	s0 =	rddreg [dreg:$0x0];
	s2 =	stileid.u32  }
0x4b2: {  	s1 =	rddreg [dreg:$0x1];
	p0 =	sne.s32 s2, $0x0  }
0x4b3: {  	s3 =	rddreg [dreg:$0x2];
	[bflag:$0x3] =	sbarrier.arrive $0xFFFF;
	s2 =	simm.s32 @!p0 $0x1C05  }
0x4b4: {  	[timem:s3], [sflag:s2] =	dma.local @!p0 [hbm:s0], s1  }
0x4b5: {  	s0 =	simm.s32 @!p0 $0x5  }
0x4b6: {  	_ =	swait.ge @!p0 [sflag:s0], s1  }
0x4b7: {  	s1 =	ssub.s32 @!p0 $0x0, s1;
	[sflag:s0] =	ssyncset.done @!p0 $0x0  }
0x4b8: {  	[sflag:s0] =	ssyncadd.s32 @!p0 s1  }
0x4b9: {  	[bflag:$0x3] =	sbarrier.arrive $0xFFFF  }
0x4ba: {  	_ =	shalt  }

</sc_bundles>
